<compile_context>
chip_gen: v7x
topology: tpu7x:2x2x1
jax: 0.10.2.dev20260603
libtpu: 0.0.44.dev20260713+nightly
codegen_flags: <defaults>
</compile_context>

<pallas_src>
import functools

import jax
import jax.numpy as jnp
import numpy as np
from jax import lax

from jax.experimental import pallas as pl
from jax.experimental.pallas import tpu as pltpu
from jax.experimental.pallas import tpu_sc as plsc

_GAUSSIAN_MASK_PARAM = 2048

_NC, _NS, _L = 2, 16, 16
_NW = _NC * _NS

_PAD = 832
_CHUNK = 8
_RING = 3

_TC_ROWS = 15872
_BM = 512


@functools.lru_cache
def _mask_consts(num_cols: int):
    cpu = jax.local_devices(backend="cpu")[0]
    with jax.ensure_compile_time_eval(), jax.default_device(cpu):
        rkey = jax.random.key(42)
        k1, k2 = jax.random.split(rkey)
        selected_num = jax.random.randint(k1, (1,), 0, _GAUSSIAN_MASK_PARAM)
        perm = jax.random.permutation(k2, num_cols)
        in_prefix = jnp.arange(num_cols) < selected_num[0]
        mask = jnp.zeros((num_cols,), dtype=bool).at[perm].set(in_prefix)
    mask_np = np.asarray(mask)
    sel = np.nonzero(mask_np)[0].astype(np.int32)
    count = sel.size
    assert count <= _PAD
    idx = np.zeros((_PAD,), dtype=np.int32)
    idx[:count] = sel
    valid = (np.arange(_PAD) < count).astype(np.int32)
    return mask_np.astype(np.int32).reshape(1, num_cols), idx, valid


def _tc_body(mask_ref, mv_ref, x_ref, o_ref):
    o_ref[...] = jnp.where(mask_ref[...] != 0, mv_ref[0, 0], x_ref[...])


def _tc_call(x, mask_i32, mv, m, n):
    return pl.pallas_call(
        _tc_body,
        grid=(_TC_ROWS // _BM,),
        in_specs=[
            pl.BlockSpec((1, n), lambda i: (0, 0)),
            pl.BlockSpec(memory_space=pltpu.SMEM),
            pl.BlockSpec((_BM, n), lambda i: (i, 0)),
        ],
        out_specs=pl.BlockSpec((_BM, n), lambda i: (i, 0)),
        out_shape=jax.ShapeDtypeStruct((m, n), x.dtype),
        compiler_params=pltpu.CompilerParams(skip_device_barrier=True),
    )(mask_i32, mv, x)


def _make_sc_call(m, n, row0_in, sc_rows):
    rows_per_w = sc_rows // _NW
    n_chunks = rows_per_w // _CHUNK
    n_groups = n_chunks // _RING
    tail = n_chunks % _RING
    mesh = plsc.VectorSubcoreMesh(core_axis_name="c", subcore_axis_name="s")

    @functools.partial(
        pl.kernel,
        out_type=jax.ShapeDtypeStruct((sc_rows, n), jnp.float32),
        mesh=mesh,
        scratch_types=[
            pltpu.VMEM((_PAD,), jnp.int32),
            pltpu.VMEM((_PAD,), jnp.int32),
            pltpu.VMEM((_L,), jnp.float32),
            [pltpu.VMEM((_CHUNK, n), jnp.float32) for _ in range(_RING)],
            [pltpu.SemaphoreType.DMA for _ in range(_RING)],
            [pltpu.SemaphoreType.DMA for _ in range(_RING)],
        ],
        compiler_params=pltpu.CompilerParams(needs_layout_passes=False),
    )
    def sc_fn(x_hbm, idx_hbm, valid_hbm, mv_hbm, out_hbm,
              idx_v, valid_v, mv_v, bufs, in_sems, out_sems):
        wid = lax.axis_index("s") * _NC + lax.axis_index("c")
        pltpu.sync_copy(idx_hbm, idx_v)
        pltpu.sync_copy(valid_hbm, valid_v)
        pltpu.sync_copy(mv_hbm, mv_v)
        mv_vec = mv_v[...]
        base = wid * rows_per_w

        def in_rows(c):
            return pl.ds(row0_in + base + c * _CHUNK, _CHUNK)

        def out_rows(c):
            return pl.ds(base + c * _CHUNK, _CHUNK)

        row_ids = [jnp.full((_L,), r, dtype=jnp.int32) for r in range(_CHUNK)]

        def scatter_buf(buf):
            for k in range(_PAD // _L):
                cols = idx_v[pl.ds(k * _L, _L)]
                lane_ok = valid_v[pl.ds(k * _L, _L)] != 0
                for r in range(_CHUNK):
                    plsc.store_scatter(buf, [row_ids[r], cols], mv_vec, mask=lane_ok)

        def group_body(g, carry):
            c0 = g * _RING
            for j in range(_RING):
                @pl.when(g > 0)
                def _(j=j):
                    pltpu.make_async_copy(
                        bufs[j], out_hbm.at[out_rows(c0 - _RING + j)],
                        out_sems[j]).wait()
                pltpu.async_copy(x_hbm.at[in_rows(c0 + j)], bufs[j], in_sems[j])
            for j in range(_RING):
                pltpu.make_async_copy(
                    x_hbm.at[in_rows(c0 + j)], bufs[j], in_sems[j]).wait()
                scatter_buf(bufs[j])
                pltpu.async_copy(bufs[j], out_hbm.at[out_rows(c0 + j)], out_sems[j])
            return carry

        if n_groups > 0:
            lax.fori_loop(0, n_groups, group_body, 0)
            for j in range(_RING):
                pltpu.make_async_copy(
                    bufs[j], out_hbm.at[out_rows((n_groups - 1) * _RING + j)],
                    out_sems[j]).wait()
        for j in range(tail):
            c = n_groups * _RING + j
            pltpu.sync_copy(x_hbm.at[in_rows(c)], bufs[j])
            scatter_buf(bufs[j])
            pltpu.sync_copy(bufs[j], out_hbm.at[out_rows(c)])

    return sc_fn


def kernel(x, mask_value):
    m, n = x.shape
    mask_i32_np, idx_np, valid_np = _mask_consts(n)
    idx = jnp.asarray(idx_np)
    valid = jnp.asarray(valid_np)
    mv_vec = jnp.full((_L,), mask_value, dtype=jnp.float32)
    sc_part = _make_sc_call(m, n, _TC_ROWS, m - _TC_ROWS)(x, idx, valid, mv_vec)

    mask_i32 = jnp.asarray(mask_i32_np)
    mv = jnp.asarray(mask_value, dtype=x.dtype).reshape(1, 1)
    tc_out = _tc_call(x, mask_i32, mv, m, n)
    return lax.dynamic_update_slice(tc_out, sc_part, (_TC_ROWS, 0))

# --- scband reference (transcript-rebuilt; emitter-appended) ---
"""Pipeline reference for scband-gaussian-index-masking-57183194579207 (READ-ONLY COPY).

The authoritative reference and input builder live on the scoring server;
editing this copy changes nothing except your own understanding.
"""

import jax, jax.numpy as jnp
import numpy as np

GAUSSIAN_MASK_PARAM = 2048


def setup_inputs(seed: int = 0) -> dict:
    key = jax.random.key(seed)
    x = jax.random.normal(key, (16384, 4096), dtype=jnp.float32)
    return {"x": x, "mask_value": jnp.float32(0.0)}


def reference(x, mask_value: float = 0.0):
    # Faithful translation of GaussianIndexMasking.forward:
    #   gaussian_num = x.shape[1]
    #   selected_num = randint(gaussian_mask_param)  # scalar in [0, param)
    #   selected = randperm(gaussian_num)[:selected_num]
    #   x[:, selected] = mask_value
    gaussian_num = x.shape[1]
    rkey = jax.random.key(42)
    k1, k2 = jax.random.split(rkey)
    selected_num = jax.random.randint(k1, (1,), 0, GAUSSIAN_MASK_PARAM)
    perm = jax.random.permutation(k2, gaussian_num)
    # selected = perm[:selected_num]; equivalently, column j is selected iff the
    # position i with perm[i] == j satisfies i < selected_num (perm is a bijection)
    in_prefix = jnp.arange(gaussian_num) < selected_num[0]
    col_mask = jnp.zeros((gaussian_num,), dtype=bool).at[perm].set(in_prefix)
    x = jnp.where(col_mask[None, :], jnp.asarray(mask_value, dtype=x.dtype), x)
    return x

if __name__ == "__main__":
    import jax
    _d = setup_inputs()
    print(jax.jit(kernel)(*tuple(_d.values())))

</pallas_src>

<mosaic_0001>
#map = affine_map<(d0, d1) -> (0, 0)>
#map1 = affine_map<(d0, d1) -> (0)>
module attributes {stable_mosaic.version = 14 : i64} {
  func.func @sc_fn(%arg0: i32, %arg1: i32, %arg2: memref<16384x4096xf32, #tpu.memory_space<hbm>>, %arg3: memref<832xi32, #tpu.memory_space<hbm>>, %arg4: memref<832xi32, #tpu.memory_space<hbm>>, %arg5: memref<16xf32, #tpu.memory_space<hbm>>, %arg6: memref<512x4096xf32, #tpu.memory_space<hbm>>, %arg7: memref<832xi32, #tpu.memory_space<vmem>>, %arg8: memref<832xi32, #tpu.memory_space<vmem>>, %arg9: memref<16xf32, #tpu.memory_space<vmem>>, %arg10: memref<8x4096xf32, #tpu.memory_space<vmem>>, %arg11: memref<8x4096xf32, #tpu.memory_space<vmem>>, %arg12: memref<8x4096xf32, #tpu.memory_space<vmem>>, %arg13: memref<!tpu.dma_semaphore, #tpu.memory_space<semaphore_mem>>, %arg14: memref<!tpu.dma_semaphore, #tpu.memory_space<semaphore_mem>>, %arg15: memref<!tpu.dma_semaphore, #tpu.memory_space<semaphore_mem>>, %arg16: memref<!tpu.dma_semaphore, #tpu.memory_space<semaphore_mem>>, %arg17: memref<!tpu.dma_semaphore, #tpu.memory_space<semaphore_mem>>, %arg18: memref<!tpu.dma_semaphore, #tpu.memory_space<semaphore_mem>>) attributes {dimension_semantics = [#tpu.dimension_semantics<core_parallel>, #tpu.dimension_semantics<subcore_parallel>], iteration_bounds = array<i64: 2, 16>, scalar_prefetch = 0 : i64, scratch_operands = 12 : i64, tpu.core_type = #tpu.core_type<sc_vector_subcore>, window_params = [{transform_indices = #map}, {transform_indices = #map1}, {transform_indices = #map1}, {transform_indices = #map1}, {transform_indices = #map}]} {
    %mul3A = arith.constant 2 : i32
    %mul3A_0 = arith.muli %arg1, %mul3A : i32
    %add3A = arith.addi %mul3A_0, %arg0 : i32
    "tpu.region"() ({
      %run_scoped3A = tpu.sem_alloc : memref<!tpu.dma_semaphore, #tpu.memory_space<semaphore_mem>>
      tpu.enqueue_dma source(%arg3 : memref<832xi32, #tpu.memory_space<hbm>>) target(%arg7 : memref<832xi32, #tpu.memory_space<vmem>>) target_semaphore(%run_scoped3A : memref<!tpu.dma_semaphore, #tpu.memory_space<semaphore_mem>>)
      tpu.wait_dma2 semaphore(%run_scoped3A : memref<!tpu.dma_semaphore, #tpu.memory_space<semaphore_mem>>) src(%arg3 : memref<832xi32, #tpu.memory_space<hbm>>) dst(%arg7 : memref<832xi32, #tpu.memory_space<vmem>>)
      tpu.yield
    }) : () -> ()
    "tpu.region"() ({
      %run_scoped3A = tpu.sem_alloc : memref<!tpu.dma_semaphore, #tpu.memory_space<semaphore_mem>>
      tpu.enqueue_dma source(%arg4 : memref<832xi32, #tpu.memory_space<hbm>>) target(%arg8 : memref<832xi32, #tpu.memory_space<vmem>>) target_semaphore(%run_scoped3A : memref<!tpu.dma_semaphore, #tpu.memory_space<semaphore_mem>>)
      tpu.wait_dma2 semaphore(%run_scoped3A : memref<!tpu.dma_semaphore, #tpu.memory_space<semaphore_mem>>) src(%arg4 : memref<832xi32, #tpu.memory_space<hbm>>) dst(%arg8 : memref<832xi32, #tpu.memory_space<vmem>>)
      tpu.yield
    }) : () -> ()
    "tpu.region"() ({
      %run_scoped3A = tpu.sem_alloc : memref<!tpu.dma_semaphore, #tpu.memory_space<semaphore_mem>>
      tpu.enqueue_dma source(%arg5 : memref<16xf32, #tpu.memory_space<hbm>>) target(%arg9 : memref<16xf32, #tpu.memory_space<vmem>>) target_semaphore(%run_scoped3A : memref<!tpu.dma_semaphore, #tpu.memory_space<semaphore_mem>>)
      tpu.wait_dma2 semaphore(%run_scoped3A : memref<!tpu.dma_semaphore, #tpu.memory_space<semaphore_mem>>) src(%arg5 : memref<16xf32, #tpu.memory_space<hbm>>) dst(%arg9 : memref<16xf32, #tpu.memory_space<vmem>>)
      tpu.yield
    }) : () -> ()
    %get3A = arith.constant 0 : index
    %get3A_1 = tpu.vector_load %arg9[%get3A] {strides = array<i32>} : memref<16xf32, #tpu.memory_space<vmem>>, vector<16xf32>,
    %mul3A_2 = arith.constant 16 : i32
    %mul3A_3 = arith.muli %add3A, %mul3A_2 : i32
    %broadcast_in_dim3A = arith.constant 0 : i32
    %broadcast_in_dim3A_4 = vector.broadcast %broadcast_in_dim3A : i32 to vector<16xi32>
    %broadcast_in_dim3A_5 = arith.constant 1 : i32
    %broadcast_in_dim3A_6 = vector.broadcast %broadcast_in_dim3A_5 : i32 to vector<16xi32>
    %broadcast_in_dim3A_7 = arith.constant 2 : i32
    %broadcast_in_dim3A_8 = vector.broadcast %broadcast_in_dim3A_7 : i32 to vector<16xi32>
    %broadcast_in_dim3A_9 = arith.constant 3 : i32
    %broadcast_in_dim3A_10 = vector.broadcast %broadcast_in_dim3A_9 : i32 to vector<16xi32>
    %broadcast_in_dim3A_11 = arith.constant 4 : i32
    %broadcast_in_dim3A_12 = vector.broadcast %broadcast_in_dim3A_11 : i32 to vector<16xi32>
    %broadcast_in_dim3A_13 = arith.constant 5 : i32
    %broadcast_in_dim3A_14 = vector.broadcast %broadcast_in_dim3A_13 : i32 to vector<16xi32>
    %broadcast_in_dim3A_15 = arith.constant 6 : i32
    %broadcast_in_dim3A_16 = vector.broadcast %broadcast_in_dim3A_15 : i32 to vector<16xi32>
    %broadcast_in_dim3A_17 = arith.constant 7 : i32
    %broadcast_in_dim3A_18 = vector.broadcast %broadcast_in_dim3A_17 : i32 to vector<16xi32>
    %add3A_19 = arith.constant 15872 : i32
    %add3A_20 = arith.addi %add3A_19, %mul3A_3 : i32
    %add3A_21 = arith.constant 0 : i32
    %add3A_22 = arith.addi %add3A_20, %add3A_21 : i32
    "tpu.region"() ({
      %run_scoped3A = tpu.sem_alloc : memref<!tpu.dma_semaphore, #tpu.memory_space<semaphore_mem>>
      %dma_start3A = arith.constant 0 : i32
      %dma_start3A_758 = tpu.memref_slice %arg2[%add3A_22, %dma_start3A] : memref<16384x4096xf32, #tpu.memory_space<hbm>> -> memref<8x4096xf32, #tpu.memory_space<hbm>>
      %dma_start3A_759 = arith.constant 0 : i32
      %dma_start3A_760 = tpu.memref_slice %arg2[%add3A_22, %dma_start3A_759] : memref<16384x4096xf32, #tpu.memory_space<hbm>> -> memref<8x4096xf32, #tpu.memory_space<hbm>>
      tpu.enqueue_dma source(%dma_start3A_760 : memref<8x4096xf32, #tpu.memory_space<hbm>>) target(%arg10 : memref<8x4096xf32, #tpu.memory_space<vmem>>) target_semaphore(%run_scoped3A : memref<!tpu.dma_semaphore, #tpu.memory_space<semaphore_mem>>)
      %dma_wait3A = arith.constant 0 : i32
      %dma_wait3A_761 = tpu.memref_slice %arg2[%add3A_22, %dma_wait3A] : memref<16384x4096xf32, #tpu.memory_space<hbm>> -> memref<8x4096xf32, #tpu.memory_space<hbm>>
      %dma_wait3A_762 = arith.constant 0 : i32
      %dma_wait3A_763 = tpu.memref_slice %arg2[%add3A_22, %dma_wait3A_762] : memref<16384x4096xf32, #tpu.memory_space<hbm>> -> memref<8x4096xf32, #tpu.memory_space<hbm>>
      tpu.wait_dma2 semaphore(%run_scoped3A : memref<!tpu.dma_semaphore, #tpu.memory_space<semaphore_mem>>) src(%dma_wait3A_763 : memref<8x4096xf32, #tpu.memory_space<hbm>>) dst(%arg10 : memref<8x4096xf32, #tpu.memory_space<vmem>>)
      tpu.yield
    }) : () -> ()
    %get3A_23 = arith.constant 0 : index
    %get3A_24 = tpu.vector_load %arg7[%get3A_23] {strides = array<i32>} : memref<832xi32, #tpu.memory_space<vmem>>, vector<16xi32>,
    %get3A_25 = arith.constant 0 : index
    %get3A_26 = tpu.vector_load %arg8[%get3A_25] {strides = array<i32>} : memref<832xi32, #tpu.memory_space<vmem>>, vector<16xi32>,
    %ne3A = arith.constant 0 : i32
    %ne3A_27 = vector.broadcast %ne3A : i32 to vector<16xi32>
    %ne3A_28 = arith.cmpi ne, %get3A_26, %ne3A_27 : vector<16xi32>
    tpu.vector_store_idx %arg10[%broadcast_in_dim3A_4, %get3A_24], %get3A_1 masked %ne3A_28 : memref<8x4096xf32, #tpu.memory_space<vmem>>[vector<16xi32>, vector<16xi32>], vector<16xf32>, vector<16xi1>
    tpu.vector_store_idx %arg10[%broadcast_in_dim3A_6, %get3A_24], %get3A_1 masked %ne3A_28 : memref<8x4096xf32, #tpu.memory_space<vmem>>[vector<16xi32>, vector<16xi32>], vector<16xf32>, vector<16xi1>
    tpu.vector_store_idx %arg10[%broadcast_in_dim3A_8, %get3A_24], %get3A_1 masked %ne3A_28 : memref<8x4096xf32, #tpu.memory_space<vmem>>[vector<16xi32>, vector<16xi32>], vector<16xf32>, vector<16xi1>
    tpu.vector_store_idx %arg10[%broadcast_in_dim3A_10, %get3A_24], %get3A_1 masked %ne3A_28 : memref<8x4096xf32, #tpu.memory_space<vmem>>[vector<16xi32>, vector<16xi32>], vector<16xf32>, vector<16xi1>
    tpu.vector_store_idx %arg10[%broadcast_in_dim3A_12, %get3A_24], %get3A_1 masked %ne3A_28 : memref<8x4096xf32, #tpu.memory_space<vmem>>[vector<16xi32>, vector<16xi32>], vector<16xf32>, vector<16xi1>
    tpu.vector_store_idx %arg10[%broadcast_in_dim3A_14, %get3A_24], %get3A_1 masked %ne3A_28 : memref<8x4096xf32, #tpu.memory_space<vmem>>[vector<16xi32>, vector<16xi32>], vector<16xf32>, vector<16xi1>
    tpu.vector_store_idx %arg10[%broadcast_in_dim3A_16, %get3A_24], %get3A_1 masked %ne3A_28 : memref<8x4096xf32, #tpu.memory_space<vmem>>[vector<16xi32>, vector<16xi32>], vector<16xf32>, vector<16xi1>
    tpu.vector_store_idx %arg10[%broadcast_in_dim3A_18, %get3A_24], %get3A_1 masked %ne3A_28 : memref<8x4096xf32, #tpu.memory_space<vmem>>[vector<16xi32>, vector<16xi32>], vector<16xf32>, vector<16xi1>
    %get3A_29 = arith.constant 16 : index
    %get3A_30 = tpu.vector_load %arg7[%get3A_29] {strides = array<i32>} : memref<832xi32, #tpu.memory_space<vmem>>, vector<16xi32>,
    %get3A_31 = arith.constant 16 : index
    %get3A_32 = tpu.vector_load %arg8[%get3A_31] {strides = array<i32>} : memref<832xi32, #tpu.memory_space<vmem>>, vector<16xi32>,
    %ne3A_33 = arith.constant 0 : i32
    %ne3A_34 = vector.broadcast %ne3A_33 : i32 to vector<16xi32>
    %ne3A_35 = arith.cmpi ne, %get3A_32, %ne3A_34 : vector<16xi32>
    tpu.vector_store_idx %arg10[%broadcast_in_dim3A_4, %get3A_30], %get3A_1 masked %ne3A_35 : memref<8x4096xf32, #tpu.memory_space<vmem>>[vector<16xi32>, vector<16xi32>], vector<16xf32>, vector<16xi1>
    tpu.vector_store_idx %arg10[%broadcast_in_dim3A_6, %get3A_30], %get3A_1 masked %ne3A_35 : memref<8x4096xf32, #tpu.memory_space<vmem>>[vector<16xi32>, vector<16xi32>], vector<16xf32>, vector<16xi1>
    tpu.vector_store_idx %arg10[%broadcast_in_dim3A_8, %get3A_30], %get3A_1 masked %ne3A_35 : memref<8x4096xf32, #tpu.memory_space<vmem>>[vector<16xi32>, vector<16xi32>], vector<16xf32>, vector<16xi1>
    tpu.vector_store_idx %arg10[%broadcast_in_dim3A_10, %get3A_30], %get3A_1 masked %ne3A_35 : memref<8x4096xf32, #tpu.memory_space<vmem>>[vector<16xi32>, vector<16xi32>], vector<16xf32>, vector<16xi1>
    tpu.vector_store_idx %arg10[%broadcast_in_dim3A_12, %get3A_30], %get3A_1 masked %ne3A_35 : memref<8x4096xf32, #tpu.memory_space<vmem>>[vector<16xi32>, vector<16xi32>], vector<16xf32>, vector<16xi1>
    tpu.vector_store_idx %arg10[%broadcast_in_dim3A_14, %get3A_30], %get3A_1 masked %ne3A_35 : memref<8x4096xf32, #tpu.memory_space<vmem>>[vector<16xi32>, vector<16xi32>], vector<16xf32>, vector<16xi1>
    tpu.vector_store_idx %arg10[%broadcast_in_dim3A_16, %get3A_30], %get3A_1 masked %ne3A_35 : memref<8x4096xf32, #tpu.memory_space<vmem>>[vector<16xi32>, vector<16xi32>], vector<16xf32>, vector<16xi1>
    tpu.vector_store_idx %arg10[%broadcast_in_dim3A_18, %get3A_30], %get3A_1 masked %ne3A_35 : memref<8x4096xf32, #tpu.memory_space<vmem>>[vector<16xi32>, vector<16xi32>], vector<16xf32>, vector<16xi1>
    %get3A_36 = arith.constant 32 : index
    %get3A_37 = tpu.vector_load %arg7[%get3A_36] {strides = array<i32>} : memref<832xi32, #tpu.memory_space<vmem>>, vector<16xi32>,
    %get3A_38 = arith.constant 32 : index
    %get3A_39 = tpu.vector_load %arg8[%get3A_38] {strides = array<i32>} : memref<832xi32, #tpu.memory_space<vmem>>, vector<16xi32>,
    %ne3A_40 = arith.constant 0 : i32
    %ne3A_41 = vector.broadcast %ne3A_40 : i32 to vector<16xi32>
    %ne3A_42 = arith.cmpi ne, %get3A_39, %ne3A_41 : vector<16xi32>
    tpu.vector_store_idx %arg10[%broadcast_in_dim3A_4, %get3A_37], %get3A_1 masked %ne3A_42 : memref<8x4096xf32, #tpu.memory_space<vmem>>[vector<16xi32>, vector<16xi32>], vector<16xf32>, vector<16xi1>
    tpu.vector_store_idx %arg10[%broadcast_in_dim3A_6, %get3A_37], %get3A_1 masked %ne3A_42 : memref<8x4096xf32, #tpu.memory_space<vmem>>[vector<16xi32>, vector<16xi32>], vector<16xf32>, vector<16xi1>
    tpu.vector_store_idx %arg10[%broadcast_in_dim3A_8, %get3A_37], %get3A_1 masked %ne3A_42 : memref<8x4096xf32, #tpu.memory_space<vmem>>[vector<16xi32>, vector<16xi32>], vector<16xf32>, vector<16xi1>
    tpu.vector_store_idx %arg10[%broadcast_in_dim3A_10, %get3A_37], %get3A_1 masked %ne3A_42 : memref<8x4096xf32, #tpu.memory_space<vmem>>[vector<16xi32>, vector<16xi32>], vector<16xf32>, vector<16xi1>
    tpu.vector_store_idx %arg10[%broadcast_in_dim3A_12, %get3A_37], %get3A_1 masked %ne3A_42 : memref<8x4096xf32, #tpu.memory_space<vmem>>[vector<16xi32>, vector<16xi32>], vector<16xf32>, vector<16xi1>
    tpu.vector_store_idx %arg10[%broadcast_in_dim3A_14, %get3A_37], %get3A_1 masked %ne3A_42 : memref<8x4096xf32, #tpu.memory_space<vmem>>[vector<16xi32>, vector<16xi32>], vector<16xf32>, vector<16xi1>
    tpu.vector_store_idx %arg10[%broadcast_in_dim3A_16, %get3A_37], %get3A_1 masked %ne3A_42 : memref<8x4096xf32, #tpu.memory_space<vmem>>[vector<16xi32>, vector<16xi32>], vector<16xf32>, vector<16xi1>
    tpu.vector_store_idx %arg10[%broadcast_in_dim3A_18, %get3A_37], %get3A_1 masked %ne3A_42 : memref<8x4096xf32, #tpu.memory_space<vmem>>[vector<16xi32>, vector<16xi32>], vector<16xf32>, vector<16xi1>
    %get3A_43 = arith.constant 48 : index
    %get3A_44 = tpu.vector_load %arg7[%get3A_43] {strides = array<i32>} : memref<832xi32, #tpu.memory_space<vmem>>, vector<16xi32>,
    %get3A_45 = arith.constant 48 : index
    %get3A_46 = tpu.vector_load %arg8[%get3A_45] {strides = array<i32>} : memref<832xi32, #tpu.memory_space<vmem>>, vector<16xi32>,
    %ne3A_47 = arith.constant 0 : i32
    %ne3A_48 = vector.broadcast %ne3A_47 : i32 to vector<16xi32>
    %ne3A_49 = arith.cmpi ne, %get3A_46, %ne3A_48 : vector<16xi32>
    tpu.vector_store_idx %arg10[%broadcast_in_dim3A_4, %get3A_44], %get3A_1 masked %ne3A_49 : memref<8x4096xf32, #tpu.memory_space<vmem>>[vector<16xi32>, vector<16xi32>], vector<16xf32>, vector<16xi1>
    tpu.vector_store_idx %arg10[%broadcast_in_dim3A_6, %get3A_44], %get3A_1 masked %ne3A_49 : memref<8x4096xf32, #tpu.memory_space<vmem>>[vector<16xi32>, vector<16xi32>], vector<16xf32>, vector<16xi1>
    tpu.vector_store_idx %arg10[%broadcast_in_dim3A_8, %get3A_44], %get3A_1 masked %ne3A_49 : memref<8x4096xf32, #tpu.memory_space<vmem>>[vector<16xi32>, vector<16xi32>], vector<16xf32>, vector<16xi1>
    tpu.vector_store_idx %arg10[%broadcast_in_dim3A_10, %get3A_44], %get3A_1 masked %ne3A_49 : memref<8x4096xf32, #tpu.memory_space<vmem>>[vector<16xi32>, vector<16xi32>], vector<16xf32>, vector<16xi1>
    tpu.vector_store_idx %arg10[%broadcast_in_dim3A_12, %get3A_44], %get3A_1 masked %ne3A_49 : memref<8x4096xf32, #tpu.memory_space<vmem>>[vector<16xi32>, vector<16xi32>], vector<16xf32>, vector<16xi1>
    tpu.vector_store_idx %arg10[%broadcast_in_dim3A_14, %get3A_44], %get3A_1 masked %ne3A_49 : memref<8x4096xf32, #tpu.memory_space<vmem>>[vector<16xi32>, vector<16xi32>], vector<16xf32>, vector<16xi1>
    tpu.vector_store_idx %arg10[%broadcast_in_dim3A_16, %get3A_44], %get3A_1 masked %ne3A_49 : memref<8x4096xf32, #tpu.memory_space<vmem>>[vector<16xi32>, vector<16xi32>], vector<16xf32>, vector<16xi1>
    tpu.vector_store_idx %arg10[%broadcast_in_dim3A_18, %get3A_44], %get3A_1 masked %ne3A_49 : memref<8x4096xf32, #tpu.memory_space<vmem>>[vector<16xi32>, vector<16xi32>], vector<16xf32>, vector<16xi1>
    %get3A_50 = arith.constant 64 : index
    %get3A_51 = tpu.vector_load %arg7[%get3A_50] {strides = array<i32>} : memref<832xi32, #tpu.memory_space<vmem>>, vector<16xi32>,
    %get3A_52 = arith.constant 64 : index
    %get3A_53 = tpu.vector_load %arg8[%get3A_52] {strides = array<i32>} : memref<832xi32, #tpu.memory_space<vmem>>, vector<16xi32>,
    %ne3A_54 = arith.constant 0 : i32
    %ne3A_55 = vector.broadcast %ne3A_54 : i32 to vector<16xi32>
    %ne3A_56 = arith.cmpi ne, %get3A_53, %ne3A_55 : vector<16xi32>
    tpu.vector_store_idx %arg10[%broadcast_in_dim3A_4, %get3A_51], %get3A_1 masked %ne3A_56 : memref<8x4096xf32, #tpu.memory_space<vmem>>[vector<16xi32>, vector<16xi32>], vector<16xf32>, vector<16xi1>
    tpu.vector_store_idx %arg10[%broadcast_in_dim3A_6, %get3A_51], %get3A_1 masked %ne3A_56 : memref<8x4096xf32, #tpu.memory_space<vmem>>[vector<16xi32>, vector<16xi32>], vector<16xf32>, vector<16xi1>
    tpu.vector_store_idx %arg10[%broadcast_in_dim3A_8, %get3A_51], %get3A_1 masked %ne3A_56 : memref<8x4096xf32, #tpu.memory_space<vmem>>[vector<16xi32>, vector<16xi32>], vector<16xf32>, vector<16xi1>
    tpu.vector_store_idx %arg10[%broadcast_in_dim3A_10, %get3A_51], %get3A_1 masked %ne3A_56 : memref<8x4096xf32, #tpu.memory_space<vmem>>[vector<16xi32>, vector<16xi32>], vector<16xf32>, vector<16xi1>
    tpu.vector_store_idx %arg10[%broadcast_in_dim3A_12, %get3A_51], %get3A_1 masked %ne3A_56 : memref<8x4096xf32, #tpu.memory_space<vmem>>[vector<16xi32>, vector<16xi32>], vector<16xf32>, vector<16xi1>
    tpu.vector_store_idx %arg10[%broadcast_in_dim3A_14, %get3A_51], %get3A_1 masked %ne3A_56 : memref<8x4096xf32, #tpu.memory_space<vmem>>[vector<16xi32>, vector<16xi32>], vector<16xf32>, vector<16xi1>
    tpu.vector_store_idx %arg10[%broadcast_in_dim3A_16, %get3A_51], %get3A_1 masked %ne3A_56 : memref<8x4096xf32, #tpu.memory_space<vmem>>[vector<16xi32>, vector<16xi32>], vector<16xf32>, vector<16xi1>
    tpu.vector_store_idx %arg10[%broadcast_in_dim3A_18, %get3A_51], %get3A_1 masked %ne3A_56 : memref<8x4096xf32, #tpu.memory_space<vmem>>[vector<16xi32>, vector<16xi32>], vector<16xf32>, vector<16xi1>
    %get3A_57 = arith.constant 80 : index
    %get3A_58 = tpu.vector_load %arg7[%get3A_57] {strides = array<i32>} : memref<832xi32, #tpu.memory_space<vmem>>, vector<16xi32>,
    %get3A_59 = arith.constant 80 : index
    %get3A_60 = tpu.vector_load %arg8[%get3A_59] {strides = array<i32>} : memref<832xi32, #tpu.memory_space<vmem>>, vector<16xi32>,
    %ne3A_61 = arith.constant 0 : i32
    %ne3A_62 = vector.broadcast %ne3A_61 : i32 to vector<16xi32>
    %ne3A_63 = arith.cmpi ne, %get3A_60, %ne3A_62 : vector<16xi32>
    tpu.vector_store_idx %arg10[%broadcast_in_dim3A_4, %get3A_58], %get3A_1 masked %ne3A_63 : memref<8x4096xf32, #tpu.memory_space<vmem>>[vector<16xi32>, vector<16xi32>], vector<16xf32>, vector<16xi1>
    tpu.vector_store_idx %arg10[%broadcast_in_dim3A_6, %get3A_58], %get3A_1 masked %ne3A_63 : memref<8x4096xf32, #tpu.memory_space<vmem>>[vector<16xi32>, vector<16xi32>], vector<16xf32>, vector<16xi1>
    tpu.vector_store_idx %arg10[%broadcast_in_dim3A_8, %get3A_58], %get3A_1 masked %ne3A_63 : memref<8x4096xf32, #tpu.memory_space<vmem>>[vector<16xi32>, vector<16xi32>], vector<16xf32>, vector<16xi1>
    tpu.vector_store_idx %arg10[%broadcast_in_dim3A_10, %get3A_58], %get3A_1 masked %ne3A_63 : memref<8x4096xf32, #tpu.memory_space<vmem>>[vector<16xi32>, vector<16xi32>], vector<16xf32>, vector<16xi1>
    tpu.vector_store_idx %arg10[%broadcast_in_dim3A_12, %get3A_58], %get3A_1 masked %ne3A_63 : memref<8x4096xf32, #tpu.memory_space<vmem>>[vector<16xi32>, vector<16xi32>], vector<16xf32>, vector<16xi1>
    tpu.vector_store_idx %arg10[%broadcast_in_dim3A_14, %get3A_58], %get3A_1 masked %ne3A_63 : memref<8x4096xf32, #tpu.memory_space<vmem>>[vector<16xi32>, vector<16xi32>], vector<16xf32>, vector<16xi1>
    tpu.vector_store_idx %arg10[%broadcast_in_dim3A_16, %get3A_58], %get3A_1 masked %ne3A_63 : memref<8x4096xf32, #tpu.memory_space<vmem>>[vector<16xi32>, vector<16xi32>], vector<16xf32>, vector<16xi1>
    tpu.vector_store_idx %arg10[%broadcast_in_dim3A_18, %get3A_58], %get3A_1 masked %ne3A_63 : memref<8x4096xf32, #tpu.memory_space<vmem>>[vector<16xi32>, vector<16xi32>], vector<16xf32>, vector<16xi1>
    %get3A_64 = arith.constant 96 : index
    %get3A_65 = tpu.vector_load %arg7[%get3A_64] {strides = array<i32>} : memref<832xi32, #tpu.memory_space<vmem>>, vector<16xi32>,
    %get3A_66 = arith.constant 96 : index
    %get3A_67 = tpu.vector_load %arg8[%get3A_66] {strides = array<i32>} : memref<832xi32, #tpu.memory_space<vmem>>, vector<16xi32>,
    %ne3A_68 = arith.constant 0 : i32
    %ne3A_69 = vector.broadcast %ne3A_68 : i32 to vector<16xi32>
    %ne3A_70 = arith.cmpi ne, %get3A_67, %ne3A_69 : vector<16xi32>
    tpu.vector_store_idx %arg10[%broadcast_in_dim3A_4, %get3A_65], %get3A_1 masked %ne3A_70 : memref<8x4096xf32, #tpu.memory_space<vmem>>[vector<16xi32>, vector<16xi32>], vector<16xf32>, vector<16xi1>
    tpu.vector_store_idx %arg10[%broadcast_in_dim3A_6, %get3A_65], %get3A_1 masked %ne3A_70 : memref<8x4096xf32, #tpu.memory_space<vmem>>[vector<16xi32>, vector<16xi32>], vector<16xf32>, vector<16xi1>
    tpu.vector_store_idx %arg10[%broadcast_in_dim3A_8, %get3A_65], %get3A_1 masked %ne3A_70 : memref<8x4096xf32, #tpu.memory_space<vmem>>[vector<16xi32>, vector<16xi32>], vector<16xf32>, vector<16xi1>
    tpu.vector_store_idx %arg10[%broadcast_in_dim3A_10, %get3A_65], %get3A_1 masked %ne3A_70 : memref<8x4096xf32, #tpu.memory_space<vmem>>[vector<16xi32>, vector<16xi32>], vector<16xf32>, vector<16xi1>
    tpu.vector_store_idx %arg10[%broadcast_in_dim3A_12, %get3A_65], %get3A_1 masked %ne3A_70 : memref<8x4096xf32, #tpu.memory_space<vmem>>[vector<16xi32>, vector<16xi32>], vector<16xf32>, vector<16xi1>
    tpu.vector_store_idx %arg10[%broadcast_in_dim3A_14, %get3A_65], %get3A_1 masked %ne3A_70 : memref<8x4096xf32, #tpu.memory_space<vmem>>[vector<16xi32>, vector<16xi32>], vector<16xf32>, vector<16xi1>
    tpu.vector_store_idx %arg10[%broadcast_in_dim3A_16, %get3A_65], %get3A_1 masked %ne3A_70 : memref<8x4096xf32, #tpu.memory_space<vmem>>[vector<16xi32>, vector<16xi32>], vector<16xf32>, vector<16xi1>
    tpu.vector_store_idx %arg10[%broadcast_in_dim3A_18, %get3A_65], %get3A_1 masked %ne3A_70 : memref<8x4096xf32, #tpu.memory_space<vmem>>[vector<16xi32>, vector<16xi32>], vector<16xf32>, vector<16xi1>
    %get3A_71 = arith.constant 112 : index
    %get3A_72 = tpu.vector_load %arg7[%get3A_71] {strides = array<i32>} : memref<832xi32, #tpu.memory_space<vmem>>, vector<16xi32>,
    %get3A_73 = arith.constant 112 : index
    %get3A_74 = tpu.vector_load %arg8[%get3A_73] {strides = array<i32>} : memref<832xi32, #tpu.memory_space<vmem>>, vector<16xi32>,
    %ne3A_75 = arith.constant 0 : i32
    %ne3A_76 = vector.broadcast %ne3A_75 : i32 to vector<16xi32>
    %ne3A_77 = arith.cmpi ne, %get3A_74, %ne3A_76 : vector<16xi32>
    tpu.vector_store_idx %arg10[%broadcast_in_dim3A_4, %get3A_72], %get3A_1 masked %ne3A_77 : memref<8x4096xf32, #tpu.memory_space<vmem>>[vector<16xi32>, vector<16xi32>], vector<16xf32>, vector<16xi1>
    tpu.vector_store_idx %arg10[%broadcast_in_dim3A_6, %get3A_72], %get3A_1 masked %ne3A_77 : memref<8x4096xf32, #tpu.memory_space<vmem>>[vector<16xi32>, vector<16xi32>], vector<16xf32>, vector<16xi1>
    tpu.vector_store_idx %arg10[%broadcast_in_dim3A_8, %get3A_72], %get3A_1 masked %ne3A_77 : memref<8x4096xf32, #tpu.memory_space<vmem>>[vector<16xi32>, vector<16xi32>], vector<16xf32>, vector<16xi1>
    tpu.vector_store_idx %arg10[%broadcast_in_dim3A_10, %get3A_72], %get3A_1 masked %ne3A_77 : memref<8x4096xf32, #tpu.memory_space<vmem>>[vector<16xi32>, vector<16xi32>], vector<16xf32>, vector<16xi1>
    tpu.vector_store_idx %arg10[%broadcast_in_dim3A_12, %get3A_72], %get3A_1 masked %ne3A_77 : memref<8x4096xf32, #tpu.memory_space<vmem>>[vector<16xi32>, vector<16xi32>], vector<16xf32>, vector<16xi1>
    tpu.vector_store_idx %arg10[%broadcast_in_dim3A_14, %get3A_72], %get3A_1 masked %ne3A_77 : memref<8x4096xf32, #tpu.memory_space<vmem>>[vector<16xi32>, vector<16xi32>], vector<16xf32>, vector<16xi1>
    tpu.vector_store_idx %arg10[%broadcast_in_dim3A_16, %get3A_72], %get3A_1 masked %ne3A_77 : memref<8x4096xf32, #tpu.memory_space<vmem>>[vector<16xi32>, vector<16xi32>], vector<16xf32>, vector<16xi1>
    tpu.vector_store_idx %arg10[%broadcast_in_dim3A_18, %get3A_72], %get3A_1 masked %ne3A_77 : memref<8x4096xf32, #tpu.memory_space<vmem>>[vector<16xi32>, vector<16xi32>], vector<16xf32>, vector<16xi1>
    %get3A_78 = arith.constant 128 : index
    %get3A_79 = tpu.vector_load %arg7[%get3A_78] {strides = array<i32>} : memref<832xi32, #tpu.memory_space<vmem>>, vector<16xi32>,
    %get3A_80 = arith.constant 128 : index
    %get3A_81 = tpu.vector_load %arg8[%get3A_80] {strides = array<i32>} : memref<832xi32, #tpu.memory_space<vmem>>, vector<16xi32>,
    %ne3A_82 = arith.constant 0 : i32
    %ne3A_83 = vector.broadcast %ne3A_82 : i32 to vector<16xi32>
    %ne3A_84 = arith.cmpi ne, %get3A_81, %ne3A_83 : vector<16xi32>
    tpu.vector_store_idx %arg10[%broadcast_in_dim3A_4, %get3A_79], %get3A_1 masked %ne3A_84 : memref<8x4096xf32, #tpu.memory_space<vmem>>[vector<16xi32>, vector<16xi32>], vector<16xf32>, vector<16xi1>
    tpu.vector_store_idx %arg10[%broadcast_in_dim3A_6, %get3A_79], %get3A_1 masked %ne3A_84 : memref<8x4096xf32, #tpu.memory_space<vmem>>[vector<16xi32>, vector<16xi32>], vector<16xf32>, vector<16xi1>
    tpu.vector_store_idx %arg10[%broadcast_in_dim3A_8, %get3A_79], %get3A_1 masked %ne3A_84 : memref<8x4096xf32, #tpu.memory_space<vmem>>[vector<16xi32>, vector<16xi32>], vector<16xf32>, vector<16xi1>
    tpu.vector_store_idx %arg10[%broadcast_in_dim3A_10, %get3A_79], %get3A_1 masked %ne3A_84 : memref<8x4096xf32, #tpu.memory_space<vmem>>[vector<16xi32>, vector<16xi32>], vector<16xf32>, vector<16xi1>
    tpu.vector_store_idx %arg10[%broadcast_in_dim3A_12, %get3A_79], %get3A_1 masked %ne3A_84 : memref<8x4096xf32, #tpu.memory_space<vmem>>[vector<16xi32>, vector<16xi32>], vector<16xf32>, vector<16xi1>
    tpu.vector_store_idx %arg10[%broadcast_in_dim3A_14, %get3A_79], %get3A_1 masked %ne3A_84 : memref<8x4096xf32, #tpu.memory_space<vmem>>[vector<16xi32>, vector<16xi32>], vector<16xf32>, vector<16xi1>
    tpu.vector_store_idx %arg10[%broadcast_in_dim3A_16, %get3A_79], %get3A_1 masked %ne3A_84 : memref<8x4096xf32, #tpu.memory_space<vmem>>[vector<16xi32>, vector<16xi32>], vector<16xf32>, vector<16xi1>
    tpu.vector_store_idx %arg10[%broadcast_in_dim3A_18, %get3A_79], %get3A_1 masked %ne3A_84 : memref<8x4096xf32, #tpu.memory_space<vmem>>[vector<16xi32>, vector<16xi32>], vector<16xf32>, vector<16xi1>
    %get3A_85 = arith.constant 144 : index
    %get3A_86 = tpu.vector_load %arg7[%get3A_85] {strides = array<i32>} : memref<832xi32, #tpu.memory_space<vmem>>, vector<16xi32>,
    %get3A_87 = arith.constant 144 : index
    %get3A_88 = tpu.vector_load %arg8[%get3A_87] {strides = array<i32>} : memref<832xi32, #tpu.memory_space<vmem>>, vector<16xi32>,
    %ne3A_89 = arith.constant 0 : i32
    %ne3A_90 = vector.broadcast %ne3A_89 : i32 to vector<16xi32>
    %ne3A_91 = arith.cmpi ne, %get3A_88, %ne3A_90 : vector<16xi32>
    tpu.vector_store_idx %arg10[%broadcast_in_dim3A_4, %get3A_86], %get3A_1 masked %ne3A_91 : memref<8x4096xf32, #tpu.memory_space<vmem>>[vector<16xi32>, vector<16xi32>], vector<16xf32>, vector<16xi1>
    tpu.vector_store_idx %arg10[%broadcast_in_dim3A_6, %get3A_86], %get3A_1 masked %ne3A_91 : memref<8x4096xf32, #tpu.memory_space<vmem>>[vector<16xi32>, vector<16xi32>], vector<16xf32>, vector<16xi1>
    tpu.vector_store_idx %arg10[%broadcast_in_dim3A_8, %get3A_86], %get3A_1 masked %ne3A_91 : memref<8x4096xf32, #tpu.memory_space<vmem>>[vector<16xi32>, vector<16xi32>], vector<16xf32>, vector<16xi1>
    tpu.vector_store_idx %arg10[%broadcast_in_dim3A_10, %get3A_86], %get3A_1 masked %ne3A_91 : memref<8x4096xf32, #tpu.memory_space<vmem>>[vector<16xi32>, vector<16xi32>], vector<16xf32>, vector<16xi1>
    tpu.vector_store_idx %arg10[%broadcast_in_dim3A_12, %get3A_86], %get3A_1 masked %ne3A_91 : memref<8x4096xf32, #tpu.memory_space<vmem>>[vector<16xi32>, vector<16xi32>], vector<16xf32>, vector<16xi1>
    tpu.vector_store_idx %arg10[%broadcast_in_dim3A_14, %get3A_86], %get3A_1 masked %ne3A_91 : memref<8x4096xf32, #tpu.memory_space<vmem>>[vector<16xi32>, vector<16xi32>], vector<16xf32>, vector<16xi1>
    tpu.vector_store_idx %arg10[%broadcast_in_dim3A_16, %get3A_86], %get3A_1 masked %ne3A_91 : memref<8x4096xf32, #tpu.memory_space<vmem>>[vector<16xi32>, vector<16xi32>], vector<16xf32>, vector<16xi1>
    tpu.vector_store_idx %arg10[%broadcast_in_dim3A_18, %get3A_86], %get3A_1 masked %ne3A_91 : memref<8x4096xf32, #tpu.memory_space<vmem>>[vector<16xi32>, vector<16xi32>], vector<16xf32>, vector<16xi1>
    %get3A_92 = arith.constant 160 : index
    %get3A_93 = tpu.vector_load %arg7[%get3A_92] {strides = array<i32>} : memref<832xi32, #tpu.memory_space<vmem>>, vector<16xi32>,
    %get3A_94 = arith.constant 160 : index
    %get3A_95 = tpu.vector_load %arg8[%get3A_94] {strides = array<i32>} : memref<832xi32, #tpu.memory_space<vmem>>, vector<16xi32>,
    %ne3A_96 = arith.constant 0 : i32
    %ne3A_97 = vector.broadcast %ne3A_96 : i32 to vector<16xi32>
    %ne3A_98 = arith.cmpi ne, %get3A_95, %ne3A_97 : vector<16xi32>
    tpu.vector_store_idx %arg10[%broadcast_in_dim3A_4, %get3A_93], %get3A_1 masked %ne3A_98 : memref<8x4096xf32, #tpu.memory_space<vmem>>[vector<16xi32>, vector<16xi32>], vector<16xf32>, vector<16xi1>
    tpu.vector_store_idx %arg10[%broadcast_in_dim3A_6, %get3A_93], %get3A_1 masked %ne3A_98 : memref<8x4096xf32, #tpu.memory_space<vmem>>[vector<16xi32>, vector<16xi32>], vector<16xf32>, vector<16xi1>
    tpu.vector_store_idx %arg10[%broadcast_in_dim3A_8, %get3A_93], %get3A_1 masked %ne3A_98 : memref<8x4096xf32, #tpu.memory_space<vmem>>[vector<16xi32>, vector<16xi32>], vector<16xf32>, vector<16xi1>
    tpu.vector_store_idx %arg10[%broadcast_in_dim3A_10, %get3A_93], %get3A_1 masked %ne3A_98 : memref<8x4096xf32, #tpu.memory_space<vmem>>[vector<16xi32>, vector<16xi32>], vector<16xf32>, vector<16xi1>
    tpu.vector_store_idx %arg10[%broadcast_in_dim3A_12, %get3A_93], %get3A_1 masked %ne3A_98 : memref<8x4096xf32, #tpu.memory_space<vmem>>[vector<16xi32>, vector<16xi32>], vector<16xf32>, vector<16xi1>
    tpu.vector_store_idx %arg10[%broadcast_in_dim3A_14, %get3A_93], %get3A_1 masked %ne3A_98 : memref<8x4096xf32, #tpu.memory_space<vmem>>[vector<16xi32>, vector<16xi32>], vector<16xf32>, vector<16xi1>
    tpu.vector_store_idx %arg10[%broadcast_in_dim3A_16, %get3A_93], %get3A_1 masked %ne3A_98 : memref<8x4096xf32, #tpu.memory_space<vmem>>[vector<16xi32>, vector<16xi32>], vector<16xf32>, vector<16xi1>
    tpu.vector_store_idx %arg10[%broadcast_in_dim3A_18, %get3A_93], %get3A_1 masked %ne3A_98 : memref<8x4096xf32, #tpu.memory_space<vmem>>[vector<16xi32>, vector<16xi32>], vector<16xf32>, vector<16xi1>
    %get3A_99 = arith.constant 176 : index
    %get3A_100 = tpu.vector_load %arg7[%get3A_99] {strides = array<i32>} : memref<832xi32, #tpu.memory_space<vmem>>, vector<16xi32>,
    %get3A_101 = arith.constant 176 : index
    %get3A_102 = tpu.vector_load %arg8[%get3A_101] {strides = array<i32>} : memref<832xi32, #tpu.memory_space<vmem>>, vector<16xi32>,
    %ne3A_103 = arith.constant 0 : i32
    %ne3A_104 = vector.broadcast %ne3A_103 : i32 to vector<16xi32>
    %ne3A_105 = arith.cmpi ne, %get3A_102, %ne3A_104 : vector<16xi32>
    tpu.vector_store_idx %arg10[%broadcast_in_dim3A_4, %get3A_100], %get3A_1 masked %ne3A_105 : memref<8x4096xf32, #tpu.memory_space<vmem>>[vector<16xi32>, vector<16xi32>], vector<16xf32>, vector<16xi1>
    tpu.vector_store_idx %arg10[%broadcast_in_dim3A_6, %get3A_100], %get3A_1 masked %ne3A_105 : memref<8x4096xf32, #tpu.memory_space<vmem>>[vector<16xi32>, vector<16xi32>], vector<16xf32>, vector<16xi1>
    tpu.vector_store_idx %arg10[%broadcast_in_dim3A_8, %get3A_100], %get3A_1 masked %ne3A_105 : memref<8x4096xf32, #tpu.memory_space<vmem>>[vector<16xi32>, vector<16xi32>], vector<16xf32>, vector<16xi1>
    tpu.vector_store_idx %arg10[%broadcast_in_dim3A_10, %get3A_100], %get3A_1 masked %ne3A_105 : memref<8x4096xf32, #tpu.memory_space<vmem>>[vector<16xi32>, vector<16xi32>], vector<16xf32>, vector<16xi1>
    tpu.vector_store_idx %arg10[%broadcast_in_dim3A_12, %get3A_100], %get3A_1 masked %ne3A_105 : memref<8x4096xf32, #tpu.memory_space<vmem>>[vector<16xi32>, vector<16xi32>], vector<16xf32>, vector<16xi1>
    tpu.vector_store_idx %arg10[%broadcast_in_dim3A_14, %get3A_100], %get3A_1 masked %ne3A_105 : memref<8x4096xf32, #tpu.memory_space<vmem>>[vector<16xi32>, vector<16xi32>], vector<16xf32>, vector<16xi1>
    tpu.vector_store_idx %arg10[%broadcast_in_dim3A_16, %get3A_100], %get3A_1 masked %ne3A_105 : memref<8x4096xf32, #tpu.memory_space<vmem>>[vector<16xi32>, vector<16xi32>], vector<16xf32>, vector<16xi1>
    tpu.vector_store_idx %arg10[%broadcast_in_dim3A_18, %get3A_100], %get3A_1 masked %ne3A_105 : memref<8x4096xf32, #tpu.memory_space<vmem>>[vector<16xi32>, vector<16xi32>], vector<16xf32>, vector<16xi1>
    %get3A_106 = arith.constant 192 : index
    %get3A_107 = tpu.vector_load %arg7[%get3A_106] {strides = array<i32>} : memref<832xi32, #tpu.memory_space<vmem>>, vector<16xi32>,
    %get3A_108 = arith.constant 192 : index
    %get3A_109 = tpu.vector_load %arg8[%get3A_108] {strides = array<i32>} : memref<832xi32, #tpu.memory_space<vmem>>, vector<16xi32>,
    %ne3A_110 = arith.constant 0 : i32
    %ne3A_111 = vector.broadcast %ne3A_110 : i32 to vector<16xi32>
    %ne3A_112 = arith.cmpi ne, %get3A_109, %ne3A_111 : vector<16xi32>
    tpu.vector_store_idx %arg10[%broadcast_in_dim3A_4, %get3A_107], %get3A_1 masked %ne3A_112 : memref<8x4096xf32, #tpu.memory_space<vmem>>[vector<16xi32>, vector<16xi32>], vector<16xf32>, vector<16xi1>
    tpu.vector_store_idx %arg10[%broadcast_in_dim3A_6, %get3A_107], %get3A_1 masked %ne3A_112 : memref<8x4096xf32, #tpu.memory_space<vmem>>[vector<16xi32>, vector<16xi32>], vector<16xf32>, vector<16xi1>
    tpu.vector_store_idx %arg10[%broadcast_in_dim3A_8, %get3A_107], %get3A_1 masked %ne3A_112 : memref<8x4096xf32, #tpu.memory_space<vmem>>[vector<16xi32>, vector<16xi32>], vector<16xf32>, vector<16xi1>
    tpu.vector_store_idx %arg10[%broadcast_in_dim3A_10, %get3A_107], %get3A_1 masked %ne3A_112 : memref<8x4096xf32, #tpu.memory_space<vmem>>[vector<16xi32>, vector<16xi32>], vector<16xf32>, vector<16xi1>
    tpu.vector_store_idx %arg10[%broadcast_in_dim3A_12, %get3A_107], %get3A_1 masked %ne3A_112 : memref<8x4096xf32, #tpu.memory_space<vmem>>[vector<16xi32>, vector<16xi32>], vector<16xf32>, vector<16xi1>
    tpu.vector_store_idx %arg10[%broadcast_in_dim3A_14, %get3A_107], %get3A_1 masked %ne3A_112 : memref<8x4096xf32, #tpu.memory_space<vmem>>[vector<16xi32>, vector<16xi32>], vector<16xf32>, vector<16xi1>
    tpu.vector_store_idx %arg10[%broadcast_in_dim3A_16, %get3A_107], %get3A_1 masked %ne3A_112 : memref<8x4096xf32, #tpu.memory_space<vmem>>[vector<16xi32>, vector<16xi32>], vector<16xf32>, vector<16xi1>
    tpu.vector_store_idx %arg10[%broadcast_in_dim3A_18, %get3A_107], %get3A_1 masked %ne3A_112 : memref<8x4096xf32, #tpu.memory_space<vmem>>[vector<16xi32>, vector<16xi32>], vector<16xf32>, vector<16xi1>
    %get3A_113 = arith.constant 208 : index
    %get3A_114 = tpu.vector_load %arg7[%get3A_113] {strides = array<i32>} : memref<832xi32, #tpu.memory_space<vmem>>, vector<16xi32>,
    %get3A_115 = arith.constant 208 : index
    %get3A_116 = tpu.vector_load %arg8[%get3A_115] {strides = array<i32>} : memref<832xi32, #tpu.memory_space<vmem>>, vector<16xi32>,
    %ne3A_117 = arith.constant 0 : i32
    %ne3A_118 = vector.broadcast %ne3A_117 : i32 to vector<16xi32>
    %ne3A_119 = arith.cmpi ne, %get3A_116, %ne3A_118 : vector<16xi32>
    tpu.vector_store_idx %arg10[%broadcast_in_dim3A_4, %get3A_114], %get3A_1 masked %ne3A_119 : memref<8x4096xf32, #tpu.memory_space<vmem>>[vector<16xi32>, vector<16xi32>], vector<16xf32>, vector<16xi1>
    tpu.vector_store_idx %arg10[%broadcast_in_dim3A_6, %get3A_114], %get3A_1 masked %ne3A_119 : memref<8x4096xf32, #tpu.memory_space<vmem>>[vector<16xi32>, vector<16xi32>], vector<16xf32>, vector<16xi1>
    tpu.vector_store_idx %arg10[%broadcast_in_dim3A_8, %get3A_114], %get3A_1 masked %ne3A_119 : memref<8x4096xf32, #tpu.memory_space<vmem>>[vector<16xi32>, vector<16xi32>], vector<16xf32>, vector<16xi1>
    tpu.vector_store_idx %arg10[%broadcast_in_dim3A_10, %get3A_114], %get3A_1 masked %ne3A_119 : memref<8x4096xf32, #tpu.memory_space<vmem>>[vector<16xi32>, vector<16xi32>], vector<16xf32>, vector<16xi1>
    tpu.vector_store_idx %arg10[%broadcast_in_dim3A_12, %get3A_114], %get3A_1 masked %ne3A_119 : memref<8x4096xf32, #tpu.memory_space<vmem>>[vector<16xi32>, vector<16xi32>], vector<16xf32>, vector<16xi1>
    tpu.vector_store_idx %arg10[%broadcast_in_dim3A_14, %get3A_114], %get3A_1 masked %ne3A_119 : memref<8x4096xf32, #tpu.memory_space<vmem>>[vector<16xi32>, vector<16xi32>], vector<16xf32>, vector<16xi1>
    tpu.vector_store_idx %arg10[%broadcast_in_dim3A_16, %get3A_114], %get3A_1 masked %ne3A_119 : memref<8x4096xf32, #tpu.memory_space<vmem>>[vector<16xi32>, vector<16xi32>], vector<16xf32>, vector<16xi1>
    tpu.vector_store_idx %arg10[%broadcast_in_dim3A_18, %get3A_114], %get3A_1 masked %ne3A_119 : memref<8x4096xf32, #tpu.memory_space<vmem>>[vector<16xi32>, vector<16xi32>], vector<16xf32>, vector<16xi1>
    %get3A_120 = arith.constant 224 : index
    %get3A_121 = tpu.vector_load %arg7[%get3A_120] {strides = array<i32>} : memref<832xi32, #tpu.memory_space<vmem>>, vector<16xi32>,
    %get3A_122 = arith.constant 224 : index
    %get3A_123 = tpu.vector_load %arg8[%get3A_122] {strides = array<i32>} : memref<832xi32, #tpu.memory_space<vmem>>, vector<16xi32>,
    %ne3A_124 = arith.constant 0 : i32
    %ne3A_125 = vector.broadcast %ne3A_124 : i32 to vector<16xi32>
    %ne3A_126 = arith.cmpi ne, %get3A_123, %ne3A_125 : vector<16xi32>
    tpu.vector_store_idx %arg10[%broadcast_in_dim3A_4, %get3A_121], %get3A_1 masked %ne3A_126 : memref<8x4096xf32, #tpu.memory_space<vmem>>[vector<16xi32>, vector<16xi32>], vector<16xf32>, vector<16xi1>
    tpu.vector_store_idx %arg10[%broadcast_in_dim3A_6, %get3A_121], %get3A_1 masked %ne3A_126 : memref<8x4096xf32, #tpu.memory_space<vmem>>[vector<16xi32>, vector<16xi32>], vector<16xf32>, vector<16xi1>
    tpu.vector_store_idx %arg10[%broadcast_in_dim3A_8, %get3A_121], %get3A_1 masked %ne3A_126 : memref<8x4096xf32, #tpu.memory_space<vmem>>[vector<16xi32>, vector<16xi32>], vector<16xf32>, vector<16xi1>
    tpu.vector_store_idx %arg10[%broadcast_in_dim3A_10, %get3A_121], %get3A_1 masked %ne3A_126 : memref<8x4096xf32, #tpu.memory_space<vmem>>[vector<16xi32>, vector<16xi32>], vector<16xf32>, vector<16xi1>
    tpu.vector_store_idx %arg10[%broadcast_in_dim3A_12, %get3A_121], %get3A_1 masked %ne3A_126 : memref<8x4096xf32, #tpu.memory_space<vmem>>[vector<16xi32>, vector<16xi32>], vector<16xf32>, vector<16xi1>
    tpu.vector_store_idx %arg10[%broadcast_in_dim3A_14, %get3A_121], %get3A_1 masked %ne3A_126 : memref<8x4096xf32, #tpu.memory_space<vmem>>[vector<16xi32>, vector<16xi32>], vector<16xf32>, vector<16xi1>
    tpu.vector_store_idx %arg10[%broadcast_in_dim3A_16, %get3A_121], %get3A_1 masked %ne3A_126 : memref<8x4096xf32, #tpu.memory_space<vmem>>[vector<16xi32>, vector<16xi32>], vector<16xf32>, vector<16xi1>
    tpu.vector_store_idx %arg10[%broadcast_in_dim3A_18, %get3A_121], %get3A_1 masked %ne3A_126 : memref<8x4096xf32, #tpu.memory_space<vmem>>[vector<16xi32>, vector<16xi32>], vector<16xf32>, vector<16xi1>
    %get3A_127 = arith.constant 240 : index
    %get3A_128 = tpu.vector_load %arg7[%get3A_127] {strides = array<i32>} : memref<832xi32, #tpu.memory_space<vmem>>, vector<16xi32>,
    %get3A_129 = arith.constant 240 : index
    %get3A_130 = tpu.vector_load %arg8[%get3A_129] {strides = array<i32>} : memref<832xi32, #tpu.memory_space<vmem>>, vector<16xi32>,
    %ne3A_131 = arith.constant 0 : i32
    %ne3A_132 = vector.broadcast %ne3A_131 : i32 to vector<16xi32>
    %ne3A_133 = arith.cmpi ne, %get3A_130, %ne3A_132 : vector<16xi32>
    tpu.vector_store_idx %arg10[%broadcast_in_dim3A_4, %get3A_128], %get3A_1 masked %ne3A_133 : memref<8x4096xf32, #tpu.memory_space<vmem>>[vector<16xi32>, vector<16xi32>], vector<16xf32>, vector<16xi1>
    tpu.vector_store_idx %arg10[%broadcast_in_dim3A_6, %get3A_128], %get3A_1 masked %ne3A_133 : memref<8x4096xf32, #tpu.memory_space<vmem>>[vector<16xi32>, vector<16xi32>], vector<16xf32>, vector<16xi1>
    tpu.vector_store_idx %arg10[%broadcast_in_dim3A_8, %get3A_128], %get3A_1 masked %ne3A_133 : memref<8x4096xf32, #tpu.memory_space<vmem>>[vector<16xi32>, vector<16xi32>], vector<16xf32>, vector<16xi1>
    tpu.vector_store_idx %arg10[%broadcast_in_dim3A_10, %get3A_128], %get3A_1 masked %ne3A_133 : memref<8x4096xf32, #tpu.memory_space<vmem>>[vector<16xi32>, vector<16xi32>], vector<16xf32>, vector<16xi1>
    tpu.vector_store_idx %arg10[%broadcast_in_dim3A_12, %get3A_128], %get3A_1 masked %ne3A_133 : memref<8x4096xf32, #tpu.memory_space<vmem>>[vector<16xi32>, vector<16xi32>], vector<16xf32>, vector<16xi1>
    tpu.vector_store_idx %arg10[%broadcast_in_dim3A_14, %get3A_128], %get3A_1 masked %ne3A_133 : memref<8x4096xf32, #tpu.memory_space<vmem>>[vector<16xi32>, vector<16xi32>], vector<16xf32>, vector<16xi1>
    tpu.vector_store_idx %arg10[%broadcast_in_dim3A_16, %get3A_128], %get3A_1 masked %ne3A_133 : memref<8x4096xf32, #tpu.memory_space<vmem>>[vector<16xi32>, vector<16xi32>], vector<16xf32>, vector<16xi1>
    tpu.vector_store_idx %arg10[%broadcast_in_dim3A_18, %get3A_128], %get3A_1 masked %ne3A_133 : memref<8x4096xf32, #tpu.memory_space<vmem>>[vector<16xi32>, vector<16xi32>], vector<16xf32>, vector<16xi1>
    %get3A_134 = arith.constant 256 : index
    %get3A_135 = tpu.vector_load %arg7[%get3A_134] {strides = array<i32>} : memref<832xi32, #tpu.memory_space<vmem>>, vector<16xi32>,
    %get3A_136 = arith.constant 256 : index
    %get3A_137 = tpu.vector_load %arg8[%get3A_136] {strides = array<i32>} : memref<832xi32, #tpu.memory_space<vmem>>, vector<16xi32>,
    %ne3A_138 = arith.constant 0 : i32
    %ne3A_139 = vector.broadcast %ne3A_138 : i32 to vector<16xi32>
    %ne3A_140 = arith.cmpi ne, %get3A_137, %ne3A_139 : vector<16xi32>
    tpu.vector_store_idx %arg10[%broadcast_in_dim3A_4, %get3A_135], %get3A_1 masked %ne3A_140 : memref<8x4096xf32, #tpu.memory_space<vmem>>[vector<16xi32>, vector<16xi32>], vector<16xf32>, vector<16xi1>
    tpu.vector_store_idx %arg10[%broadcast_in_dim3A_6, %get3A_135], %get3A_1 masked %ne3A_140 : memref<8x4096xf32, #tpu.memory_space<vmem>>[vector<16xi32>, vector<16xi32>], vector<16xf32>, vector<16xi1>
    tpu.vector_store_idx %arg10[%broadcast_in_dim3A_8, %get3A_135], %get3A_1 masked %ne3A_140 : memref<8x4096xf32, #tpu.memory_space<vmem>>[vector<16xi32>, vector<16xi32>], vector<16xf32>, vector<16xi1>
    tpu.vector_store_idx %arg10[%broadcast_in_dim3A_10, %get3A_135], %get3A_1 masked %ne3A_140 : memref<8x4096xf32, #tpu.memory_space<vmem>>[vector<16xi32>, vector<16xi32>], vector<16xf32>, vector<16xi1>
    tpu.vector_store_idx %arg10[%broadcast_in_dim3A_12, %get3A_135], %get3A_1 masked %ne3A_140 : memref<8x4096xf32, #tpu.memory_space<vmem>>[vector<16xi32>, vector<16xi32>], vector<16xf32>, vector<16xi1>
    tpu.vector_store_idx %arg10[%broadcast_in_dim3A_14, %get3A_135], %get3A_1 masked %ne3A_140 : memref<8x4096xf32, #tpu.memory_space<vmem>>[vector<16xi32>, vector<16xi32>], vector<16xf32>, vector<16xi1>
    tpu.vector_store_idx %arg10[%broadcast_in_dim3A_16, %get3A_135], %get3A_1 masked %ne3A_140 : memref<8x4096xf32, #tpu.memory_space<vmem>>[vector<16xi32>, vector<16xi32>], vector<16xf32>, vector<16xi1>
    tpu.vector_store_idx %arg10[%broadcast_in_dim3A_18, %get3A_135], %get3A_1 masked %ne3A_140 : memref<8x4096xf32, #tpu.memory_space<vmem>>[vector<16xi32>, vector<16xi32>], vector<16xf32>, vector<16xi1>
    %get3A_141 = arith.constant 272 : index
    %get3A_142 = tpu.vector_load %arg7[%get3A_141] {strides = array<i32>} : memref<832xi32, #tpu.memory_space<vmem>>, vector<16xi32>,
    %get3A_143 = arith.constant 272 : index
    %get3A_144 = tpu.vector_load %arg8[%get3A_143] {strides = array<i32>} : memref<832xi32, #tpu.memory_space<vmem>>, vector<16xi32>,
    %ne3A_145 = arith.constant 0 : i32
    %ne3A_146 = vector.broadcast %ne3A_145 : i32 to vector<16xi32>
    %ne3A_147 = arith.cmpi ne, %get3A_144, %ne3A_146 : vector<16xi32>
    tpu.vector_store_idx %arg10[%broadcast_in_dim3A_4, %get3A_142], %get3A_1 masked %ne3A_147 : memref<8x4096xf32, #tpu.memory_space<vmem>>[vector<16xi32>, vector<16xi32>], vector<16xf32>, vector<16xi1>
    tpu.vector_store_idx %arg10[%broadcast_in_dim3A_6, %get3A_142], %get3A_1 masked %ne3A_147 : memref<8x4096xf32, #tpu.memory_space<vmem>>[vector<16xi32>, vector<16xi32>], vector<16xf32>, vector<16xi1>
    tpu.vector_store_idx %arg10[%broadcast_in_dim3A_8, %get3A_142], %get3A_1 masked %ne3A_147 : memref<8x4096xf32, #tpu.memory_space<vmem>>[vector<16xi32>, vector<16xi32>], vector<16xf32>, vector<16xi1>
    tpu.vector_store_idx %arg10[%broadcast_in_dim3A_10, %get3A_142], %get3A_1 masked %ne3A_147 : memref<8x4096xf32, #tpu.memory_space<vmem>>[vector<16xi32>, vector<16xi32>], vector<16xf32>, vector<16xi1>
    tpu.vector_store_idx %arg10[%broadcast_in_dim3A_12, %get3A_142], %get3A_1 masked %ne3A_147 : memref<8x4096xf32, #tpu.memory_space<vmem>>[vector<16xi32>, vector<16xi32>], vector<16xf32>, vector<16xi1>
    tpu.vector_store_idx %arg10[%broadcast_in_dim3A_14, %get3A_142], %get3A_1 masked %ne3A_147 : memref<8x4096xf32, #tpu.memory_space<vmem>>[vector<16xi32>, vector<16xi32>], vector<16xf32>, vector<16xi1>
    tpu.vector_store_idx %arg10[%broadcast_in_dim3A_16, %get3A_142], %get3A_1 masked %ne3A_147 : memref<8x4096xf32, #tpu.memory_space<vmem>>[vector<16xi32>, vector<16xi32>], vector<16xf32>, vector<16xi1>
    tpu.vector_store_idx %arg10[%broadcast_in_dim3A_18, %get3A_142], %get3A_1 masked %ne3A_147 : memref<8x4096xf32, #tpu.memory_space<vmem>>[vector<16xi32>, vector<16xi32>], vector<16xf32>, vector<16xi1>
    %get3A_148 = arith.constant 288 : index
    %get3A_149 = tpu.vector_load %arg7[%get3A_148] {strides = array<i32>} : memref<832xi32, #tpu.memory_space<vmem>>, vector<16xi32>,
    %get3A_150 = arith.constant 288 : index
    %get3A_151 = tpu.vector_load %arg8[%get3A_150] {strides = array<i32>} : memref<832xi32, #tpu.memory_space<vmem>>, vector<16xi32>,
    %ne3A_152 = arith.constant 0 : i32
    %ne3A_153 = vector.broadcast %ne3A_152 : i32 to vector<16xi32>
    %ne3A_154 = arith.cmpi ne, %get3A_151, %ne3A_153 : vector<16xi32>
    tpu.vector_store_idx %arg10[%broadcast_in_dim3A_4, %get3A_149], %get3A_1 masked %ne3A_154 : memref<8x4096xf32, #tpu.memory_space<vmem>>[vector<16xi32>, vector<16xi32>], vector<16xf32>, vector<16xi1>
    tpu.vector_store_idx %arg10[%broadcast_in_dim3A_6, %get3A_149], %get3A_1 masked %ne3A_154 : memref<8x4096xf32, #tpu.memory_space<vmem>>[vector<16xi32>, vector<16xi32>], vector<16xf32>, vector<16xi1>
    tpu.vector_store_idx %arg10[%broadcast_in_dim3A_8, %get3A_149], %get3A_1 masked %ne3A_154 : memref<8x4096xf32, #tpu.memory_space<vmem>>[vector<16xi32>, vector<16xi32>], vector<16xf32>, vector<16xi1>
    tpu.vector_store_idx %arg10[%broadcast_in_dim3A_10, %get3A_149], %get3A_1 masked %ne3A_154 : memref<8x4096xf32, #tpu.memory_space<vmem>>[vector<16xi32>, vector<16xi32>], vector<16xf32>, vector<16xi1>
    tpu.vector_store_idx %arg10[%broadcast_in_dim3A_12, %get3A_149], %get3A_1 masked %ne3A_154 : memref<8x4096xf32, #tpu.memory_space<vmem>>[vector<16xi32>, vector<16xi32>], vector<16xf32>, vector<16xi1>
    tpu.vector_store_idx %arg10[%broadcast_in_dim3A_14, %get3A_149], %get3A_1 masked %ne3A_154 : memref<8x4096xf32, #tpu.memory_space<vmem>>[vector<16xi32>, vector<16xi32>], vector<16xf32>, vector<16xi1>
    tpu.vector_store_idx %arg10[%broadcast_in_dim3A_16, %get3A_149], %get3A_1 masked %ne3A_154 : memref<8x4096xf32, #tpu.memory_space<vmem>>[vector<16xi32>, vector<16xi32>], vector<16xf32>, vector<16xi1>
    tpu.vector_store_idx %arg10[%broadcast_in_dim3A_18, %get3A_149], %get3A_1 masked %ne3A_154 : memref<8x4096xf32, #tpu.memory_space<vmem>>[vector<16xi32>, vector<16xi32>], vector<16xf32>, vector<16xi1>
    %get3A_155 = arith.constant 304 : index
    %get3A_156 = tpu.vector_load %arg7[%get3A_155] {strides = array<i32>} : memref<832xi32, #tpu.memory_space<vmem>>, vector<16xi32>,
    %get3A_157 = arith.constant 304 : index
    %get3A_158 = tpu.vector_load %arg8[%get3A_157] {strides = array<i32>} : memref<832xi32, #tpu.memory_space<vmem>>, vector<16xi32>,
    %ne3A_159 = arith.constant 0 : i32
    %ne3A_160 = vector.broadcast %ne3A_159 : i32 to vector<16xi32>
    %ne3A_161 = arith.cmpi ne, %get3A_158, %ne3A_160 : vector<16xi32>
    tpu.vector_store_idx %arg10[%broadcast_in_dim3A_4, %get3A_156], %get3A_1 masked %ne3A_161 : memref<8x4096xf32, #tpu.memory_space<vmem>>[vector<16xi32>, vector<16xi32>], vector<16xf32>, vector<16xi1>
    tpu.vector_store_idx %arg10[%broadcast_in_dim3A_6, %get3A_156], %get3A_1 masked %ne3A_161 : memref<8x4096xf32, #tpu.memory_space<vmem>>[vector<16xi32>, vector<16xi32>], vector<16xf32>, vector<16xi1>
    tpu.vector_store_idx %arg10[%broadcast_in_dim3A_8, %get3A_156], %get3A_1 masked %ne3A_161 : memref<8x4096xf32, #tpu.memory_space<vmem>>[vector<16xi32>, vector<16xi32>], vector<16xf32>, vector<16xi1>
    tpu.vector_store_idx %arg10[%broadcast_in_dim3A_10, %get3A_156], %get3A_1 masked %ne3A_161 : memref<8x4096xf32, #tpu.memory_space<vmem>>[vector<16xi32>, vector<16xi32>], vector<16xf32>, vector<16xi1>
    tpu.vector_store_idx %arg10[%broadcast_in_dim3A_12, %get3A_156], %get3A_1 masked %ne3A_161 : memref<8x4096xf32, #tpu.memory_space<vmem>>[vector<16xi32>, vector<16xi32>], vector<16xf32>, vector<16xi1>
    tpu.vector_store_idx %arg10[%broadcast_in_dim3A_14, %get3A_156], %get3A_1 masked %ne3A_161 : memref<8x4096xf32, #tpu.memory_space<vmem>>[vector<16xi32>, vector<16xi32>], vector<16xf32>, vector<16xi1>
    tpu.vector_store_idx %arg10[%broadcast_in_dim3A_16, %get3A_156], %get3A_1 masked %ne3A_161 : memref<8x4096xf32, #tpu.memory_space<vmem>>[vector<16xi32>, vector<16xi32>], vector<16xf32>, vector<16xi1>
    tpu.vector_store_idx %arg10[%broadcast_in_dim3A_18, %get3A_156], %get3A_1 masked %ne3A_161 : memref<8x4096xf32, #tpu.memory_space<vmem>>[vector<16xi32>, vector<16xi32>], vector<16xf32>, vector<16xi1>
    %get3A_162 = arith.constant 320 : index
    %get3A_163 = tpu.vector_load %arg7[%get3A_162] {strides = array<i32>} : memref<832xi32, #tpu.memory_space<vmem>>, vector<16xi32>,
    %get3A_164 = arith.constant 320 : index
    %get3A_165 = tpu.vector_load %arg8[%get3A_164] {strides = array<i32>} : memref<832xi32, #tpu.memory_space<vmem>>, vector<16xi32>,
    %ne3A_166 = arith.constant 0 : i32
    %ne3A_167 = vector.broadcast %ne3A_166 : i32 to vector<16xi32>
    %ne3A_168 = arith.cmpi ne, %get3A_165, %ne3A_167 : vector<16xi32>
    tpu.vector_store_idx %arg10[%broadcast_in_dim3A_4, %get3A_163], %get3A_1 masked %ne3A_168 : memref<8x4096xf32, #tpu.memory_space<vmem>>[vector<16xi32>, vector<16xi32>], vector<16xf32>, vector<16xi1>
    tpu.vector_store_idx %arg10[%broadcast_in_dim3A_6, %get3A_163], %get3A_1 masked %ne3A_168 : memref<8x4096xf32, #tpu.memory_space<vmem>>[vector<16xi32>, vector<16xi32>], vector<16xf32>, vector<16xi1>
    tpu.vector_store_idx %arg10[%broadcast_in_dim3A_8, %get3A_163], %get3A_1 masked %ne3A_168 : memref<8x4096xf32, #tpu.memory_space<vmem>>[vector<16xi32>, vector<16xi32>], vector<16xf32>, vector<16xi1>
    tpu.vector_store_idx %arg10[%broadcast_in_dim3A_10, %get3A_163], %get3A_1 masked %ne3A_168 : memref<8x4096xf32, #tpu.memory_space<vmem>>[vector<16xi32>, vector<16xi32>], vector<16xf32>, vector<16xi1>
    tpu.vector_store_idx %arg10[%broadcast_in_dim3A_12, %get3A_163], %get3A_1 masked %ne3A_168 : memref<8x4096xf32, #tpu.memory_space<vmem>>[vector<16xi32>, vector<16xi32>], vector<16xf32>, vector<16xi1>
    tpu.vector_store_idx %arg10[%broadcast_in_dim3A_14, %get3A_163], %get3A_1 masked %ne3A_168 : memref<8x4096xf32, #tpu.memory_space<vmem>>[vector<16xi32>, vector<16xi32>], vector<16xf32>, vector<16xi1>
    tpu.vector_store_idx %arg10[%broadcast_in_dim3A_16, %get3A_163], %get3A_1 masked %ne3A_168 : memref<8x4096xf32, #tpu.memory_space<vmem>>[vector<16xi32>, vector<16xi32>], vector<16xf32>, vector<16xi1>
    tpu.vector_store_idx %arg10[%broadcast_in_dim3A_18, %get3A_163], %get3A_1 masked %ne3A_168 : memref<8x4096xf32, #tpu.memory_space<vmem>>[vector<16xi32>, vector<16xi32>], vector<16xf32>, vector<16xi1>
    %get3A_169 = arith.constant 336 : index
    %get3A_170 = tpu.vector_load %arg7[%get3A_169] {strides = array<i32>} : memref<832xi32, #tpu.memory_space<vmem>>, vector<16xi32>,
    %get3A_171 = arith.constant 336 : index
    %get3A_172 = tpu.vector_load %arg8[%get3A_171] {strides = array<i32>} : memref<832xi32, #tpu.memory_space<vmem>>, vector<16xi32>,
    %ne3A_173 = arith.constant 0 : i32
    %ne3A_174 = vector.broadcast %ne3A_173 : i32 to vector<16xi32>
    %ne3A_175 = arith.cmpi ne, %get3A_172, %ne3A_174 : vector<16xi32>
    tpu.vector_store_idx %arg10[%broadcast_in_dim3A_4, %get3A_170], %get3A_1 masked %ne3A_175 : memref<8x4096xf32, #tpu.memory_space<vmem>>[vector<16xi32>, vector<16xi32>], vector<16xf32>, vector<16xi1>
    tpu.vector_store_idx %arg10[%broadcast_in_dim3A_6, %get3A_170], %get3A_1 masked %ne3A_175 : memref<8x4096xf32, #tpu.memory_space<vmem>>[vector<16xi32>, vector<16xi32>], vector<16xf32>, vector<16xi1>
    tpu.vector_store_idx %arg10[%broadcast_in_dim3A_8, %get3A_170], %get3A_1 masked %ne3A_175 : memref<8x4096xf32, #tpu.memory_space<vmem>>[vector<16xi32>, vector<16xi32>], vector<16xf32>, vector<16xi1>
    tpu.vector_store_idx %arg10[%broadcast_in_dim3A_10, %get3A_170], %get3A_1 masked %ne3A_175 : memref<8x4096xf32, #tpu.memory_space<vmem>>[vector<16xi32>, vector<16xi32>], vector<16xf32>, vector<16xi1>
    tpu.vector_store_idx %arg10[%broadcast_in_dim3A_12, %get3A_170], %get3A_1 masked %ne3A_175 : memref<8x4096xf32, #tpu.memory_space<vmem>>[vector<16xi32>, vector<16xi32>], vector<16xf32>, vector<16xi1>
    tpu.vector_store_idx %arg10[%broadcast_in_dim3A_14, %get3A_170], %get3A_1 masked %ne3A_175 : memref<8x4096xf32, #tpu.memory_space<vmem>>[vector<16xi32>, vector<16xi32>], vector<16xf32>, vector<16xi1>
    tpu.vector_store_idx %arg10[%broadcast_in_dim3A_16, %get3A_170], %get3A_1 masked %ne3A_175 : memref<8x4096xf32, #tpu.memory_space<vmem>>[vector<16xi32>, vector<16xi32>], vector<16xf32>, vector<16xi1>
    tpu.vector_store_idx %arg10[%broadcast_in_dim3A_18, %get3A_170], %get3A_1 masked %ne3A_175 : memref<8x4096xf32, #tpu.memory_space<vmem>>[vector<16xi32>, vector<16xi32>], vector<16xf32>, vector<16xi1>
    %get3A_176 = arith.constant 352 : index
    %get3A_177 = tpu.vector_load %arg7[%get3A_176] {strides = array<i32>} : memref<832xi32, #tpu.memory_space<vmem>>, vector<16xi32>,
    %get3A_178 = arith.constant 352 : index
    %get3A_179 = tpu.vector_load %arg8[%get3A_178] {strides = array<i32>} : memref<832xi32, #tpu.memory_space<vmem>>, vector<16xi32>,
    %ne3A_180 = arith.constant 0 : i32
    %ne3A_181 = vector.broadcast %ne3A_180 : i32 to vector<16xi32>
    %ne3A_182 = arith.cmpi ne, %get3A_179, %ne3A_181 : vector<16xi32>
    tpu.vector_store_idx %arg10[%broadcast_in_dim3A_4, %get3A_177], %get3A_1 masked %ne3A_182 : memref<8x4096xf32, #tpu.memory_space<vmem>>[vector<16xi32>, vector<16xi32>], vector<16xf32>, vector<16xi1>
    tpu.vector_store_idx %arg10[%broadcast_in_dim3A_6, %get3A_177], %get3A_1 masked %ne3A_182 : memref<8x4096xf32, #tpu.memory_space<vmem>>[vector<16xi32>, vector<16xi32>], vector<16xf32>, vector<16xi1>
    tpu.vector_store_idx %arg10[%broadcast_in_dim3A_8, %get3A_177], %get3A_1 masked %ne3A_182 : memref<8x4096xf32, #tpu.memory_space<vmem>>[vector<16xi32>, vector<16xi32>], vector<16xf32>, vector<16xi1>
    tpu.vector_store_idx %arg10[%broadcast_in_dim3A_10, %get3A_177], %get3A_1 masked %ne3A_182 : memref<8x4096xf32, #tpu.memory_space<vmem>>[vector<16xi32>, vector<16xi32>], vector<16xf32>, vector<16xi1>
    tpu.vector_store_idx %arg10[%broadcast_in_dim3A_12, %get3A_177], %get3A_1 masked %ne3A_182 : memref<8x4096xf32, #tpu.memory_space<vmem>>[vector<16xi32>, vector<16xi32>], vector<16xf32>, vector<16xi1>
    tpu.vector_store_idx %arg10[%broadcast_in_dim3A_14, %get3A_177], %get3A_1 masked %ne3A_182 : memref<8x4096xf32, #tpu.memory_space<vmem>>[vector<16xi32>, vector<16xi32>], vector<16xf32>, vector<16xi1>
    tpu.vector_store_idx %arg10[%broadcast_in_dim3A_16, %get3A_177], %get3A_1 masked %ne3A_182 : memref<8x4096xf32, #tpu.memory_space<vmem>>[vector<16xi32>, vector<16xi32>], vector<16xf32>, vector<16xi1>
    tpu.vector_store_idx %arg10[%broadcast_in_dim3A_18, %get3A_177], %get3A_1 masked %ne3A_182 : memref<8x4096xf32, #tpu.memory_space<vmem>>[vector<16xi32>, vector<16xi32>], vector<16xf32>, vector<16xi1>
    %get3A_183 = arith.constant 368 : index
    %get3A_184 = tpu.vector_load %arg7[%get3A_183] {strides = array<i32>} : memref<832xi32, #tpu.memory_space<vmem>>, vector<16xi32>,
    %get3A_185 = arith.constant 368 : index
    %get3A_186 = tpu.vector_load %arg8[%get3A_185] {strides = array<i32>} : memref<832xi32, #tpu.memory_space<vmem>>, vector<16xi32>,
    %ne3A_187 = arith.constant 0 : i32
    %ne3A_188 = vector.broadcast %ne3A_187 : i32 to vector<16xi32>
    %ne3A_189 = arith.cmpi ne, %get3A_186, %ne3A_188 : vector<16xi32>
    tpu.vector_store_idx %arg10[%broadcast_in_dim3A_4, %get3A_184], %get3A_1 masked %ne3A_189 : memref<8x4096xf32, #tpu.memory_space<vmem>>[vector<16xi32>, vector<16xi32>], vector<16xf32>, vector<16xi1>
    tpu.vector_store_idx %arg10[%broadcast_in_dim3A_6, %get3A_184], %get3A_1 masked %ne3A_189 : memref<8x4096xf32, #tpu.memory_space<vmem>>[vector<16xi32>, vector<16xi32>], vector<16xf32>, vector<16xi1>
    tpu.vector_store_idx %arg10[%broadcast_in_dim3A_8, %get3A_184], %get3A_1 masked %ne3A_189 : memref<8x4096xf32, #tpu.memory_space<vmem>>[vector<16xi32>, vector<16xi32>], vector<16xf32>, vector<16xi1>
    tpu.vector_store_idx %arg10[%broadcast_in_dim3A_10, %get3A_184], %get3A_1 masked %ne3A_189 : memref<8x4096xf32, #tpu.memory_space<vmem>>[vector<16xi32>, vector<16xi32>], vector<16xf32>, vector<16xi1>
    tpu.vector_store_idx %arg10[%broadcast_in_dim3A_12, %get3A_184], %get3A_1 masked %ne3A_189 : memref<8x4096xf32, #tpu.memory_space<vmem>>[vector<16xi32>, vector<16xi32>], vector<16xf32>, vector<16xi1>
    tpu.vector_store_idx %arg10[%broadcast_in_dim3A_14, %get3A_184], %get3A_1 masked %ne3A_189 : memref<8x4096xf32, #tpu.memory_space<vmem>>[vector<16xi32>, vector<16xi32>], vector<16xf32>, vector<16xi1>
    tpu.vector_store_idx %arg10[%broadcast_in_dim3A_16, %get3A_184], %get3A_1 masked %ne3A_189 : memref<8x4096xf32, #tpu.memory_space<vmem>>[vector<16xi32>, vector<16xi32>], vector<16xf32>, vector<16xi1>
    tpu.vector_store_idx %arg10[%broadcast_in_dim3A_18, %get3A_184], %get3A_1 masked %ne3A_189 : memref<8x4096xf32, #tpu.memory_space<vmem>>[vector<16xi32>, vector<16xi32>], vector<16xf32>, vector<16xi1>
    %get3A_190 = arith.constant 384 : index
    %get3A_191 = tpu.vector_load %arg7[%get3A_190] {strides = array<i32>} : memref<832xi32, #tpu.memory_space<vmem>>, vector<16xi32>,
    %get3A_192 = arith.constant 384 : index
    %get3A_193 = tpu.vector_load %arg8[%get3A_192] {strides = array<i32>} : memref<832xi32, #tpu.memory_space<vmem>>, vector<16xi32>,
    %ne3A_194 = arith.constant 0 : i32
    %ne3A_195 = vector.broadcast %ne3A_194 : i32 to vector<16xi32>
    %ne3A_196 = arith.cmpi ne, %get3A_193, %ne3A_195 : vector<16xi32>
    tpu.vector_store_idx %arg10[%broadcast_in_dim3A_4, %get3A_191], %get3A_1 masked %ne3A_196 : memref<8x4096xf32, #tpu.memory_space<vmem>>[vector<16xi32>, vector<16xi32>], vector<16xf32>, vector<16xi1>
    tpu.vector_store_idx %arg10[%broadcast_in_dim3A_6, %get3A_191], %get3A_1 masked %ne3A_196 : memref<8x4096xf32, #tpu.memory_space<vmem>>[vector<16xi32>, vector<16xi32>], vector<16xf32>, vector<16xi1>
    tpu.vector_store_idx %arg10[%broadcast_in_dim3A_8, %get3A_191], %get3A_1 masked %ne3A_196 : memref<8x4096xf32, #tpu.memory_space<vmem>>[vector<16xi32>, vector<16xi32>], vector<16xf32>, vector<16xi1>
    tpu.vector_store_idx %arg10[%broadcast_in_dim3A_10, %get3A_191], %get3A_1 masked %ne3A_196 : memref<8x4096xf32, #tpu.memory_space<vmem>>[vector<16xi32>, vector<16xi32>], vector<16xf32>, vector<16xi1>
    tpu.vector_store_idx %arg10[%broadcast_in_dim3A_12, %get3A_191], %get3A_1 masked %ne3A_196 : memref<8x4096xf32, #tpu.memory_space<vmem>>[vector<16xi32>, vector<16xi32>], vector<16xf32>, vector<16xi1>
    tpu.vector_store_idx %arg10[%broadcast_in_dim3A_14, %get3A_191], %get3A_1 masked %ne3A_196 : memref<8x4096xf32, #tpu.memory_space<vmem>>[vector<16xi32>, vector<16xi32>], vector<16xf32>, vector<16xi1>
    tpu.vector_store_idx %arg10[%broadcast_in_dim3A_16, %get3A_191], %get3A_1 masked %ne3A_196 : memref<8x4096xf32, #tpu.memory_space<vmem>>[vector<16xi32>, vector<16xi32>], vector<16xf32>, vector<16xi1>
    tpu.vector_store_idx %arg10[%broadcast_in_dim3A_18, %get3A_191], %get3A_1 masked %ne3A_196 : memref<8x4096xf32, #tpu.memory_space<vmem>>[vector<16xi32>, vector<16xi32>], vector<16xf32>, vector<16xi1>
    %get3A_197 = arith.constant 400 : index
    %get3A_198 = tpu.vector_load %arg7[%get3A_197] {strides = array<i32>} : memref<832xi32, #tpu.memory_space<vmem>>, vector<16xi32>,
    %get3A_199 = arith.constant 400 : index
    %get3A_200 = tpu.vector_load %arg8[%get3A_199] {strides = array<i32>} : memref<832xi32, #tpu.memory_space<vmem>>, vector<16xi32>,
    %ne3A_201 = arith.constant 0 : i32
    %ne3A_202 = vector.broadcast %ne3A_201 : i32 to vector<16xi32>
    %ne3A_203 = arith.cmpi ne, %get3A_200, %ne3A_202 : vector<16xi32>
    tpu.vector_store_idx %arg10[%broadcast_in_dim3A_4, %get3A_198], %get3A_1 masked %ne3A_203 : memref<8x4096xf32, #tpu.memory_space<vmem>>[vector<16xi32>, vector<16xi32>], vector<16xf32>, vector<16xi1>
    tpu.vector_store_idx %arg10[%broadcast_in_dim3A_6, %get3A_198], %get3A_1 masked %ne3A_203 : memref<8x4096xf32, #tpu.memory_space<vmem>>[vector<16xi32>, vector<16xi32>], vector<16xf32>, vector<16xi1>
    tpu.vector_store_idx %arg10[%broadcast_in_dim3A_8, %get3A_198], %get3A_1 masked %ne3A_203 : memref<8x4096xf32, #tpu.memory_space<vmem>>[vector<16xi32>, vector<16xi32>], vector<16xf32>, vector<16xi1>
    tpu.vector_store_idx %arg10[%broadcast_in_dim3A_10, %get3A_198], %get3A_1 masked %ne3A_203 : memref<8x4096xf32, #tpu.memory_space<vmem>>[vector<16xi32>, vector<16xi32>], vector<16xf32>, vector<16xi1>
    tpu.vector_store_idx %arg10[%broadcast_in_dim3A_12, %get3A_198], %get3A_1 masked %ne3A_203 : memref<8x4096xf32, #tpu.memory_space<vmem>>[vector<16xi32>, vector<16xi32>], vector<16xf32>, vector<16xi1>
    tpu.vector_store_idx %arg10[%broadcast_in_dim3A_14, %get3A_198], %get3A_1 masked %ne3A_203 : memref<8x4096xf32, #tpu.memory_space<vmem>>[vector<16xi32>, vector<16xi32>], vector<16xf32>, vector<16xi1>
    tpu.vector_store_idx %arg10[%broadcast_in_dim3A_16, %get3A_198], %get3A_1 masked %ne3A_203 : memref<8x4096xf32, #tpu.memory_space<vmem>>[vector<16xi32>, vector<16xi32>], vector<16xf32>, vector<16xi1>
    tpu.vector_store_idx %arg10[%broadcast_in_dim3A_18, %get3A_198], %get3A_1 masked %ne3A_203 : memref<8x4096xf32, #tpu.memory_space<vmem>>[vector<16xi32>, vector<16xi32>], vector<16xf32>, vector<16xi1>
    %get3A_204 = arith.constant 416 : index
    %get3A_205 = tpu.vector_load %arg7[%get3A_204] {strides = array<i32>} : memref<832xi32, #tpu.memory_space<vmem>>, vector<16xi32>,
    %get3A_206 = arith.constant 416 : index
    %get3A_207 = tpu.vector_load %arg8[%get3A_206] {strides = array<i32>} : memref<832xi32, #tpu.memory_space<vmem>>, vector<16xi32>,
    %ne3A_208 = arith.constant 0 : i32
    %ne3A_209 = vector.broadcast %ne3A_208 : i32 to vector<16xi32>
    %ne3A_210 = arith.cmpi ne, %get3A_207, %ne3A_209 : vector<16xi32>
    tpu.vector_store_idx %arg10[%broadcast_in_dim3A_4, %get3A_205], %get3A_1 masked %ne3A_210 : memref<8x4096xf32, #tpu.memory_space<vmem>>[vector<16xi32>, vector<16xi32>], vector<16xf32>, vector<16xi1>
    tpu.vector_store_idx %arg10[%broadcast_in_dim3A_6, %get3A_205], %get3A_1 masked %ne3A_210 : memref<8x4096xf32, #tpu.memory_space<vmem>>[vector<16xi32>, vector<16xi32>], vector<16xf32>, vector<16xi1>
    tpu.vector_store_idx %arg10[%broadcast_in_dim3A_8, %get3A_205], %get3A_1 masked %ne3A_210 : memref<8x4096xf32, #tpu.memory_space<vmem>>[vector<16xi32>, vector<16xi32>], vector<16xf32>, vector<16xi1>
    tpu.vector_store_idx %arg10[%broadcast_in_dim3A_10, %get3A_205], %get3A_1 masked %ne3A_210 : memref<8x4096xf32, #tpu.memory_space<vmem>>[vector<16xi32>, vector<16xi32>], vector<16xf32>, vector<16xi1>
    tpu.vector_store_idx %arg10[%broadcast_in_dim3A_12, %get3A_205], %get3A_1 masked %ne3A_210 : memref<8x4096xf32, #tpu.memory_space<vmem>>[vector<16xi32>, vector<16xi32>], vector<16xf32>, vector<16xi1>
    tpu.vector_store_idx %arg10[%broadcast_in_dim3A_14, %get3A_205], %get3A_1 masked %ne3A_210 : memref<8x4096xf32, #tpu.memory_space<vmem>>[vector<16xi32>, vector<16xi32>], vector<16xf32>, vector<16xi1>
    tpu.vector_store_idx %arg10[%broadcast_in_dim3A_16, %get3A_205], %get3A_1 masked %ne3A_210 : memref<8x4096xf32, #tpu.memory_space<vmem>>[vector<16xi32>, vector<16xi32>], vector<16xf32>, vector<16xi1>
    tpu.vector_store_idx %arg10[%broadcast_in_dim3A_18, %get3A_205], %get3A_1 masked %ne3A_210 : memref<8x4096xf32, #tpu.memory_space<vmem>>[vector<16xi32>, vector<16xi32>], vector<16xf32>, vector<16xi1>
    %get3A_211 = arith.constant 432 : index
    %get3A_212 = tpu.vector_load %arg7[%get3A_211] {strides = array<i32>} : memref<832xi32, #tpu.memory_space<vmem>>, vector<16xi32>,
    %get3A_213 = arith.constant 432 : index
    %get3A_214 = tpu.vector_load %arg8[%get3A_213] {strides = array<i32>} : memref<832xi32, #tpu.memory_space<vmem>>, vector<16xi32>,
    %ne3A_215 = arith.constant 0 : i32
    %ne3A_216 = vector.broadcast %ne3A_215 : i32 to vector<16xi32>
    %ne3A_217 = arith.cmpi ne, %get3A_214, %ne3A_216 : vector<16xi32>
    tpu.vector_store_idx %arg10[%broadcast_in_dim3A_4, %get3A_212], %get3A_1 masked %ne3A_217 : memref<8x4096xf32, #tpu.memory_space<vmem>>[vector<16xi32>, vector<16xi32>], vector<16xf32>, vector<16xi1>
    tpu.vector_store_idx %arg10[%broadcast_in_dim3A_6, %get3A_212], %get3A_1 masked %ne3A_217 : memref<8x4096xf32, #tpu.memory_space<vmem>>[vector<16xi32>, vector<16xi32>], vector<16xf32>, vector<16xi1>
    tpu.vector_store_idx %arg10[%broadcast_in_dim3A_8, %get3A_212], %get3A_1 masked %ne3A_217 : memref<8x4096xf32, #tpu.memory_space<vmem>>[vector<16xi32>, vector<16xi32>], vector<16xf32>, vector<16xi1>
    tpu.vector_store_idx %arg10[%broadcast_in_dim3A_10, %get3A_212], %get3A_1 masked %ne3A_217 : memref<8x4096xf32, #tpu.memory_space<vmem>>[vector<16xi32>, vector<16xi32>], vector<16xf32>, vector<16xi1>
    tpu.vector_store_idx %arg10[%broadcast_in_dim3A_12, %get3A_212], %get3A_1 masked %ne3A_217 : memref<8x4096xf32, #tpu.memory_space<vmem>>[vector<16xi32>, vector<16xi32>], vector<16xf32>, vector<16xi1>
    tpu.vector_store_idx %arg10[%broadcast_in_dim3A_14, %get3A_212], %get3A_1 masked %ne3A_217 : memref<8x4096xf32, #tpu.memory_space<vmem>>[vector<16xi32>, vector<16xi32>], vector<16xf32>, vector<16xi1>
    tpu.vector_store_idx %arg10[%broadcast_in_dim3A_16, %get3A_212], %get3A_1 masked %ne3A_217 : memref<8x4096xf32, #tpu.memory_space<vmem>>[vector<16xi32>, vector<16xi32>], vector<16xf32>, vector<16xi1>
    tpu.vector_store_idx %arg10[%broadcast_in_dim3A_18, %get3A_212], %get3A_1 masked %ne3A_217 : memref<8x4096xf32, #tpu.memory_space<vmem>>[vector<16xi32>, vector<16xi32>], vector<16xf32>, vector<16xi1>
    %get3A_218 = arith.constant 448 : index
    %get3A_219 = tpu.vector_load %arg7[%get3A_218] {strides = array<i32>} : memref<832xi32, #tpu.memory_space<vmem>>, vector<16xi32>,
    %get3A_220 = arith.constant 448 : index
    %get3A_221 = tpu.vector_load %arg8[%get3A_220] {strides = array<i32>} : memref<832xi32, #tpu.memory_space<vmem>>, vector<16xi32>,
    %ne3A_222 = arith.constant 0 : i32
    %ne3A_223 = vector.broadcast %ne3A_222 : i32 to vector<16xi32>
    %ne3A_224 = arith.cmpi ne, %get3A_221, %ne3A_223 : vector<16xi32>
    tpu.vector_store_idx %arg10[%broadcast_in_dim3A_4, %get3A_219], %get3A_1 masked %ne3A_224 : memref<8x4096xf32, #tpu.memory_space<vmem>>[vector<16xi32>, vector<16xi32>], vector<16xf32>, vector<16xi1>
    tpu.vector_store_idx %arg10[%broadcast_in_dim3A_6, %get3A_219], %get3A_1 masked %ne3A_224 : memref<8x4096xf32, #tpu.memory_space<vmem>>[vector<16xi32>, vector<16xi32>], vector<16xf32>, vector<16xi1>
    tpu.vector_store_idx %arg10[%broadcast_in_dim3A_8, %get3A_219], %get3A_1 masked %ne3A_224 : memref<8x4096xf32, #tpu.memory_space<vmem>>[vector<16xi32>, vector<16xi32>], vector<16xf32>, vector<16xi1>
    tpu.vector_store_idx %arg10[%broadcast_in_dim3A_10, %get3A_219], %get3A_1 masked %ne3A_224 : memref<8x4096xf32, #tpu.memory_space<vmem>>[vector<16xi32>, vector<16xi32>], vector<16xf32>, vector<16xi1>
    tpu.vector_store_idx %arg10[%broadcast_in_dim3A_12, %get3A_219], %get3A_1 masked %ne3A_224 : memref<8x4096xf32, #tpu.memory_space<vmem>>[vector<16xi32>, vector<16xi32>], vector<16xf32>, vector<16xi1>
    tpu.vector_store_idx %arg10[%broadcast_in_dim3A_14, %get3A_219], %get3A_1 masked %ne3A_224 : memref<8x4096xf32, #tpu.memory_space<vmem>>[vector<16xi32>, vector<16xi32>], vector<16xf32>, vector<16xi1>
    tpu.vector_store_idx %arg10[%broadcast_in_dim3A_16, %get3A_219], %get3A_1 masked %ne3A_224 : memref<8x4096xf32, #tpu.memory_space<vmem>>[vector<16xi32>, vector<16xi32>], vector<16xf32>, vector<16xi1>
    tpu.vector_store_idx %arg10[%broadcast_in_dim3A_18, %get3A_219], %get3A_1 masked %ne3A_224 : memref<8x4096xf32, #tpu.memory_space<vmem>>[vector<16xi32>, vector<16xi32>], vector<16xf32>, vector<16xi1>
    %get3A_225 = arith.constant 464 : index
    %get3A_226 = tpu.vector_load %arg7[%get3A_225] {strides = array<i32>} : memref<832xi32, #tpu.memory_space<vmem>>, vector<16xi32>,
    %get3A_227 = arith.constant 464 : index
    %get3A_228 = tpu.vector_load %arg8[%get3A_227] {strides = array<i32>} : memref<832xi32, #tpu.memory_space<vmem>>, vector<16xi32>,
    %ne3A_229 = arith.constant 0 : i32
    %ne3A_230 = vector.broadcast %ne3A_229 : i32 to vector<16xi32>
    %ne3A_231 = arith.cmpi ne, %get3A_228, %ne3A_230 : vector<16xi32>
    tpu.vector_store_idx %arg10[%broadcast_in_dim3A_4, %get3A_226], %get3A_1 masked %ne3A_231 : memref<8x4096xf32, #tpu.memory_space<vmem>>[vector<16xi32>, vector<16xi32>], vector<16xf32>, vector<16xi1>
    tpu.vector_store_idx %arg10[%broadcast_in_dim3A_6, %get3A_226], %get3A_1 masked %ne3A_231 : memref<8x4096xf32, #tpu.memory_space<vmem>>[vector<16xi32>, vector<16xi32>], vector<16xf32>, vector<16xi1>
    tpu.vector_store_idx %arg10[%broadcast_in_dim3A_8, %get3A_226], %get3A_1 masked %ne3A_231 : memref<8x4096xf32, #tpu.memory_space<vmem>>[vector<16xi32>, vector<16xi32>], vector<16xf32>, vector<16xi1>
    tpu.vector_store_idx %arg10[%broadcast_in_dim3A_10, %get3A_226], %get3A_1 masked %ne3A_231 : memref<8x4096xf32, #tpu.memory_space<vmem>>[vector<16xi32>, vector<16xi32>], vector<16xf32>, vector<16xi1>
    tpu.vector_store_idx %arg10[%broadcast_in_dim3A_12, %get3A_226], %get3A_1 masked %ne3A_231 : memref<8x4096xf32, #tpu.memory_space<vmem>>[vector<16xi32>, vector<16xi32>], vector<16xf32>, vector<16xi1>
    tpu.vector_store_idx %arg10[%broadcast_in_dim3A_14, %get3A_226], %get3A_1 masked %ne3A_231 : memref<8x4096xf32, #tpu.memory_space<vmem>>[vector<16xi32>, vector<16xi32>], vector<16xf32>, vector<16xi1>
    tpu.vector_store_idx %arg10[%broadcast_in_dim3A_16, %get3A_226], %get3A_1 masked %ne3A_231 : memref<8x4096xf32, #tpu.memory_space<vmem>>[vector<16xi32>, vector<16xi32>], vector<16xf32>, vector<16xi1>
    tpu.vector_store_idx %arg10[%broadcast_in_dim3A_18, %get3A_226], %get3A_1 masked %ne3A_231 : memref<8x4096xf32, #tpu.memory_space<vmem>>[vector<16xi32>, vector<16xi32>], vector<16xf32>, vector<16xi1>
    %get3A_232 = arith.constant 480 : index
    %get3A_233 = tpu.vector_load %arg7[%get3A_232] {strides = array<i32>} : memref<832xi32, #tpu.memory_space<vmem>>, vector<16xi32>,
    %get3A_234 = arith.constant 480 : index
    %get3A_235 = tpu.vector_load %arg8[%get3A_234] {strides = array<i32>} : memref<832xi32, #tpu.memory_space<vmem>>, vector<16xi32>,
    %ne3A_236 = arith.constant 0 : i32
    %ne3A_237 = vector.broadcast %ne3A_236 : i32 to vector<16xi32>
    %ne3A_238 = arith.cmpi ne, %get3A_235, %ne3A_237 : vector<16xi32>
    tpu.vector_store_idx %arg10[%broadcast_in_dim3A_4, %get3A_233], %get3A_1 masked %ne3A_238 : memref<8x4096xf32, #tpu.memory_space<vmem>>[vector<16xi32>, vector<16xi32>], vector<16xf32>, vector<16xi1>
    tpu.vector_store_idx %arg10[%broadcast_in_dim3A_6, %get3A_233], %get3A_1 masked %ne3A_238 : memref<8x4096xf32, #tpu.memory_space<vmem>>[vector<16xi32>, vector<16xi32>], vector<16xf32>, vector<16xi1>
    tpu.vector_store_idx %arg10[%broadcast_in_dim3A_8, %get3A_233], %get3A_1 masked %ne3A_238 : memref<8x4096xf32, #tpu.memory_space<vmem>>[vector<16xi32>, vector<16xi32>], vector<16xf32>, vector<16xi1>
    tpu.vector_store_idx %arg10[%broadcast_in_dim3A_10, %get3A_233], %get3A_1 masked %ne3A_238 : memref<8x4096xf32, #tpu.memory_space<vmem>>[vector<16xi32>, vector<16xi32>], vector<16xf32>, vector<16xi1>
    tpu.vector_store_idx %arg10[%broadcast_in_dim3A_12, %get3A_233], %get3A_1 masked %ne3A_238 : memref<8x4096xf32, #tpu.memory_space<vmem>>[vector<16xi32>, vector<16xi32>], vector<16xf32>, vector<16xi1>
    tpu.vector_store_idx %arg10[%broadcast_in_dim3A_14, %get3A_233], %get3A_1 masked %ne3A_238 : memref<8x4096xf32, #tpu.memory_space<vmem>>[vector<16xi32>, vector<16xi32>], vector<16xf32>, vector<16xi1>
    tpu.vector_store_idx %arg10[%broadcast_in_dim3A_16, %get3A_233], %get3A_1 masked %ne3A_238 : memref<8x4096xf32, #tpu.memory_space<vmem>>[vector<16xi32>, vector<16xi32>], vector<16xf32>, vector<16xi1>
    tpu.vector_store_idx %arg10[%broadcast_in_dim3A_18, %get3A_233], %get3A_1 masked %ne3A_238 : memref<8x4096xf32, #tpu.memory_space<vmem>>[vector<16xi32>, vector<16xi32>], vector<16xf32>, vector<16xi1>
    %get3A_239 = arith.constant 496 : index
    %get3A_240 = tpu.vector_load %arg7[%get3A_239] {strides = array<i32>} : memref<832xi32, #tpu.memory_space<vmem>>, vector<16xi32>,
    %get3A_241 = arith.constant 496 : index
    %get3A_242 = tpu.vector_load %arg8[%get3A_241] {strides = array<i32>} : memref<832xi32, #tpu.memory_space<vmem>>, vector<16xi32>,
    %ne3A_243 = arith.constant 0 : i32
    %ne3A_244 = vector.broadcast %ne3A_243 : i32 to vector<16xi32>
    %ne3A_245 = arith.cmpi ne, %get3A_242, %ne3A_244 : vector<16xi32>
    tpu.vector_store_idx %arg10[%broadcast_in_dim3A_4, %get3A_240], %get3A_1 masked %ne3A_245 : memref<8x4096xf32, #tpu.memory_space<vmem>>[vector<16xi32>, vector<16xi32>], vector<16xf32>, vector<16xi1>
    tpu.vector_store_idx %arg10[%broadcast_in_dim3A_6, %get3A_240], %get3A_1 masked %ne3A_245 : memref<8x4096xf32, #tpu.memory_space<vmem>>[vector<16xi32>, vector<16xi32>], vector<16xf32>, vector<16xi1>
    tpu.vector_store_idx %arg10[%broadcast_in_dim3A_8, %get3A_240], %get3A_1 masked %ne3A_245 : memref<8x4096xf32, #tpu.memory_space<vmem>>[vector<16xi32>, vector<16xi32>], vector<16xf32>, vector<16xi1>
    tpu.vector_store_idx %arg10[%broadcast_in_dim3A_10, %get3A_240], %get3A_1 masked %ne3A_245 : memref<8x4096xf32, #tpu.memory_space<vmem>>[vector<16xi32>, vector<16xi32>], vector<16xf32>, vector<16xi1>
    tpu.vector_store_idx %arg10[%broadcast_in_dim3A_12, %get3A_240], %get3A_1 masked %ne3A_245 : memref<8x4096xf32, #tpu.memory_space<vmem>>[vector<16xi32>, vector<16xi32>], vector<16xf32>, vector<16xi1>
    tpu.vector_store_idx %arg10[%broadcast_in_dim3A_14, %get3A_240], %get3A_1 masked %ne3A_245 : memref<8x4096xf32, #tpu.memory_space<vmem>>[vector<16xi32>, vector<16xi32>], vector<16xf32>, vector<16xi1>
    tpu.vector_store_idx %arg10[%broadcast_in_dim3A_16, %get3A_240], %get3A_1 masked %ne3A_245 : memref<8x4096xf32, #tpu.memory_space<vmem>>[vector<16xi32>, vector<16xi32>], vector<16xf32>, vector<16xi1>
    tpu.vector_store_idx %arg10[%broadcast_in_dim3A_18, %get3A_240], %get3A_1 masked %ne3A_245 : memref<8x4096xf32, #tpu.memory_space<vmem>>[vector<16xi32>, vector<16xi32>], vector<16xf32>, vector<16xi1>
    %get3A_246 = arith.constant 512 : index
    %get3A_247 = tpu.vector_load %arg7[%get3A_246] {strides = array<i32>} : memref<832xi32, #tpu.memory_space<vmem>>, vector<16xi32>,
    %get3A_248 = arith.constant 512 : index
    %get3A_249 = tpu.vector_load %arg8[%get3A_248] {strides = array<i32>} : memref<832xi32, #tpu.memory_space<vmem>>, vector<16xi32>,
    %ne3A_250 = arith.constant 0 : i32
    %ne3A_251 = vector.broadcast %ne3A_250 : i32 to vector<16xi32>
    %ne3A_252 = arith.cmpi ne, %get3A_249, %ne3A_251 : vector<16xi32>
    tpu.vector_store_idx %arg10[%broadcast_in_dim3A_4, %get3A_247], %get3A_1 masked %ne3A_252 : memref<8x4096xf32, #tpu.memory_space<vmem>>[vector<16xi32>, vector<16xi32>], vector<16xf32>, vector<16xi1>
    tpu.vector_store_idx %arg10[%broadcast_in_dim3A_6, %get3A_247], %get3A_1 masked %ne3A_252 : memref<8x4096xf32, #tpu.memory_space<vmem>>[vector<16xi32>, vector<16xi32>], vector<16xf32>, vector<16xi1>
    tpu.vector_store_idx %arg10[%broadcast_in_dim3A_8, %get3A_247], %get3A_1 masked %ne3A_252 : memref<8x4096xf32, #tpu.memory_space<vmem>>[vector<16xi32>, vector<16xi32>], vector<16xf32>, vector<16xi1>
    tpu.vector_store_idx %arg10[%broadcast_in_dim3A_10, %get3A_247], %get3A_1 masked %ne3A_252 : memref<8x4096xf32, #tpu.memory_space<vmem>>[vector<16xi32>, vector<16xi32>], vector<16xf32>, vector<16xi1>
    tpu.vector_store_idx %arg10[%broadcast_in_dim3A_12, %get3A_247], %get3A_1 masked %ne3A_252 : memref<8x4096xf32, #tpu.memory_space<vmem>>[vector<16xi32>, vector<16xi32>], vector<16xf32>, vector<16xi1>
    tpu.vector_store_idx %arg10[%broadcast_in_dim3A_14, %get3A_247], %get3A_1 masked %ne3A_252 : memref<8x4096xf32, #tpu.memory_space<vmem>>[vector<16xi32>, vector<16xi32>], vector<16xf32>, vector<16xi1>
    tpu.vector_store_idx %arg10[%broadcast_in_dim3A_16, %get3A_247], %get3A_1 masked %ne3A_252 : memref<8x4096xf32, #tpu.memory_space<vmem>>[vector<16xi32>, vector<16xi32>], vector<16xf32>, vector<16xi1>
    tpu.vector_store_idx %arg10[%broadcast_in_dim3A_18, %get3A_247], %get3A_1 masked %ne3A_252 : memref<8x4096xf32, #tpu.memory_space<vmem>>[vector<16xi32>, vector<16xi32>], vector<16xf32>, vector<16xi1>
    %get3A_253 = arith.constant 528 : index
    %get3A_254 = tpu.vector_load %arg7[%get3A_253] {strides = array<i32>} : memref<832xi32, #tpu.memory_space<vmem>>, vector<16xi32>,
    %get3A_255 = arith.constant 528 : index
    %get3A_256 = tpu.vector_load %arg8[%get3A_255] {strides = array<i32>} : memref<832xi32, #tpu.memory_space<vmem>>, vector<16xi32>,
    %ne3A_257 = arith.constant 0 : i32
    %ne3A_258 = vector.broadcast %ne3A_257 : i32 to vector<16xi32>
    %ne3A_259 = arith.cmpi ne, %get3A_256, %ne3A_258 : vector<16xi32>
    tpu.vector_store_idx %arg10[%broadcast_in_dim3A_4, %get3A_254], %get3A_1 masked %ne3A_259 : memref<8x4096xf32, #tpu.memory_space<vmem>>[vector<16xi32>, vector<16xi32>], vector<16xf32>, vector<16xi1>
    tpu.vector_store_idx %arg10[%broadcast_in_dim3A_6, %get3A_254], %get3A_1 masked %ne3A_259 : memref<8x4096xf32, #tpu.memory_space<vmem>>[vector<16xi32>, vector<16xi32>], vector<16xf32>, vector<16xi1>
    tpu.vector_store_idx %arg10[%broadcast_in_dim3A_8, %get3A_254], %get3A_1 masked %ne3A_259 : memref<8x4096xf32, #tpu.memory_space<vmem>>[vector<16xi32>, vector<16xi32>], vector<16xf32>, vector<16xi1>
    tpu.vector_store_idx %arg10[%broadcast_in_dim3A_10, %get3A_254], %get3A_1 masked %ne3A_259 : memref<8x4096xf32, #tpu.memory_space<vmem>>[vector<16xi32>, vector<16xi32>], vector<16xf32>, vector<16xi1>
    tpu.vector_store_idx %arg10[%broadcast_in_dim3A_12, %get3A_254], %get3A_1 masked %ne3A_259 : memref<8x4096xf32, #tpu.memory_space<vmem>>[vector<16xi32>, vector<16xi32>], vector<16xf32>, vector<16xi1>
    tpu.vector_store_idx %arg10[%broadcast_in_dim3A_14, %get3A_254], %get3A_1 masked %ne3A_259 : memref<8x4096xf32, #tpu.memory_space<vmem>>[vector<16xi32>, vector<16xi32>], vector<16xf32>, vector<16xi1>
    tpu.vector_store_idx %arg10[%broadcast_in_dim3A_16, %get3A_254], %get3A_1 masked %ne3A_259 : memref<8x4096xf32, #tpu.memory_space<vmem>>[vector<16xi32>, vector<16xi32>], vector<16xf32>, vector<16xi1>
    tpu.vector_store_idx %arg10[%broadcast_in_dim3A_18, %get3A_254], %get3A_1 masked %ne3A_259 : memref<8x4096xf32, #tpu.memory_space<vmem>>[vector<16xi32>, vector<16xi32>], vector<16xf32>, vector<16xi1>
    %get3A_260 = arith.constant 544 : index
    %get3A_261 = tpu.vector_load %arg7[%get3A_260] {strides = array<i32>} : memref<832xi32, #tpu.memory_space<vmem>>, vector<16xi32>,
    %get3A_262 = arith.constant 544 : index
    %get3A_263 = tpu.vector_load %arg8[%get3A_262] {strides = array<i32>} : memref<832xi32, #tpu.memory_space<vmem>>, vector<16xi32>,
    %ne3A_264 = arith.constant 0 : i32
    %ne3A_265 = vector.broadcast %ne3A_264 : i32 to vector<16xi32>
    %ne3A_266 = arith.cmpi ne, %get3A_263, %ne3A_265 : vector<16xi32>
    tpu.vector_store_idx %arg10[%broadcast_in_dim3A_4, %get3A_261], %get3A_1 masked %ne3A_266 : memref<8x4096xf32, #tpu.memory_space<vmem>>[vector<16xi32>, vector<16xi32>], vector<16xf32>, vector<16xi1>
    tpu.vector_store_idx %arg10[%broadcast_in_dim3A_6, %get3A_261], %get3A_1 masked %ne3A_266 : memref<8x4096xf32, #tpu.memory_space<vmem>>[vector<16xi32>, vector<16xi32>], vector<16xf32>, vector<16xi1>
    tpu.vector_store_idx %arg10[%broadcast_in_dim3A_8, %get3A_261], %get3A_1 masked %ne3A_266 : memref<8x4096xf32, #tpu.memory_space<vmem>>[vector<16xi32>, vector<16xi32>], vector<16xf32>, vector<16xi1>
    tpu.vector_store_idx %arg10[%broadcast_in_dim3A_10, %get3A_261], %get3A_1 masked %ne3A_266 : memref<8x4096xf32, #tpu.memory_space<vmem>>[vector<16xi32>, vector<16xi32>], vector<16xf32>, vector<16xi1>
    tpu.vector_store_idx %arg10[%broadcast_in_dim3A_12, %get3A_261], %get3A_1 masked %ne3A_266 : memref<8x4096xf32, #tpu.memory_space<vmem>>[vector<16xi32>, vector<16xi32>], vector<16xf32>, vector<16xi1>
    tpu.vector_store_idx %arg10[%broadcast_in_dim3A_14, %get3A_261], %get3A_1 masked %ne3A_266 : memref<8x4096xf32, #tpu.memory_space<vmem>>[vector<16xi32>, vector<16xi32>], vector<16xf32>, vector<16xi1>
    tpu.vector_store_idx %arg10[%broadcast_in_dim3A_16, %get3A_261], %get3A_1 masked %ne3A_266 : memref<8x4096xf32, #tpu.memory_space<vmem>>[vector<16xi32>, vector<16xi32>], vector<16xf32>, vector<16xi1>
    tpu.vector_store_idx %arg10[%broadcast_in_dim3A_18, %get3A_261], %get3A_1 masked %ne3A_266 : memref<8x4096xf32, #tpu.memory_space<vmem>>[vector<16xi32>, vector<16xi32>], vector<16xf32>, vector<16xi1>
    %get3A_267 = arith.constant 560 : index
    %get3A_268 = tpu.vector_load %arg7[%get3A_267] {strides = array<i32>} : memref<832xi32, #tpu.memory_space<vmem>>, vector<16xi32>,
    %get3A_269 = arith.constant 560 : index
    %get3A_270 = tpu.vector_load %arg8[%get3A_269] {strides = array<i32>} : memref<832xi32, #tpu.memory_space<vmem>>, vector<16xi32>,
    %ne3A_271 = arith.constant 0 : i32
    %ne3A_272 = vector.broadcast %ne3A_271 : i32 to vector<16xi32>
    %ne3A_273 = arith.cmpi ne, %get3A_270, %ne3A_272 : vector<16xi32>
    tpu.vector_store_idx %arg10[%broadcast_in_dim3A_4, %get3A_268], %get3A_1 masked %ne3A_273 : memref<8x4096xf32, #tpu.memory_space<vmem>>[vector<16xi32>, vector<16xi32>], vector<16xf32>, vector<16xi1>
    tpu.vector_store_idx %arg10[%broadcast_in_dim3A_6, %get3A_268], %get3A_1 masked %ne3A_273 : memref<8x4096xf32, #tpu.memory_space<vmem>>[vector<16xi32>, vector<16xi32>], vector<16xf32>, vector<16xi1>
    tpu.vector_store_idx %arg10[%broadcast_in_dim3A_8, %get3A_268], %get3A_1 masked %ne3A_273 : memref<8x4096xf32, #tpu.memory_space<vmem>>[vector<16xi32>, vector<16xi32>], vector<16xf32>, vector<16xi1>
    tpu.vector_store_idx %arg10[%broadcast_in_dim3A_10, %get3A_268], %get3A_1 masked %ne3A_273 : memref<8x4096xf32, #tpu.memory_space<vmem>>[vector<16xi32>, vector<16xi32>], vector<16xf32>, vector<16xi1>
    tpu.vector_store_idx %arg10[%broadcast_in_dim3A_12, %get3A_268], %get3A_1 masked %ne3A_273 : memref<8x4096xf32, #tpu.memory_space<vmem>>[vector<16xi32>, vector<16xi32>], vector<16xf32>, vector<16xi1>
    tpu.vector_store_idx %arg10[%broadcast_in_dim3A_14, %get3A_268], %get3A_1 masked %ne3A_273 : memref<8x4096xf32, #tpu.memory_space<vmem>>[vector<16xi32>, vector<16xi32>], vector<16xf32>, vector<16xi1>
    tpu.vector_store_idx %arg10[%broadcast_in_dim3A_16, %get3A_268], %get3A_1 masked %ne3A_273 : memref<8x4096xf32, #tpu.memory_space<vmem>>[vector<16xi32>, vector<16xi32>], vector<16xf32>, vector<16xi1>
    tpu.vector_store_idx %arg10[%broadcast_in_dim3A_18, %get3A_268], %get3A_1 masked %ne3A_273 : memref<8x4096xf32, #tpu.memory_space<vmem>>[vector<16xi32>, vector<16xi32>], vector<16xf32>, vector<16xi1>
    %get3A_274 = arith.constant 576 : index
    %get3A_275 = tpu.vector_load %arg7[%get3A_274] {strides = array<i32>} : memref<832xi32, #tpu.memory_space<vmem>>, vector<16xi32>,
    %get3A_276 = arith.constant 576 : index
    %get3A_277 = tpu.vector_load %arg8[%get3A_276] {strides = array<i32>} : memref<832xi32, #tpu.memory_space<vmem>>, vector<16xi32>,
    %ne3A_278 = arith.constant 0 : i32
    %ne3A_279 = vector.broadcast %ne3A_278 : i32 to vector<16xi32>
    %ne3A_280 = arith.cmpi ne, %get3A_277, %ne3A_279 : vector<16xi32>
    tpu.vector_store_idx %arg10[%broadcast_in_dim3A_4, %get3A_275], %get3A_1 masked %ne3A_280 : memref<8x4096xf32, #tpu.memory_space<vmem>>[vector<16xi32>, vector<16xi32>], vector<16xf32>, vector<16xi1>
    tpu.vector_store_idx %arg10[%broadcast_in_dim3A_6, %get3A_275], %get3A_1 masked %ne3A_280 : memref<8x4096xf32, #tpu.memory_space<vmem>>[vector<16xi32>, vector<16xi32>], vector<16xf32>, vector<16xi1>
    tpu.vector_store_idx %arg10[%broadcast_in_dim3A_8, %get3A_275], %get3A_1 masked %ne3A_280 : memref<8x4096xf32, #tpu.memory_space<vmem>>[vector<16xi32>, vector<16xi32>], vector<16xf32>, vector<16xi1>
    tpu.vector_store_idx %arg10[%broadcast_in_dim3A_10, %get3A_275], %get3A_1 masked %ne3A_280 : memref<8x4096xf32, #tpu.memory_space<vmem>>[vector<16xi32>, vector<16xi32>], vector<16xf32>, vector<16xi1>
    tpu.vector_store_idx %arg10[%broadcast_in_dim3A_12, %get3A_275], %get3A_1 masked %ne3A_280 : memref<8x4096xf32, #tpu.memory_space<vmem>>[vector<16xi32>, vector<16xi32>], vector<16xf32>, vector<16xi1>
    tpu.vector_store_idx %arg10[%broadcast_in_dim3A_14, %get3A_275], %get3A_1 masked %ne3A_280 : memref<8x4096xf32, #tpu.memory_space<vmem>>[vector<16xi32>, vector<16xi32>], vector<16xf32>, vector<16xi1>
    tpu.vector_store_idx %arg10[%broadcast_in_dim3A_16, %get3A_275], %get3A_1 masked %ne3A_280 : memref<8x4096xf32, #tpu.memory_space<vmem>>[vector<16xi32>, vector<16xi32>], vector<16xf32>, vector<16xi1>
    tpu.vector_store_idx %arg10[%broadcast_in_dim3A_18, %get3A_275], %get3A_1 masked %ne3A_280 : memref<8x4096xf32, #tpu.memory_space<vmem>>[vector<16xi32>, vector<16xi32>], vector<16xf32>, vector<16xi1>
    %get3A_281 = arith.constant 592 : index
    %get3A_282 = tpu.vector_load %arg7[%get3A_281] {strides = array<i32>} : memref<832xi32, #tpu.memory_space<vmem>>, vector<16xi32>,
    %get3A_283 = arith.constant 592 : index
    %get3A_284 = tpu.vector_load %arg8[%get3A_283] {strides = array<i32>} : memref<832xi32, #tpu.memory_space<vmem>>, vector<16xi32>,
    %ne3A_285 = arith.constant 0 : i32
    %ne3A_286 = vector.broadcast %ne3A_285 : i32 to vector<16xi32>
    %ne3A_287 = arith.cmpi ne, %get3A_284, %ne3A_286 : vector<16xi32>
    tpu.vector_store_idx %arg10[%broadcast_in_dim3A_4, %get3A_282], %get3A_1 masked %ne3A_287 : memref<8x4096xf32, #tpu.memory_space<vmem>>[vector<16xi32>, vector<16xi32>], vector<16xf32>, vector<16xi1>
    tpu.vector_store_idx %arg10[%broadcast_in_dim3A_6, %get3A_282], %get3A_1 masked %ne3A_287 : memref<8x4096xf32, #tpu.memory_space<vmem>>[vector<16xi32>, vector<16xi32>], vector<16xf32>, vector<16xi1>
    tpu.vector_store_idx %arg10[%broadcast_in_dim3A_8, %get3A_282], %get3A_1 masked %ne3A_287 : memref<8x4096xf32, #tpu.memory_space<vmem>>[vector<16xi32>, vector<16xi32>], vector<16xf32>, vector<16xi1>
    tpu.vector_store_idx %arg10[%broadcast_in_dim3A_10, %get3A_282], %get3A_1 masked %ne3A_287 : memref<8x4096xf32, #tpu.memory_space<vmem>>[vector<16xi32>, vector<16xi32>], vector<16xf32>, vector<16xi1>
    tpu.vector_store_idx %arg10[%broadcast_in_dim3A_12, %get3A_282], %get3A_1 masked %ne3A_287 : memref<8x4096xf32, #tpu.memory_space<vmem>>[vector<16xi32>, vector<16xi32>], vector<16xf32>, vector<16xi1>
    tpu.vector_store_idx %arg10[%broadcast_in_dim3A_14, %get3A_282], %get3A_1 masked %ne3A_287 : memref<8x4096xf32, #tpu.memory_space<vmem>>[vector<16xi32>, vector<16xi32>], vector<16xf32>, vector<16xi1>
    tpu.vector_store_idx %arg10[%broadcast_in_dim3A_16, %get3A_282], %get3A_1 masked %ne3A_287 : memref<8x4096xf32, #tpu.memory_space<vmem>>[vector<16xi32>, vector<16xi32>], vector<16xf32>, vector<16xi1>
    tpu.vector_store_idx %arg10[%broadcast_in_dim3A_18, %get3A_282], %get3A_1 masked %ne3A_287 : memref<8x4096xf32, #tpu.memory_space<vmem>>[vector<16xi32>, vector<16xi32>], vector<16xf32>, vector<16xi1>
    %get3A_288 = arith.constant 608 : index
    %get3A_289 = tpu.vector_load %arg7[%get3A_288] {strides = array<i32>} : memref<832xi32, #tpu.memory_space<vmem>>, vector<16xi32>,
    %get3A_290 = arith.constant 608 : index
    %get3A_291 = tpu.vector_load %arg8[%get3A_290] {strides = array<i32>} : memref<832xi32, #tpu.memory_space<vmem>>, vector<16xi32>,
    %ne3A_292 = arith.constant 0 : i32
    %ne3A_293 = vector.broadcast %ne3A_292 : i32 to vector<16xi32>
    %ne3A_294 = arith.cmpi ne, %get3A_291, %ne3A_293 : vector<16xi32>
    tpu.vector_store_idx %arg10[%broadcast_in_dim3A_4, %get3A_289], %get3A_1 masked %ne3A_294 : memref<8x4096xf32, #tpu.memory_space<vmem>>[vector<16xi32>, vector<16xi32>], vector<16xf32>, vector<16xi1>
    tpu.vector_store_idx %arg10[%broadcast_in_dim3A_6, %get3A_289], %get3A_1 masked %ne3A_294 : memref<8x4096xf32, #tpu.memory_space<vmem>>[vector<16xi32>, vector<16xi32>], vector<16xf32>, vector<16xi1>
    tpu.vector_store_idx %arg10[%broadcast_in_dim3A_8, %get3A_289], %get3A_1 masked %ne3A_294 : memref<8x4096xf32, #tpu.memory_space<vmem>>[vector<16xi32>, vector<16xi32>], vector<16xf32>, vector<16xi1>
    tpu.vector_store_idx %arg10[%broadcast_in_dim3A_10, %get3A_289], %get3A_1 masked %ne3A_294 : memref<8x4096xf32, #tpu.memory_space<vmem>>[vector<16xi32>, vector<16xi32>], vector<16xf32>, vector<16xi1>
    tpu.vector_store_idx %arg10[%broadcast_in_dim3A_12, %get3A_289], %get3A_1 masked %ne3A_294 : memref<8x4096xf32, #tpu.memory_space<vmem>>[vector<16xi32>, vector<16xi32>], vector<16xf32>, vector<16xi1>
    tpu.vector_store_idx %arg10[%broadcast_in_dim3A_14, %get3A_289], %get3A_1 masked %ne3A_294 : memref<8x4096xf32, #tpu.memory_space<vmem>>[vector<16xi32>, vector<16xi32>], vector<16xf32>, vector<16xi1>
    tpu.vector_store_idx %arg10[%broadcast_in_dim3A_16, %get3A_289], %get3A_1 masked %ne3A_294 : memref<8x4096xf32, #tpu.memory_space<vmem>>[vector<16xi32>, vector<16xi32>], vector<16xf32>, vector<16xi1>
    tpu.vector_store_idx %arg10[%broadcast_in_dim3A_18, %get3A_289], %get3A_1 masked %ne3A_294 : memref<8x4096xf32, #tpu.memory_space<vmem>>[vector<16xi32>, vector<16xi32>], vector<16xf32>, vector<16xi1>
    %get3A_295 = arith.constant 624 : index
    %get3A_296 = tpu.vector_load %arg7[%get3A_295] {strides = array<i32>} : memref<832xi32, #tpu.memory_space<vmem>>, vector<16xi32>,
    %get3A_297 = arith.constant 624 : index
    %get3A_298 = tpu.vector_load %arg8[%get3A_297] {strides = array<i32>} : memref<832xi32, #tpu.memory_space<vmem>>, vector<16xi32>,
    %ne3A_299 = arith.constant 0 : i32
    %ne3A_300 = vector.broadcast %ne3A_299 : i32 to vector<16xi32>
    %ne3A_301 = arith.cmpi ne, %get3A_298, %ne3A_300 : vector<16xi32>
    tpu.vector_store_idx %arg10[%broadcast_in_dim3A_4, %get3A_296], %get3A_1 masked %ne3A_301 : memref<8x4096xf32, #tpu.memory_space<vmem>>[vector<16xi32>, vector<16xi32>], vector<16xf32>, vector<16xi1>
    tpu.vector_store_idx %arg10[%broadcast_in_dim3A_6, %get3A_296], %get3A_1 masked %ne3A_301 : memref<8x4096xf32, #tpu.memory_space<vmem>>[vector<16xi32>, vector<16xi32>], vector<16xf32>, vector<16xi1>
    tpu.vector_store_idx %arg10[%broadcast_in_dim3A_8, %get3A_296], %get3A_1 masked %ne3A_301 : memref<8x4096xf32, #tpu.memory_space<vmem>>[vector<16xi32>, vector<16xi32>], vector<16xf32>, vector<16xi1>
    tpu.vector_store_idx %arg10[%broadcast_in_dim3A_10, %get3A_296], %get3A_1 masked %ne3A_301 : memref<8x4096xf32, #tpu.memory_space<vmem>>[vector<16xi32>, vector<16xi32>], vector<16xf32>, vector<16xi1>
    tpu.vector_store_idx %arg10[%broadcast_in_dim3A_12, %get3A_296], %get3A_1 masked %ne3A_301 : memref<8x4096xf32, #tpu.memory_space<vmem>>[vector<16xi32>, vector<16xi32>], vector<16xf32>, vector<16xi1>
    tpu.vector_store_idx %arg10[%broadcast_in_dim3A_14, %get3A_296], %get3A_1 masked %ne3A_301 : memref<8x4096xf32, #tpu.memory_space<vmem>>[vector<16xi32>, vector<16xi32>], vector<16xf32>, vector<16xi1>
    tpu.vector_store_idx %arg10[%broadcast_in_dim3A_16, %get3A_296], %get3A_1 masked %ne3A_301 : memref<8x4096xf32, #tpu.memory_space<vmem>>[vector<16xi32>, vector<16xi32>], vector<16xf32>, vector<16xi1>
    tpu.vector_store_idx %arg10[%broadcast_in_dim3A_18, %get3A_296], %get3A_1 masked %ne3A_301 : memref<8x4096xf32, #tpu.memory_space<vmem>>[vector<16xi32>, vector<16xi32>], vector<16xf32>, vector<16xi1>
    %get3A_302 = arith.constant 640 : index
    %get3A_303 = tpu.vector_load %arg7[%get3A_302] {strides = array<i32>} : memref<832xi32, #tpu.memory_space<vmem>>, vector<16xi32>,
    %get3A_304 = arith.constant 640 : index
    %get3A_305 = tpu.vector_load %arg8[%get3A_304] {strides = array<i32>} : memref<832xi32, #tpu.memory_space<vmem>>, vector<16xi32>,
    %ne3A_306 = arith.constant 0 : i32
    %ne3A_307 = vector.broadcast %ne3A_306 : i32 to vector<16xi32>
    %ne3A_308 = arith.cmpi ne, %get3A_305, %ne3A_307 : vector<16xi32>
    tpu.vector_store_idx %arg10[%broadcast_in_dim3A_4, %get3A_303], %get3A_1 masked %ne3A_308 : memref<8x4096xf32, #tpu.memory_space<vmem>>[vector<16xi32>, vector<16xi32>], vector<16xf32>, vector<16xi1>
    tpu.vector_store_idx %arg10[%broadcast_in_dim3A_6, %get3A_303], %get3A_1 masked %ne3A_308 : memref<8x4096xf32, #tpu.memory_space<vmem>>[vector<16xi32>, vector<16xi32>], vector<16xf32>, vector<16xi1>
    tpu.vector_store_idx %arg10[%broadcast_in_dim3A_8, %get3A_303], %get3A_1 masked %ne3A_308 : memref<8x4096xf32, #tpu.memory_space<vmem>>[vector<16xi32>, vector<16xi32>], vector<16xf32>, vector<16xi1>
    tpu.vector_store_idx %arg10[%broadcast_in_dim3A_10, %get3A_303], %get3A_1 masked %ne3A_308 : memref<8x4096xf32, #tpu.memory_space<vmem>>[vector<16xi32>, vector<16xi32>], vector<16xf32>, vector<16xi1>
    tpu.vector_store_idx %arg10[%broadcast_in_dim3A_12, %get3A_303], %get3A_1 masked %ne3A_308 : memref<8x4096xf32, #tpu.memory_space<vmem>>[vector<16xi32>, vector<16xi32>], vector<16xf32>, vector<16xi1>
    tpu.vector_store_idx %arg10[%broadcast_in_dim3A_14, %get3A_303], %get3A_1 masked %ne3A_308 : memref<8x4096xf32, #tpu.memory_space<vmem>>[vector<16xi32>, vector<16xi32>], vector<16xf32>, vector<16xi1>
    tpu.vector_store_idx %arg10[%broadcast_in_dim3A_16, %get3A_303], %get3A_1 masked %ne3A_308 : memref<8x4096xf32, #tpu.memory_space<vmem>>[vector<16xi32>, vector<16xi32>], vector<16xf32>, vector<16xi1>
    tpu.vector_store_idx %arg10[%broadcast_in_dim3A_18, %get3A_303], %get3A_1 masked %ne3A_308 : memref<8x4096xf32, #tpu.memory_space<vmem>>[vector<16xi32>, vector<16xi32>], vector<16xf32>, vector<16xi1>
    %get3A_309 = arith.constant 656 : index
    %get3A_310 = tpu.vector_load %arg7[%get3A_309] {strides = array<i32>} : memref<832xi32, #tpu.memory_space<vmem>>, vector<16xi32>,
    %get3A_311 = arith.constant 656 : index
    %get3A_312 = tpu.vector_load %arg8[%get3A_311] {strides = array<i32>} : memref<832xi32, #tpu.memory_space<vmem>>, vector<16xi32>,
    %ne3A_313 = arith.constant 0 : i32
    %ne3A_314 = vector.broadcast %ne3A_313 : i32 to vector<16xi32>
    %ne3A_315 = arith.cmpi ne, %get3A_312, %ne3A_314 : vector<16xi32>
    tpu.vector_store_idx %arg10[%broadcast_in_dim3A_4, %get3A_310], %get3A_1 masked %ne3A_315 : memref<8x4096xf32, #tpu.memory_space<vmem>>[vector<16xi32>, vector<16xi32>], vector<16xf32>, vector<16xi1>
    tpu.vector_store_idx %arg10[%broadcast_in_dim3A_6, %get3A_310], %get3A_1 masked %ne3A_315 : memref<8x4096xf32, #tpu.memory_space<vmem>>[vector<16xi32>, vector<16xi32>], vector<16xf32>, vector<16xi1>
    tpu.vector_store_idx %arg10[%broadcast_in_dim3A_8, %get3A_310], %get3A_1 masked %ne3A_315 : memref<8x4096xf32, #tpu.memory_space<vmem>>[vector<16xi32>, vector<16xi32>], vector<16xf32>, vector<16xi1>
    tpu.vector_store_idx %arg10[%broadcast_in_dim3A_10, %get3A_310], %get3A_1 masked %ne3A_315 : memref<8x4096xf32, #tpu.memory_space<vmem>>[vector<16xi32>, vector<16xi32>], vector<16xf32>, vector<16xi1>
    tpu.vector_store_idx %arg10[%broadcast_in_dim3A_12, %get3A_310], %get3A_1 masked %ne3A_315 : memref<8x4096xf32, #tpu.memory_space<vmem>>[vector<16xi32>, vector<16xi32>], vector<16xf32>, vector<16xi1>
    tpu.vector_store_idx %arg10[%broadcast_in_dim3A_14, %get3A_310], %get3A_1 masked %ne3A_315 : memref<8x4096xf32, #tpu.memory_space<vmem>>[vector<16xi32>, vector<16xi32>], vector<16xf32>, vector<16xi1>
    tpu.vector_store_idx %arg10[%broadcast_in_dim3A_16, %get3A_310], %get3A_1 masked %ne3A_315 : memref<8x4096xf32, #tpu.memory_space<vmem>>[vector<16xi32>, vector<16xi32>], vector<16xf32>, vector<16xi1>
    tpu.vector_store_idx %arg10[%broadcast_in_dim3A_18, %get3A_310], %get3A_1 masked %ne3A_315 : memref<8x4096xf32, #tpu.memory_space<vmem>>[vector<16xi32>, vector<16xi32>], vector<16xf32>, vector<16xi1>
    %get3A_316 = arith.constant 672 : index
    %get3A_317 = tpu.vector_load %arg7[%get3A_316] {strides = array<i32>} : memref<832xi32, #tpu.memory_space<vmem>>, vector<16xi32>,
    %get3A_318 = arith.constant 672 : index
    %get3A_319 = tpu.vector_load %arg8[%get3A_318] {strides = array<i32>} : memref<832xi32, #tpu.memory_space<vmem>>, vector<16xi32>,
    %ne3A_320 = arith.constant 0 : i32
    %ne3A_321 = vector.broadcast %ne3A_320 : i32 to vector<16xi32>
    %ne3A_322 = arith.cmpi ne, %get3A_319, %ne3A_321 : vector<16xi32>
    tpu.vector_store_idx %arg10[%broadcast_in_dim3A_4, %get3A_317], %get3A_1 masked %ne3A_322 : memref<8x4096xf32, #tpu.memory_space<vmem>>[vector<16xi32>, vector<16xi32>], vector<16xf32>, vector<16xi1>
    tpu.vector_store_idx %arg10[%broadcast_in_dim3A_6, %get3A_317], %get3A_1 masked %ne3A_322 : memref<8x4096xf32, #tpu.memory_space<vmem>>[vector<16xi32>, vector<16xi32>], vector<16xf32>, vector<16xi1>
    tpu.vector_store_idx %arg10[%broadcast_in_dim3A_8, %get3A_317], %get3A_1 masked %ne3A_322 : memref<8x4096xf32, #tpu.memory_space<vmem>>[vector<16xi32>, vector<16xi32>], vector<16xf32>, vector<16xi1>
    tpu.vector_store_idx %arg10[%broadcast_in_dim3A_10, %get3A_317], %get3A_1 masked %ne3A_322 : memref<8x4096xf32, #tpu.memory_space<vmem>>[vector<16xi32>, vector<16xi32>], vector<16xf32>, vector<16xi1>
    tpu.vector_store_idx %arg10[%broadcast_in_dim3A_12, %get3A_317], %get3A_1 masked %ne3A_322 : memref<8x4096xf32, #tpu.memory_space<vmem>>[vector<16xi32>, vector<16xi32>], vector<16xf32>, vector<16xi1>
    tpu.vector_store_idx %arg10[%broadcast_in_dim3A_14, %get3A_317], %get3A_1 masked %ne3A_322 : memref<8x4096xf32, #tpu.memory_space<vmem>>[vector<16xi32>, vector<16xi32>], vector<16xf32>, vector<16xi1>
    tpu.vector_store_idx %arg10[%broadcast_in_dim3A_16, %get3A_317], %get3A_1 masked %ne3A_322 : memref<8x4096xf32, #tpu.memory_space<vmem>>[vector<16xi32>, vector<16xi32>], vector<16xf32>, vector<16xi1>
    tpu.vector_store_idx %arg10[%broadcast_in_dim3A_18, %get3A_317], %get3A_1 masked %ne3A_322 : memref<8x4096xf32, #tpu.memory_space<vmem>>[vector<16xi32>, vector<16xi32>], vector<16xf32>, vector<16xi1>
    %get3A_323 = arith.constant 688 : index
    %get3A_324 = tpu.vector_load %arg7[%get3A_323] {strides = array<i32>} : memref<832xi32, #tpu.memory_space<vmem>>, vector<16xi32>,
    %get3A_325 = arith.constant 688 : index
    %get3A_326 = tpu.vector_load %arg8[%get3A_325] {strides = array<i32>} : memref<832xi32, #tpu.memory_space<vmem>>, vector<16xi32>,
    %ne3A_327 = arith.constant 0 : i32
    %ne3A_328 = vector.broadcast %ne3A_327 : i32 to vector<16xi32>
    %ne3A_329 = arith.cmpi ne, %get3A_326, %ne3A_328 : vector<16xi32>
    tpu.vector_store_idx %arg10[%broadcast_in_dim3A_4, %get3A_324], %get3A_1 masked %ne3A_329 : memref<8x4096xf32, #tpu.memory_space<vmem>>[vector<16xi32>, vector<16xi32>], vector<16xf32>, vector<16xi1>
    tpu.vector_store_idx %arg10[%broadcast_in_dim3A_6, %get3A_324], %get3A_1 masked %ne3A_329 : memref<8x4096xf32, #tpu.memory_space<vmem>>[vector<16xi32>, vector<16xi32>], vector<16xf32>, vector<16xi1>
    tpu.vector_store_idx %arg10[%broadcast_in_dim3A_8, %get3A_324], %get3A_1 masked %ne3A_329 : memref<8x4096xf32, #tpu.memory_space<vmem>>[vector<16xi32>, vector<16xi32>], vector<16xf32>, vector<16xi1>
    tpu.vector_store_idx %arg10[%broadcast_in_dim3A_10, %get3A_324], %get3A_1 masked %ne3A_329 : memref<8x4096xf32, #tpu.memory_space<vmem>>[vector<16xi32>, vector<16xi32>], vector<16xf32>, vector<16xi1>
    tpu.vector_store_idx %arg10[%broadcast_in_dim3A_12, %get3A_324], %get3A_1 masked %ne3A_329 : memref<8x4096xf32, #tpu.memory_space<vmem>>[vector<16xi32>, vector<16xi32>], vector<16xf32>, vector<16xi1>
    tpu.vector_store_idx %arg10[%broadcast_in_dim3A_14, %get3A_324], %get3A_1 masked %ne3A_329 : memref<8x4096xf32, #tpu.memory_space<vmem>>[vector<16xi32>, vector<16xi32>], vector<16xf32>, vector<16xi1>
    tpu.vector_store_idx %arg10[%broadcast_in_dim3A_16, %get3A_324], %get3A_1 masked %ne3A_329 : memref<8x4096xf32, #tpu.memory_space<vmem>>[vector<16xi32>, vector<16xi32>], vector<16xf32>, vector<16xi1>
    tpu.vector_store_idx %arg10[%broadcast_in_dim3A_18, %get3A_324], %get3A_1 masked %ne3A_329 : memref<8x4096xf32, #tpu.memory_space<vmem>>[vector<16xi32>, vector<16xi32>], vector<16xf32>, vector<16xi1>
    %get3A_330 = arith.constant 704 : index
    %get3A_331 = tpu.vector_load %arg7[%get3A_330] {strides = array<i32>} : memref<832xi32, #tpu.memory_space<vmem>>, vector<16xi32>,
    %get3A_332 = arith.constant 704 : index
    %get3A_333 = tpu.vector_load %arg8[%get3A_332] {strides = array<i32>} : memref<832xi32, #tpu.memory_space<vmem>>, vector<16xi32>,
    %ne3A_334 = arith.constant 0 : i32
    %ne3A_335 = vector.broadcast %ne3A_334 : i32 to vector<16xi32>
    %ne3A_336 = arith.cmpi ne, %get3A_333, %ne3A_335 : vector<16xi32>
    tpu.vector_store_idx %arg10[%broadcast_in_dim3A_4, %get3A_331], %get3A_1 masked %ne3A_336 : memref<8x4096xf32, #tpu.memory_space<vmem>>[vector<16xi32>, vector<16xi32>], vector<16xf32>, vector<16xi1>
    tpu.vector_store_idx %arg10[%broadcast_in_dim3A_6, %get3A_331], %get3A_1 masked %ne3A_336 : memref<8x4096xf32, #tpu.memory_space<vmem>>[vector<16xi32>, vector<16xi32>], vector<16xf32>, vector<16xi1>
    tpu.vector_store_idx %arg10[%broadcast_in_dim3A_8, %get3A_331], %get3A_1 masked %ne3A_336 : memref<8x4096xf32, #tpu.memory_space<vmem>>[vector<16xi32>, vector<16xi32>], vector<16xf32>, vector<16xi1>
    tpu.vector_store_idx %arg10[%broadcast_in_dim3A_10, %get3A_331], %get3A_1 masked %ne3A_336 : memref<8x4096xf32, #tpu.memory_space<vmem>>[vector<16xi32>, vector<16xi32>], vector<16xf32>, vector<16xi1>
    tpu.vector_store_idx %arg10[%broadcast_in_dim3A_12, %get3A_331], %get3A_1 masked %ne3A_336 : memref<8x4096xf32, #tpu.memory_space<vmem>>[vector<16xi32>, vector<16xi32>], vector<16xf32>, vector<16xi1>
    tpu.vector_store_idx %arg10[%broadcast_in_dim3A_14, %get3A_331], %get3A_1 masked %ne3A_336 : memref<8x4096xf32, #tpu.memory_space<vmem>>[vector<16xi32>, vector<16xi32>], vector<16xf32>, vector<16xi1>
    tpu.vector_store_idx %arg10[%broadcast_in_dim3A_16, %get3A_331], %get3A_1 masked %ne3A_336 : memref<8x4096xf32, #tpu.memory_space<vmem>>[vector<16xi32>, vector<16xi32>], vector<16xf32>, vector<16xi1>
    tpu.vector_store_idx %arg10[%broadcast_in_dim3A_18, %get3A_331], %get3A_1 masked %ne3A_336 : memref<8x4096xf32, #tpu.memory_space<vmem>>[vector<16xi32>, vector<16xi32>], vector<16xf32>, vector<16xi1>
    %get3A_337 = arith.constant 720 : index
    %get3A_338 = tpu.vector_load %arg7[%get3A_337] {strides = array<i32>} : memref<832xi32, #tpu.memory_space<vmem>>, vector<16xi32>,
    %get3A_339 = arith.constant 720 : index
    %get3A_340 = tpu.vector_load %arg8[%get3A_339] {strides = array<i32>} : memref<832xi32, #tpu.memory_space<vmem>>, vector<16xi32>,
    %ne3A_341 = arith.constant 0 : i32
    %ne3A_342 = vector.broadcast %ne3A_341 : i32 to vector<16xi32>
    %ne3A_343 = arith.cmpi ne, %get3A_340, %ne3A_342 : vector<16xi32>
    tpu.vector_store_idx %arg10[%broadcast_in_dim3A_4, %get3A_338], %get3A_1 masked %ne3A_343 : memref<8x4096xf32, #tpu.memory_space<vmem>>[vector<16xi32>, vector<16xi32>], vector<16xf32>, vector<16xi1>
    tpu.vector_store_idx %arg10[%broadcast_in_dim3A_6, %get3A_338], %get3A_1 masked %ne3A_343 : memref<8x4096xf32, #tpu.memory_space<vmem>>[vector<16xi32>, vector<16xi32>], vector<16xf32>, vector<16xi1>
    tpu.vector_store_idx %arg10[%broadcast_in_dim3A_8, %get3A_338], %get3A_1 masked %ne3A_343 : memref<8x4096xf32, #tpu.memory_space<vmem>>[vector<16xi32>, vector<16xi32>], vector<16xf32>, vector<16xi1>
    tpu.vector_store_idx %arg10[%broadcast_in_dim3A_10, %get3A_338], %get3A_1 masked %ne3A_343 : memref<8x4096xf32, #tpu.memory_space<vmem>>[vector<16xi32>, vector<16xi32>], vector<16xf32>, vector<16xi1>
    tpu.vector_store_idx %arg10[%broadcast_in_dim3A_12, %get3A_338], %get3A_1 masked %ne3A_343 : memref<8x4096xf32, #tpu.memory_space<vmem>>[vector<16xi32>, vector<16xi32>], vector<16xf32>, vector<16xi1>
    tpu.vector_store_idx %arg10[%broadcast_in_dim3A_14, %get3A_338], %get3A_1 masked %ne3A_343 : memref<8x4096xf32, #tpu.memory_space<vmem>>[vector<16xi32>, vector<16xi32>], vector<16xf32>, vector<16xi1>
    tpu.vector_store_idx %arg10[%broadcast_in_dim3A_16, %get3A_338], %get3A_1 masked %ne3A_343 : memref<8x4096xf32, #tpu.memory_space<vmem>>[vector<16xi32>, vector<16xi32>], vector<16xf32>, vector<16xi1>
    tpu.vector_store_idx %arg10[%broadcast_in_dim3A_18, %get3A_338], %get3A_1 masked %ne3A_343 : memref<8x4096xf32, #tpu.memory_space<vmem>>[vector<16xi32>, vector<16xi32>], vector<16xf32>, vector<16xi1>
    %get3A_344 = arith.constant 736 : index
    %get3A_345 = tpu.vector_load %arg7[%get3A_344] {strides = array<i32>} : memref<832xi32, #tpu.memory_space<vmem>>, vector<16xi32>,
    %get3A_346 = arith.constant 736 : index
    %get3A_347 = tpu.vector_load %arg8[%get3A_346] {strides = array<i32>} : memref<832xi32, #tpu.memory_space<vmem>>, vector<16xi32>,
    %ne3A_348 = arith.constant 0 : i32
    %ne3A_349 = vector.broadcast %ne3A_348 : i32 to vector<16xi32>
    %ne3A_350 = arith.cmpi ne, %get3A_347, %ne3A_349 : vector<16xi32>
    tpu.vector_store_idx %arg10[%broadcast_in_dim3A_4, %get3A_345], %get3A_1 masked %ne3A_350 : memref<8x4096xf32, #tpu.memory_space<vmem>>[vector<16xi32>, vector<16xi32>], vector<16xf32>, vector<16xi1>
    tpu.vector_store_idx %arg10[%broadcast_in_dim3A_6, %get3A_345], %get3A_1 masked %ne3A_350 : memref<8x4096xf32, #tpu.memory_space<vmem>>[vector<16xi32>, vector<16xi32>], vector<16xf32>, vector<16xi1>
    tpu.vector_store_idx %arg10[%broadcast_in_dim3A_8, %get3A_345], %get3A_1 masked %ne3A_350 : memref<8x4096xf32, #tpu.memory_space<vmem>>[vector<16xi32>, vector<16xi32>], vector<16xf32>, vector<16xi1>
    tpu.vector_store_idx %arg10[%broadcast_in_dim3A_10, %get3A_345], %get3A_1 masked %ne3A_350 : memref<8x4096xf32, #tpu.memory_space<vmem>>[vector<16xi32>, vector<16xi32>], vector<16xf32>, vector<16xi1>
    tpu.vector_store_idx %arg10[%broadcast_in_dim3A_12, %get3A_345], %get3A_1 masked %ne3A_350 : memref<8x4096xf32, #tpu.memory_space<vmem>>[vector<16xi32>, vector<16xi32>], vector<16xf32>, vector<16xi1>
    tpu.vector_store_idx %arg10[%broadcast_in_dim3A_14, %get3A_345], %get3A_1 masked %ne3A_350 : memref<8x4096xf32, #tpu.memory_space<vmem>>[vector<16xi32>, vector<16xi32>], vector<16xf32>, vector<16xi1>
    tpu.vector_store_idx %arg10[%broadcast_in_dim3A_16, %get3A_345], %get3A_1 masked %ne3A_350 : memref<8x4096xf32, #tpu.memory_space<vmem>>[vector<16xi32>, vector<16xi32>], vector<16xf32>, vector<16xi1>
    tpu.vector_store_idx %arg10[%broadcast_in_dim3A_18, %get3A_345], %get3A_1 masked %ne3A_350 : memref<8x4096xf32, #tpu.memory_space<vmem>>[vector<16xi32>, vector<16xi32>], vector<16xf32>, vector<16xi1>
    %get3A_351 = arith.constant 752 : index
    %get3A_352 = tpu.vector_load %arg7[%get3A_351] {strides = array<i32>} : memref<832xi32, #tpu.memory_space<vmem>>, vector<16xi32>,
    %get3A_353 = arith.constant 752 : index
    %get3A_354 = tpu.vector_load %arg8[%get3A_353] {strides = array<i32>} : memref<832xi32, #tpu.memory_space<vmem>>, vector<16xi32>,
    %ne3A_355 = arith.constant 0 : i32
    %ne3A_356 = vector.broadcast %ne3A_355 : i32 to vector<16xi32>
    %ne3A_357 = arith.cmpi ne, %get3A_354, %ne3A_356 : vector<16xi32>
    tpu.vector_store_idx %arg10[%broadcast_in_dim3A_4, %get3A_352], %get3A_1 masked %ne3A_357 : memref<8x4096xf32, #tpu.memory_space<vmem>>[vector<16xi32>, vector<16xi32>], vector<16xf32>, vector<16xi1>
    tpu.vector_store_idx %arg10[%broadcast_in_dim3A_6, %get3A_352], %get3A_1 masked %ne3A_357 : memref<8x4096xf32, #tpu.memory_space<vmem>>[vector<16xi32>, vector<16xi32>], vector<16xf32>, vector<16xi1>
    tpu.vector_store_idx %arg10[%broadcast_in_dim3A_8, %get3A_352], %get3A_1 masked %ne3A_357 : memref<8x4096xf32, #tpu.memory_space<vmem>>[vector<16xi32>, vector<16xi32>], vector<16xf32>, vector<16xi1>
    tpu.vector_store_idx %arg10[%broadcast_in_dim3A_10, %get3A_352], %get3A_1 masked %ne3A_357 : memref<8x4096xf32, #tpu.memory_space<vmem>>[vector<16xi32>, vector<16xi32>], vector<16xf32>, vector<16xi1>
    tpu.vector_store_idx %arg10[%broadcast_in_dim3A_12, %get3A_352], %get3A_1 masked %ne3A_357 : memref<8x4096xf32, #tpu.memory_space<vmem>>[vector<16xi32>, vector<16xi32>], vector<16xf32>, vector<16xi1>
    tpu.vector_store_idx %arg10[%broadcast_in_dim3A_14, %get3A_352], %get3A_1 masked %ne3A_357 : memref<8x4096xf32, #tpu.memory_space<vmem>>[vector<16xi32>, vector<16xi32>], vector<16xf32>, vector<16xi1>
    tpu.vector_store_idx %arg10[%broadcast_in_dim3A_16, %get3A_352], %get3A_1 masked %ne3A_357 : memref<8x4096xf32, #tpu.memory_space<vmem>>[vector<16xi32>, vector<16xi32>], vector<16xf32>, vector<16xi1>
    tpu.vector_store_idx %arg10[%broadcast_in_dim3A_18, %get3A_352], %get3A_1 masked %ne3A_357 : memref<8x4096xf32, #tpu.memory_space<vmem>>[vector<16xi32>, vector<16xi32>], vector<16xf32>, vector<16xi1>
    %get3A_358 = arith.constant 768 : index
    %get3A_359 = tpu.vector_load %arg7[%get3A_358] {strides = array<i32>} : memref<832xi32, #tpu.memory_space<vmem>>, vector<16xi32>,
    %get3A_360 = arith.constant 768 : index
    %get3A_361 = tpu.vector_load %arg8[%get3A_360] {strides = array<i32>} : memref<832xi32, #tpu.memory_space<vmem>>, vector<16xi32>,
    %ne3A_362 = arith.constant 0 : i32
    %ne3A_363 = vector.broadcast %ne3A_362 : i32 to vector<16xi32>
    %ne3A_364 = arith.cmpi ne, %get3A_361, %ne3A_363 : vector<16xi32>
    tpu.vector_store_idx %arg10[%broadcast_in_dim3A_4, %get3A_359], %get3A_1 masked %ne3A_364 : memref<8x4096xf32, #tpu.memory_space<vmem>>[vector<16xi32>, vector<16xi32>], vector<16xf32>, vector<16xi1>
    tpu.vector_store_idx %arg10[%broadcast_in_dim3A_6, %get3A_359], %get3A_1 masked %ne3A_364 : memref<8x4096xf32, #tpu.memory_space<vmem>>[vector<16xi32>, vector<16xi32>], vector<16xf32>, vector<16xi1>
    tpu.vector_store_idx %arg10[%broadcast_in_dim3A_8, %get3A_359], %get3A_1 masked %ne3A_364 : memref<8x4096xf32, #tpu.memory_space<vmem>>[vector<16xi32>, vector<16xi32>], vector<16xf32>, vector<16xi1>
    tpu.vector_store_idx %arg10[%broadcast_in_dim3A_10, %get3A_359], %get3A_1 masked %ne3A_364 : memref<8x4096xf32, #tpu.memory_space<vmem>>[vector<16xi32>, vector<16xi32>], vector<16xf32>, vector<16xi1>
    tpu.vector_store_idx %arg10[%broadcast_in_dim3A_12, %get3A_359], %get3A_1 masked %ne3A_364 : memref<8x4096xf32, #tpu.memory_space<vmem>>[vector<16xi32>, vector<16xi32>], vector<16xf32>, vector<16xi1>
    tpu.vector_store_idx %arg10[%broadcast_in_dim3A_14, %get3A_359], %get3A_1 masked %ne3A_364 : memref<8x4096xf32, #tpu.memory_space<vmem>>[vector<16xi32>, vector<16xi32>], vector<16xf32>, vector<16xi1>
    tpu.vector_store_idx %arg10[%broadcast_in_dim3A_16, %get3A_359], %get3A_1 masked %ne3A_364 : memref<8x4096xf32, #tpu.memory_space<vmem>>[vector<16xi32>, vector<16xi32>], vector<16xf32>, vector<16xi1>
    tpu.vector_store_idx %arg10[%broadcast_in_dim3A_18, %get3A_359], %get3A_1 masked %ne3A_364 : memref<8x4096xf32, #tpu.memory_space<vmem>>[vector<16xi32>, vector<16xi32>], vector<16xf32>, vector<16xi1>
    %get3A_365 = arith.constant 784 : index
    %get3A_366 = tpu.vector_load %arg7[%get3A_365] {strides = array<i32>} : memref<832xi32, #tpu.memory_space<vmem>>, vector<16xi32>,
    %get3A_367 = arith.constant 784 : index
    %get3A_368 = tpu.vector_load %arg8[%get3A_367] {strides = array<i32>} : memref<832xi32, #tpu.memory_space<vmem>>, vector<16xi32>,
    %ne3A_369 = arith.constant 0 : i32
    %ne3A_370 = vector.broadcast %ne3A_369 : i32 to vector<16xi32>
    %ne3A_371 = arith.cmpi ne, %get3A_368, %ne3A_370 : vector<16xi32>
    tpu.vector_store_idx %arg10[%broadcast_in_dim3A_4, %get3A_366], %get3A_1 masked %ne3A_371 : memref<8x4096xf32, #tpu.memory_space<vmem>>[vector<16xi32>, vector<16xi32>], vector<16xf32>, vector<16xi1>
    tpu.vector_store_idx %arg10[%broadcast_in_dim3A_6, %get3A_366], %get3A_1 masked %ne3A_371 : memref<8x4096xf32, #tpu.memory_space<vmem>>[vector<16xi32>, vector<16xi32>], vector<16xf32>, vector<16xi1>
    tpu.vector_store_idx %arg10[%broadcast_in_dim3A_8, %get3A_366], %get3A_1 masked %ne3A_371 : memref<8x4096xf32, #tpu.memory_space<vmem>>[vector<16xi32>, vector<16xi32>], vector<16xf32>, vector<16xi1>
    tpu.vector_store_idx %arg10[%broadcast_in_dim3A_10, %get3A_366], %get3A_1 masked %ne3A_371 : memref<8x4096xf32, #tpu.memory_space<vmem>>[vector<16xi32>, vector<16xi32>], vector<16xf32>, vector<16xi1>
    tpu.vector_store_idx %arg10[%broadcast_in_dim3A_12, %get3A_366], %get3A_1 masked %ne3A_371 : memref<8x4096xf32, #tpu.memory_space<vmem>>[vector<16xi32>, vector<16xi32>], vector<16xf32>, vector<16xi1>
    tpu.vector_store_idx %arg10[%broadcast_in_dim3A_14, %get3A_366], %get3A_1 masked %ne3A_371 : memref<8x4096xf32, #tpu.memory_space<vmem>>[vector<16xi32>, vector<16xi32>], vector<16xf32>, vector<16xi1>
    tpu.vector_store_idx %arg10[%broadcast_in_dim3A_16, %get3A_366], %get3A_1 masked %ne3A_371 : memref<8x4096xf32, #tpu.memory_space<vmem>>[vector<16xi32>, vector<16xi32>], vector<16xf32>, vector<16xi1>
    tpu.vector_store_idx %arg10[%broadcast_in_dim3A_18, %get3A_366], %get3A_1 masked %ne3A_371 : memref<8x4096xf32, #tpu.memory_space<vmem>>[vector<16xi32>, vector<16xi32>], vector<16xf32>, vector<16xi1>
    %get3A_372 = arith.constant 800 : index
    %get3A_373 = tpu.vector_load %arg7[%get3A_372] {strides = array<i32>} : memref<832xi32, #tpu.memory_space<vmem>>, vector<16xi32>,
    %get3A_374 = arith.constant 800 : index
    %get3A_375 = tpu.vector_load %arg8[%get3A_374] {strides = array<i32>} : memref<832xi32, #tpu.memory_space<vmem>>, vector<16xi32>,
    %ne3A_376 = arith.constant 0 : i32
    %ne3A_377 = vector.broadcast %ne3A_376 : i32 to vector<16xi32>
    %ne3A_378 = arith.cmpi ne, %get3A_375, %ne3A_377 : vector<16xi32>
    tpu.vector_store_idx %arg10[%broadcast_in_dim3A_4, %get3A_373], %get3A_1 masked %ne3A_378 : memref<8x4096xf32, #tpu.memory_space<vmem>>[vector<16xi32>, vector<16xi32>], vector<16xf32>, vector<16xi1>
    tpu.vector_store_idx %arg10[%broadcast_in_dim3A_6, %get3A_373], %get3A_1 masked %ne3A_378 : memref<8x4096xf32, #tpu.memory_space<vmem>>[vector<16xi32>, vector<16xi32>], vector<16xf32>, vector<16xi1>
    tpu.vector_store_idx %arg10[%broadcast_in_dim3A_8, %get3A_373], %get3A_1 masked %ne3A_378 : memref<8x4096xf32, #tpu.memory_space<vmem>>[vector<16xi32>, vector<16xi32>], vector<16xf32>, vector<16xi1>
    tpu.vector_store_idx %arg10[%broadcast_in_dim3A_10, %get3A_373], %get3A_1 masked %ne3A_378 : memref<8x4096xf32, #tpu.memory_space<vmem>>[vector<16xi32>, vector<16xi32>], vector<16xf32>, vector<16xi1>
    tpu.vector_store_idx %arg10[%broadcast_in_dim3A_12, %get3A_373], %get3A_1 masked %ne3A_378 : memref<8x4096xf32, #tpu.memory_space<vmem>>[vector<16xi32>, vector<16xi32>], vector<16xf32>, vector<16xi1>
    tpu.vector_store_idx %arg10[%broadcast_in_dim3A_14, %get3A_373], %get3A_1 masked %ne3A_378 : memref<8x4096xf32, #tpu.memory_space<vmem>>[vector<16xi32>, vector<16xi32>], vector<16xf32>, vector<16xi1>
    tpu.vector_store_idx %arg10[%broadcast_in_dim3A_16, %get3A_373], %get3A_1 masked %ne3A_378 : memref<8x4096xf32, #tpu.memory_space<vmem>>[vector<16xi32>, vector<16xi32>], vector<16xf32>, vector<16xi1>
    tpu.vector_store_idx %arg10[%broadcast_in_dim3A_18, %get3A_373], %get3A_1 masked %ne3A_378 : memref<8x4096xf32, #tpu.memory_space<vmem>>[vector<16xi32>, vector<16xi32>], vector<16xf32>, vector<16xi1>
    %get3A_379 = arith.constant 816 : index
    %get3A_380 = tpu.vector_load %arg7[%get3A_379] {strides = array<i32>} : memref<832xi32, #tpu.memory_space<vmem>>, vector<16xi32>,
    %get3A_381 = arith.constant 816 : index
    %get3A_382 = tpu.vector_load %arg8[%get3A_381] {strides = array<i32>} : memref<832xi32, #tpu.memory_space<vmem>>, vector<16xi32>,
    %ne3A_383 = arith.constant 0 : i32
    %ne3A_384 = vector.broadcast %ne3A_383 : i32 to vector<16xi32>
    %ne3A_385 = arith.cmpi ne, %get3A_382, %ne3A_384 : vector<16xi32>
    tpu.vector_store_idx %arg10[%broadcast_in_dim3A_4, %get3A_380], %get3A_1 masked %ne3A_385 : memref<8x4096xf32, #tpu.memory_space<vmem>>[vector<16xi32>, vector<16xi32>], vector<16xf32>, vector<16xi1>
    tpu.vector_store_idx %arg10[%broadcast_in_dim3A_6, %get3A_380], %get3A_1 masked %ne3A_385 : memref<8x4096xf32, #tpu.memory_space<vmem>>[vector<16xi32>, vector<16xi32>], vector<16xf32>, vector<16xi1>
    tpu.vector_store_idx %arg10[%broadcast_in_dim3A_8, %get3A_380], %get3A_1 masked %ne3A_385 : memref<8x4096xf32, #tpu.memory_space<vmem>>[vector<16xi32>, vector<16xi32>], vector<16xf32>, vector<16xi1>
    tpu.vector_store_idx %arg10[%broadcast_in_dim3A_10, %get3A_380], %get3A_1 masked %ne3A_385 : memref<8x4096xf32, #tpu.memory_space<vmem>>[vector<16xi32>, vector<16xi32>], vector<16xf32>, vector<16xi1>
    tpu.vector_store_idx %arg10[%broadcast_in_dim3A_12, %get3A_380], %get3A_1 masked %ne3A_385 : memref<8x4096xf32, #tpu.memory_space<vmem>>[vector<16xi32>, vector<16xi32>], vector<16xf32>, vector<16xi1>
    tpu.vector_store_idx %arg10[%broadcast_in_dim3A_14, %get3A_380], %get3A_1 masked %ne3A_385 : memref<8x4096xf32, #tpu.memory_space<vmem>>[vector<16xi32>, vector<16xi32>], vector<16xf32>, vector<16xi1>
    tpu.vector_store_idx %arg10[%broadcast_in_dim3A_16, %get3A_380], %get3A_1 masked %ne3A_385 : memref<8x4096xf32, #tpu.memory_space<vmem>>[vector<16xi32>, vector<16xi32>], vector<16xf32>, vector<16xi1>
    tpu.vector_store_idx %arg10[%broadcast_in_dim3A_18, %get3A_380], %get3A_1 masked %ne3A_385 : memref<8x4096xf32, #tpu.memory_space<vmem>>[vector<16xi32>, vector<16xi32>], vector<16xf32>, vector<16xi1>
    %add3A_386 = arith.constant 0 : i32
    %add3A_387 = arith.addi %mul3A_3, %add3A_386 : i32
    "tpu.region"() ({
      %run_scoped3A = tpu.sem_alloc : memref<!tpu.dma_semaphore, #tpu.memory_space<semaphore_mem>>
      %dma_start3A = arith.constant 0 : i32
      %dma_start3A_758 = tpu.memref_slice %arg6[%add3A_387, %dma_start3A] : memref<512x4096xf32, #tpu.memory_space<hbm>> -> memref<8x4096xf32, #tpu.memory_space<hbm>>
      %dma_start3A_759 = arith.constant 0 : i32
      %dma_start3A_760 = tpu.memref_slice %arg6[%add3A_387, %dma_start3A_759] : memref<512x4096xf32, #tpu.memory_space<hbm>> -> memref<8x4096xf32, #tpu.memory_space<hbm>>
      tpu.enqueue_dma source(%arg10 : memref<8x4096xf32, #tpu.memory_space<vmem>>) target(%dma_start3A_760 : memref<8x4096xf32, #tpu.memory_space<hbm>>) target_semaphore(%run_scoped3A : memref<!tpu.dma_semaphore, #tpu.memory_space<semaphore_mem>>)
      %dma_wait3A = arith.constant 0 : i32
      %dma_wait3A_761 = tpu.memref_slice %arg6[%add3A_387, %dma_wait3A] : memref<512x4096xf32, #tpu.memory_space<hbm>> -> memref<8x4096xf32, #tpu.memory_space<hbm>>
      %dma_wait3A_762 = arith.constant 0 : i32
      %dma_wait3A_763 = tpu.memref_slice %arg6[%add3A_387, %dma_wait3A_762] : memref<512x4096xf32, #tpu.memory_space<hbm>> -> memref<8x4096xf32, #tpu.memory_space<hbm>>
      tpu.wait_dma2 semaphore(%run_scoped3A : memref<!tpu.dma_semaphore, #tpu.memory_space<semaphore_mem>>) src(%arg10 : memref<8x4096xf32, #tpu.memory_space<vmem>>) dst(%dma_wait3A_763 : memref<8x4096xf32, #tpu.memory_space<hbm>>)
      tpu.yield
    }) : () -> ()
    %add3A_388 = arith.constant 15872 : i32
    %add3A_389 = arith.addi %add3A_388, %mul3A_3 : i32
    %add3A_390 = arith.constant 8 : i32
    %add3A_391 = arith.addi %add3A_389, %add3A_390 : i32
    "tpu.region"() ({
      %run_scoped3A = tpu.sem_alloc : memref<!tpu.dma_semaphore, #tpu.memory_space<semaphore_mem>>
      %dma_start3A = arith.constant 0 : i32
      %dma_start3A_758 = tpu.memref_slice %arg2[%add3A_391, %dma_start3A] : memref<16384x4096xf32, #tpu.memory_space<hbm>> -> memref<8x4096xf32, #tpu.memory_space<hbm>>
      %dma_start3A_759 = arith.constant 0 : i32
      %dma_start3A_760 = tpu.memref_slice %arg2[%add3A_391, %dma_start3A_759] : memref<16384x4096xf32, #tpu.memory_space<hbm>> -> memref<8x4096xf32, #tpu.memory_space<hbm>>
      tpu.enqueue_dma source(%dma_start3A_760 : memref<8x4096xf32, #tpu.memory_space<hbm>>) target(%arg11 : memref<8x4096xf32, #tpu.memory_space<vmem>>) target_semaphore(%run_scoped3A : memref<!tpu.dma_semaphore, #tpu.memory_space<semaphore_mem>>)
      %dma_wait3A = arith.constant 0 : i32
      %dma_wait3A_761 = tpu.memref_slice %arg2[%add3A_391, %dma_wait3A] : memref<16384x4096xf32, #tpu.memory_space<hbm>> -> memref<8x4096xf32, #tpu.memory_space<hbm>>
      %dma_wait3A_762 = arith.constant 0 : i32
      %dma_wait3A_763 = tpu.memref_slice %arg2[%add3A_391, %dma_wait3A_762] : memref<16384x4096xf32, #tpu.memory_space<hbm>> -> memref<8x4096xf32, #tpu.memory_space<hbm>>
      tpu.wait_dma2 semaphore(%run_scoped3A : memref<!tpu.dma_semaphore, #tpu.memory_space<semaphore_mem>>) src(%dma_wait3A_763 : memref<8x4096xf32, #tpu.memory_space<hbm>>) dst(%arg11 : memref<8x4096xf32, #tpu.memory_space<vmem>>)
      tpu.yield
    }) : () -> ()
    %get3A_392 = arith.constant 0 : index
    %get3A_393 = tpu.vector_load %arg7[%get3A_392] {strides = array<i32>} : memref<832xi32, #tpu.memory_space<vmem>>, vector<16xi32>,
    %get3A_394 = arith.constant 0 : index
    %get3A_395 = tpu.vector_load %arg8[%get3A_394] {strides = array<i32>} : memref<832xi32, #tpu.memory_space<vmem>>, vector<16xi32>,
    %ne3A_396 = arith.constant 0 : i32
    %ne3A_397 = vector.broadcast %ne3A_396 : i32 to vector<16xi32>
    %ne3A_398 = arith.cmpi ne, %get3A_395, %ne3A_397 : vector<16xi32>
    tpu.vector_store_idx %arg11[%broadcast_in_dim3A_4, %get3A_393], %get3A_1 masked %ne3A_398 : memref<8x4096xf32, #tpu.memory_space<vmem>>[vector<16xi32>, vector<16xi32>], vector<16xf32>, vector<16xi1>
    tpu.vector_store_idx %arg11[%broadcast_in_dim3A_6, %get3A_393], %get3A_1 masked %ne3A_398 : memref<8x4096xf32, #tpu.memory_space<vmem>>[vector<16xi32>, vector<16xi32>], vector<16xf32>, vector<16xi1>
    tpu.vector_store_idx %arg11[%broadcast_in_dim3A_8, %get3A_393], %get3A_1 masked %ne3A_398 : memref<8x4096xf32, #tpu.memory_space<vmem>>[vector<16xi32>, vector<16xi32>], vector<16xf32>, vector<16xi1>
    tpu.vector_store_idx %arg11[%broadcast_in_dim3A_10, %get3A_393], %get3A_1 masked %ne3A_398 : memref<8x4096xf32, #tpu.memory_space<vmem>>[vector<16xi32>, vector<16xi32>], vector<16xf32>, vector<16xi1>
    tpu.vector_store_idx %arg11[%broadcast_in_dim3A_12, %get3A_393], %get3A_1 masked %ne3A_398 : memref<8x4096xf32, #tpu.memory_space<vmem>>[vector<16xi32>, vector<16xi32>], vector<16xf32>, vector<16xi1>
    tpu.vector_store_idx %arg11[%broadcast_in_dim3A_14, %get3A_393], %get3A_1 masked %ne3A_398 : memref<8x4096xf32, #tpu.memory_space<vmem>>[vector<16xi32>, vector<16xi32>], vector<16xf32>, vector<16xi1>
    tpu.vector_store_idx %arg11[%broadcast_in_dim3A_16, %get3A_393], %get3A_1 masked %ne3A_398 : memref<8x4096xf32, #tpu.memory_space<vmem>>[vector<16xi32>, vector<16xi32>], vector<16xf32>, vector<16xi1>
    tpu.vector_store_idx %arg11[%broadcast_in_dim3A_18, %get3A_393], %get3A_1 masked %ne3A_398 : memref<8x4096xf32, #tpu.memory_space<vmem>>[vector<16xi32>, vector<16xi32>], vector<16xf32>, vector<16xi1>
    %get3A_399 = arith.constant 16 : index
    %get3A_400 = tpu.vector_load %arg7[%get3A_399] {strides = array<i32>} : memref<832xi32, #tpu.memory_space<vmem>>, vector<16xi32>,
    %get3A_401 = arith.constant 16 : index
    %get3A_402 = tpu.vector_load %arg8[%get3A_401] {strides = array<i32>} : memref<832xi32, #tpu.memory_space<vmem>>, vector<16xi32>,
    %ne3A_403 = arith.constant 0 : i32
    %ne3A_404 = vector.broadcast %ne3A_403 : i32 to vector<16xi32>
    %ne3A_405 = arith.cmpi ne, %get3A_402, %ne3A_404 : vector<16xi32>
    tpu.vector_store_idx %arg11[%broadcast_in_dim3A_4, %get3A_400], %get3A_1 masked %ne3A_405 : memref<8x4096xf32, #tpu.memory_space<vmem>>[vector<16xi32>, vector<16xi32>], vector<16xf32>, vector<16xi1>
    tpu.vector_store_idx %arg11[%broadcast_in_dim3A_6, %get3A_400], %get3A_1 masked %ne3A_405 : memref<8x4096xf32, #tpu.memory_space<vmem>>[vector<16xi32>, vector<16xi32>], vector<16xf32>, vector<16xi1>
    tpu.vector_store_idx %arg11[%broadcast_in_dim3A_8, %get3A_400], %get3A_1 masked %ne3A_405 : memref<8x4096xf32, #tpu.memory_space<vmem>>[vector<16xi32>, vector<16xi32>], vector<16xf32>, vector<16xi1>
    tpu.vector_store_idx %arg11[%broadcast_in_dim3A_10, %get3A_400], %get3A_1 masked %ne3A_405 : memref<8x4096xf32, #tpu.memory_space<vmem>>[vector<16xi32>, vector<16xi32>], vector<16xf32>, vector<16xi1>
    tpu.vector_store_idx %arg11[%broadcast_in_dim3A_12, %get3A_400], %get3A_1 masked %ne3A_405 : memref<8x4096xf32, #tpu.memory_space<vmem>>[vector<16xi32>, vector<16xi32>], vector<16xf32>, vector<16xi1>
    tpu.vector_store_idx %arg11[%broadcast_in_dim3A_14, %get3A_400], %get3A_1 masked %ne3A_405 : memref<8x4096xf32, #tpu.memory_space<vmem>>[vector<16xi32>, vector<16xi32>], vector<16xf32>, vector<16xi1>
    tpu.vector_store_idx %arg11[%broadcast_in_dim3A_16, %get3A_400], %get3A_1 masked %ne3A_405 : memref<8x4096xf32, #tpu.memory_space<vmem>>[vector<16xi32>, vector<16xi32>], vector<16xf32>, vector<16xi1>
    tpu.vector_store_idx %arg11[%broadcast_in_dim3A_18, %get3A_400], %get3A_1 masked %ne3A_405 : memref<8x4096xf32, #tpu.memory_space<vmem>>[vector<16xi32>, vector<16xi32>], vector<16xf32>, vector<16xi1>
    %get3A_406 = arith.constant 32 : index
    %get3A_407 = tpu.vector_load %arg7[%get3A_406] {strides = array<i32>} : memref<832xi32, #tpu.memory_space<vmem>>, vector<16xi32>,
    %get3A_408 = arith.constant 32 : index
    %get3A_409 = tpu.vector_load %arg8[%get3A_408] {strides = array<i32>} : memref<832xi32, #tpu.memory_space<vmem>>, vector<16xi32>,
    %ne3A_410 = arith.constant 0 : i32
    %ne3A_411 = vector.broadcast %ne3A_410 : i32 to vector<16xi32>
    %ne3A_412 = arith.cmpi ne, %get3A_409, %ne3A_411 : vector<16xi32>
    tpu.vector_store_idx %arg11[%broadcast_in_dim3A_4, %get3A_407], %get3A_1 masked %ne3A_412 : memref<8x4096xf32, #tpu.memory_space<vmem>>[vector<16xi32>, vector<16xi32>], vector<16xf32>, vector<16xi1>
    tpu.vector_store_idx %arg11[%broadcast_in_dim3A_6, %get3A_407], %get3A_1 masked %ne3A_412 : memref<8x4096xf32, #tpu.memory_space<vmem>>[vector<16xi32>, vector<16xi32>], vector<16xf32>, vector<16xi1>
    tpu.vector_store_idx %arg11[%broadcast_in_dim3A_8, %get3A_407], %get3A_1 masked %ne3A_412 : memref<8x4096xf32, #tpu.memory_space<vmem>>[vector<16xi32>, vector<16xi32>], vector<16xf32>, vector<16xi1>
    tpu.vector_store_idx %arg11[%broadcast_in_dim3A_10, %get3A_407], %get3A_1 masked %ne3A_412 : memref<8x4096xf32, #tpu.memory_space<vmem>>[vector<16xi32>, vector<16xi32>], vector<16xf32>, vector<16xi1>
    tpu.vector_store_idx %arg11[%broadcast_in_dim3A_12, %get3A_407], %get3A_1 masked %ne3A_412 : memref<8x4096xf32, #tpu.memory_space<vmem>>[vector<16xi32>, vector<16xi32>], vector<16xf32>, vector<16xi1>
    tpu.vector_store_idx %arg11[%broadcast_in_dim3A_14, %get3A_407], %get3A_1 masked %ne3A_412 : memref<8x4096xf32, #tpu.memory_space<vmem>>[vector<16xi32>, vector<16xi32>], vector<16xf32>, vector<16xi1>
    tpu.vector_store_idx %arg11[%broadcast_in_dim3A_16, %get3A_407], %get3A_1 masked %ne3A_412 : memref<8x4096xf32, #tpu.memory_space<vmem>>[vector<16xi32>, vector<16xi32>], vector<16xf32>, vector<16xi1>
    tpu.vector_store_idx %arg11[%broadcast_in_dim3A_18, %get3A_407], %get3A_1 masked %ne3A_412 : memref<8x4096xf32, #tpu.memory_space<vmem>>[vector<16xi32>, vector<16xi32>], vector<16xf32>, vector<16xi1>
    %get3A_413 = arith.constant 48 : index
    %get3A_414 = tpu.vector_load %arg7[%get3A_413] {strides = array<i32>} : memref<832xi32, #tpu.memory_space<vmem>>, vector<16xi32>,
    %get3A_415 = arith.constant 48 : index
    %get3A_416 = tpu.vector_load %arg8[%get3A_415] {strides = array<i32>} : memref<832xi32, #tpu.memory_space<vmem>>, vector<16xi32>,
    %ne3A_417 = arith.constant 0 : i32
    %ne3A_418 = vector.broadcast %ne3A_417 : i32 to vector<16xi32>
    %ne3A_419 = arith.cmpi ne, %get3A_416, %ne3A_418 : vector<16xi32>
    tpu.vector_store_idx %arg11[%broadcast_in_dim3A_4, %get3A_414], %get3A_1 masked %ne3A_419 : memref<8x4096xf32, #tpu.memory_space<vmem>>[vector<16xi32>, vector<16xi32>], vector<16xf32>, vector<16xi1>
    tpu.vector_store_idx %arg11[%broadcast_in_dim3A_6, %get3A_414], %get3A_1 masked %ne3A_419 : memref<8x4096xf32, #tpu.memory_space<vmem>>[vector<16xi32>, vector<16xi32>], vector<16xf32>, vector<16xi1>
    tpu.vector_store_idx %arg11[%broadcast_in_dim3A_8, %get3A_414], %get3A_1 masked %ne3A_419 : memref<8x4096xf32, #tpu.memory_space<vmem>>[vector<16xi32>, vector<16xi32>], vector<16xf32>, vector<16xi1>
    tpu.vector_store_idx %arg11[%broadcast_in_dim3A_10, %get3A_414], %get3A_1 masked %ne3A_419 : memref<8x4096xf32, #tpu.memory_space<vmem>>[vector<16xi32>, vector<16xi32>], vector<16xf32>, vector<16xi1>
    tpu.vector_store_idx %arg11[%broadcast_in_dim3A_12, %get3A_414], %get3A_1 masked %ne3A_419 : memref<8x4096xf32, #tpu.memory_space<vmem>>[vector<16xi32>, vector<16xi32>], vector<16xf32>, vector<16xi1>
    tpu.vector_store_idx %arg11[%broadcast_in_dim3A_14, %get3A_414], %get3A_1 masked %ne3A_419 : memref<8x4096xf32, #tpu.memory_space<vmem>>[vector<16xi32>, vector<16xi32>], vector<16xf32>, vector<16xi1>
    tpu.vector_store_idx %arg11[%broadcast_in_dim3A_16, %get3A_414], %get3A_1 masked %ne3A_419 : memref<8x4096xf32, #tpu.memory_space<vmem>>[vector<16xi32>, vector<16xi32>], vector<16xf32>, vector<16xi1>
    tpu.vector_store_idx %arg11[%broadcast_in_dim3A_18, %get3A_414], %get3A_1 masked %ne3A_419 : memref<8x4096xf32, #tpu.memory_space<vmem>>[vector<16xi32>, vector<16xi32>], vector<16xf32>, vector<16xi1>
    %get3A_420 = arith.constant 64 : index
    %get3A_421 = tpu.vector_load %arg7[%get3A_420] {strides = array<i32>} : memref<832xi32, #tpu.memory_space<vmem>>, vector<16xi32>,
    %get3A_422 = arith.constant 64 : index
    %get3A_423 = tpu.vector_load %arg8[%get3A_422] {strides = array<i32>} : memref<832xi32, #tpu.memory_space<vmem>>, vector<16xi32>,
    %ne3A_424 = arith.constant 0 : i32
    %ne3A_425 = vector.broadcast %ne3A_424 : i32 to vector<16xi32>
    %ne3A_426 = arith.cmpi ne, %get3A_423, %ne3A_425 : vector<16xi32>
    tpu.vector_store_idx %arg11[%broadcast_in_dim3A_4, %get3A_421], %get3A_1 masked %ne3A_426 : memref<8x4096xf32, #tpu.memory_space<vmem>>[vector<16xi32>, vector<16xi32>], vector<16xf32>, vector<16xi1>
    tpu.vector_store_idx %arg11[%broadcast_in_dim3A_6, %get3A_421], %get3A_1 masked %ne3A_426 : memref<8x4096xf32, #tpu.memory_space<vmem>>[vector<16xi32>, vector<16xi32>], vector<16xf32>, vector<16xi1>
    tpu.vector_store_idx %arg11[%broadcast_in_dim3A_8, %get3A_421], %get3A_1 masked %ne3A_426 : memref<8x4096xf32, #tpu.memory_space<vmem>>[vector<16xi32>, vector<16xi32>], vector<16xf32>, vector<16xi1>
    tpu.vector_store_idx %arg11[%broadcast_in_dim3A_10, %get3A_421], %get3A_1 masked %ne3A_426 : memref<8x4096xf32, #tpu.memory_space<vmem>>[vector<16xi32>, vector<16xi32>], vector<16xf32>, vector<16xi1>
    tpu.vector_store_idx %arg11[%broadcast_in_dim3A_12, %get3A_421], %get3A_1 masked %ne3A_426 : memref<8x4096xf32, #tpu.memory_space<vmem>>[vector<16xi32>, vector<16xi32>], vector<16xf32>, vector<16xi1>
    tpu.vector_store_idx %arg11[%broadcast_in_dim3A_14, %get3A_421], %get3A_1 masked %ne3A_426 : memref<8x4096xf32, #tpu.memory_space<vmem>>[vector<16xi32>, vector<16xi32>], vector<16xf32>, vector<16xi1>
    tpu.vector_store_idx %arg11[%broadcast_in_dim3A_16, %get3A_421], %get3A_1 masked %ne3A_426 : memref<8x4096xf32, #tpu.memory_space<vmem>>[vector<16xi32>, vector<16xi32>], vector<16xf32>, vector<16xi1>
    tpu.vector_store_idx %arg11[%broadcast_in_dim3A_18, %get3A_421], %get3A_1 masked %ne3A_426 : memref<8x4096xf32, #tpu.memory_space<vmem>>[vector<16xi32>, vector<16xi32>], vector<16xf32>, vector<16xi1>
    %get3A_427 = arith.constant 80 : index
    %get3A_428 = tpu.vector_load %arg7[%get3A_427] {strides = array<i32>} : memref<832xi32, #tpu.memory_space<vmem>>, vector<16xi32>,
    %get3A_429 = arith.constant 80 : index
    %get3A_430 = tpu.vector_load %arg8[%get3A_429] {strides = array<i32>} : memref<832xi32, #tpu.memory_space<vmem>>, vector<16xi32>,
    %ne3A_431 = arith.constant 0 : i32
    %ne3A_432 = vector.broadcast %ne3A_431 : i32 to vector<16xi32>
    %ne3A_433 = arith.cmpi ne, %get3A_430, %ne3A_432 : vector<16xi32>
    tpu.vector_store_idx %arg11[%broadcast_in_dim3A_4, %get3A_428], %get3A_1 masked %ne3A_433 : memref<8x4096xf32, #tpu.memory_space<vmem>>[vector<16xi32>, vector<16xi32>], vector<16xf32>, vector<16xi1>
    tpu.vector_store_idx %arg11[%broadcast_in_dim3A_6, %get3A_428], %get3A_1 masked %ne3A_433 : memref<8x4096xf32, #tpu.memory_space<vmem>>[vector<16xi32>, vector<16xi32>], vector<16xf32>, vector<16xi1>
    tpu.vector_store_idx %arg11[%broadcast_in_dim3A_8, %get3A_428], %get3A_1 masked %ne3A_433 : memref<8x4096xf32, #tpu.memory_space<vmem>>[vector<16xi32>, vector<16xi32>], vector<16xf32>, vector<16xi1>
    tpu.vector_store_idx %arg11[%broadcast_in_dim3A_10, %get3A_428], %get3A_1 masked %ne3A_433 : memref<8x4096xf32, #tpu.memory_space<vmem>>[vector<16xi32>, vector<16xi32>], vector<16xf32>, vector<16xi1>
    tpu.vector_store_idx %arg11[%broadcast_in_dim3A_12, %get3A_428], %get3A_1 masked %ne3A_433 : memref<8x4096xf32, #tpu.memory_space<vmem>>[vector<16xi32>, vector<16xi32>], vector<16xf32>, vector<16xi1>
    tpu.vector_store_idx %arg11[%broadcast_in_dim3A_14, %get3A_428], %get3A_1 masked %ne3A_433 : memref<8x4096xf32, #tpu.memory_space<vmem>>[vector<16xi32>, vector<16xi32>], vector<16xf32>, vector<16xi1>
    tpu.vector_store_idx %arg11[%broadcast_in_dim3A_16, %get3A_428], %get3A_1 masked %ne3A_433 : memref<8x4096xf32, #tpu.memory_space<vmem>>[vector<16xi32>, vector<16xi32>], vector<16xf32>, vector<16xi1>
    tpu.vector_store_idx %arg11[%broadcast_in_dim3A_18, %get3A_428], %get3A_1 masked %ne3A_433 : memref<8x4096xf32, #tpu.memory_space<vmem>>[vector<16xi32>, vector<16xi32>], vector<16xf32>, vector<16xi1>
    %get3A_434 = arith.constant 96 : index
    %get3A_435 = tpu.vector_load %arg7[%get3A_434] {strides = array<i32>} : memref<832xi32, #tpu.memory_space<vmem>>, vector<16xi32>,
    %get3A_436 = arith.constant 96 : index
    %get3A_437 = tpu.vector_load %arg8[%get3A_436] {strides = array<i32>} : memref<832xi32, #tpu.memory_space<vmem>>, vector<16xi32>,
    %ne3A_438 = arith.constant 0 : i32
    %ne3A_439 = vector.broadcast %ne3A_438 : i32 to vector<16xi32>
    %ne3A_440 = arith.cmpi ne, %get3A_437, %ne3A_439 : vector<16xi32>
    tpu.vector_store_idx %arg11[%broadcast_in_dim3A_4, %get3A_435], %get3A_1 masked %ne3A_440 : memref<8x4096xf32, #tpu.memory_space<vmem>>[vector<16xi32>, vector<16xi32>], vector<16xf32>, vector<16xi1>
    tpu.vector_store_idx %arg11[%broadcast_in_dim3A_6, %get3A_435], %get3A_1 masked %ne3A_440 : memref<8x4096xf32, #tpu.memory_space<vmem>>[vector<16xi32>, vector<16xi32>], vector<16xf32>, vector<16xi1>
    tpu.vector_store_idx %arg11[%broadcast_in_dim3A_8, %get3A_435], %get3A_1 masked %ne3A_440 : memref<8x4096xf32, #tpu.memory_space<vmem>>[vector<16xi32>, vector<16xi32>], vector<16xf32>, vector<16xi1>
    tpu.vector_store_idx %arg11[%broadcast_in_dim3A_10, %get3A_435], %get3A_1 masked %ne3A_440 : memref<8x4096xf32, #tpu.memory_space<vmem>>[vector<16xi32>, vector<16xi32>], vector<16xf32>, vector<16xi1>
    tpu.vector_store_idx %arg11[%broadcast_in_dim3A_12, %get3A_435], %get3A_1 masked %ne3A_440 : memref<8x4096xf32, #tpu.memory_space<vmem>>[vector<16xi32>, vector<16xi32>], vector<16xf32>, vector<16xi1>
    tpu.vector_store_idx %arg11[%broadcast_in_dim3A_14, %get3A_435], %get3A_1 masked %ne3A_440 : memref<8x4096xf32, #tpu.memory_space<vmem>>[vector<16xi32>, vector<16xi32>], vector<16xf32>, vector<16xi1>
    tpu.vector_store_idx %arg11[%broadcast_in_dim3A_16, %get3A_435], %get3A_1 masked %ne3A_440 : memref<8x4096xf32, #tpu.memory_space<vmem>>[vector<16xi32>, vector<16xi32>], vector<16xf32>, vector<16xi1>
    tpu.vector_store_idx %arg11[%broadcast_in_dim3A_18, %get3A_435], %get3A_1 masked %ne3A_440 : memref<8x4096xf32, #tpu.memory_space<vmem>>[vector<16xi32>, vector<16xi32>], vector<16xf32>, vector<16xi1>
    %get3A_441 = arith.constant 112 : index
    %get3A_442 = tpu.vector_load %arg7[%get3A_441] {strides = array<i32>} : memref<832xi32, #tpu.memory_space<vmem>>, vector<16xi32>,
    %get3A_443 = arith.constant 112 : index
    %get3A_444 = tpu.vector_load %arg8[%get3A_443] {strides = array<i32>} : memref<832xi32, #tpu.memory_space<vmem>>, vector<16xi32>,
    %ne3A_445 = arith.constant 0 : i32
    %ne3A_446 = vector.broadcast %ne3A_445 : i32 to vector<16xi32>
    %ne3A_447 = arith.cmpi ne, %get3A_444, %ne3A_446 : vector<16xi32>
    tpu.vector_store_idx %arg11[%broadcast_in_dim3A_4, %get3A_442], %get3A_1 masked %ne3A_447 : memref<8x4096xf32, #tpu.memory_space<vmem>>[vector<16xi32>, vector<16xi32>], vector<16xf32>, vector<16xi1>
    tpu.vector_store_idx %arg11[%broadcast_in_dim3A_6, %get3A_442], %get3A_1 masked %ne3A_447 : memref<8x4096xf32, #tpu.memory_space<vmem>>[vector<16xi32>, vector<16xi32>], vector<16xf32>, vector<16xi1>
    tpu.vector_store_idx %arg11[%broadcast_in_dim3A_8, %get3A_442], %get3A_1 masked %ne3A_447 : memref<8x4096xf32, #tpu.memory_space<vmem>>[vector<16xi32>, vector<16xi32>], vector<16xf32>, vector<16xi1>
    tpu.vector_store_idx %arg11[%broadcast_in_dim3A_10, %get3A_442], %get3A_1 masked %ne3A_447 : memref<8x4096xf32, #tpu.memory_space<vmem>>[vector<16xi32>, vector<16xi32>], vector<16xf32>, vector<16xi1>
    tpu.vector_store_idx %arg11[%broadcast_in_dim3A_12, %get3A_442], %get3A_1 masked %ne3A_447 : memref<8x4096xf32, #tpu.memory_space<vmem>>[vector<16xi32>, vector<16xi32>], vector<16xf32>, vector<16xi1>
    tpu.vector_store_idx %arg11[%broadcast_in_dim3A_14, %get3A_442], %get3A_1 masked %ne3A_447 : memref<8x4096xf32, #tpu.memory_space<vmem>>[vector<16xi32>, vector<16xi32>], vector<16xf32>, vector<16xi1>
    tpu.vector_store_idx %arg11[%broadcast_in_dim3A_16, %get3A_442], %get3A_1 masked %ne3A_447 : memref<8x4096xf32, #tpu.memory_space<vmem>>[vector<16xi32>, vector<16xi32>], vector<16xf32>, vector<16xi1>
    tpu.vector_store_idx %arg11[%broadcast_in_dim3A_18, %get3A_442], %get3A_1 masked %ne3A_447 : memref<8x4096xf32, #tpu.memory_space<vmem>>[vector<16xi32>, vector<16xi32>], vector<16xf32>, vector<16xi1>
    %get3A_448 = arith.constant 128 : index
    %get3A_449 = tpu.vector_load %arg7[%get3A_448] {strides = array<i32>} : memref<832xi32, #tpu.memory_space<vmem>>, vector<16xi32>,
    %get3A_450 = arith.constant 128 : index
    %get3A_451 = tpu.vector_load %arg8[%get3A_450] {strides = array<i32>} : memref<832xi32, #tpu.memory_space<vmem>>, vector<16xi32>,
    %ne3A_452 = arith.constant 0 : i32
    %ne3A_453 = vector.broadcast %ne3A_452 : i32 to vector<16xi32>
    %ne3A_454 = arith.cmpi ne, %get3A_451, %ne3A_453 : vector<16xi32>
    tpu.vector_store_idx %arg11[%broadcast_in_dim3A_4, %get3A_449], %get3A_1 masked %ne3A_454 : memref<8x4096xf32, #tpu.memory_space<vmem>>[vector<16xi32>, vector<16xi32>], vector<16xf32>, vector<16xi1>
    tpu.vector_store_idx %arg11[%broadcast_in_dim3A_6, %get3A_449], %get3A_1 masked %ne3A_454 : memref<8x4096xf32, #tpu.memory_space<vmem>>[vector<16xi32>, vector<16xi32>], vector<16xf32>, vector<16xi1>
    tpu.vector_store_idx %arg11[%broadcast_in_dim3A_8, %get3A_449], %get3A_1 masked %ne3A_454 : memref<8x4096xf32, #tpu.memory_space<vmem>>[vector<16xi32>, vector<16xi32>], vector<16xf32>, vector<16xi1>
    tpu.vector_store_idx %arg11[%broadcast_in_dim3A_10, %get3A_449], %get3A_1 masked %ne3A_454 : memref<8x4096xf32, #tpu.memory_space<vmem>>[vector<16xi32>, vector<16xi32>], vector<16xf32>, vector<16xi1>
    tpu.vector_store_idx %arg11[%broadcast_in_dim3A_12, %get3A_449], %get3A_1 masked %ne3A_454 : memref<8x4096xf32, #tpu.memory_space<vmem>>[vector<16xi32>, vector<16xi32>], vector<16xf32>, vector<16xi1>
    tpu.vector_store_idx %arg11[%broadcast_in_dim3A_14, %get3A_449], %get3A_1 masked %ne3A_454 : memref<8x4096xf32, #tpu.memory_space<vmem>>[vector<16xi32>, vector<16xi32>], vector<16xf32>, vector<16xi1>
    tpu.vector_store_idx %arg11[%broadcast_in_dim3A_16, %get3A_449], %get3A_1 masked %ne3A_454 : memref<8x4096xf32, #tpu.memory_space<vmem>>[vector<16xi32>, vector<16xi32>], vector<16xf32>, vector<16xi1>
    tpu.vector_store_idx %arg11[%broadcast_in_dim3A_18, %get3A_449], %get3A_1 masked %ne3A_454 : memref<8x4096xf32, #tpu.memory_space<vmem>>[vector<16xi32>, vector<16xi32>], vector<16xf32>, vector<16xi1>
    %get3A_455 = arith.constant 144 : index
    %get3A_456 = tpu.vector_load %arg7[%get3A_455] {strides = array<i32>} : memref<832xi32, #tpu.memory_space<vmem>>, vector<16xi32>,
    %get3A_457 = arith.constant 144 : index
    %get3A_458 = tpu.vector_load %arg8[%get3A_457] {strides = array<i32>} : memref<832xi32, #tpu.memory_space<vmem>>, vector<16xi32>,
    %ne3A_459 = arith.constant 0 : i32
    %ne3A_460 = vector.broadcast %ne3A_459 : i32 to vector<16xi32>
    %ne3A_461 = arith.cmpi ne, %get3A_458, %ne3A_460 : vector<16xi32>
    tpu.vector_store_idx %arg11[%broadcast_in_dim3A_4, %get3A_456], %get3A_1 masked %ne3A_461 : memref<8x4096xf32, #tpu.memory_space<vmem>>[vector<16xi32>, vector<16xi32>], vector<16xf32>, vector<16xi1>
    tpu.vector_store_idx %arg11[%broadcast_in_dim3A_6, %get3A_456], %get3A_1 masked %ne3A_461 : memref<8x4096xf32, #tpu.memory_space<vmem>>[vector<16xi32>, vector<16xi32>], vector<16xf32>, vector<16xi1>
    tpu.vector_store_idx %arg11[%broadcast_in_dim3A_8, %get3A_456], %get3A_1 masked %ne3A_461 : memref<8x4096xf32, #tpu.memory_space<vmem>>[vector<16xi32>, vector<16xi32>], vector<16xf32>, vector<16xi1>
    tpu.vector_store_idx %arg11[%broadcast_in_dim3A_10, %get3A_456], %get3A_1 masked %ne3A_461 : memref<8x4096xf32, #tpu.memory_space<vmem>>[vector<16xi32>, vector<16xi32>], vector<16xf32>, vector<16xi1>
    tpu.vector_store_idx %arg11[%broadcast_in_dim3A_12, %get3A_456], %get3A_1 masked %ne3A_461 : memref<8x4096xf32, #tpu.memory_space<vmem>>[vector<16xi32>, vector<16xi32>], vector<16xf32>, vector<16xi1>
    tpu.vector_store_idx %arg11[%broadcast_in_dim3A_14, %get3A_456], %get3A_1 masked %ne3A_461 : memref<8x4096xf32, #tpu.memory_space<vmem>>[vector<16xi32>, vector<16xi32>], vector<16xf32>, vector<16xi1>
    tpu.vector_store_idx %arg11[%broadcast_in_dim3A_16, %get3A_456], %get3A_1 masked %ne3A_461 : memref<8x4096xf32, #tpu.memory_space<vmem>>[vector<16xi32>, vector<16xi32>], vector<16xf32>, vector<16xi1>
    tpu.vector_store_idx %arg11[%broadcast_in_dim3A_18, %get3A_456], %get3A_1 masked %ne3A_461 : memref<8x4096xf32, #tpu.memory_space<vmem>>[vector<16xi32>, vector<16xi32>], vector<16xf32>, vector<16xi1>
    %get3A_462 = arith.constant 160 : index
    %get3A_463 = tpu.vector_load %arg7[%get3A_462] {strides = array<i32>} : memref<832xi32, #tpu.memory_space<vmem>>, vector<16xi32>,
    %get3A_464 = arith.constant 160 : index
    %get3A_465 = tpu.vector_load %arg8[%get3A_464] {strides = array<i32>} : memref<832xi32, #tpu.memory_space<vmem>>, vector<16xi32>,
    %ne3A_466 = arith.constant 0 : i32
    %ne3A_467 = vector.broadcast %ne3A_466 : i32 to vector<16xi32>
    %ne3A_468 = arith.cmpi ne, %get3A_465, %ne3A_467 : vector<16xi32>
    tpu.vector_store_idx %arg11[%broadcast_in_dim3A_4, %get3A_463], %get3A_1 masked %ne3A_468 : memref<8x4096xf32, #tpu.memory_space<vmem>>[vector<16xi32>, vector<16xi32>], vector<16xf32>, vector<16xi1>
    tpu.vector_store_idx %arg11[%broadcast_in_dim3A_6, %get3A_463], %get3A_1 masked %ne3A_468 : memref<8x4096xf32, #tpu.memory_space<vmem>>[vector<16xi32>, vector<16xi32>], vector<16xf32>, vector<16xi1>
    tpu.vector_store_idx %arg11[%broadcast_in_dim3A_8, %get3A_463], %get3A_1 masked %ne3A_468 : memref<8x4096xf32, #tpu.memory_space<vmem>>[vector<16xi32>, vector<16xi32>], vector<16xf32>, vector<16xi1>
    tpu.vector_store_idx %arg11[%broadcast_in_dim3A_10, %get3A_463], %get3A_1 masked %ne3A_468 : memref<8x4096xf32, #tpu.memory_space<vmem>>[vector<16xi32>, vector<16xi32>], vector<16xf32>, vector<16xi1>
    tpu.vector_store_idx %arg11[%broadcast_in_dim3A_12, %get3A_463], %get3A_1 masked %ne3A_468 : memref<8x4096xf32, #tpu.memory_space<vmem>>[vector<16xi32>, vector<16xi32>], vector<16xf32>, vector<16xi1>
    tpu.vector_store_idx %arg11[%broadcast_in_dim3A_14, %get3A_463], %get3A_1 masked %ne3A_468 : memref<8x4096xf32, #tpu.memory_space<vmem>>[vector<16xi32>, vector<16xi32>], vector<16xf32>, vector<16xi1>
    tpu.vector_store_idx %arg11[%broadcast_in_dim3A_16, %get3A_463], %get3A_1 masked %ne3A_468 : memref<8x4096xf32, #tpu.memory_space<vmem>>[vector<16xi32>, vector<16xi32>], vector<16xf32>, vector<16xi1>
    tpu.vector_store_idx %arg11[%broadcast_in_dim3A_18, %get3A_463], %get3A_1 masked %ne3A_468 : memref<8x4096xf32, #tpu.memory_space<vmem>>[vector<16xi32>, vector<16xi32>], vector<16xf32>, vector<16xi1>
    %get3A_469 = arith.constant 176 : index
    %get3A_470 = tpu.vector_load %arg7[%get3A_469] {strides = array<i32>} : memref<832xi32, #tpu.memory_space<vmem>>, vector<16xi32>,
    %get3A_471 = arith.constant 176 : index
    %get3A_472 = tpu.vector_load %arg8[%get3A_471] {strides = array<i32>} : memref<832xi32, #tpu.memory_space<vmem>>, vector<16xi32>,
    %ne3A_473 = arith.constant 0 : i32
    %ne3A_474 = vector.broadcast %ne3A_473 : i32 to vector<16xi32>
    %ne3A_475 = arith.cmpi ne, %get3A_472, %ne3A_474 : vector<16xi32>
    tpu.vector_store_idx %arg11[%broadcast_in_dim3A_4, %get3A_470], %get3A_1 masked %ne3A_475 : memref<8x4096xf32, #tpu.memory_space<vmem>>[vector<16xi32>, vector<16xi32>], vector<16xf32>, vector<16xi1>
    tpu.vector_store_idx %arg11[%broadcast_in_dim3A_6, %get3A_470], %get3A_1 masked %ne3A_475 : memref<8x4096xf32, #tpu.memory_space<vmem>>[vector<16xi32>, vector<16xi32>], vector<16xf32>, vector<16xi1>
    tpu.vector_store_idx %arg11[%broadcast_in_dim3A_8, %get3A_470], %get3A_1 masked %ne3A_475 : memref<8x4096xf32, #tpu.memory_space<vmem>>[vector<16xi32>, vector<16xi32>], vector<16xf32>, vector<16xi1>
    tpu.vector_store_idx %arg11[%broadcast_in_dim3A_10, %get3A_470], %get3A_1 masked %ne3A_475 : memref<8x4096xf32, #tpu.memory_space<vmem>>[vector<16xi32>, vector<16xi32>], vector<16xf32>, vector<16xi1>
    tpu.vector_store_idx %arg11[%broadcast_in_dim3A_12, %get3A_470], %get3A_1 masked %ne3A_475 : memref<8x4096xf32, #tpu.memory_space<vmem>>[vector<16xi32>, vector<16xi32>], vector<16xf32>, vector<16xi1>
    tpu.vector_store_idx %arg11[%broadcast_in_dim3A_14, %get3A_470], %get3A_1 masked %ne3A_475 : memref<8x4096xf32, #tpu.memory_space<vmem>>[vector<16xi32>, vector<16xi32>], vector<16xf32>, vector<16xi1>
    tpu.vector_store_idx %arg11[%broadcast_in_dim3A_16, %get3A_470], %get3A_1 masked %ne3A_475 : memref<8x4096xf32, #tpu.memory_space<vmem>>[vector<16xi32>, vector<16xi32>], vector<16xf32>, vector<16xi1>
    tpu.vector_store_idx %arg11[%broadcast_in_dim3A_18, %get3A_470], %get3A_1 masked %ne3A_475 : memref<8x4096xf32, #tpu.memory_space<vmem>>[vector<16xi32>, vector<16xi32>], vector<16xf32>, vector<16xi1>
    %get3A_476 = arith.constant 192 : index
    %get3A_477 = tpu.vector_load %arg7[%get3A_476] {strides = array<i32>} : memref<832xi32, #tpu.memory_space<vmem>>, vector<16xi32>,
    %get3A_478 = arith.constant 192 : index
    %get3A_479 = tpu.vector_load %arg8[%get3A_478] {strides = array<i32>} : memref<832xi32, #tpu.memory_space<vmem>>, vector<16xi32>,
    %ne3A_480 = arith.constant 0 : i32
    %ne3A_481 = vector.broadcast %ne3A_480 : i32 to vector<16xi32>
    %ne3A_482 = arith.cmpi ne, %get3A_479, %ne3A_481 : vector<16xi32>
    tpu.vector_store_idx %arg11[%broadcast_in_dim3A_4, %get3A_477], %get3A_1 masked %ne3A_482 : memref<8x4096xf32, #tpu.memory_space<vmem>>[vector<16xi32>, vector<16xi32>], vector<16xf32>, vector<16xi1>
    tpu.vector_store_idx %arg11[%broadcast_in_dim3A_6, %get3A_477], %get3A_1 masked %ne3A_482 : memref<8x4096xf32, #tpu.memory_space<vmem>>[vector<16xi32>, vector<16xi32>], vector<16xf32>, vector<16xi1>
    tpu.vector_store_idx %arg11[%broadcast_in_dim3A_8, %get3A_477], %get3A_1 masked %ne3A_482 : memref<8x4096xf32, #tpu.memory_space<vmem>>[vector<16xi32>, vector<16xi32>], vector<16xf32>, vector<16xi1>
    tpu.vector_store_idx %arg11[%broadcast_in_dim3A_10, %get3A_477], %get3A_1 masked %ne3A_482 : memref<8x4096xf32, #tpu.memory_space<vmem>>[vector<16xi32>, vector<16xi32>], vector<16xf32>, vector<16xi1>
    tpu.vector_store_idx %arg11[%broadcast_in_dim3A_12, %get3A_477], %get3A_1 masked %ne3A_482 : memref<8x4096xf32, #tpu.memory_space<vmem>>[vector<16xi32>, vector<16xi32>], vector<16xf32>, vector<16xi1>
    tpu.vector_store_idx %arg11[%broadcast_in_dim3A_14, %get3A_477], %get3A_1 masked %ne3A_482 : memref<8x4096xf32, #tpu.memory_space<vmem>>[vector<16xi32>, vector<16xi32>], vector<16xf32>, vector<16xi1>
    tpu.vector_store_idx %arg11[%broadcast_in_dim3A_16, %get3A_477], %get3A_1 masked %ne3A_482 : memref<8x4096xf32, #tpu.memory_space<vmem>>[vector<16xi32>, vector<16xi32>], vector<16xf32>, vector<16xi1>
    tpu.vector_store_idx %arg11[%broadcast_in_dim3A_18, %get3A_477], %get3A_1 masked %ne3A_482 : memref<8x4096xf32, #tpu.memory_space<vmem>>[vector<16xi32>, vector<16xi32>], vector<16xf32>, vector<16xi1>
    %get3A_483 = arith.constant 208 : index
    %get3A_484 = tpu.vector_load %arg7[%get3A_483] {strides = array<i32>} : memref<832xi32, #tpu.memory_space<vmem>>, vector<16xi32>,
    %get3A_485 = arith.constant 208 : index
    %get3A_486 = tpu.vector_load %arg8[%get3A_485] {strides = array<i32>} : memref<832xi32, #tpu.memory_space<vmem>>, vector<16xi32>,
    %ne3A_487 = arith.constant 0 : i32
    %ne3A_488 = vector.broadcast %ne3A_487 : i32 to vector<16xi32>
    %ne3A_489 = arith.cmpi ne, %get3A_486, %ne3A_488 : vector<16xi32>
    tpu.vector_store_idx %arg11[%broadcast_in_dim3A_4, %get3A_484], %get3A_1 masked %ne3A_489 : memref<8x4096xf32, #tpu.memory_space<vmem>>[vector<16xi32>, vector<16xi32>], vector<16xf32>, vector<16xi1>
    tpu.vector_store_idx %arg11[%broadcast_in_dim3A_6, %get3A_484], %get3A_1 masked %ne3A_489 : memref<8x4096xf32, #tpu.memory_space<vmem>>[vector<16xi32>, vector<16xi32>], vector<16xf32>, vector<16xi1>
    tpu.vector_store_idx %arg11[%broadcast_in_dim3A_8, %get3A_484], %get3A_1 masked %ne3A_489 : memref<8x4096xf32, #tpu.memory_space<vmem>>[vector<16xi32>, vector<16xi32>], vector<16xf32>, vector<16xi1>
    tpu.vector_store_idx %arg11[%broadcast_in_dim3A_10, %get3A_484], %get3A_1 masked %ne3A_489 : memref<8x4096xf32, #tpu.memory_space<vmem>>[vector<16xi32>, vector<16xi32>], vector<16xf32>, vector<16xi1>
    tpu.vector_store_idx %arg11[%broadcast_in_dim3A_12, %get3A_484], %get3A_1 masked %ne3A_489 : memref<8x4096xf32, #tpu.memory_space<vmem>>[vector<16xi32>, vector<16xi32>], vector<16xf32>, vector<16xi1>
    tpu.vector_store_idx %arg11[%broadcast_in_dim3A_14, %get3A_484], %get3A_1 masked %ne3A_489 : memref<8x4096xf32, #tpu.memory_space<vmem>>[vector<16xi32>, vector<16xi32>], vector<16xf32>, vector<16xi1>
    tpu.vector_store_idx %arg11[%broadcast_in_dim3A_16, %get3A_484], %get3A_1 masked %ne3A_489 : memref<8x4096xf32, #tpu.memory_space<vmem>>[vector<16xi32>, vector<16xi32>], vector<16xf32>, vector<16xi1>
    tpu.vector_store_idx %arg11[%broadcast_in_dim3A_18, %get3A_484], %get3A_1 masked %ne3A_489 : memref<8x4096xf32, #tpu.memory_space<vmem>>[vector<16xi32>, vector<16xi32>], vector<16xf32>, vector<16xi1>
    %get3A_490 = arith.constant 224 : index
    %get3A_491 = tpu.vector_load %arg7[%get3A_490] {strides = array<i32>} : memref<832xi32, #tpu.memory_space<vmem>>, vector<16xi32>,
    %get3A_492 = arith.constant 224 : index
    %get3A_493 = tpu.vector_load %arg8[%get3A_492] {strides = array<i32>} : memref<832xi32, #tpu.memory_space<vmem>>, vector<16xi32>,
    %ne3A_494 = arith.constant 0 : i32
    %ne3A_495 = vector.broadcast %ne3A_494 : i32 to vector<16xi32>
    %ne3A_496 = arith.cmpi ne, %get3A_493, %ne3A_495 : vector<16xi32>
    tpu.vector_store_idx %arg11[%broadcast_in_dim3A_4, %get3A_491], %get3A_1 masked %ne3A_496 : memref<8x4096xf32, #tpu.memory_space<vmem>>[vector<16xi32>, vector<16xi32>], vector<16xf32>, vector<16xi1>
    tpu.vector_store_idx %arg11[%broadcast_in_dim3A_6, %get3A_491], %get3A_1 masked %ne3A_496 : memref<8x4096xf32, #tpu.memory_space<vmem>>[vector<16xi32>, vector<16xi32>], vector<16xf32>, vector<16xi1>
    tpu.vector_store_idx %arg11[%broadcast_in_dim3A_8, %get3A_491], %get3A_1 masked %ne3A_496 : memref<8x4096xf32, #tpu.memory_space<vmem>>[vector<16xi32>, vector<16xi32>], vector<16xf32>, vector<16xi1>
    tpu.vector_store_idx %arg11[%broadcast_in_dim3A_10, %get3A_491], %get3A_1 masked %ne3A_496 : memref<8x4096xf32, #tpu.memory_space<vmem>>[vector<16xi32>, vector<16xi32>], vector<16xf32>, vector<16xi1>
    tpu.vector_store_idx %arg11[%broadcast_in_dim3A_12, %get3A_491], %get3A_1 masked %ne3A_496 : memref<8x4096xf32, #tpu.memory_space<vmem>>[vector<16xi32>, vector<16xi32>], vector<16xf32>, vector<16xi1>
    tpu.vector_store_idx %arg11[%broadcast_in_dim3A_14, %get3A_491], %get3A_1 masked %ne3A_496 : memref<8x4096xf32, #tpu.memory_space<vmem>>[vector<16xi32>, vector<16xi32>], vector<16xf32>, vector<16xi1>
    tpu.vector_store_idx %arg11[%broadcast_in_dim3A_16, %get3A_491], %get3A_1 masked %ne3A_496 : memref<8x4096xf32, #tpu.memory_space<vmem>>[vector<16xi32>, vector<16xi32>], vector<16xf32>, vector<16xi1>
    tpu.vector_store_idx %arg11[%broadcast_in_dim3A_18, %get3A_491], %get3A_1 masked %ne3A_496 : memref<8x4096xf32, #tpu.memory_space<vmem>>[vector<16xi32>, vector<16xi32>], vector<16xf32>, vector<16xi1>
    %get3A_497 = arith.constant 240 : index
    %get3A_498 = tpu.vector_load %arg7[%get3A_497] {strides = array<i32>} : memref<832xi32, #tpu.memory_space<vmem>>, vector<16xi32>,
    %get3A_499 = arith.constant 240 : index
    %get3A_500 = tpu.vector_load %arg8[%get3A_499] {strides = array<i32>} : memref<832xi32, #tpu.memory_space<vmem>>, vector<16xi32>,
    %ne3A_501 = arith.constant 0 : i32
    %ne3A_502 = vector.broadcast %ne3A_501 : i32 to vector<16xi32>
    %ne3A_503 = arith.cmpi ne, %get3A_500, %ne3A_502 : vector<16xi32>
    tpu.vector_store_idx %arg11[%broadcast_in_dim3A_4, %get3A_498], %get3A_1 masked %ne3A_503 : memref<8x4096xf32, #tpu.memory_space<vmem>>[vector<16xi32>, vector<16xi32>], vector<16xf32>, vector<16xi1>
    tpu.vector_store_idx %arg11[%broadcast_in_dim3A_6, %get3A_498], %get3A_1 masked %ne3A_503 : memref<8x4096xf32, #tpu.memory_space<vmem>>[vector<16xi32>, vector<16xi32>], vector<16xf32>, vector<16xi1>
    tpu.vector_store_idx %arg11[%broadcast_in_dim3A_8, %get3A_498], %get3A_1 masked %ne3A_503 : memref<8x4096xf32, #tpu.memory_space<vmem>>[vector<16xi32>, vector<16xi32>], vector<16xf32>, vector<16xi1>
    tpu.vector_store_idx %arg11[%broadcast_in_dim3A_10, %get3A_498], %get3A_1 masked %ne3A_503 : memref<8x4096xf32, #tpu.memory_space<vmem>>[vector<16xi32>, vector<16xi32>], vector<16xf32>, vector<16xi1>
    tpu.vector_store_idx %arg11[%broadcast_in_dim3A_12, %get3A_498], %get3A_1 masked %ne3A_503 : memref<8x4096xf32, #tpu.memory_space<vmem>>[vector<16xi32>, vector<16xi32>], vector<16xf32>, vector<16xi1>
    tpu.vector_store_idx %arg11[%broadcast_in_dim3A_14, %get3A_498], %get3A_1 masked %ne3A_503 : memref<8x4096xf32, #tpu.memory_space<vmem>>[vector<16xi32>, vector<16xi32>], vector<16xf32>, vector<16xi1>
    tpu.vector_store_idx %arg11[%broadcast_in_dim3A_16, %get3A_498], %get3A_1 masked %ne3A_503 : memref<8x4096xf32, #tpu.memory_space<vmem>>[vector<16xi32>, vector<16xi32>], vector<16xf32>, vector<16xi1>
    tpu.vector_store_idx %arg11[%broadcast_in_dim3A_18, %get3A_498], %get3A_1 masked %ne3A_503 : memref<8x4096xf32, #tpu.memory_space<vmem>>[vector<16xi32>, vector<16xi32>], vector<16xf32>, vector<16xi1>
    %get3A_504 = arith.constant 256 : index
    %get3A_505 = tpu.vector_load %arg7[%get3A_504] {strides = array<i32>} : memref<832xi32, #tpu.memory_space<vmem>>, vector<16xi32>,
    %get3A_506 = arith.constant 256 : index
    %get3A_507 = tpu.vector_load %arg8[%get3A_506] {strides = array<i32>} : memref<832xi32, #tpu.memory_space<vmem>>, vector<16xi32>,
    %ne3A_508 = arith.constant 0 : i32
    %ne3A_509 = vector.broadcast %ne3A_508 : i32 to vector<16xi32>
    %ne3A_510 = arith.cmpi ne, %get3A_507, %ne3A_509 : vector<16xi32>
    tpu.vector_store_idx %arg11[%broadcast_in_dim3A_4, %get3A_505], %get3A_1 masked %ne3A_510 : memref<8x4096xf32, #tpu.memory_space<vmem>>[vector<16xi32>, vector<16xi32>], vector<16xf32>, vector<16xi1>
    tpu.vector_store_idx %arg11[%broadcast_in_dim3A_6, %get3A_505], %get3A_1 masked %ne3A_510 : memref<8x4096xf32, #tpu.memory_space<vmem>>[vector<16xi32>, vector<16xi32>], vector<16xf32>, vector<16xi1>
    tpu.vector_store_idx %arg11[%broadcast_in_dim3A_8, %get3A_505], %get3A_1 masked %ne3A_510 : memref<8x4096xf32, #tpu.memory_space<vmem>>[vector<16xi32>, vector<16xi32>], vector<16xf32>, vector<16xi1>
    tpu.vector_store_idx %arg11[%broadcast_in_dim3A_10, %get3A_505], %get3A_1 masked %ne3A_510 : memref<8x4096xf32, #tpu.memory_space<vmem>>[vector<16xi32>, vector<16xi32>], vector<16xf32>, vector<16xi1>
    tpu.vector_store_idx %arg11[%broadcast_in_dim3A_12, %get3A_505], %get3A_1 masked %ne3A_510 : memref<8x4096xf32, #tpu.memory_space<vmem>>[vector<16xi32>, vector<16xi32>], vector<16xf32>, vector<16xi1>
    tpu.vector_store_idx %arg11[%broadcast_in_dim3A_14, %get3A_505], %get3A_1 masked %ne3A_510 : memref<8x4096xf32, #tpu.memory_space<vmem>>[vector<16xi32>, vector<16xi32>], vector<16xf32>, vector<16xi1>
    tpu.vector_store_idx %arg11[%broadcast_in_dim3A_16, %get3A_505], %get3A_1 masked %ne3A_510 : memref<8x4096xf32, #tpu.memory_space<vmem>>[vector<16xi32>, vector<16xi32>], vector<16xf32>, vector<16xi1>
    tpu.vector_store_idx %arg11[%broadcast_in_dim3A_18, %get3A_505], %get3A_1 masked %ne3A_510 : memref<8x4096xf32, #tpu.memory_space<vmem>>[vector<16xi32>, vector<16xi32>], vector<16xf32>, vector<16xi1>
    %get3A_511 = arith.constant 272 : index
    %get3A_512 = tpu.vector_load %arg7[%get3A_511] {strides = array<i32>} : memref<832xi32, #tpu.memory_space<vmem>>, vector<16xi32>,
    %get3A_513 = arith.constant 272 : index
    %get3A_514 = tpu.vector_load %arg8[%get3A_513] {strides = array<i32>} : memref<832xi32, #tpu.memory_space<vmem>>, vector<16xi32>,
    %ne3A_515 = arith.constant 0 : i32
    %ne3A_516 = vector.broadcast %ne3A_515 : i32 to vector<16xi32>
    %ne3A_517 = arith.cmpi ne, %get3A_514, %ne3A_516 : vector<16xi32>
    tpu.vector_store_idx %arg11[%broadcast_in_dim3A_4, %get3A_512], %get3A_1 masked %ne3A_517 : memref<8x4096xf32, #tpu.memory_space<vmem>>[vector<16xi32>, vector<16xi32>], vector<16xf32>, vector<16xi1>
    tpu.vector_store_idx %arg11[%broadcast_in_dim3A_6, %get3A_512], %get3A_1 masked %ne3A_517 : memref<8x4096xf32, #tpu.memory_space<vmem>>[vector<16xi32>, vector<16xi32>], vector<16xf32>, vector<16xi1>
    tpu.vector_store_idx %arg11[%broadcast_in_dim3A_8, %get3A_512], %get3A_1 masked %ne3A_517 : memref<8x4096xf32, #tpu.memory_space<vmem>>[vector<16xi32>, vector<16xi32>], vector<16xf32>, vector<16xi1>
    tpu.vector_store_idx %arg11[%broadcast_in_dim3A_10, %get3A_512], %get3A_1 masked %ne3A_517 : memref<8x4096xf32, #tpu.memory_space<vmem>>[vector<16xi32>, vector<16xi32>], vector<16xf32>, vector<16xi1>
    tpu.vector_store_idx %arg11[%broadcast_in_dim3A_12, %get3A_512], %get3A_1 masked %ne3A_517 : memref<8x4096xf32, #tpu.memory_space<vmem>>[vector<16xi32>, vector<16xi32>], vector<16xf32>, vector<16xi1>
    tpu.vector_store_idx %arg11[%broadcast_in_dim3A_14, %get3A_512], %get3A_1 masked %ne3A_517 : memref<8x4096xf32, #tpu.memory_space<vmem>>[vector<16xi32>, vector<16xi32>], vector<16xf32>, vector<16xi1>
    tpu.vector_store_idx %arg11[%broadcast_in_dim3A_16, %get3A_512], %get3A_1 masked %ne3A_517 : memref<8x4096xf32, #tpu.memory_space<vmem>>[vector<16xi32>, vector<16xi32>], vector<16xf32>, vector<16xi1>
    tpu.vector_store_idx %arg11[%broadcast_in_dim3A_18, %get3A_512], %get3A_1 masked %ne3A_517 : memref<8x4096xf32, #tpu.memory_space<vmem>>[vector<16xi32>, vector<16xi32>], vector<16xf32>, vector<16xi1>
    %get3A_518 = arith.constant 288 : index
    %get3A_519 = tpu.vector_load %arg7[%get3A_518] {strides = array<i32>} : memref<832xi32, #tpu.memory_space<vmem>>, vector<16xi32>,
    %get3A_520 = arith.constant 288 : index
    %get3A_521 = tpu.vector_load %arg8[%get3A_520] {strides = array<i32>} : memref<832xi32, #tpu.memory_space<vmem>>, vector<16xi32>,
    %ne3A_522 = arith.constant 0 : i32
    %ne3A_523 = vector.broadcast %ne3A_522 : i32 to vector<16xi32>
    %ne3A_524 = arith.cmpi ne, %get3A_521, %ne3A_523 : vector<16xi32>
    tpu.vector_store_idx %arg11[%broadcast_in_dim3A_4, %get3A_519], %get3A_1 masked %ne3A_524 : memref<8x4096xf32, #tpu.memory_space<vmem>>[vector<16xi32>, vector<16xi32>], vector<16xf32>, vector<16xi1>
    tpu.vector_store_idx %arg11[%broadcast_in_dim3A_6, %get3A_519], %get3A_1 masked %ne3A_524 : memref<8x4096xf32, #tpu.memory_space<vmem>>[vector<16xi32>, vector<16xi32>], vector<16xf32>, vector<16xi1>
    tpu.vector_store_idx %arg11[%broadcast_in_dim3A_8, %get3A_519], %get3A_1 masked %ne3A_524 : memref<8x4096xf32, #tpu.memory_space<vmem>>[vector<16xi32>, vector<16xi32>], vector<16xf32>, vector<16xi1>
    tpu.vector_store_idx %arg11[%broadcast_in_dim3A_10, %get3A_519], %get3A_1 masked %ne3A_524 : memref<8x4096xf32, #tpu.memory_space<vmem>>[vector<16xi32>, vector<16xi32>], vector<16xf32>, vector<16xi1>
    tpu.vector_store_idx %arg11[%broadcast_in_dim3A_12, %get3A_519], %get3A_1 masked %ne3A_524 : memref<8x4096xf32, #tpu.memory_space<vmem>>[vector<16xi32>, vector<16xi32>], vector<16xf32>, vector<16xi1>
    tpu.vector_store_idx %arg11[%broadcast_in_dim3A_14, %get3A_519], %get3A_1 masked %ne3A_524 : memref<8x4096xf32, #tpu.memory_space<vmem>>[vector<16xi32>, vector<16xi32>], vector<16xf32>, vector<16xi1>
    tpu.vector_store_idx %arg11[%broadcast_in_dim3A_16, %get3A_519], %get3A_1 masked %ne3A_524 : memref<8x4096xf32, #tpu.memory_space<vmem>>[vector<16xi32>, vector<16xi32>], vector<16xf32>, vector<16xi1>
    tpu.vector_store_idx %arg11[%broadcast_in_dim3A_18, %get3A_519], %get3A_1 masked %ne3A_524 : memref<8x4096xf32, #tpu.memory_space<vmem>>[vector<16xi32>, vector<16xi32>], vector<16xf32>, vector<16xi1>
    %get3A_525 = arith.constant 304 : index
    %get3A_526 = tpu.vector_load %arg7[%get3A_525] {strides = array<i32>} : memref<832xi32, #tpu.memory_space<vmem>>, vector<16xi32>,
    %get3A_527 = arith.constant 304 : index
    %get3A_528 = tpu.vector_load %arg8[%get3A_527] {strides = array<i32>} : memref<832xi32, #tpu.memory_space<vmem>>, vector<16xi32>,
    %ne3A_529 = arith.constant 0 : i32
    %ne3A_530 = vector.broadcast %ne3A_529 : i32 to vector<16xi32>
    %ne3A_531 = arith.cmpi ne, %get3A_528, %ne3A_530 : vector<16xi32>
    tpu.vector_store_idx %arg11[%broadcast_in_dim3A_4, %get3A_526], %get3A_1 masked %ne3A_531 : memref<8x4096xf32, #tpu.memory_space<vmem>>[vector<16xi32>, vector<16xi32>], vector<16xf32>, vector<16xi1>
    tpu.vector_store_idx %arg11[%broadcast_in_dim3A_6, %get3A_526], %get3A_1 masked %ne3A_531 : memref<8x4096xf32, #tpu.memory_space<vmem>>[vector<16xi32>, vector<16xi32>], vector<16xf32>, vector<16xi1>
    tpu.vector_store_idx %arg11[%broadcast_in_dim3A_8, %get3A_526], %get3A_1 masked %ne3A_531 : memref<8x4096xf32, #tpu.memory_space<vmem>>[vector<16xi32>, vector<16xi32>], vector<16xf32>, vector<16xi1>
    tpu.vector_store_idx %arg11[%broadcast_in_dim3A_10, %get3A_526], %get3A_1 masked %ne3A_531 : memref<8x4096xf32, #tpu.memory_space<vmem>>[vector<16xi32>, vector<16xi32>], vector<16xf32>, vector<16xi1>
    tpu.vector_store_idx %arg11[%broadcast_in_dim3A_12, %get3A_526], %get3A_1 masked %ne3A_531 : memref<8x4096xf32, #tpu.memory_space<vmem>>[vector<16xi32>, vector<16xi32>], vector<16xf32>, vector<16xi1>
    tpu.vector_store_idx %arg11[%broadcast_in_dim3A_14, %get3A_526], %get3A_1 masked %ne3A_531 : memref<8x4096xf32, #tpu.memory_space<vmem>>[vector<16xi32>, vector<16xi32>], vector<16xf32>, vector<16xi1>
    tpu.vector_store_idx %arg11[%broadcast_in_dim3A_16, %get3A_526], %get3A_1 masked %ne3A_531 : memref<8x4096xf32, #tpu.memory_space<vmem>>[vector<16xi32>, vector<16xi32>], vector<16xf32>, vector<16xi1>
    tpu.vector_store_idx %arg11[%broadcast_in_dim3A_18, %get3A_526], %get3A_1 masked %ne3A_531 : memref<8x4096xf32, #tpu.memory_space<vmem>>[vector<16xi32>, vector<16xi32>], vector<16xf32>, vector<16xi1>
    %get3A_532 = arith.constant 320 : index
    %get3A_533 = tpu.vector_load %arg7[%get3A_532] {strides = array<i32>} : memref<832xi32, #tpu.memory_space<vmem>>, vector<16xi32>,
    %get3A_534 = arith.constant 320 : index
    %get3A_535 = tpu.vector_load %arg8[%get3A_534] {strides = array<i32>} : memref<832xi32, #tpu.memory_space<vmem>>, vector<16xi32>,
    %ne3A_536 = arith.constant 0 : i32
    %ne3A_537 = vector.broadcast %ne3A_536 : i32 to vector<16xi32>
    %ne3A_538 = arith.cmpi ne, %get3A_535, %ne3A_537 : vector<16xi32>
    tpu.vector_store_idx %arg11[%broadcast_in_dim3A_4, %get3A_533], %get3A_1 masked %ne3A_538 : memref<8x4096xf32, #tpu.memory_space<vmem>>[vector<16xi32>, vector<16xi32>], vector<16xf32>, vector<16xi1>
    tpu.vector_store_idx %arg11[%broadcast_in_dim3A_6, %get3A_533], %get3A_1 masked %ne3A_538 : memref<8x4096xf32, #tpu.memory_space<vmem>>[vector<16xi32>, vector<16xi32>], vector<16xf32>, vector<16xi1>
    tpu.vector_store_idx %arg11[%broadcast_in_dim3A_8, %get3A_533], %get3A_1 masked %ne3A_538 : memref<8x4096xf32, #tpu.memory_space<vmem>>[vector<16xi32>, vector<16xi32>], vector<16xf32>, vector<16xi1>
    tpu.vector_store_idx %arg11[%broadcast_in_dim3A_10, %get3A_533], %get3A_1 masked %ne3A_538 : memref<8x4096xf32, #tpu.memory_space<vmem>>[vector<16xi32>, vector<16xi32>], vector<16xf32>, vector<16xi1>
    tpu.vector_store_idx %arg11[%broadcast_in_dim3A_12, %get3A_533], %get3A_1 masked %ne3A_538 : memref<8x4096xf32, #tpu.memory_space<vmem>>[vector<16xi32>, vector<16xi32>], vector<16xf32>, vector<16xi1>
    tpu.vector_store_idx %arg11[%broadcast_in_dim3A_14, %get3A_533], %get3A_1 masked %ne3A_538 : memref<8x4096xf32, #tpu.memory_space<vmem>>[vector<16xi32>, vector<16xi32>], vector<16xf32>, vector<16xi1>
    tpu.vector_store_idx %arg11[%broadcast_in_dim3A_16, %get3A_533], %get3A_1 masked %ne3A_538 : memref<8x4096xf32, #tpu.memory_space<vmem>>[vector<16xi32>, vector<16xi32>], vector<16xf32>, vector<16xi1>
    tpu.vector_store_idx %arg11[%broadcast_in_dim3A_18, %get3A_533], %get3A_1 masked %ne3A_538 : memref<8x4096xf32, #tpu.memory_space<vmem>>[vector<16xi32>, vector<16xi32>], vector<16xf32>, vector<16xi1>
    %get3A_539 = arith.constant 336 : index
    %get3A_540 = tpu.vector_load %arg7[%get3A_539] {strides = array<i32>} : memref<832xi32, #tpu.memory_space<vmem>>, vector<16xi32>,
    %get3A_541 = arith.constant 336 : index
    %get3A_542 = tpu.vector_load %arg8[%get3A_541] {strides = array<i32>} : memref<832xi32, #tpu.memory_space<vmem>>, vector<16xi32>,
    %ne3A_543 = arith.constant 0 : i32
    %ne3A_544 = vector.broadcast %ne3A_543 : i32 to vector<16xi32>
    %ne3A_545 = arith.cmpi ne, %get3A_542, %ne3A_544 : vector<16xi32>
    tpu.vector_store_idx %arg11[%broadcast_in_dim3A_4, %get3A_540], %get3A_1 masked %ne3A_545 : memref<8x4096xf32, #tpu.memory_space<vmem>>[vector<16xi32>, vector<16xi32>], vector<16xf32>, vector<16xi1>
    tpu.vector_store_idx %arg11[%broadcast_in_dim3A_6, %get3A_540], %get3A_1 masked %ne3A_545 : memref<8x4096xf32, #tpu.memory_space<vmem>>[vector<16xi32>, vector<16xi32>], vector<16xf32>, vector<16xi1>
    tpu.vector_store_idx %arg11[%broadcast_in_dim3A_8, %get3A_540], %get3A_1 masked %ne3A_545 : memref<8x4096xf32, #tpu.memory_space<vmem>>[vector<16xi32>, vector<16xi32>], vector<16xf32>, vector<16xi1>
    tpu.vector_store_idx %arg11[%broadcast_in_dim3A_10, %get3A_540], %get3A_1 masked %ne3A_545 : memref<8x4096xf32, #tpu.memory_space<vmem>>[vector<16xi32>, vector<16xi32>], vector<16xf32>, vector<16xi1>
    tpu.vector_store_idx %arg11[%broadcast_in_dim3A_12, %get3A_540], %get3A_1 masked %ne3A_545 : memref<8x4096xf32, #tpu.memory_space<vmem>>[vector<16xi32>, vector<16xi32>], vector<16xf32>, vector<16xi1>
    tpu.vector_store_idx %arg11[%broadcast_in_dim3A_14, %get3A_540], %get3A_1 masked %ne3A_545 : memref<8x4096xf32, #tpu.memory_space<vmem>>[vector<16xi32>, vector<16xi32>], vector<16xf32>, vector<16xi1>
    tpu.vector_store_idx %arg11[%broadcast_in_dim3A_16, %get3A_540], %get3A_1 masked %ne3A_545 : memref<8x4096xf32, #tpu.memory_space<vmem>>[vector<16xi32>, vector<16xi32>], vector<16xf32>, vector<16xi1>
    tpu.vector_store_idx %arg11[%broadcast_in_dim3A_18, %get3A_540], %get3A_1 masked %ne3A_545 : memref<8x4096xf32, #tpu.memory_space<vmem>>[vector<16xi32>, vector<16xi32>], vector<16xf32>, vector<16xi1>
    %get3A_546 = arith.constant 352 : index
    %get3A_547 = tpu.vector_load %arg7[%get3A_546] {strides = array<i32>} : memref<832xi32, #tpu.memory_space<vmem>>, vector<16xi32>,
    %get3A_548 = arith.constant 352 : index
    %get3A_549 = tpu.vector_load %arg8[%get3A_548] {strides = array<i32>} : memref<832xi32, #tpu.memory_space<vmem>>, vector<16xi32>,
    %ne3A_550 = arith.constant 0 : i32
    %ne3A_551 = vector.broadcast %ne3A_550 : i32 to vector<16xi32>
    %ne3A_552 = arith.cmpi ne, %get3A_549, %ne3A_551 : vector<16xi32>
    tpu.vector_store_idx %arg11[%broadcast_in_dim3A_4, %get3A_547], %get3A_1 masked %ne3A_552 : memref<8x4096xf32, #tpu.memory_space<vmem>>[vector<16xi32>, vector<16xi32>], vector<16xf32>, vector<16xi1>
    tpu.vector_store_idx %arg11[%broadcast_in_dim3A_6, %get3A_547], %get3A_1 masked %ne3A_552 : memref<8x4096xf32, #tpu.memory_space<vmem>>[vector<16xi32>, vector<16xi32>], vector<16xf32>, vector<16xi1>
    tpu.vector_store_idx %arg11[%broadcast_in_dim3A_8, %get3A_547], %get3A_1 masked %ne3A_552 : memref<8x4096xf32, #tpu.memory_space<vmem>>[vector<16xi32>, vector<16xi32>], vector<16xf32>, vector<16xi1>
    tpu.vector_store_idx %arg11[%broadcast_in_dim3A_10, %get3A_547], %get3A_1 masked %ne3A_552 : memref<8x4096xf32, #tpu.memory_space<vmem>>[vector<16xi32>, vector<16xi32>], vector<16xf32>, vector<16xi1>
    tpu.vector_store_idx %arg11[%broadcast_in_dim3A_12, %get3A_547], %get3A_1 masked %ne3A_552 : memref<8x4096xf32, #tpu.memory_space<vmem>>[vector<16xi32>, vector<16xi32>], vector<16xf32>, vector<16xi1>
    tpu.vector_store_idx %arg11[%broadcast_in_dim3A_14, %get3A_547], %get3A_1 masked %ne3A_552 : memref<8x4096xf32, #tpu.memory_space<vmem>>[vector<16xi32>, vector<16xi32>], vector<16xf32>, vector<16xi1>
    tpu.vector_store_idx %arg11[%broadcast_in_dim3A_16, %get3A_547], %get3A_1 masked %ne3A_552 : memref<8x4096xf32, #tpu.memory_space<vmem>>[vector<16xi32>, vector<16xi32>], vector<16xf32>, vector<16xi1>
    tpu.vector_store_idx %arg11[%broadcast_in_dim3A_18, %get3A_547], %get3A_1 masked %ne3A_552 : memref<8x4096xf32, #tpu.memory_space<vmem>>[vector<16xi32>, vector<16xi32>], vector<16xf32>, vector<16xi1>
    %get3A_553 = arith.constant 368 : index
    %get3A_554 = tpu.vector_load %arg7[%get3A_553] {strides = array<i32>} : memref<832xi32, #tpu.memory_space<vmem>>, vector<16xi32>,
    %get3A_555 = arith.constant 368 : index
    %get3A_556 = tpu.vector_load %arg8[%get3A_555] {strides = array<i32>} : memref<832xi32, #tpu.memory_space<vmem>>, vector<16xi32>,
    %ne3A_557 = arith.constant 0 : i32
    %ne3A_558 = vector.broadcast %ne3A_557 : i32 to vector<16xi32>
    %ne3A_559 = arith.cmpi ne, %get3A_556, %ne3A_558 : vector<16xi32>
    tpu.vector_store_idx %arg11[%broadcast_in_dim3A_4, %get3A_554], %get3A_1 masked %ne3A_559 : memref<8x4096xf32, #tpu.memory_space<vmem>>[vector<16xi32>, vector<16xi32>], vector<16xf32>, vector<16xi1>
    tpu.vector_store_idx %arg11[%broadcast_in_dim3A_6, %get3A_554], %get3A_1 masked %ne3A_559 : memref<8x4096xf32, #tpu.memory_space<vmem>>[vector<16xi32>, vector<16xi32>], vector<16xf32>, vector<16xi1>
    tpu.vector_store_idx %arg11[%broadcast_in_dim3A_8, %get3A_554], %get3A_1 masked %ne3A_559 : memref<8x4096xf32, #tpu.memory_space<vmem>>[vector<16xi32>, vector<16xi32>], vector<16xf32>, vector<16xi1>
    tpu.vector_store_idx %arg11[%broadcast_in_dim3A_10, %get3A_554], %get3A_1 masked %ne3A_559 : memref<8x4096xf32, #tpu.memory_space<vmem>>[vector<16xi32>, vector<16xi32>], vector<16xf32>, vector<16xi1>
    tpu.vector_store_idx %arg11[%broadcast_in_dim3A_12, %get3A_554], %get3A_1 masked %ne3A_559 : memref<8x4096xf32, #tpu.memory_space<vmem>>[vector<16xi32>, vector<16xi32>], vector<16xf32>, vector<16xi1>
    tpu.vector_store_idx %arg11[%broadcast_in_dim3A_14, %get3A_554], %get3A_1 masked %ne3A_559 : memref<8x4096xf32, #tpu.memory_space<vmem>>[vector<16xi32>, vector<16xi32>], vector<16xf32>, vector<16xi1>
    tpu.vector_store_idx %arg11[%broadcast_in_dim3A_16, %get3A_554], %get3A_1 masked %ne3A_559 : memref<8x4096xf32, #tpu.memory_space<vmem>>[vector<16xi32>, vector<16xi32>], vector<16xf32>, vector<16xi1>
    tpu.vector_store_idx %arg11[%broadcast_in_dim3A_18, %get3A_554], %get3A_1 masked %ne3A_559 : memref<8x4096xf32, #tpu.memory_space<vmem>>[vector<16xi32>, vector<16xi32>], vector<16xf32>, vector<16xi1>
    %get3A_560 = arith.constant 384 : index
    %get3A_561 = tpu.vector_load %arg7[%get3A_560] {strides = array<i32>} : memref<832xi32, #tpu.memory_space<vmem>>, vector<16xi32>,
    %get3A_562 = arith.constant 384 : index
    %get3A_563 = tpu.vector_load %arg8[%get3A_562] {strides = array<i32>} : memref<832xi32, #tpu.memory_space<vmem>>, vector<16xi32>,
    %ne3A_564 = arith.constant 0 : i32
    %ne3A_565 = vector.broadcast %ne3A_564 : i32 to vector<16xi32>
    %ne3A_566 = arith.cmpi ne, %get3A_563, %ne3A_565 : vector<16xi32>
    tpu.vector_store_idx %arg11[%broadcast_in_dim3A_4, %get3A_561], %get3A_1 masked %ne3A_566 : memref<8x4096xf32, #tpu.memory_space<vmem>>[vector<16xi32>, vector<16xi32>], vector<16xf32>, vector<16xi1>
    tpu.vector_store_idx %arg11[%broadcast_in_dim3A_6, %get3A_561], %get3A_1 masked %ne3A_566 : memref<8x4096xf32, #tpu.memory_space<vmem>>[vector<16xi32>, vector<16xi32>], vector<16xf32>, vector<16xi1>
    tpu.vector_store_idx %arg11[%broadcast_in_dim3A_8, %get3A_561], %get3A_1 masked %ne3A_566 : memref<8x4096xf32, #tpu.memory_space<vmem>>[vector<16xi32>, vector<16xi32>], vector<16xf32>, vector<16xi1>
    tpu.vector_store_idx %arg11[%broadcast_in_dim3A_10, %get3A_561], %get3A_1 masked %ne3A_566 : memref<8x4096xf32, #tpu.memory_space<vmem>>[vector<16xi32>, vector<16xi32>], vector<16xf32>, vector<16xi1>
    tpu.vector_store_idx %arg11[%broadcast_in_dim3A_12, %get3A_561], %get3A_1 masked %ne3A_566 : memref<8x4096xf32, #tpu.memory_space<vmem>>[vector<16xi32>, vector<16xi32>], vector<16xf32>, vector<16xi1>
    tpu.vector_store_idx %arg11[%broadcast_in_dim3A_14, %get3A_561], %get3A_1 masked %ne3A_566 : memref<8x4096xf32, #tpu.memory_space<vmem>>[vector<16xi32>, vector<16xi32>], vector<16xf32>, vector<16xi1>
    tpu.vector_store_idx %arg11[%broadcast_in_dim3A_16, %get3A_561], %get3A_1 masked %ne3A_566 : memref<8x4096xf32, #tpu.memory_space<vmem>>[vector<16xi32>, vector<16xi32>], vector<16xf32>, vector<16xi1>
    tpu.vector_store_idx %arg11[%broadcast_in_dim3A_18, %get3A_561], %get3A_1 masked %ne3A_566 : memref<8x4096xf32, #tpu.memory_space<vmem>>[vector<16xi32>, vector<16xi32>], vector<16xf32>, vector<16xi1>
    %get3A_567 = arith.constant 400 : index
    %get3A_568 = tpu.vector_load %arg7[%get3A_567] {strides = array<i32>} : memref<832xi32, #tpu.memory_space<vmem>>, vector<16xi32>,
    %get3A_569 = arith.constant 400 : index
    %get3A_570 = tpu.vector_load %arg8[%get3A_569] {strides = array<i32>} : memref<832xi32, #tpu.memory_space<vmem>>, vector<16xi32>,
    %ne3A_571 = arith.constant 0 : i32
    %ne3A_572 = vector.broadcast %ne3A_571 : i32 to vector<16xi32>
    %ne3A_573 = arith.cmpi ne, %get3A_570, %ne3A_572 : vector<16xi32>
    tpu.vector_store_idx %arg11[%broadcast_in_dim3A_4, %get3A_568], %get3A_1 masked %ne3A_573 : memref<8x4096xf32, #tpu.memory_space<vmem>>[vector<16xi32>, vector<16xi32>], vector<16xf32>, vector<16xi1>
    tpu.vector_store_idx %arg11[%broadcast_in_dim3A_6, %get3A_568], %get3A_1 masked %ne3A_573 : memref<8x4096xf32, #tpu.memory_space<vmem>>[vector<16xi32>, vector<16xi32>], vector<16xf32>, vector<16xi1>
    tpu.vector_store_idx %arg11[%broadcast_in_dim3A_8, %get3A_568], %get3A_1 masked %ne3A_573 : memref<8x4096xf32, #tpu.memory_space<vmem>>[vector<16xi32>, vector<16xi32>], vector<16xf32>, vector<16xi1>
    tpu.vector_store_idx %arg11[%broadcast_in_dim3A_10, %get3A_568], %get3A_1 masked %ne3A_573 : memref<8x4096xf32, #tpu.memory_space<vmem>>[vector<16xi32>, vector<16xi32>], vector<16xf32>, vector<16xi1>
    tpu.vector_store_idx %arg11[%broadcast_in_dim3A_12, %get3A_568], %get3A_1 masked %ne3A_573 : memref<8x4096xf32, #tpu.memory_space<vmem>>[vector<16xi32>, vector<16xi32>], vector<16xf32>, vector<16xi1>
    tpu.vector_store_idx %arg11[%broadcast_in_dim3A_14, %get3A_568], %get3A_1 masked %ne3A_573 : memref<8x4096xf32, #tpu.memory_space<vmem>>[vector<16xi32>, vector<16xi32>], vector<16xf32>, vector<16xi1>
    tpu.vector_store_idx %arg11[%broadcast_in_dim3A_16, %get3A_568], %get3A_1 masked %ne3A_573 : memref<8x4096xf32, #tpu.memory_space<vmem>>[vector<16xi32>, vector<16xi32>], vector<16xf32>, vector<16xi1>
    tpu.vector_store_idx %arg11[%broadcast_in_dim3A_18, %get3A_568], %get3A_1 masked %ne3A_573 : memref<8x4096xf32, #tpu.memory_space<vmem>>[vector<16xi32>, vector<16xi32>], vector<16xf32>, vector<16xi1>
    %get3A_574 = arith.constant 416 : index
    %get3A_575 = tpu.vector_load %arg7[%get3A_574] {strides = array<i32>} : memref<832xi32, #tpu.memory_space<vmem>>, vector<16xi32>,
    %get3A_576 = arith.constant 416 : index
    %get3A_577 = tpu.vector_load %arg8[%get3A_576] {strides = array<i32>} : memref<832xi32, #tpu.memory_space<vmem>>, vector<16xi32>,
    %ne3A_578 = arith.constant 0 : i32
    %ne3A_579 = vector.broadcast %ne3A_578 : i32 to vector<16xi32>
    %ne3A_580 = arith.cmpi ne, %get3A_577, %ne3A_579 : vector<16xi32>
    tpu.vector_store_idx %arg11[%broadcast_in_dim3A_4, %get3A_575], %get3A_1 masked %ne3A_580 : memref<8x4096xf32, #tpu.memory_space<vmem>>[vector<16xi32>, vector<16xi32>], vector<16xf32>, vector<16xi1>
    tpu.vector_store_idx %arg11[%broadcast_in_dim3A_6, %get3A_575], %get3A_1 masked %ne3A_580 : memref<8x4096xf32, #tpu.memory_space<vmem>>[vector<16xi32>, vector<16xi32>], vector<16xf32>, vector<16xi1>
    tpu.vector_store_idx %arg11[%broadcast_in_dim3A_8, %get3A_575], %get3A_1 masked %ne3A_580 : memref<8x4096xf32, #tpu.memory_space<vmem>>[vector<16xi32>, vector<16xi32>], vector<16xf32>, vector<16xi1>
    tpu.vector_store_idx %arg11[%broadcast_in_dim3A_10, %get3A_575], %get3A_1 masked %ne3A_580 : memref<8x4096xf32, #tpu.memory_space<vmem>>[vector<16xi32>, vector<16xi32>], vector<16xf32>, vector<16xi1>
    tpu.vector_store_idx %arg11[%broadcast_in_dim3A_12, %get3A_575], %get3A_1 masked %ne3A_580 : memref<8x4096xf32, #tpu.memory_space<vmem>>[vector<16xi32>, vector<16xi32>], vector<16xf32>, vector<16xi1>
    tpu.vector_store_idx %arg11[%broadcast_in_dim3A_14, %get3A_575], %get3A_1 masked %ne3A_580 : memref<8x4096xf32, #tpu.memory_space<vmem>>[vector<16xi32>, vector<16xi32>], vector<16xf32>, vector<16xi1>
    tpu.vector_store_idx %arg11[%broadcast_in_dim3A_16, %get3A_575], %get3A_1 masked %ne3A_580 : memref<8x4096xf32, #tpu.memory_space<vmem>>[vector<16xi32>, vector<16xi32>], vector<16xf32>, vector<16xi1>
    tpu.vector_store_idx %arg11[%broadcast_in_dim3A_18, %get3A_575], %get3A_1 masked %ne3A_580 : memref<8x4096xf32, #tpu.memory_space<vmem>>[vector<16xi32>, vector<16xi32>], vector<16xf32>, vector<16xi1>
    %get3A_581 = arith.constant 432 : index
    %get3A_582 = tpu.vector_load %arg7[%get3A_581] {strides = array<i32>} : memref<832xi32, #tpu.memory_space<vmem>>, vector<16xi32>,
    %get3A_583 = arith.constant 432 : index
    %get3A_584 = tpu.vector_load %arg8[%get3A_583] {strides = array<i32>} : memref<832xi32, #tpu.memory_space<vmem>>, vector<16xi32>,
    %ne3A_585 = arith.constant 0 : i32
    %ne3A_586 = vector.broadcast %ne3A_585 : i32 to vector<16xi32>
    %ne3A_587 = arith.cmpi ne, %get3A_584, %ne3A_586 : vector<16xi32>
    tpu.vector_store_idx %arg11[%broadcast_in_dim3A_4, %get3A_582], %get3A_1 masked %ne3A_587 : memref<8x4096xf32, #tpu.memory_space<vmem>>[vector<16xi32>, vector<16xi32>], vector<16xf32>, vector<16xi1>
    tpu.vector_store_idx %arg11[%broadcast_in_dim3A_6, %get3A_582], %get3A_1 masked %ne3A_587 : memref<8x4096xf32, #tpu.memory_space<vmem>>[vector<16xi32>, vector<16xi32>], vector<16xf32>, vector<16xi1>
    tpu.vector_store_idx %arg11[%broadcast_in_dim3A_8, %get3A_582], %get3A_1 masked %ne3A_587 : memref<8x4096xf32, #tpu.memory_space<vmem>>[vector<16xi32>, vector<16xi32>], vector<16xf32>, vector<16xi1>
    tpu.vector_store_idx %arg11[%broadcast_in_dim3A_10, %get3A_582], %get3A_1 masked %ne3A_587 : memref<8x4096xf32, #tpu.memory_space<vmem>>[vector<16xi32>, vector<16xi32>], vector<16xf32>, vector<16xi1>
    tpu.vector_store_idx %arg11[%broadcast_in_dim3A_12, %get3A_582], %get3A_1 masked %ne3A_587 : memref<8x4096xf32, #tpu.memory_space<vmem>>[vector<16xi32>, vector<16xi32>], vector<16xf32>, vector<16xi1>
    tpu.vector_store_idx %arg11[%broadcast_in_dim3A_14, %get3A_582], %get3A_1 masked %ne3A_587 : memref<8x4096xf32, #tpu.memory_space<vmem>>[vector<16xi32>, vector<16xi32>], vector<16xf32>, vector<16xi1>
    tpu.vector_store_idx %arg11[%broadcast_in_dim3A_16, %get3A_582], %get3A_1 masked %ne3A_587 : memref<8x4096xf32, #tpu.memory_space<vmem>>[vector<16xi32>, vector<16xi32>], vector<16xf32>, vector<16xi1>
    tpu.vector_store_idx %arg11[%broadcast_in_dim3A_18, %get3A_582], %get3A_1 masked %ne3A_587 : memref<8x4096xf32, #tpu.memory_space<vmem>>[vector<16xi32>, vector<16xi32>], vector<16xf32>, vector<16xi1>
    %get3A_588 = arith.constant 448 : index
    %get3A_589 = tpu.vector_load %arg7[%get3A_588] {strides = array<i32>} : memref<832xi32, #tpu.memory_space<vmem>>, vector<16xi32>,
    %get3A_590 = arith.constant 448 : index
    %get3A_591 = tpu.vector_load %arg8[%get3A_590] {strides = array<i32>} : memref<832xi32, #tpu.memory_space<vmem>>, vector<16xi32>,
    %ne3A_592 = arith.constant 0 : i32
    %ne3A_593 = vector.broadcast %ne3A_592 : i32 to vector<16xi32>
    %ne3A_594 = arith.cmpi ne, %get3A_591, %ne3A_593 : vector<16xi32>
    tpu.vector_store_idx %arg11[%broadcast_in_dim3A_4, %get3A_589], %get3A_1 masked %ne3A_594 : memref<8x4096xf32, #tpu.memory_space<vmem>>[vector<16xi32>, vector<16xi32>], vector<16xf32>, vector<16xi1>
    tpu.vector_store_idx %arg11[%broadcast_in_dim3A_6, %get3A_589], %get3A_1 masked %ne3A_594 : memref<8x4096xf32, #tpu.memory_space<vmem>>[vector<16xi32>, vector<16xi32>], vector<16xf32>, vector<16xi1>
    tpu.vector_store_idx %arg11[%broadcast_in_dim3A_8, %get3A_589], %get3A_1 masked %ne3A_594 : memref<8x4096xf32, #tpu.memory_space<vmem>>[vector<16xi32>, vector<16xi32>], vector<16xf32>, vector<16xi1>
    tpu.vector_store_idx %arg11[%broadcast_in_dim3A_10, %get3A_589], %get3A_1 masked %ne3A_594 : memref<8x4096xf32, #tpu.memory_space<vmem>>[vector<16xi32>, vector<16xi32>], vector<16xf32>, vector<16xi1>
    tpu.vector_store_idx %arg11[%broadcast_in_dim3A_12, %get3A_589], %get3A_1 masked %ne3A_594 : memref<8x4096xf32, #tpu.memory_space<vmem>>[vector<16xi32>, vector<16xi32>], vector<16xf32>, vector<16xi1>
    tpu.vector_store_idx %arg11[%broadcast_in_dim3A_14, %get3A_589], %get3A_1 masked %ne3A_594 : memref<8x4096xf32, #tpu.memory_space<vmem>>[vector<16xi32>, vector<16xi32>], vector<16xf32>, vector<16xi1>
    tpu.vector_store_idx %arg11[%broadcast_in_dim3A_16, %get3A_589], %get3A_1 masked %ne3A_594 : memref<8x4096xf32, #tpu.memory_space<vmem>>[vector<16xi32>, vector<16xi32>], vector<16xf32>, vector<16xi1>
    tpu.vector_store_idx %arg11[%broadcast_in_dim3A_18, %get3A_589], %get3A_1 masked %ne3A_594 : memref<8x4096xf32, #tpu.memory_space<vmem>>[vector<16xi32>, vector<16xi32>], vector<16xf32>, vector<16xi1>
    %get3A_595 = arith.constant 464 : index
    %get3A_596 = tpu.vector_load %arg7[%get3A_595] {strides = array<i32>} : memref<832xi32, #tpu.memory_space<vmem>>, vector<16xi32>,
    %get3A_597 = arith.constant 464 : index
    %get3A_598 = tpu.vector_load %arg8[%get3A_597] {strides = array<i32>} : memref<832xi32, #tpu.memory_space<vmem>>, vector<16xi32>,
    %ne3A_599 = arith.constant 0 : i32
    %ne3A_600 = vector.broadcast %ne3A_599 : i32 to vector<16xi32>
    %ne3A_601 = arith.cmpi ne, %get3A_598, %ne3A_600 : vector<16xi32>
    tpu.vector_store_idx %arg11[%broadcast_in_dim3A_4, %get3A_596], %get3A_1 masked %ne3A_601 : memref<8x4096xf32, #tpu.memory_space<vmem>>[vector<16xi32>, vector<16xi32>], vector<16xf32>, vector<16xi1>
    tpu.vector_store_idx %arg11[%broadcast_in_dim3A_6, %get3A_596], %get3A_1 masked %ne3A_601 : memref<8x4096xf32, #tpu.memory_space<vmem>>[vector<16xi32>, vector<16xi32>], vector<16xf32>, vector<16xi1>
    tpu.vector_store_idx %arg11[%broadcast_in_dim3A_8, %get3A_596], %get3A_1 masked %ne3A_601 : memref<8x4096xf32, #tpu.memory_space<vmem>>[vector<16xi32>, vector<16xi32>], vector<16xf32>, vector<16xi1>
    tpu.vector_store_idx %arg11[%broadcast_in_dim3A_10, %get3A_596], %get3A_1 masked %ne3A_601 : memref<8x4096xf32, #tpu.memory_space<vmem>>[vector<16xi32>, vector<16xi32>], vector<16xf32>, vector<16xi1>
    tpu.vector_store_idx %arg11[%broadcast_in_dim3A_12, %get3A_596], %get3A_1 masked %ne3A_601 : memref<8x4096xf32, #tpu.memory_space<vmem>>[vector<16xi32>, vector<16xi32>], vector<16xf32>, vector<16xi1>
    tpu.vector_store_idx %arg11[%broadcast_in_dim3A_14, %get3A_596], %get3A_1 masked %ne3A_601 : memref<8x4096xf32, #tpu.memory_space<vmem>>[vector<16xi32>, vector<16xi32>], vector<16xf32>, vector<16xi1>
    tpu.vector_store_idx %arg11[%broadcast_in_dim3A_16, %get3A_596], %get3A_1 masked %ne3A_601 : memref<8x4096xf32, #tpu.memory_space<vmem>>[vector<16xi32>, vector<16xi32>], vector<16xf32>, vector<16xi1>
    tpu.vector_store_idx %arg11[%broadcast_in_dim3A_18, %get3A_596], %get3A_1 masked %ne3A_601 : memref<8x4096xf32, #tpu.memory_space<vmem>>[vector<16xi32>, vector<16xi32>], vector<16xf32>, vector<16xi1>
    %get3A_602 = arith.constant 480 : index
    %get3A_603 = tpu.vector_load %arg7[%get3A_602] {strides = array<i32>} : memref<832xi32, #tpu.memory_space<vmem>>, vector<16xi32>,
    %get3A_604 = arith.constant 480 : index
    %get3A_605 = tpu.vector_load %arg8[%get3A_604] {strides = array<i32>} : memref<832xi32, #tpu.memory_space<vmem>>, vector<16xi32>,
    %ne3A_606 = arith.constant 0 : i32
    %ne3A_607 = vector.broadcast %ne3A_606 : i32 to vector<16xi32>
    %ne3A_608 = arith.cmpi ne, %get3A_605, %ne3A_607 : vector<16xi32>
    tpu.vector_store_idx %arg11[%broadcast_in_dim3A_4, %get3A_603], %get3A_1 masked %ne3A_608 : memref<8x4096xf32, #tpu.memory_space<vmem>>[vector<16xi32>, vector<16xi32>], vector<16xf32>, vector<16xi1>
    tpu.vector_store_idx %arg11[%broadcast_in_dim3A_6, %get3A_603], %get3A_1 masked %ne3A_608 : memref<8x4096xf32, #tpu.memory_space<vmem>>[vector<16xi32>, vector<16xi32>], vector<16xf32>, vector<16xi1>
    tpu.vector_store_idx %arg11[%broadcast_in_dim3A_8, %get3A_603], %get3A_1 masked %ne3A_608 : memref<8x4096xf32, #tpu.memory_space<vmem>>[vector<16xi32>, vector<16xi32>], vector<16xf32>, vector<16xi1>
    tpu.vector_store_idx %arg11[%broadcast_in_dim3A_10, %get3A_603], %get3A_1 masked %ne3A_608 : memref<8x4096xf32, #tpu.memory_space<vmem>>[vector<16xi32>, vector<16xi32>], vector<16xf32>, vector<16xi1>
    tpu.vector_store_idx %arg11[%broadcast_in_dim3A_12, %get3A_603], %get3A_1 masked %ne3A_608 : memref<8x4096xf32, #tpu.memory_space<vmem>>[vector<16xi32>, vector<16xi32>], vector<16xf32>, vector<16xi1>
    tpu.vector_store_idx %arg11[%broadcast_in_dim3A_14, %get3A_603], %get3A_1 masked %ne3A_608 : memref<8x4096xf32, #tpu.memory_space<vmem>>[vector<16xi32>, vector<16xi32>], vector<16xf32>, vector<16xi1>
    tpu.vector_store_idx %arg11[%broadcast_in_dim3A_16, %get3A_603], %get3A_1 masked %ne3A_608 : memref<8x4096xf32, #tpu.memory_space<vmem>>[vector<16xi32>, vector<16xi32>], vector<16xf32>, vector<16xi1>
    tpu.vector_store_idx %arg11[%broadcast_in_dim3A_18, %get3A_603], %get3A_1 masked %ne3A_608 : memref<8x4096xf32, #tpu.memory_space<vmem>>[vector<16xi32>, vector<16xi32>], vector<16xf32>, vector<16xi1>
    %get3A_609 = arith.constant 496 : index
    %get3A_610 = tpu.vector_load %arg7[%get3A_609] {strides = array<i32>} : memref<832xi32, #tpu.memory_space<vmem>>, vector<16xi32>,
    %get3A_611 = arith.constant 496 : index
    %get3A_612 = tpu.vector_load %arg8[%get3A_611] {strides = array<i32>} : memref<832xi32, #tpu.memory_space<vmem>>, vector<16xi32>,
    %ne3A_613 = arith.constant 0 : i32
    %ne3A_614 = vector.broadcast %ne3A_613 : i32 to vector<16xi32>
    %ne3A_615 = arith.cmpi ne, %get3A_612, %ne3A_614 : vector<16xi32>
    tpu.vector_store_idx %arg11[%broadcast_in_dim3A_4, %get3A_610], %get3A_1 masked %ne3A_615 : memref<8x4096xf32, #tpu.memory_space<vmem>>[vector<16xi32>, vector<16xi32>], vector<16xf32>, vector<16xi1>
    tpu.vector_store_idx %arg11[%broadcast_in_dim3A_6, %get3A_610], %get3A_1 masked %ne3A_615 : memref<8x4096xf32, #tpu.memory_space<vmem>>[vector<16xi32>, vector<16xi32>], vector<16xf32>, vector<16xi1>
    tpu.vector_store_idx %arg11[%broadcast_in_dim3A_8, %get3A_610], %get3A_1 masked %ne3A_615 : memref<8x4096xf32, #tpu.memory_space<vmem>>[vector<16xi32>, vector<16xi32>], vector<16xf32>, vector<16xi1>
    tpu.vector_store_idx %arg11[%broadcast_in_dim3A_10, %get3A_610], %get3A_1 masked %ne3A_615 : memref<8x4096xf32, #tpu.memory_space<vmem>>[vector<16xi32>, vector<16xi32>], vector<16xf32>, vector<16xi1>
    tpu.vector_store_idx %arg11[%broadcast_in_dim3A_12, %get3A_610], %get3A_1 masked %ne3A_615 : memref<8x4096xf32, #tpu.memory_space<vmem>>[vector<16xi32>, vector<16xi32>], vector<16xf32>, vector<16xi1>
    tpu.vector_store_idx %arg11[%broadcast_in_dim3A_14, %get3A_610], %get3A_1 masked %ne3A_615 : memref<8x4096xf32, #tpu.memory_space<vmem>>[vector<16xi32>, vector<16xi32>], vector<16xf32>, vector<16xi1>
    tpu.vector_store_idx %arg11[%broadcast_in_dim3A_16, %get3A_610], %get3A_1 masked %ne3A_615 : memref<8x4096xf32, #tpu.memory_space<vmem>>[vector<16xi32>, vector<16xi32>], vector<16xf32>, vector<16xi1>
    tpu.vector_store_idx %arg11[%broadcast_in_dim3A_18, %get3A_610], %get3A_1 masked %ne3A_615 : memref<8x4096xf32, #tpu.memory_space<vmem>>[vector<16xi32>, vector<16xi32>], vector<16xf32>, vector<16xi1>
    %get3A_616 = arith.constant 512 : index
    %get3A_617 = tpu.vector_load %arg7[%get3A_616] {strides = array<i32>} : memref<832xi32, #tpu.memory_space<vmem>>, vector<16xi32>,
    %get3A_618 = arith.constant 512 : index
    %get3A_619 = tpu.vector_load %arg8[%get3A_618] {strides = array<i32>} : memref<832xi32, #tpu.memory_space<vmem>>, vector<16xi32>,
    %ne3A_620 = arith.constant 0 : i32
    %ne3A_621 = vector.broadcast %ne3A_620 : i32 to vector<16xi32>
    %ne3A_622 = arith.cmpi ne, %get3A_619, %ne3A_621 : vector<16xi32>
    tpu.vector_store_idx %arg11[%broadcast_in_dim3A_4, %get3A_617], %get3A_1 masked %ne3A_622 : memref<8x4096xf32, #tpu.memory_space<vmem>>[vector<16xi32>, vector<16xi32>], vector<16xf32>, vector<16xi1>
    tpu.vector_store_idx %arg11[%broadcast_in_dim3A_6, %get3A_617], %get3A_1 masked %ne3A_622 : memref<8x4096xf32, #tpu.memory_space<vmem>>[vector<16xi32>, vector<16xi32>], vector<16xf32>, vector<16xi1>
    tpu.vector_store_idx %arg11[%broadcast_in_dim3A_8, %get3A_617], %get3A_1 masked %ne3A_622 : memref<8x4096xf32, #tpu.memory_space<vmem>>[vector<16xi32>, vector<16xi32>], vector<16xf32>, vector<16xi1>
    tpu.vector_store_idx %arg11[%broadcast_in_dim3A_10, %get3A_617], %get3A_1 masked %ne3A_622 : memref<8x4096xf32, #tpu.memory_space<vmem>>[vector<16xi32>, vector<16xi32>], vector<16xf32>, vector<16xi1>
    tpu.vector_store_idx %arg11[%broadcast_in_dim3A_12, %get3A_617], %get3A_1 masked %ne3A_622 : memref<8x4096xf32, #tpu.memory_space<vmem>>[vector<16xi32>, vector<16xi32>], vector<16xf32>, vector<16xi1>
    tpu.vector_store_idx %arg11[%broadcast_in_dim3A_14, %get3A_617], %get3A_1 masked %ne3A_622 : memref<8x4096xf32, #tpu.memory_space<vmem>>[vector<16xi32>, vector<16xi32>], vector<16xf32>, vector<16xi1>
    tpu.vector_store_idx %arg11[%broadcast_in_dim3A_16, %get3A_617], %get3A_1 masked %ne3A_622 : memref<8x4096xf32, #tpu.memory_space<vmem>>[vector<16xi32>, vector<16xi32>], vector<16xf32>, vector<16xi1>
    tpu.vector_store_idx %arg11[%broadcast_in_dim3A_18, %get3A_617], %get3A_1 masked %ne3A_622 : memref<8x4096xf32, #tpu.memory_space<vmem>>[vector<16xi32>, vector<16xi32>], vector<16xf32>, vector<16xi1>
    %get3A_623 = arith.constant 528 : index
    %get3A_624 = tpu.vector_load %arg7[%get3A_623] {strides = array<i32>} : memref<832xi32, #tpu.memory_space<vmem>>, vector<16xi32>,
    %get3A_625 = arith.constant 528 : index
    %get3A_626 = tpu.vector_load %arg8[%get3A_625] {strides = array<i32>} : memref<832xi32, #tpu.memory_space<vmem>>, vector<16xi32>,
    %ne3A_627 = arith.constant 0 : i32
    %ne3A_628 = vector.broadcast %ne3A_627 : i32 to vector<16xi32>
    %ne3A_629 = arith.cmpi ne, %get3A_626, %ne3A_628 : vector<16xi32>
    tpu.vector_store_idx %arg11[%broadcast_in_dim3A_4, %get3A_624], %get3A_1 masked %ne3A_629 : memref<8x4096xf32, #tpu.memory_space<vmem>>[vector<16xi32>, vector<16xi32>], vector<16xf32>, vector<16xi1>
    tpu.vector_store_idx %arg11[%broadcast_in_dim3A_6, %get3A_624], %get3A_1 masked %ne3A_629 : memref<8x4096xf32, #tpu.memory_space<vmem>>[vector<16xi32>, vector<16xi32>], vector<16xf32>, vector<16xi1>
    tpu.vector_store_idx %arg11[%broadcast_in_dim3A_8, %get3A_624], %get3A_1 masked %ne3A_629 : memref<8x4096xf32, #tpu.memory_space<vmem>>[vector<16xi32>, vector<16xi32>], vector<16xf32>, vector<16xi1>
    tpu.vector_store_idx %arg11[%broadcast_in_dim3A_10, %get3A_624], %get3A_1 masked %ne3A_629 : memref<8x4096xf32, #tpu.memory_space<vmem>>[vector<16xi32>, vector<16xi32>], vector<16xf32>, vector<16xi1>
    tpu.vector_store_idx %arg11[%broadcast_in_dim3A_12, %get3A_624], %get3A_1 masked %ne3A_629 : memref<8x4096xf32, #tpu.memory_space<vmem>>[vector<16xi32>, vector<16xi32>], vector<16xf32>, vector<16xi1>
    tpu.vector_store_idx %arg11[%broadcast_in_dim3A_14, %get3A_624], %get3A_1 masked %ne3A_629 : memref<8x4096xf32, #tpu.memory_space<vmem>>[vector<16xi32>, vector<16xi32>], vector<16xf32>, vector<16xi1>
    tpu.vector_store_idx %arg11[%broadcast_in_dim3A_16, %get3A_624], %get3A_1 masked %ne3A_629 : memref<8x4096xf32, #tpu.memory_space<vmem>>[vector<16xi32>, vector<16xi32>], vector<16xf32>, vector<16xi1>
    tpu.vector_store_idx %arg11[%broadcast_in_dim3A_18, %get3A_624], %get3A_1 masked %ne3A_629 : memref<8x4096xf32, #tpu.memory_space<vmem>>[vector<16xi32>, vector<16xi32>], vector<16xf32>, vector<16xi1>
    %get3A_630 = arith.constant 544 : index
    %get3A_631 = tpu.vector_load %arg7[%get3A_630] {strides = array<i32>} : memref<832xi32, #tpu.memory_space<vmem>>, vector<16xi32>,
    %get3A_632 = arith.constant 544 : index
    %get3A_633 = tpu.vector_load %arg8[%get3A_632] {strides = array<i32>} : memref<832xi32, #tpu.memory_space<vmem>>, vector<16xi32>,
    %ne3A_634 = arith.constant 0 : i32
    %ne3A_635 = vector.broadcast %ne3A_634 : i32 to vector<16xi32>
    %ne3A_636 = arith.cmpi ne, %get3A_633, %ne3A_635 : vector<16xi32>
    tpu.vector_store_idx %arg11[%broadcast_in_dim3A_4, %get3A_631], %get3A_1 masked %ne3A_636 : memref<8x4096xf32, #tpu.memory_space<vmem>>[vector<16xi32>, vector<16xi32>], vector<16xf32>, vector<16xi1>
    tpu.vector_store_idx %arg11[%broadcast_in_dim3A_6, %get3A_631], %get3A_1 masked %ne3A_636 : memref<8x4096xf32, #tpu.memory_space<vmem>>[vector<16xi32>, vector<16xi32>], vector<16xf32>, vector<16xi1>
    tpu.vector_store_idx %arg11[%broadcast_in_dim3A_8, %get3A_631], %get3A_1 masked %ne3A_636 : memref<8x4096xf32, #tpu.memory_space<vmem>>[vector<16xi32>, vector<16xi32>], vector<16xf32>, vector<16xi1>
    tpu.vector_store_idx %arg11[%broadcast_in_dim3A_10, %get3A_631], %get3A_1 masked %ne3A_636 : memref<8x4096xf32, #tpu.memory_space<vmem>>[vector<16xi32>, vector<16xi32>], vector<16xf32>, vector<16xi1>
    tpu.vector_store_idx %arg11[%broadcast_in_dim3A_12, %get3A_631], %get3A_1 masked %ne3A_636 : memref<8x4096xf32, #tpu.memory_space<vmem>>[vector<16xi32>, vector<16xi32>], vector<16xf32>, vector<16xi1>
    tpu.vector_store_idx %arg11[%broadcast_in_dim3A_14, %get3A_631], %get3A_1 masked %ne3A_636 : memref<8x4096xf32, #tpu.memory_space<vmem>>[vector<16xi32>, vector<16xi32>], vector<16xf32>, vector<16xi1>
    tpu.vector_store_idx %arg11[%broadcast_in_dim3A_16, %get3A_631], %get3A_1 masked %ne3A_636 : memref<8x4096xf32, #tpu.memory_space<vmem>>[vector<16xi32>, vector<16xi32>], vector<16xf32>, vector<16xi1>
    tpu.vector_store_idx %arg11[%broadcast_in_dim3A_18, %get3A_631], %get3A_1 masked %ne3A_636 : memref<8x4096xf32, #tpu.memory_space<vmem>>[vector<16xi32>, vector<16xi32>], vector<16xf32>, vector<16xi1>
    %get3A_637 = arith.constant 560 : index
    %get3A_638 = tpu.vector_load %arg7[%get3A_637] {strides = array<i32>} : memref<832xi32, #tpu.memory_space<vmem>>, vector<16xi32>,
    %get3A_639 = arith.constant 560 : index
    %get3A_640 = tpu.vector_load %arg8[%get3A_639] {strides = array<i32>} : memref<832xi32, #tpu.memory_space<vmem>>, vector<16xi32>,
    %ne3A_641 = arith.constant 0 : i32
    %ne3A_642 = vector.broadcast %ne3A_641 : i32 to vector<16xi32>
    %ne3A_643 = arith.cmpi ne, %get3A_640, %ne3A_642 : vector<16xi32>
    tpu.vector_store_idx %arg11[%broadcast_in_dim3A_4, %get3A_638], %get3A_1 masked %ne3A_643 : memref<8x4096xf32, #tpu.memory_space<vmem>>[vector<16xi32>, vector<16xi32>], vector<16xf32>, vector<16xi1>
    tpu.vector_store_idx %arg11[%broadcast_in_dim3A_6, %get3A_638], %get3A_1 masked %ne3A_643 : memref<8x4096xf32, #tpu.memory_space<vmem>>[vector<16xi32>, vector<16xi32>], vector<16xf32>, vector<16xi1>
    tpu.vector_store_idx %arg11[%broadcast_in_dim3A_8, %get3A_638], %get3A_1 masked %ne3A_643 : memref<8x4096xf32, #tpu.memory_space<vmem>>[vector<16xi32>, vector<16xi32>], vector<16xf32>, vector<16xi1>
    tpu.vector_store_idx %arg11[%broadcast_in_dim3A_10, %get3A_638], %get3A_1 masked %ne3A_643 : memref<8x4096xf32, #tpu.memory_space<vmem>>[vector<16xi32>, vector<16xi32>], vector<16xf32>, vector<16xi1>
    tpu.vector_store_idx %arg11[%broadcast_in_dim3A_12, %get3A_638], %get3A_1 masked %ne3A_643 : memref<8x4096xf32, #tpu.memory_space<vmem>>[vector<16xi32>, vector<16xi32>], vector<16xf32>, vector<16xi1>
    tpu.vector_store_idx %arg11[%broadcast_in_dim3A_14, %get3A_638], %get3A_1 masked %ne3A_643 : memref<8x4096xf32, #tpu.memory_space<vmem>>[vector<16xi32>, vector<16xi32>], vector<16xf32>, vector<16xi1>
    tpu.vector_store_idx %arg11[%broadcast_in_dim3A_16, %get3A_638], %get3A_1 masked %ne3A_643 : memref<8x4096xf32, #tpu.memory_space<vmem>>[vector<16xi32>, vector<16xi32>], vector<16xf32>, vector<16xi1>
    tpu.vector_store_idx %arg11[%broadcast_in_dim3A_18, %get3A_638], %get3A_1 masked %ne3A_643 : memref<8x4096xf32, #tpu.memory_space<vmem>>[vector<16xi32>, vector<16xi32>], vector<16xf32>, vector<16xi1>
    %get3A_644 = arith.constant 576 : index
    %get3A_645 = tpu.vector_load %arg7[%get3A_644] {strides = array<i32>} : memref<832xi32, #tpu.memory_space<vmem>>, vector<16xi32>,
    %get3A_646 = arith.constant 576 : index
    %get3A_647 = tpu.vector_load %arg8[%get3A_646] {strides = array<i32>} : memref<832xi32, #tpu.memory_space<vmem>>, vector<16xi32>,
    %ne3A_648 = arith.constant 0 : i32
    %ne3A_649 = vector.broadcast %ne3A_648 : i32 to vector<16xi32>
    %ne3A_650 = arith.cmpi ne, %get3A_647, %ne3A_649 : vector<16xi32>
    tpu.vector_store_idx %arg11[%broadcast_in_dim3A_4, %get3A_645], %get3A_1 masked %ne3A_650 : memref<8x4096xf32, #tpu.memory_space<vmem>>[vector<16xi32>, vector<16xi32>], vector<16xf32>, vector<16xi1>
    tpu.vector_store_idx %arg11[%broadcast_in_dim3A_6, %get3A_645], %get3A_1 masked %ne3A_650 : memref<8x4096xf32, #tpu.memory_space<vmem>>[vector<16xi32>, vector<16xi32>], vector<16xf32>, vector<16xi1>
    tpu.vector_store_idx %arg11[%broadcast_in_dim3A_8, %get3A_645], %get3A_1 masked %ne3A_650 : memref<8x4096xf32, #tpu.memory_space<vmem>>[vector<16xi32>, vector<16xi32>], vector<16xf32>, vector<16xi1>
    tpu.vector_store_idx %arg11[%broadcast_in_dim3A_10, %get3A_645], %get3A_1 masked %ne3A_650 : memref<8x4096xf32, #tpu.memory_space<vmem>>[vector<16xi32>, vector<16xi32>], vector<16xf32>, vector<16xi1>
    tpu.vector_store_idx %arg11[%broadcast_in_dim3A_12, %get3A_645], %get3A_1 masked %ne3A_650 : memref<8x4096xf32, #tpu.memory_space<vmem>>[vector<16xi32>, vector<16xi32>], vector<16xf32>, vector<16xi1>
    tpu.vector_store_idx %arg11[%broadcast_in_dim3A_14, %get3A_645], %get3A_1 masked %ne3A_650 : memref<8x4096xf32, #tpu.memory_space<vmem>>[vector<16xi32>, vector<16xi32>], vector<16xf32>, vector<16xi1>
    tpu.vector_store_idx %arg11[%broadcast_in_dim3A_16, %get3A_645], %get3A_1 masked %ne3A_650 : memref<8x4096xf32, #tpu.memory_space<vmem>>[vector<16xi32>, vector<16xi32>], vector<16xf32>, vector<16xi1>
    tpu.vector_store_idx %arg11[%broadcast_in_dim3A_18, %get3A_645], %get3A_1 masked %ne3A_650 : memref<8x4096xf32, #tpu.memory_space<vmem>>[vector<16xi32>, vector<16xi32>], vector<16xf32>, vector<16xi1>
    %get3A_651 = arith.constant 592 : index
    %get3A_652 = tpu.vector_load %arg7[%get3A_651] {strides = array<i32>} : memref<832xi32, #tpu.memory_space<vmem>>, vector<16xi32>,
    %get3A_653 = arith.constant 592 : index
    %get3A_654 = tpu.vector_load %arg8[%get3A_653] {strides = array<i32>} : memref<832xi32, #tpu.memory_space<vmem>>, vector<16xi32>,
    %ne3A_655 = arith.constant 0 : i32
    %ne3A_656 = vector.broadcast %ne3A_655 : i32 to vector<16xi32>
    %ne3A_657 = arith.cmpi ne, %get3A_654, %ne3A_656 : vector<16xi32>
    tpu.vector_store_idx %arg11[%broadcast_in_dim3A_4, %get3A_652], %get3A_1 masked %ne3A_657 : memref<8x4096xf32, #tpu.memory_space<vmem>>[vector<16xi32>, vector<16xi32>], vector<16xf32>, vector<16xi1>
    tpu.vector_store_idx %arg11[%broadcast_in_dim3A_6, %get3A_652], %get3A_1 masked %ne3A_657 : memref<8x4096xf32, #tpu.memory_space<vmem>>[vector<16xi32>, vector<16xi32>], vector<16xf32>, vector<16xi1>
    tpu.vector_store_idx %arg11[%broadcast_in_dim3A_8, %get3A_652], %get3A_1 masked %ne3A_657 : memref<8x4096xf32, #tpu.memory_space<vmem>>[vector<16xi32>, vector<16xi32>], vector<16xf32>, vector<16xi1>
    tpu.vector_store_idx %arg11[%broadcast_in_dim3A_10, %get3A_652], %get3A_1 masked %ne3A_657 : memref<8x4096xf32, #tpu.memory_space<vmem>>[vector<16xi32>, vector<16xi32>], vector<16xf32>, vector<16xi1>
    tpu.vector_store_idx %arg11[%broadcast_in_dim3A_12, %get3A_652], %get3A_1 masked %ne3A_657 : memref<8x4096xf32, #tpu.memory_space<vmem>>[vector<16xi32>, vector<16xi32>], vector<16xf32>, vector<16xi1>
    tpu.vector_store_idx %arg11[%broadcast_in_dim3A_14, %get3A_652], %get3A_1 masked %ne3A_657 : memref<8x4096xf32, #tpu.memory_space<vmem>>[vector<16xi32>, vector<16xi32>], vector<16xf32>, vector<16xi1>
    tpu.vector_store_idx %arg11[%broadcast_in_dim3A_16, %get3A_652], %get3A_1 masked %ne3A_657 : memref<8x4096xf32, #tpu.memory_space<vmem>>[vector<16xi32>, vector<16xi32>], vector<16xf32>, vector<16xi1>
    tpu.vector_store_idx %arg11[%broadcast_in_dim3A_18, %get3A_652], %get3A_1 masked %ne3A_657 : memref<8x4096xf32, #tpu.memory_space<vmem>>[vector<16xi32>, vector<16xi32>], vector<16xf32>, vector<16xi1>
    %get3A_658 = arith.constant 608 : index
    %get3A_659 = tpu.vector_load %arg7[%get3A_658] {strides = array<i32>} : memref<832xi32, #tpu.memory_space<vmem>>, vector<16xi32>,
    %get3A_660 = arith.constant 608 : index
    %get3A_661 = tpu.vector_load %arg8[%get3A_660] {strides = array<i32>} : memref<832xi32, #tpu.memory_space<vmem>>, vector<16xi32>,
    %ne3A_662 = arith.constant 0 : i32
    %ne3A_663 = vector.broadcast %ne3A_662 : i32 to vector<16xi32>
    %ne3A_664 = arith.cmpi ne, %get3A_661, %ne3A_663 : vector<16xi32>
    tpu.vector_store_idx %arg11[%broadcast_in_dim3A_4, %get3A_659], %get3A_1 masked %ne3A_664 : memref<8x4096xf32, #tpu.memory_space<vmem>>[vector<16xi32>, vector<16xi32>], vector<16xf32>, vector<16xi1>
    tpu.vector_store_idx %arg11[%broadcast_in_dim3A_6, %get3A_659], %get3A_1 masked %ne3A_664 : memref<8x4096xf32, #tpu.memory_space<vmem>>[vector<16xi32>, vector<16xi32>], vector<16xf32>, vector<16xi1>
    tpu.vector_store_idx %arg11[%broadcast_in_dim3A_8, %get3A_659], %get3A_1 masked %ne3A_664 : memref<8x4096xf32, #tpu.memory_space<vmem>>[vector<16xi32>, vector<16xi32>], vector<16xf32>, vector<16xi1>
    tpu.vector_store_idx %arg11[%broadcast_in_dim3A_10, %get3A_659], %get3A_1 masked %ne3A_664 : memref<8x4096xf32, #tpu.memory_space<vmem>>[vector<16xi32>, vector<16xi32>], vector<16xf32>, vector<16xi1>
    tpu.vector_store_idx %arg11[%broadcast_in_dim3A_12, %get3A_659], %get3A_1 masked %ne3A_664 : memref<8x4096xf32, #tpu.memory_space<vmem>>[vector<16xi32>, vector<16xi32>], vector<16xf32>, vector<16xi1>
    tpu.vector_store_idx %arg11[%broadcast_in_dim3A_14, %get3A_659], %get3A_1 masked %ne3A_664 : memref<8x4096xf32, #tpu.memory_space<vmem>>[vector<16xi32>, vector<16xi32>], vector<16xf32>, vector<16xi1>
    tpu.vector_store_idx %arg11[%broadcast_in_dim3A_16, %get3A_659], %get3A_1 masked %ne3A_664 : memref<8x4096xf32, #tpu.memory_space<vmem>>[vector<16xi32>, vector<16xi32>], vector<16xf32>, vector<16xi1>
    tpu.vector_store_idx %arg11[%broadcast_in_dim3A_18, %get3A_659], %get3A_1 masked %ne3A_664 : memref<8x4096xf32, #tpu.memory_space<vmem>>[vector<16xi32>, vector<16xi32>], vector<16xf32>, vector<16xi1>
    %get3A_665 = arith.constant 624 : index
    %get3A_666 = tpu.vector_load %arg7[%get3A_665] {strides = array<i32>} : memref<832xi32, #tpu.memory_space<vmem>>, vector<16xi32>,
    %get3A_667 = arith.constant 624 : index
    %get3A_668 = tpu.vector_load %arg8[%get3A_667] {strides = array<i32>} : memref<832xi32, #tpu.memory_space<vmem>>, vector<16xi32>,
    %ne3A_669 = arith.constant 0 : i32
    %ne3A_670 = vector.broadcast %ne3A_669 : i32 to vector<16xi32>
    %ne3A_671 = arith.cmpi ne, %get3A_668, %ne3A_670 : vector<16xi32>
    tpu.vector_store_idx %arg11[%broadcast_in_dim3A_4, %get3A_666], %get3A_1 masked %ne3A_671 : memref<8x4096xf32, #tpu.memory_space<vmem>>[vector<16xi32>, vector<16xi32>], vector<16xf32>, vector<16xi1>
    tpu.vector_store_idx %arg11[%broadcast_in_dim3A_6, %get3A_666], %get3A_1 masked %ne3A_671 : memref<8x4096xf32, #tpu.memory_space<vmem>>[vector<16xi32>, vector<16xi32>], vector<16xf32>, vector<16xi1>
    tpu.vector_store_idx %arg11[%broadcast_in_dim3A_8, %get3A_666], %get3A_1 masked %ne3A_671 : memref<8x4096xf32, #tpu.memory_space<vmem>>[vector<16xi32>, vector<16xi32>], vector<16xf32>, vector<16xi1>
    tpu.vector_store_idx %arg11[%broadcast_in_dim3A_10, %get3A_666], %get3A_1 masked %ne3A_671 : memref<8x4096xf32, #tpu.memory_space<vmem>>[vector<16xi32>, vector<16xi32>], vector<16xf32>, vector<16xi1>
    tpu.vector_store_idx %arg11[%broadcast_in_dim3A_12, %get3A_666], %get3A_1 masked %ne3A_671 : memref<8x4096xf32, #tpu.memory_space<vmem>>[vector<16xi32>, vector<16xi32>], vector<16xf32>, vector<16xi1>
    tpu.vector_store_idx %arg11[%broadcast_in_dim3A_14, %get3A_666], %get3A_1 masked %ne3A_671 : memref<8x4096xf32, #tpu.memory_space<vmem>>[vector<16xi32>, vector<16xi32>], vector<16xf32>, vector<16xi1>
    tpu.vector_store_idx %arg11[%broadcast_in_dim3A_16, %get3A_666], %get3A_1 masked %ne3A_671 : memref<8x4096xf32, #tpu.memory_space<vmem>>[vector<16xi32>, vector<16xi32>], vector<16xf32>, vector<16xi1>
    tpu.vector_store_idx %arg11[%broadcast_in_dim3A_18, %get3A_666], %get3A_1 masked %ne3A_671 : memref<8x4096xf32, #tpu.memory_space<vmem>>[vector<16xi32>, vector<16xi32>], vector<16xf32>, vector<16xi1>
    %get3A_672 = arith.constant 640 : index
    %get3A_673 = tpu.vector_load %arg7[%get3A_672] {strides = array<i32>} : memref<832xi32, #tpu.memory_space<vmem>>, vector<16xi32>,
    %get3A_674 = arith.constant 640 : index
    %get3A_675 = tpu.vector_load %arg8[%get3A_674] {strides = array<i32>} : memref<832xi32, #tpu.memory_space<vmem>>, vector<16xi32>,
    %ne3A_676 = arith.constant 0 : i32
    %ne3A_677 = vector.broadcast %ne3A_676 : i32 to vector<16xi32>
    %ne3A_678 = arith.cmpi ne, %get3A_675, %ne3A_677 : vector<16xi32>
    tpu.vector_store_idx %arg11[%broadcast_in_dim3A_4, %get3A_673], %get3A_1 masked %ne3A_678 : memref<8x4096xf32, #tpu.memory_space<vmem>>[vector<16xi32>, vector<16xi32>], vector<16xf32>, vector<16xi1>
    tpu.vector_store_idx %arg11[%broadcast_in_dim3A_6, %get3A_673], %get3A_1 masked %ne3A_678 : memref<8x4096xf32, #tpu.memory_space<vmem>>[vector<16xi32>, vector<16xi32>], vector<16xf32>, vector<16xi1>
    tpu.vector_store_idx %arg11[%broadcast_in_dim3A_8, %get3A_673], %get3A_1 masked %ne3A_678 : memref<8x4096xf32, #tpu.memory_space<vmem>>[vector<16xi32>, vector<16xi32>], vector<16xf32>, vector<16xi1>
    tpu.vector_store_idx %arg11[%broadcast_in_dim3A_10, %get3A_673], %get3A_1 masked %ne3A_678 : memref<8x4096xf32, #tpu.memory_space<vmem>>[vector<16xi32>, vector<16xi32>], vector<16xf32>, vector<16xi1>
    tpu.vector_store_idx %arg11[%broadcast_in_dim3A_12, %get3A_673], %get3A_1 masked %ne3A_678 : memref<8x4096xf32, #tpu.memory_space<vmem>>[vector<16xi32>, vector<16xi32>], vector<16xf32>, vector<16xi1>
    tpu.vector_store_idx %arg11[%broadcast_in_dim3A_14, %get3A_673], %get3A_1 masked %ne3A_678 : memref<8x4096xf32, #tpu.memory_space<vmem>>[vector<16xi32>, vector<16xi32>], vector<16xf32>, vector<16xi1>
    tpu.vector_store_idx %arg11[%broadcast_in_dim3A_16, %get3A_673], %get3A_1 masked %ne3A_678 : memref<8x4096xf32, #tpu.memory_space<vmem>>[vector<16xi32>, vector<16xi32>], vector<16xf32>, vector<16xi1>
    tpu.vector_store_idx %arg11[%broadcast_in_dim3A_18, %get3A_673], %get3A_1 masked %ne3A_678 : memref<8x4096xf32, #tpu.memory_space<vmem>>[vector<16xi32>, vector<16xi32>], vector<16xf32>, vector<16xi1>
    %get3A_679 = arith.constant 656 : index
    %get3A_680 = tpu.vector_load %arg7[%get3A_679] {strides = array<i32>} : memref<832xi32, #tpu.memory_space<vmem>>, vector<16xi32>,
    %get3A_681 = arith.constant 656 : index
    %get3A_682 = tpu.vector_load %arg8[%get3A_681] {strides = array<i32>} : memref<832xi32, #tpu.memory_space<vmem>>, vector<16xi32>,
    %ne3A_683 = arith.constant 0 : i32
    %ne3A_684 = vector.broadcast %ne3A_683 : i32 to vector<16xi32>
    %ne3A_685 = arith.cmpi ne, %get3A_682, %ne3A_684 : vector<16xi32>
    tpu.vector_store_idx %arg11[%broadcast_in_dim3A_4, %get3A_680], %get3A_1 masked %ne3A_685 : memref<8x4096xf32, #tpu.memory_space<vmem>>[vector<16xi32>, vector<16xi32>], vector<16xf32>, vector<16xi1>
    tpu.vector_store_idx %arg11[%broadcast_in_dim3A_6, %get3A_680], %get3A_1 masked %ne3A_685 : memref<8x4096xf32, #tpu.memory_space<vmem>>[vector<16xi32>, vector<16xi32>], vector<16xf32>, vector<16xi1>
    tpu.vector_store_idx %arg11[%broadcast_in_dim3A_8, %get3A_680], %get3A_1 masked %ne3A_685 : memref<8x4096xf32, #tpu.memory_space<vmem>>[vector<16xi32>, vector<16xi32>], vector<16xf32>, vector<16xi1>
    tpu.vector_store_idx %arg11[%broadcast_in_dim3A_10, %get3A_680], %get3A_1 masked %ne3A_685 : memref<8x4096xf32, #tpu.memory_space<vmem>>[vector<16xi32>, vector<16xi32>], vector<16xf32>, vector<16xi1>
    tpu.vector_store_idx %arg11[%broadcast_in_dim3A_12, %get3A_680], %get3A_1 masked %ne3A_685 : memref<8x4096xf32, #tpu.memory_space<vmem>>[vector<16xi32>, vector<16xi32>], vector<16xf32>, vector<16xi1>
    tpu.vector_store_idx %arg11[%broadcast_in_dim3A_14, %get3A_680], %get3A_1 masked %ne3A_685 : memref<8x4096xf32, #tpu.memory_space<vmem>>[vector<16xi32>, vector<16xi32>], vector<16xf32>, vector<16xi1>
    tpu.vector_store_idx %arg11[%broadcast_in_dim3A_16, %get3A_680], %get3A_1 masked %ne3A_685 : memref<8x4096xf32, #tpu.memory_space<vmem>>[vector<16xi32>, vector<16xi32>], vector<16xf32>, vector<16xi1>
    tpu.vector_store_idx %arg11[%broadcast_in_dim3A_18, %get3A_680], %get3A_1 masked %ne3A_685 : memref<8x4096xf32, #tpu.memory_space<vmem>>[vector<16xi32>, vector<16xi32>], vector<16xf32>, vector<16xi1>
    %get3A_686 = arith.constant 672 : index
    %get3A_687 = tpu.vector_load %arg7[%get3A_686] {strides = array<i32>} : memref<832xi32, #tpu.memory_space<vmem>>, vector<16xi32>,
    %get3A_688 = arith.constant 672 : index
    %get3A_689 = tpu.vector_load %arg8[%get3A_688] {strides = array<i32>} : memref<832xi32, #tpu.memory_space<vmem>>, vector<16xi32>,
    %ne3A_690 = arith.constant 0 : i32
    %ne3A_691 = vector.broadcast %ne3A_690 : i32 to vector<16xi32>
    %ne3A_692 = arith.cmpi ne, %get3A_689, %ne3A_691 : vector<16xi32>
    tpu.vector_store_idx %arg11[%broadcast_in_dim3A_4, %get3A_687], %get3A_1 masked %ne3A_692 : memref<8x4096xf32, #tpu.memory_space<vmem>>[vector<16xi32>, vector<16xi32>], vector<16xf32>, vector<16xi1>
    tpu.vector_store_idx %arg11[%broadcast_in_dim3A_6, %get3A_687], %get3A_1 masked %ne3A_692 : memref<8x4096xf32, #tpu.memory_space<vmem>>[vector<16xi32>, vector<16xi32>], vector<16xf32>, vector<16xi1>
    tpu.vector_store_idx %arg11[%broadcast_in_dim3A_8, %get3A_687], %get3A_1 masked %ne3A_692 : memref<8x4096xf32, #tpu.memory_space<vmem>>[vector<16xi32>, vector<16xi32>], vector<16xf32>, vector<16xi1>
    tpu.vector_store_idx %arg11[%broadcast_in_dim3A_10, %get3A_687], %get3A_1 masked %ne3A_692 : memref<8x4096xf32, #tpu.memory_space<vmem>>[vector<16xi32>, vector<16xi32>], vector<16xf32>, vector<16xi1>
    tpu.vector_store_idx %arg11[%broadcast_in_dim3A_12, %get3A_687], %get3A_1 masked %ne3A_692 : memref<8x4096xf32, #tpu.memory_space<vmem>>[vector<16xi32>, vector<16xi32>], vector<16xf32>, vector<16xi1>
    tpu.vector_store_idx %arg11[%broadcast_in_dim3A_14, %get3A_687], %get3A_1 masked %ne3A_692 : memref<8x4096xf32, #tpu.memory_space<vmem>>[vector<16xi32>, vector<16xi32>], vector<16xf32>, vector<16xi1>
    tpu.vector_store_idx %arg11[%broadcast_in_dim3A_16, %get3A_687], %get3A_1 masked %ne3A_692 : memref<8x4096xf32, #tpu.memory_space<vmem>>[vector<16xi32>, vector<16xi32>], vector<16xf32>, vector<16xi1>
    tpu.vector_store_idx %arg11[%broadcast_in_dim3A_18, %get3A_687], %get3A_1 masked %ne3A_692 : memref<8x4096xf32, #tpu.memory_space<vmem>>[vector<16xi32>, vector<16xi32>], vector<16xf32>, vector<16xi1>
    %get3A_693 = arith.constant 688 : index
    %get3A_694 = tpu.vector_load %arg7[%get3A_693] {strides = array<i32>} : memref<832xi32, #tpu.memory_space<vmem>>, vector<16xi32>,
    %get3A_695 = arith.constant 688 : index
    %get3A_696 = tpu.vector_load %arg8[%get3A_695] {strides = array<i32>} : memref<832xi32, #tpu.memory_space<vmem>>, vector<16xi32>,
    %ne3A_697 = arith.constant 0 : i32
    %ne3A_698 = vector.broadcast %ne3A_697 : i32 to vector<16xi32>
    %ne3A_699 = arith.cmpi ne, %get3A_696, %ne3A_698 : vector<16xi32>
    tpu.vector_store_idx %arg11[%broadcast_in_dim3A_4, %get3A_694], %get3A_1 masked %ne3A_699 : memref<8x4096xf32, #tpu.memory_space<vmem>>[vector<16xi32>, vector<16xi32>], vector<16xf32>, vector<16xi1>
    tpu.vector_store_idx %arg11[%broadcast_in_dim3A_6, %get3A_694], %get3A_1 masked %ne3A_699 : memref<8x4096xf32, #tpu.memory_space<vmem>>[vector<16xi32>, vector<16xi32>], vector<16xf32>, vector<16xi1>
    tpu.vector_store_idx %arg11[%broadcast_in_dim3A_8, %get3A_694], %get3A_1 masked %ne3A_699 : memref<8x4096xf32, #tpu.memory_space<vmem>>[vector<16xi32>, vector<16xi32>], vector<16xf32>, vector<16xi1>
    tpu.vector_store_idx %arg11[%broadcast_in_dim3A_10, %get3A_694], %get3A_1 masked %ne3A_699 : memref<8x4096xf32, #tpu.memory_space<vmem>>[vector<16xi32>, vector<16xi32>], vector<16xf32>, vector<16xi1>
    tpu.vector_store_idx %arg11[%broadcast_in_dim3A_12, %get3A_694], %get3A_1 masked %ne3A_699 : memref<8x4096xf32, #tpu.memory_space<vmem>>[vector<16xi32>, vector<16xi32>], vector<16xf32>, vector<16xi1>
    tpu.vector_store_idx %arg11[%broadcast_in_dim3A_14, %get3A_694], %get3A_1 masked %ne3A_699 : memref<8x4096xf32, #tpu.memory_space<vmem>>[vector<16xi32>, vector<16xi32>], vector<16xf32>, vector<16xi1>
    tpu.vector_store_idx %arg11[%broadcast_in_dim3A_16, %get3A_694], %get3A_1 masked %ne3A_699 : memref<8x4096xf32, #tpu.memory_space<vmem>>[vector<16xi32>, vector<16xi32>], vector<16xf32>, vector<16xi1>
    tpu.vector_store_idx %arg11[%broadcast_in_dim3A_18, %get3A_694], %get3A_1 masked %ne3A_699 : memref<8x4096xf32, #tpu.memory_space<vmem>>[vector<16xi32>, vector<16xi32>], vector<16xf32>, vector<16xi1>
    %get3A_700 = arith.constant 704 : index
    %get3A_701 = tpu.vector_load %arg7[%get3A_700] {strides = array<i32>} : memref<832xi32, #tpu.memory_space<vmem>>, vector<16xi32>,
    %get3A_702 = arith.constant 704 : index
    %get3A_703 = tpu.vector_load %arg8[%get3A_702] {strides = array<i32>} : memref<832xi32, #tpu.memory_space<vmem>>, vector<16xi32>,
    %ne3A_704 = arith.constant 0 : i32
    %ne3A_705 = vector.broadcast %ne3A_704 : i32 to vector<16xi32>
    %ne3A_706 = arith.cmpi ne, %get3A_703, %ne3A_705 : vector<16xi32>
    tpu.vector_store_idx %arg11[%broadcast_in_dim3A_4, %get3A_701], %get3A_1 masked %ne3A_706 : memref<8x4096xf32, #tpu.memory_space<vmem>>[vector<16xi32>, vector<16xi32>], vector<16xf32>, vector<16xi1>
    tpu.vector_store_idx %arg11[%broadcast_in_dim3A_6, %get3A_701], %get3A_1 masked %ne3A_706 : memref<8x4096xf32, #tpu.memory_space<vmem>>[vector<16xi32>, vector<16xi32>], vector<16xf32>, vector<16xi1>
    tpu.vector_store_idx %arg11[%broadcast_in_dim3A_8, %get3A_701], %get3A_1 masked %ne3A_706 : memref<8x4096xf32, #tpu.memory_space<vmem>>[vector<16xi32>, vector<16xi32>], vector<16xf32>, vector<16xi1>
    tpu.vector_store_idx %arg11[%broadcast_in_dim3A_10, %get3A_701], %get3A_1 masked %ne3A_706 : memref<8x4096xf32, #tpu.memory_space<vmem>>[vector<16xi32>, vector<16xi32>], vector<16xf32>, vector<16xi1>
    tpu.vector_store_idx %arg11[%broadcast_in_dim3A_12, %get3A_701], %get3A_1 masked %ne3A_706 : memref<8x4096xf32, #tpu.memory_space<vmem>>[vector<16xi32>, vector<16xi32>], vector<16xf32>, vector<16xi1>
    tpu.vector_store_idx %arg11[%broadcast_in_dim3A_14, %get3A_701], %get3A_1 masked %ne3A_706 : memref<8x4096xf32, #tpu.memory_space<vmem>>[vector<16xi32>, vector<16xi32>], vector<16xf32>, vector<16xi1>
    tpu.vector_store_idx %arg11[%broadcast_in_dim3A_16, %get3A_701], %get3A_1 masked %ne3A_706 : memref<8x4096xf32, #tpu.memory_space<vmem>>[vector<16xi32>, vector<16xi32>], vector<16xf32>, vector<16xi1>
    tpu.vector_store_idx %arg11[%broadcast_in_dim3A_18, %get3A_701], %get3A_1 masked %ne3A_706 : memref<8x4096xf32, #tpu.memory_space<vmem>>[vector<16xi32>, vector<16xi32>], vector<16xf32>, vector<16xi1>
    %get3A_707 = arith.constant 720 : index
    %get3A_708 = tpu.vector_load %arg7[%get3A_707] {strides = array<i32>} : memref<832xi32, #tpu.memory_space<vmem>>, vector<16xi32>,
    %get3A_709 = arith.constant 720 : index
    %get3A_710 = tpu.vector_load %arg8[%get3A_709] {strides = array<i32>} : memref<832xi32, #tpu.memory_space<vmem>>, vector<16xi32>,
    %ne3A_711 = arith.constant 0 : i32
    %ne3A_712 = vector.broadcast %ne3A_711 : i32 to vector<16xi32>
    %ne3A_713 = arith.cmpi ne, %get3A_710, %ne3A_712 : vector<16xi32>
    tpu.vector_store_idx %arg11[%broadcast_in_dim3A_4, %get3A_708], %get3A_1 masked %ne3A_713 : memref<8x4096xf32, #tpu.memory_space<vmem>>[vector<16xi32>, vector<16xi32>], vector<16xf32>, vector<16xi1>
    tpu.vector_store_idx %arg11[%broadcast_in_dim3A_6, %get3A_708], %get3A_1 masked %ne3A_713 : memref<8x4096xf32, #tpu.memory_space<vmem>>[vector<16xi32>, vector<16xi32>], vector<16xf32>, vector<16xi1>
    tpu.vector_store_idx %arg11[%broadcast_in_dim3A_8, %get3A_708], %get3A_1 masked %ne3A_713 : memref<8x4096xf32, #tpu.memory_space<vmem>>[vector<16xi32>, vector<16xi32>], vector<16xf32>, vector<16xi1>
    tpu.vector_store_idx %arg11[%broadcast_in_dim3A_10, %get3A_708], %get3A_1 masked %ne3A_713 : memref<8x4096xf32, #tpu.memory_space<vmem>>[vector<16xi32>, vector<16xi32>], vector<16xf32>, vector<16xi1>
    tpu.vector_store_idx %arg11[%broadcast_in_dim3A_12, %get3A_708], %get3A_1 masked %ne3A_713 : memref<8x4096xf32, #tpu.memory_space<vmem>>[vector<16xi32>, vector<16xi32>], vector<16xf32>, vector<16xi1>
    tpu.vector_store_idx %arg11[%broadcast_in_dim3A_14, %get3A_708], %get3A_1 masked %ne3A_713 : memref<8x4096xf32, #tpu.memory_space<vmem>>[vector<16xi32>, vector<16xi32>], vector<16xf32>, vector<16xi1>
    tpu.vector_store_idx %arg11[%broadcast_in_dim3A_16, %get3A_708], %get3A_1 masked %ne3A_713 : memref<8x4096xf32, #tpu.memory_space<vmem>>[vector<16xi32>, vector<16xi32>], vector<16xf32>, vector<16xi1>
    tpu.vector_store_idx %arg11[%broadcast_in_dim3A_18, %get3A_708], %get3A_1 masked %ne3A_713 : memref<8x4096xf32, #tpu.memory_space<vmem>>[vector<16xi32>, vector<16xi32>], vector<16xf32>, vector<16xi1>
    %get3A_714 = arith.constant 736 : index
    %get3A_715 = tpu.vector_load %arg7[%get3A_714] {strides = array<i32>} : memref<832xi32, #tpu.memory_space<vmem>>, vector<16xi32>,
    %get3A_716 = arith.constant 736 : index
    %get3A_717 = tpu.vector_load %arg8[%get3A_716] {strides = array<i32>} : memref<832xi32, #tpu.memory_space<vmem>>, vector<16xi32>,
    %ne3A_718 = arith.constant 0 : i32
    %ne3A_719 = vector.broadcast %ne3A_718 : i32 to vector<16xi32>
    %ne3A_720 = arith.cmpi ne, %get3A_717, %ne3A_719 : vector<16xi32>
    tpu.vector_store_idx %arg11[%broadcast_in_dim3A_4, %get3A_715], %get3A_1 masked %ne3A_720 : memref<8x4096xf32, #tpu.memory_space<vmem>>[vector<16xi32>, vector<16xi32>], vector<16xf32>, vector<16xi1>
    tpu.vector_store_idx %arg11[%broadcast_in_dim3A_6, %get3A_715], %get3A_1 masked %ne3A_720 : memref<8x4096xf32, #tpu.memory_space<vmem>>[vector<16xi32>, vector<16xi32>], vector<16xf32>, vector<16xi1>
    tpu.vector_store_idx %arg11[%broadcast_in_dim3A_8, %get3A_715], %get3A_1 masked %ne3A_720 : memref<8x4096xf32, #tpu.memory_space<vmem>>[vector<16xi32>, vector<16xi32>], vector<16xf32>, vector<16xi1>
    tpu.vector_store_idx %arg11[%broadcast_in_dim3A_10, %get3A_715], %get3A_1 masked %ne3A_720 : memref<8x4096xf32, #tpu.memory_space<vmem>>[vector<16xi32>, vector<16xi32>], vector<16xf32>, vector<16xi1>
    tpu.vector_store_idx %arg11[%broadcast_in_dim3A_12, %get3A_715], %get3A_1 masked %ne3A_720 : memref<8x4096xf32, #tpu.memory_space<vmem>>[vector<16xi32>, vector<16xi32>], vector<16xf32>, vector<16xi1>
    tpu.vector_store_idx %arg11[%broadcast_in_dim3A_14, %get3A_715], %get3A_1 masked %ne3A_720 : memref<8x4096xf32, #tpu.memory_space<vmem>>[vector<16xi32>, vector<16xi32>], vector<16xf32>, vector<16xi1>
    tpu.vector_store_idx %arg11[%broadcast_in_dim3A_16, %get3A_715], %get3A_1 masked %ne3A_720 : memref<8x4096xf32, #tpu.memory_space<vmem>>[vector<16xi32>, vector<16xi32>], vector<16xf32>, vector<16xi1>
    tpu.vector_store_idx %arg11[%broadcast_in_dim3A_18, %get3A_715], %get3A_1 masked %ne3A_720 : memref<8x4096xf32, #tpu.memory_space<vmem>>[vector<16xi32>, vector<16xi32>], vector<16xf32>, vector<16xi1>
    %get3A_721 = arith.constant 752 : index
    %get3A_722 = tpu.vector_load %arg7[%get3A_721] {strides = array<i32>} : memref<832xi32, #tpu.memory_space<vmem>>, vector<16xi32>,
    %get3A_723 = arith.constant 752 : index
    %get3A_724 = tpu.vector_load %arg8[%get3A_723] {strides = array<i32>} : memref<832xi32, #tpu.memory_space<vmem>>, vector<16xi32>,
    %ne3A_725 = arith.constant 0 : i32
    %ne3A_726 = vector.broadcast %ne3A_725 : i32 to vector<16xi32>
    %ne3A_727 = arith.cmpi ne, %get3A_724, %ne3A_726 : vector<16xi32>
    tpu.vector_store_idx %arg11[%broadcast_in_dim3A_4, %get3A_722], %get3A_1 masked %ne3A_727 : memref<8x4096xf32, #tpu.memory_space<vmem>>[vector<16xi32>, vector<16xi32>], vector<16xf32>, vector<16xi1>
    tpu.vector_store_idx %arg11[%broadcast_in_dim3A_6, %get3A_722], %get3A_1 masked %ne3A_727 : memref<8x4096xf32, #tpu.memory_space<vmem>>[vector<16xi32>, vector<16xi32>], vector<16xf32>, vector<16xi1>
    tpu.vector_store_idx %arg11[%broadcast_in_dim3A_8, %get3A_722], %get3A_1 masked %ne3A_727 : memref<8x4096xf32, #tpu.memory_space<vmem>>[vector<16xi32>, vector<16xi32>], vector<16xf32>, vector<16xi1>
    tpu.vector_store_idx %arg11[%broadcast_in_dim3A_10, %get3A_722], %get3A_1 masked %ne3A_727 : memref<8x4096xf32, #tpu.memory_space<vmem>>[vector<16xi32>, vector<16xi32>], vector<16xf32>, vector<16xi1>
    tpu.vector_store_idx %arg11[%broadcast_in_dim3A_12, %get3A_722], %get3A_1 masked %ne3A_727 : memref<8x4096xf32, #tpu.memory_space<vmem>>[vector<16xi32>, vector<16xi32>], vector<16xf32>, vector<16xi1>
    tpu.vector_store_idx %arg11[%broadcast_in_dim3A_14, %get3A_722], %get3A_1 masked %ne3A_727 : memref<8x4096xf32, #tpu.memory_space<vmem>>[vector<16xi32>, vector<16xi32>], vector<16xf32>, vector<16xi1>
    tpu.vector_store_idx %arg11[%broadcast_in_dim3A_16, %get3A_722], %get3A_1 masked %ne3A_727 : memref<8x4096xf32, #tpu.memory_space<vmem>>[vector<16xi32>, vector<16xi32>], vector<16xf32>, vector<16xi1>
    tpu.vector_store_idx %arg11[%broadcast_in_dim3A_18, %get3A_722], %get3A_1 masked %ne3A_727 : memref<8x4096xf32, #tpu.memory_space<vmem>>[vector<16xi32>, vector<16xi32>], vector<16xf32>, vector<16xi1>
    %get3A_728 = arith.constant 768 : index
    %get3A_729 = tpu.vector_load %arg7[%get3A_728] {strides = array<i32>} : memref<832xi32, #tpu.memory_space<vmem>>, vector<16xi32>,
    %get3A_730 = arith.constant 768 : index
    %get3A_731 = tpu.vector_load %arg8[%get3A_730] {strides = array<i32>} : memref<832xi32, #tpu.memory_space<vmem>>, vector<16xi32>,
    %ne3A_732 = arith.constant 0 : i32
    %ne3A_733 = vector.broadcast %ne3A_732 : i32 to vector<16xi32>
    %ne3A_734 = arith.cmpi ne, %get3A_731, %ne3A_733 : vector<16xi32>
    tpu.vector_store_idx %arg11[%broadcast_in_dim3A_4, %get3A_729], %get3A_1 masked %ne3A_734 : memref<8x4096xf32, #tpu.memory_space<vmem>>[vector<16xi32>, vector<16xi32>], vector<16xf32>, vector<16xi1>
    tpu.vector_store_idx %arg11[%broadcast_in_dim3A_6, %get3A_729], %get3A_1 masked %ne3A_734 : memref<8x4096xf32, #tpu.memory_space<vmem>>[vector<16xi32>, vector<16xi32>], vector<16xf32>, vector<16xi1>
    tpu.vector_store_idx %arg11[%broadcast_in_dim3A_8, %get3A_729], %get3A_1 masked %ne3A_734 : memref<8x4096xf32, #tpu.memory_space<vmem>>[vector<16xi32>, vector<16xi32>], vector<16xf32>, vector<16xi1>
    tpu.vector_store_idx %arg11[%broadcast_in_dim3A_10, %get3A_729], %get3A_1 masked %ne3A_734 : memref<8x4096xf32, #tpu.memory_space<vmem>>[vector<16xi32>, vector<16xi32>], vector<16xf32>, vector<16xi1>
    tpu.vector_store_idx %arg11[%broadcast_in_dim3A_12, %get3A_729], %get3A_1 masked %ne3A_734 : memref<8x4096xf32, #tpu.memory_space<vmem>>[vector<16xi32>, vector<16xi32>], vector<16xf32>, vector<16xi1>
    tpu.vector_store_idx %arg11[%broadcast_in_dim3A_14, %get3A_729], %get3A_1 masked %ne3A_734 : memref<8x4096xf32, #tpu.memory_space<vmem>>[vector<16xi32>, vector<16xi32>], vector<16xf32>, vector<16xi1>
    tpu.vector_store_idx %arg11[%broadcast_in_dim3A_16, %get3A_729], %get3A_1 masked %ne3A_734 : memref<8x4096xf32, #tpu.memory_space<vmem>>[vector<16xi32>, vector<16xi32>], vector<16xf32>, vector<16xi1>
    tpu.vector_store_idx %arg11[%broadcast_in_dim3A_18, %get3A_729], %get3A_1 masked %ne3A_734 : memref<8x4096xf32, #tpu.memory_space<vmem>>[vector<16xi32>, vector<16xi32>], vector<16xf32>, vector<16xi1>
    %get3A_735 = arith.constant 784 : index
    %get3A_736 = tpu.vector_load %arg7[%get3A_735] {strides = array<i32>} : memref<832xi32, #tpu.memory_space<vmem>>, vector<16xi32>,
    %get3A_737 = arith.constant 784 : index
    %get3A_738 = tpu.vector_load %arg8[%get3A_737] {strides = array<i32>} : memref<832xi32, #tpu.memory_space<vmem>>, vector<16xi32>,
    %ne3A_739 = arith.constant 0 : i32
    %ne3A_740 = vector.broadcast %ne3A_739 : i32 to vector<16xi32>
    %ne3A_741 = arith.cmpi ne, %get3A_738, %ne3A_740 : vector<16xi32>
    tpu.vector_store_idx %arg11[%broadcast_in_dim3A_4, %get3A_736], %get3A_1 masked %ne3A_741 : memref<8x4096xf32, #tpu.memory_space<vmem>>[vector<16xi32>, vector<16xi32>], vector<16xf32>, vector<16xi1>
    tpu.vector_store_idx %arg11[%broadcast_in_dim3A_6, %get3A_736], %get3A_1 masked %ne3A_741 : memref<8x4096xf32, #tpu.memory_space<vmem>>[vector<16xi32>, vector<16xi32>], vector<16xf32>, vector<16xi1>
    tpu.vector_store_idx %arg11[%broadcast_in_dim3A_8, %get3A_736], %get3A_1 masked %ne3A_741 : memref<8x4096xf32, #tpu.memory_space<vmem>>[vector<16xi32>, vector<16xi32>], vector<16xf32>, vector<16xi1>
    tpu.vector_store_idx %arg11[%broadcast_in_dim3A_10, %get3A_736], %get3A_1 masked %ne3A_741 : memref<8x4096xf32, #tpu.memory_space<vmem>>[vector<16xi32>, vector<16xi32>], vector<16xf32>, vector<16xi1>
    tpu.vector_store_idx %arg11[%broadcast_in_dim3A_12, %get3A_736], %get3A_1 masked %ne3A_741 : memref<8x4096xf32, #tpu.memory_space<vmem>>[vector<16xi32>, vector<16xi32>], vector<16xf32>, vector<16xi1>
    tpu.vector_store_idx %arg11[%broadcast_in_dim3A_14, %get3A_736], %get3A_1 masked %ne3A_741 : memref<8x4096xf32, #tpu.memory_space<vmem>>[vector<16xi32>, vector<16xi32>], vector<16xf32>, vector<16xi1>
    tpu.vector_store_idx %arg11[%broadcast_in_dim3A_16, %get3A_736], %get3A_1 masked %ne3A_741 : memref<8x4096xf32, #tpu.memory_space<vmem>>[vector<16xi32>, vector<16xi32>], vector<16xf32>, vector<16xi1>
    tpu.vector_store_idx %arg11[%broadcast_in_dim3A_18, %get3A_736], %get3A_1 masked %ne3A_741 : memref<8x4096xf32, #tpu.memory_space<vmem>>[vector<16xi32>, vector<16xi32>], vector<16xf32>, vector<16xi1>
    %get3A_742 = arith.constant 800 : index
    %get3A_743 = tpu.vector_load %arg7[%get3A_742] {strides = array<i32>} : memref<832xi32, #tpu.memory_space<vmem>>, vector<16xi32>,
    %get3A_744 = arith.constant 800 : index
    %get3A_745 = tpu.vector_load %arg8[%get3A_744] {strides = array<i32>} : memref<832xi32, #tpu.memory_space<vmem>>, vector<16xi32>,
    %ne3A_746 = arith.constant 0 : i32
    %ne3A_747 = vector.broadcast %ne3A_746 : i32 to vector<16xi32>
    %ne3A_748 = arith.cmpi ne, %get3A_745, %ne3A_747 : vector<16xi32>
    tpu.vector_store_idx %arg11[%broadcast_in_dim3A_4, %get3A_743], %get3A_1 masked %ne3A_748 : memref<8x4096xf32, #tpu.memory_space<vmem>>[vector<16xi32>, vector<16xi32>], vector<16xf32>, vector<16xi1>
    tpu.vector_store_idx %arg11[%broadcast_in_dim3A_6, %get3A_743], %get3A_1 masked %ne3A_748 : memref<8x4096xf32, #tpu.memory_space<vmem>>[vector<16xi32>, vector<16xi32>], vector<16xf32>, vector<16xi1>
    tpu.vector_store_idx %arg11[%broadcast_in_dim3A_8, %get3A_743], %get3A_1 masked %ne3A_748 : memref<8x4096xf32, #tpu.memory_space<vmem>>[vector<16xi32>, vector<16xi32>], vector<16xf32>, vector<16xi1>
    tpu.vector_store_idx %arg11[%broadcast_in_dim3A_10, %get3A_743], %get3A_1 masked %ne3A_748 : memref<8x4096xf32, #tpu.memory_space<vmem>>[vector<16xi32>, vector<16xi32>], vector<16xf32>, vector<16xi1>
    tpu.vector_store_idx %arg11[%broadcast_in_dim3A_12, %get3A_743], %get3A_1 masked %ne3A_748 : memref<8x4096xf32, #tpu.memory_space<vmem>>[vector<16xi32>, vector<16xi32>], vector<16xf32>, vector<16xi1>
    tpu.vector_store_idx %arg11[%broadcast_in_dim3A_14, %get3A_743], %get3A_1 masked %ne3A_748 : memref<8x4096xf32, #tpu.memory_space<vmem>>[vector<16xi32>, vector<16xi32>], vector<16xf32>, vector<16xi1>
    tpu.vector_store_idx %arg11[%broadcast_in_dim3A_16, %get3A_743], %get3A_1 masked %ne3A_748 : memref<8x4096xf32, #tpu.memory_space<vmem>>[vector<16xi32>, vector<16xi32>], vector<16xf32>, vector<16xi1>
    tpu.vector_store_idx %arg11[%broadcast_in_dim3A_18, %get3A_743], %get3A_1 masked %ne3A_748 : memref<8x4096xf32, #tpu.memory_space<vmem>>[vector<16xi32>, vector<16xi32>], vector<16xf32>, vector<16xi1>
    %get3A_749 = arith.constant 816 : index
    %get3A_750 = tpu.vector_load %arg7[%get3A_749] {strides = array<i32>} : memref<832xi32, #tpu.memory_space<vmem>>, vector<16xi32>,
    %get3A_751 = arith.constant 816 : index
    %get3A_752 = tpu.vector_load %arg8[%get3A_751] {strides = array<i32>} : memref<832xi32, #tpu.memory_space<vmem>>, vector<16xi32>,
    %ne3A_753 = arith.constant 0 : i32
    %ne3A_754 = vector.broadcast %ne3A_753 : i32 to vector<16xi32>
    %ne3A_755 = arith.cmpi ne, %get3A_752, %ne3A_754 : vector<16xi32>
    tpu.vector_store_idx %arg11[%broadcast_in_dim3A_4, %get3A_750], %get3A_1 masked %ne3A_755 : memref<8x4096xf32, #tpu.memory_space<vmem>>[vector<16xi32>, vector<16xi32>], vector<16xf32>, vector<16xi1>
    tpu.vector_store_idx %arg11[%broadcast_in_dim3A_6, %get3A_750], %get3A_1 masked %ne3A_755 : memref<8x4096xf32, #tpu.memory_space<vmem>>[vector<16xi32>, vector<16xi32>], vector<16xf32>, vector<16xi1>
    tpu.vector_store_idx %arg11[%broadcast_in_dim3A_8, %get3A_750], %get3A_1 masked %ne3A_755 : memref<8x4096xf32, #tpu.memory_space<vmem>>[vector<16xi32>, vector<16xi32>], vector<16xf32>, vector<16xi1>
    tpu.vector_store_idx %arg11[%broadcast_in_dim3A_10, %get3A_750], %get3A_1 masked %ne3A_755 : memref<8x4096xf32, #tpu.memory_space<vmem>>[vector<16xi32>, vector<16xi32>], vector<16xf32>, vector<16xi1>
    tpu.vector_store_idx %arg11[%broadcast_in_dim3A_12, %get3A_750], %get3A_1 masked %ne3A_755 : memref<8x4096xf32, #tpu.memory_space<vmem>>[vector<16xi32>, vector<16xi32>], vector<16xf32>, vector<16xi1>
    tpu.vector_store_idx %arg11[%broadcast_in_dim3A_14, %get3A_750], %get3A_1 masked %ne3A_755 : memref<8x4096xf32, #tpu.memory_space<vmem>>[vector<16xi32>, vector<16xi32>], vector<16xf32>, vector<16xi1>
    tpu.vector_store_idx %arg11[%broadcast_in_dim3A_16, %get3A_750], %get3A_1 masked %ne3A_755 : memref<8x4096xf32, #tpu.memory_space<vmem>>[vector<16xi32>, vector<16xi32>], vector<16xf32>, vector<16xi1>
    tpu.vector_store_idx %arg11[%broadcast_in_dim3A_18, %get3A_750], %get3A_1 masked %ne3A_755 : memref<8x4096xf32, #tpu.memory_space<vmem>>[vector<16xi32>, vector<16xi32>], vector<16xf32>, vector<16xi1>
    %add3A_756 = arith.constant 8 : i32
    %add3A_757 = arith.addi %mul3A_3, %add3A_756 : i32
    "tpu.region"() ({
      %run_scoped3A = tpu.sem_alloc : memref<!tpu.dma_semaphore, #tpu.memory_space<semaphore_mem>>
      %dma_start3A = arith.constant 0 : i32
      %dma_start3A_758 = tpu.memref_slice %arg6[%add3A_757, %dma_start3A] : memref<512x4096xf32, #tpu.memory_space<hbm>> -> memref<8x4096xf32, #tpu.memory_space<hbm>>
      %dma_start3A_759 = arith.constant 0 : i32
      %dma_start3A_760 = tpu.memref_slice %arg6[%add3A_757, %dma_start3A_759] : memref<512x4096xf32, #tpu.memory_space<hbm>> -> memref<8x4096xf32, #tpu.memory_space<hbm>>
      tpu.enqueue_dma source(%arg11 : memref<8x4096xf32, #tpu.memory_space<vmem>>) target(%dma_start3A_760 : memref<8x4096xf32, #tpu.memory_space<hbm>>) target_semaphore(%run_scoped3A : memref<!tpu.dma_semaphore, #tpu.memory_space<semaphore_mem>>)
      %dma_wait3A = arith.constant 0 : i32
      %dma_wait3A_761 = tpu.memref_slice %arg6[%add3A_757, %dma_wait3A] : memref<512x4096xf32, #tpu.memory_space<hbm>> -> memref<8x4096xf32, #tpu.memory_space<hbm>>
      %dma_wait3A_762 = arith.constant 0 : i32
      %dma_wait3A_763 = tpu.memref_slice %arg6[%add3A_757, %dma_wait3A_762] : memref<512x4096xf32, #tpu.memory_space<hbm>> -> memref<8x4096xf32, #tpu.memory_space<hbm>>
      tpu.wait_dma2 semaphore(%run_scoped3A : memref<!tpu.dma_semaphore, #tpu.memory_space<semaphore_mem>>) src(%arg11 : memref<8x4096xf32, #tpu.memory_space<vmem>>) dst(%dma_wait3A_763 : memref<8x4096xf32, #tpu.memory_space<hbm>>)
      tpu.yield
    }) : () -> ()
    return
  }
}

module attributes {stable_mosaic.version = 14 : i64} {
  func.func @_tc_body(%arg0: i32, %arg1: memref<1x4096xi32, #tpu.memory_space<vmem>>, %arg2: memref<1x1xf32, #tpu.memory_space<smem>>, %arg3: memref<512x4096xf32, #tpu.memory_space<vmem>>, %arg4: memref<512x4096xf32, #tpu.memory_space<vmem>>) attributes {dimension_semantics = [#tpu.dimension_semantics<arbitrary>], iteration_bounds = array<i64: 31>, scalar_prefetch = 0 : i64, scratch_operands = 0 : i64, tpu.core_type = #tpu.core_type<tc>, window_params = [{pipeline_mode = #tpu.pipeline_mode<synchronous>, transform_indices = @transform_0, window_bounds = array<i64: 1, 4096>}, {transform_indices = @transform_1, window_bounds = array<i64: 1, 1>}, {transform_indices = @transform_2, window_bounds = array<i64: 512, 4096>}, {transform_indices = @transform_3, window_bounds = array<i64: 512, 4096>}]} {
    %get3A = arith.constant 0 : index
    %get3A_0 = arith.constant 0 : index
    %get3A_1 = vector.load %arg1[%get3A, %get3A_0] : memref<1x4096xi32, #tpu.memory_space<vmem>>, vector<1x4096xi32>
    %ne3A = arith.constant 0 : i32
    %ne3A_2 = vector.broadcast %ne3A : i32 to vector<1x4096xi32>
    %ne3A_3 = arith.cmpi ne, %get3A_1, %ne3A_2 : vector<1x4096xi32>
    %get3A_4 = arith.constant 0 : index
    %get3A_5 = arith.constant 0 : index
    %get3A_6 = memref.load %arg2[%get3A_4, %get3A_5] : memref<1x1xf32, #tpu.memory_space<smem>>
    %get3A_7 = arith.constant 0 : index
    %get3A_8 = arith.constant 0 : index
    %get3A_9 = vector.load %arg3[%get3A_7, %get3A_8] : memref<512x4096xf32, #tpu.memory_space<vmem>>, vector<512x4096xf32>
    %broadcast_in_dim3A = vector.shape_cast %ne3A_3 : vector<1x4096xi1> to vector<1x4096xi1>
    %broadcast_in_dim3A_10 = vector.broadcast %broadcast_in_dim3A : vector<1x4096xi1> to vector<512x4096xi1>
    %broadcast_in_dim3A_11 = vector.broadcast %get3A_6 : f32 to vector<512x4096xf32>
    %select_n3A = arith.select %broadcast_in_dim3A_10, %broadcast_in_dim3A_11, %get3A_9 : vector<512x4096xi1>, vector<512x4096xf32>
    %swap3A = arith.constant 0 : index
    %swap3A_12 = arith.constant 0 : index
    %swap3A_13 = vector.load %arg4[%swap3A, %swap3A_12] : memref<512x4096xf32, #tpu.memory_space<vmem>>, vector<512x4096xf32>
    tpu.vector_store %arg4[%swap3A, %swap3A_12], %select_n3A {strides = array<i32>} : memref<512x4096xf32, #tpu.memory_space<vmem>>, vector<512x4096xf32>,
    return
  }
  func.func @transform_0(%arg0: i32) -> (i32, i32) {
    %c0_i32 = arith.constant 0 : i32
    %c0_i32_0 = arith.constant 0 : i32
    %c0_i32_1 = arith.constant 0 : i32
    return %c0_i32, %c0_i32_0 : i32, i32
  }
  func.func @transform_1(%arg0: i32) -> (i32, i32) {
    %c0_i32 = arith.constant 0 : i32
    %c0_i32_0 = arith.constant 0 : i32
    %c0_i32_1 = arith.constant 0 : i32
    return %c0_i32, %c0_i32_0 : i32, i32
  }
  func.func @transform_2(%arg0: i32) -> (i32, i32) {
    %c0_i32 = arith.constant 0 : i32
    %c0_i32_0 = arith.constant 0 : i32
    return %arg0, %c0_i32 : i32, i32
  }
  func.func @transform_3(%arg0: i32) -> (i32, i32) {
    %c0_i32 = arith.constant 0 : i32
    %c0_i32_0 = arith.constant 0 : i32
    return %arg0, %c0_i32 : i32, i32
  }
}

</mosaic_0001>

<sc_bundles>
// kernel: kernel.4.cloned.1.call-start
scs
__scs_entry_jumppad:
0x0: {  	(pc) =	sbr.rel $0x88, $3  }
0x1: {  	(tag) =	ssettag $0x0;
	lr =	simm.s32 $0x1  }
0x2: {  	[smem:$0x3F9F] =	sst lr;
	_ =	strace $0xD0000000  }
0x3: {  	_ = 	snop  }
0x4: {  	_ = 	snop  }
0x5: {  	_ = 	snop  }
0x6: {  	_ = 	snop  }
0x7: {  	_ = 	snop  }
__scs_overlays_trampoline_lowered:
0x8: {  	[smem:$0x3FAE] =	sst s0  }
0x9: {  	[smem:$0x3FAF] =	sst s1  }
0xa: {  	[smem:$0x3FB0] =	sst s2  }
0xb: {  	[smem:$0x3FB1] =	sst s3  }
0xc: {  	[smem:$0x3FB2] =	sst s4  }
0xd: {  	[smem:$0x3FB3] =	sst s5  }
0xe: {  	[smem:$0x3FB4] =	sst s6  }
0xf: {  	[smem:$0x3FB5] =	sst s7  }
0x10: {  	[smem:$0x3FB6] =	sst s8  }
0x11: {  	[smem:$0x3FB7] =	sst s9;
	s0 =	simm.s32 @!p0 $0x0  }
0x12: {  	s1 =	sld [smem:$0x3F9D];
	s0 =	simm.s32 @p0 $0x1  }
0x13: {  	[smem:$0x3FB8] =	sst s0;
	s0 =	simm.s32 @!p1 $0x0  }
0x14: {  	s2 =	sld [smem:$0x3F9C];
	s0 =	simm.s32 @p1 $0x1  }
0x15: {  	[smem:$0x3FB9] =	sst s0;
	s0 =	simm.s32 @!p2 $0x0  }
0x16: {  	s3 =	sld [smem:$0x3FDB];
	s0 =	simm.s32 @p2 $0x1  }
0x17: {  	s4 =	simm.s32 $0x1BF5;
	[smem:$0x3FBB] =	sst s0  }
0x18: {  	s0 =	sld [smem:$0x3F9E];
	_ =	swait.ge [sflag:s4], $0x0  }
0x19: {  	s7 =	sld [smem:$0x3F9F]  }
0x1a: {  	s8 =	sadd.s32 $0xFFFFE003, lr  }
0x1b: {  	s9 =	sadd.s32 $0xFFFFFEF7, lr;
	s5 =	simm.s32 $0xFFFFFFFF;
	p2 =	slt.u32 s8, $0xFFFFF086  }
0x1c: {  	p1 =	slt.u32 s9, $0xF7A;
	s5 =	simm.s32 @!p2 $0x0  }
0x1d: {  	s5 =	simm.s32 @p1 $0x1;
	p0 =	seq.s32 s7, s2  }
0x1e: {  	s7 =	smul.u32 @!p0 $0xF7A, s2;
	p2 =	seq.s32 @!p0 s5, $0x0  }
0x1f: {  	s9 =	smul.u32 $0xF7A, s1;
	s8 =	simm.s32 @!p0 $0x1BF5;
	p2 =	por !p2, p0  }
0x20: {  	[sflag:s8] =	ssyncset.s32 @!p0 $0xFFFFF086;
	s6 =	sadd.s32 @!p0 s3, s7;
	s7 =	simm.s32 @!p0 $0x108  }
0x21: {  	s3 =	sadd.s32 s3, s9;
	s6 =	sadd.s32 @!p0 $0x88, s6;
	s7 =	simm.s32 @p2 $0x1082  }
0x22: {  	[simem:s7], [sflag:s8] =	dma.local @!p0 [hbm:s6], $0xF7A  }
0x23: {  	s9 =	sor.u32 $0xD0000000, s2;
	s6 =	simm.s32 $0x108;
	_ =	swait.ge @!p0 [sflag:s8], $0x0  }
0x24: {  	s3 =	sadd.s32 $0x88, s3;
	s6 =	simm.s32 @!p1 $0x1082;
	[sflag:s4] =	ssyncset.s32 $0xFFFFF086  }
0x25: {  	[simem:s6], [sflag:s4] =	dma.local [hbm:s3], $0xF7A  }
0x26: {  	[smem:$0x3F9F] =	sst s1;
	(tag) =	ssettag s2;
	_ =	strace s9  }
0x27: {  	s1 =	sld [smem:$0x3FAF]  }
0x28: {  	s2 =	sld [smem:$0x3FB0]  }
0x29: {  	s4 =	sld [smem:$0x3FB2]  }
0x2a: {  	p0 =	seq.s32 s5, $0x0;
	s5 =	sld [smem:$0x3FB3]  }
0x2b: {  	s6 =	sld [smem:$0x3FB4]  }
0x2c: {  	s7 =	sld [smem:$0x3FB5]  }
0x2d: {  	s3 =	simm.s32 $0x108;
	s8 =	sld [smem:$0x3FB6]  }
0x2e: {  	s3 =	simm.s32 @!p0 $0x1082;
	s9 =	sld [smem:$0x3FB7]  }
0x2f: {  	lr =	sadd.s32 s0, s3;
	s0 =	sld [smem:$0x3FAE]  }
0x30: {  	s3 =	sld [smem:$0x3FB1]  }
0x31: {  	[smem:$0x3FBA] =	sst s10  }
0x32: {  	s10 =	sld [smem:$0x3FB8];
	_ =	sdelay $0x3  }
0x33: {  	p0 =	seq.s32 s10, $0x1;
	s10 =	sld [smem:$0x3FBA];
	_ =	sdelay $0x3  }
0x34: {  	[smem:$0x3FBA] =	sst s10  }
0x35: {  	s10 =	sld [smem:$0x3FB9];
	_ =	sdelay $0x3  }
0x36: {  	p1 =	seq.s32 s10, $0x1;
	s10 =	sld [smem:$0x3FBA];
	_ =	sdelay $0x3  }
0x37: {  	[smem:$0x3FBA] =	sst s10  }
0x38: {  	s10 =	sld [smem:$0x3FBB]  }
0x39: {  	_ = 	snop;
	(pc) =	sbr.ind lr, $3  }
0x3a: {  	_ = 	snop  }
0x3b: {  	_ = 	snop  }
0x3c: {  	p2 =	seq.s32 s10, $0x1;
	s10 =	sld [smem:$0x3FBA]  }
0x3d: {  	_ =	shalt  }
0x3e: {  	_ =	shalt  }
0x3f: {  	_ =	shalt  }
0x40: {  	_ =	shalt  }
0x41: {  	_ =	shalt  }
0x42: {  	_ =	shalt  }
0x43: {  	_ =	shalt  }
0x44: {  	_ =	shalt  }
0x45: {  	_ =	shalt  }
0x46: {  	_ =	shalt  }
0x47: {  	_ =	shalt  }
0x48: {  	_ =	shalt  }
0x49: {  	_ =	shalt  }
0x4a: {  	_ =	shalt  }
0x4b: {  	_ =	shalt  }
0x4c: {  	_ =	shalt  }
0x4d: {  	_ =	shalt  }
0x4e: {  	_ =	shalt  }
0x4f: {  	_ =	shalt  }
0x50: {  	_ =	shalt  }
0x51: {  	_ =	shalt  }
0x52: {  	_ =	shalt  }
0x53: {  	_ =	shalt  }
0x54: {  	_ =	shalt  }
0x55: {  	_ =	shalt  }
0x56: {  	_ =	shalt  }
0x57: {  	_ =	shalt  }
0x58: {  	_ =	shalt  }
0x59: {  	_ =	shalt  }
0x5a: {  	_ =	shalt  }
0x5b: {  	_ =	shalt  }
0x5c: {  	_ =	shalt  }
0x5d: {  	_ =	shalt  }
0x5e: {  	_ =	shalt  }
0x5f: {  	_ =	shalt  }
0x60: {  	_ =	shalt  }
0x61: {  	_ =	shalt  }
0x62: {  	_ =	shalt  }
0x63: {  	_ =	shalt  }
0x64: {  	_ =	shalt  }
0x65: {  	_ =	shalt  }
0x66: {  	_ =	shalt  }
0x67: {  	_ =	shalt  }
0x68: {  	_ =	shalt  }
0x69: {  	_ =	shalt  }
0x6a: {  	_ =	shalt  }
0x6b: {  	_ =	shalt  }
0x6c: {  	_ =	shalt  }
0x6d: {  	_ =	shalt  }
0x6e: {  	_ =	shalt  }
0x6f: {  	_ =	shalt  }
0x70: {  	_ =	shalt  }
0x71: {  	_ =	shalt  }
0x72: {  	_ =	shalt  }
0x73: {  	_ =	shalt  }
0x74: {  	_ =	shalt  }
0x75: {  	_ =	shalt  }
0x76: {  	_ =	shalt  }
0x77: {  	_ =	shalt  }
0x78: {  	_ =	shalt  }
0x79: {  	_ =	shalt  }
0x7a: {  	_ =	shalt  }
0x7b: {  	_ =	shalt  }
0x7c: {  	_ =	shalt  }
0x7d: {  	_ =	shalt  }
0x7e: {  	_ =	shalt  }
0x7f: {  	_ =	shalt  }
0x80: {  	_ =	shalt  }
0x81: {  	_ =	shalt  }
0x82: {  	_ =	shalt  }
0x83: {  	_ =	shalt  }
0x84: {  	_ =	shalt  }
0x85: {  	_ =	shalt  }
0x86: {  	_ =	shalt  }
0x87: {  	_ =	shalt  }
.Lfunc_end0:
.L_simem_size_0:
called_computation_lowered:
.L_overlay_start_0:
0x88: {  	s2 =	sld [smem:$0x3FD9]  }
0x89: {  	s3 =	sld [smem:$0x3FFE];
	_ =	sdelay $0x1  }
0x8a: {  	s1 =	srdreg.scid  }
0x8b: {  	s0 =	sand.u32 $0x1, s1  }
0x8c: {  	s17 =	sshll.u32 s0, $0xA;
	s2 =	sadd.s32 s3, s2  }
0x8d: {  	s2 =	sadd.s32 s2, s17  }
0x8e: {  	[smem:$0x3FC6] =	sst s2  }
0x8f: {  	_ = 	snop  }
0x90: {  	s2 =	sld [smem:$0x3FC9];
	(tm) =	ssettm $0x1  }
0x91: {  	s18 =	sld [smem:$0x3FFB];
	_ =	sdelay $0x3  }
0x92: {  	_ =	strace s18  }
0x93: {  	s3 =	sld [smem:$0x3FFC];
	_ =	sdelay $0x3  }
0x94: {  	_ =	strace s3  }
0x95: {  	s3 =	sld [smem:$0x3FFD];
	_ =	sdelay $0x3  }
0x96: {  	_ =	strace s3  }
0x97: {  	_ =	strace $0x8FFFFFFF  }
0x98: {  	s19 =	sld [smem:$0x3FDB];
	_ =	sdelay $0x1  }
0x99: {  	s4 =	simm.s32 $_scs_section_size  }
0x9a: {  	s5 =	simm.s32 $_size__tile_overlayer_lowered;
	s6 =	simm.s32 $_tile_overlayer_lowered  }
0x9b: {  	s22 =	simm.s32 $0x1BFF;
	s21 =	sshll.u32 s6, $0x1;
	s3 =	sadd.s32 s4, s19  }
0x9c: {  	s7 =	simm.s32 $0x0;
	s20 =	sshll.u32 s5, $0x1;
	s5 =	sadd.s32 s21, s3  }
0x9d: {  	[timem:s7], [sflag:s22] =	dma.local [hbm:s5], s20  }
0x9e: {  	_ =	swait.ge [sflag:s22], s20  }
0x9f: {  	s4 =	ssub.s32 $0x0, s20;
	[sflag:s22] =	ssyncset.done $0x0  }
0xa0: {  	[sflag:s22] =	ssyncadd.s32 s4;
	_ =	sdelay $0x1  }
0xa1: {  	s23 =	simm.s32 $0x1B8B  }
0xa2: {  	_ =	swait.ge [sflag:s23], $0x1  }
0xa3: {  	[sflag:s23] =	ssyncset.done $0x0  }
0xa4: {  	s25 =	simm.s32 $0x1B8E;
	s24 =	sld [smem:$0x3FFE];
	[sflag:s23] =	ssyncadd.s32 $0xFFFFFFFF  }
0xa5: {  	s26 =	simm.s32 $execute0_lowered;
	[smem:$0x3FD2] =	sst s25  }
0xa6: {  	s5 =	sshll.u32 s26, $0x1;
	_ =	strace $0x80000046;
	[dreg:$0x1] =	wrdreg $0xFFFFFFFF  }
0xa7: {  	s28 =	simm.s32 $_size_execute0_lowered;
	s3 =	sadd.s32 s3, s5;
	[dreg:$0x0] =	wrdreg $0x0  }
0xa8: {  	s5 =	sshll.u32 s28, $0x1;
	[dreg:$0x2] =	wrdreg s3  }
0xa9: {  	[dreg:$0x3] =	wrdreg s5  }
0xaa: {  	[dreg:$0x4] =	wrdreg $0xC0  }
0xab: {  	_ =	task [dreg:s7], $0x5FFFF  }
0xac: {  	[dreg:$0x1] =	wrdreg $0xFFFFFFFF  }
0xad: {  	[dreg:$0x0] =	wrdreg $0x60  }
0xae: {  	[dreg:$0x2] =	wrdreg s2  }
0xaf: {  	[dreg:$0x3] =	wrdreg s24  }
0xb0: {  	[dreg:$0x4] =	wrdreg $0x9  }
0xb1: {  	_ =	task.clear_ibuf [dreg:s7], $0x5FFFF;
	_ =	strace $0x90000046  }
0xb2: {  	s29 =	simm.s32 $0x9;
	_ =	strace $0x80000048  }
0xb3: {  	_ =	swait.ge [sflag:s29], $0x1  }
0xb4: {  	[sflag:s29] =	ssyncadd.s32 $0xFFFFFFFF  }
0xb5: {  	_ =	strace $0x90000048  }
0xb6: {  	_ =	sfence  }
0xb7: {  	s30 =	sld [smem:$0x0];
	_ =	sdelay $0x2  }
0xb8: {  	s31 =	sshll.u32 s1, $0xD;
	s1 =	sshrl.u32 s1, $0x2  }
0xb9: {  	s3 =	sand.u32 $0x4000, s31;
	s1 =	sadd.s32 s1, s30  }
0xba: {  	s0 =	sor.u32 s3, s0;
	s1 =	sshll.u32 s1, $0x11  }
0xbb: {  	s0 =	sor.u32 s1, s0  }
0xbc: {  	s0 =	sadd.s32 $0x8F2B, s0  }
0xbd: {  	[sflag:s0] =	ssyncadd.remote.s32 $0x1  }
0xbe: {  	_ =	sfence.sel $0xFFFF  }
0xbf: {  	[dreg:$0x0] =	wrdreg $0xFFFFFFFF;
	(pc) =	sbr.abs _section_cstart, $3  }
0xc0: {  	[dreg:$0x1] =	wrdreg $0xFFFFFFFF  }
0xc1: {  	_ =	task.clear_ibuf [dreg:s7], $0x2FFFF;
	_ =	strace $0x9FFFFFFF  }
0xc2: {  	(tm) =	ssettm $0x7FFFFFFF  }
0xc3: {  	_ =	shalt  }
tec
execute0_lowered:
.L_overlay_start_1:
0x0: {  	(tag) =	ssettag $0x1  }
0x1: {  	s6 =	rddreg [dreg:$0x0]  }
0x2: {  	s7 =	rddreg [dreg:$0x1]  }
0x3: {  	s0 =	rddreg [dreg:$0x2]  }
0x4: {  	s2 =	simm.s32 $0x0;
	s3 =	srdreg.scid;
	s1 =	stileid.u32  }
0x5: {  	s13 =	simm.s32 $0x700;
	s14 =	simm.s32 $0x780;
	s15 =	simm.s32 $0x8780  }
0x6: {  	[smem:$0x7FF] =	sst s2;
	s5 =	sand.u32 $0x1, s3;
	s3 =	sadd.s32 $0xC00, s7  }
0x7: {  	s8 =	sshll.u32 s1, $0xE;
	s4 =	sadd.s32 $0xA00, s7;
	s9 =	sshll.u32 s5, $0xD  }
0x8: {  	_ =	strace $0x80000047;
	s31 =	ssub.s32 $0x2, s5;
	s8 =	sor.u32 s9, s8  }
0x9: {  	s5 =	sadd.s32 $0x800, s7;
	s10 =	sshrl.u32 s31, $0x1;
	s11 =	sadd.s32 s8, s6  }
0xa: {  	s12 =	sadd.s32 s8, s7;
	s10 =	ssub.s32 s31, s10;
	s6 =	sadd.s32 $0x7C0000, s11  }
0xb: {  	s7 =	sadd.s32 $0xE00, s12;
	s8 =	sadd.s32 $0x7C1000, s11;
	s9 =	sadd.s32 $0x1E00, s12  }
0xc: {  	s10 =	smax.u32 s10, $0x1;
	s11 =	simm.s32 $0x1;
	s12 =	simm.s32 $0x380  }
.LBB2_1:
0xd: {  	[tilespmem:s2], [sflag:$0x1] =	stream.linear.gather [hbm4b:s3+s2], $0x380, $0x38;
	[tilespmem:$0x10780] =	vst v63  }
0xe: {  	_ =	swait.ge [sflag:s11], $0x380  }
0xf: {  	[sflag:s11] =	ssyncset.done $0x0  }
0x10: {  	[sflag:s11] =	ssyncadd.s32 $0xFFFFFC80  }
0x11: {  	[tilespmem:s12], [sflag:$0x1] =	stream.linear.gather [hbm4b:s4+s2], $0x380, $0x38;
	[tilespmem:$0x10780] =	vst v63  }
0x12: {  	_ =	swait.ge [sflag:s11], $0x380  }
0x13: {  	[sflag:s11] =	ssyncset.done $0x0  }
0x14: {  	[sflag:s11] =	ssyncadd.s32 $0xFFFFFC80  }
0x15: {  	[tilespmem:s13], [sflag:$0x1] =	stream.linear.gather [hbm4b:s5+s2], $0x80, $0x38;
	[tilespmem:$0x10780] =	vst v63  }
0x16: {  	_ =	swait.ge [sflag:s11], $0x80  }
0x17: {  	[sflag:s11] =	ssyncset.done $0x0  }
0x18: {  	[sflag:s11] =	ssyncadd.s32 $0xFFFFFF80  }
0x19: {  	v0 =	vld [tilespmem:$0x700];
	[tilespmem:s14], [sflag:$0x1] =	stream.linear.gather [hbm4b:s6+s2], $0x8000, $0x38  }
0x1a: {  	_ =	swait.ge [sflag:s11], $0x8000  }
0x1b: {  	[sflag:s11] =	ssyncset.done $0x0  }
0x1c: {  	[sflag:s11] =	ssyncadd.s32 $0xFFFF8000  }
0x1d: {  	v1 =	vld [tilespmem:$0x0]  }
0x1e: {  	v2 =	vld [tilespmem:$0x380];
	_ =	sdelay $0x3  }
0x1f: {  	v3 =	vshll.u32 v1, $0x3  }
0x20: {  	vm0 =	vne.s32 v2, $0x0;
	v1 =	vand.u32 $0x7F, v1;
	v12 =	vand.u32 $0xFFFFFC00, v3  }
0x21: {  	v1 =	vor.u32 v1, v12  }
0x22: {  	v2 =	vor.u32 $0x80, v1  }
0x23: {  	v13 =	vor.u32 $0x100, v1  }
0x24: {  	v4 =	vor.u32 $0x180, v1  }
0x25: {  	v5 =	vor.u32 $0x200, v1  }
0x26: {  	v6 =	vor.u32 $0x280, v1;
	[tilespmem:v1+s14+$0x0] =	vst.idx.msk vm0, v0  }
0x27: {  	v14 =	vor.u32 $0x300, v1;
	[tilespmem:v2+s14+$0x0] =	vst.idx.msk vm0, v0  }
0x28: {  	v1 =	vor.u32 $0x380, v1;
	[tilespmem:v13+s14+$0x0] =	vst.idx.msk vm0, v0  }
0x29: {  	[tilespmem:v4+s14+$0x0] =	vst.idx.msk vm0, v0  }
0x2a: {  	[tilespmem:v5+s14+$0x0] =	vst.idx.msk vm0, v0  }
0x2b: {  	[tilespmem:v6+s14+$0x0] =	vst.idx.msk vm0, v0  }
0x2c: {  	[tilespmem:v14+s14+$0x0] =	vst.idx.msk vm0, v0  }
0x2d: {  	[tilespmem:v1+s14+$0x0] =	vst.idx.msk vm0, v0  }
0x2e: {  	v1 =	vld [tilespmem:$0x10]  }
0x2f: {  	v2 =	vld [tilespmem:$0x390];
	_ =	sdelay $0x3  }
0x30: {  	v15 =	vshll.u32 v1, $0x3  }
0x31: {  	vm9 =	vne.s32 v2, $0x0;
	v1 =	vand.u32 $0x7F, v1;
	v16 =	vand.u32 $0xFFFFFC00, v15  }
0x32: {  	v1 =	vor.u32 v1, v16  }
0x33: {  	v2 =	vor.u32 $0x80, v1  }
0x34: {  	v17 =	vor.u32 $0x100, v1  }
0x35: {  	v18 =	vor.u32 $0x180, v1  }
0x36: {  	v19 =	vor.u32 $0x200, v1  }
0x37: {  	v20 =	vor.u32 $0x280, v1;
	[tilespmem:v1+s14+$0x0] =	vst.idx.msk vm9, v0  }
0x38: {  	v21 =	vor.u32 $0x300, v1;
	[tilespmem:v2+s14+$0x0] =	vst.idx.msk vm9, v0  }
0x39: {  	v1 =	vor.u32 $0x380, v1;
	[tilespmem:v17+s14+$0x0] =	vst.idx.msk vm9, v0  }
0x3a: {  	[tilespmem:v18+s14+$0x0] =	vst.idx.msk vm9, v0  }
0x3b: {  	[tilespmem:v19+s14+$0x0] =	vst.idx.msk vm9, v0  }
0x3c: {  	[tilespmem:v20+s14+$0x0] =	vst.idx.msk vm9, v0  }
0x3d: {  	[tilespmem:v21+s14+$0x0] =	vst.idx.msk vm9, v0  }
0x3e: {  	[tilespmem:v1+s14+$0x0] =	vst.idx.msk vm9, v0  }
0x3f: {  	v1 =	vld [tilespmem:$0x20]  }
0x40: {  	v2 =	vld [tilespmem:$0x3A0];
	_ =	sdelay $0x3  }
0x41: {  	v22 =	vshll.u32 v1, $0x3  }
0x42: {  	vm10 =	vne.s32 v2, $0x0;
	v1 =	vand.u32 $0x7F, v1;
	v23 =	vand.u32 $0xFFFFFC00, v22  }
0x43: {  	v1 =	vor.u32 v1, v23  }
0x44: {  	v2 =	vor.u32 $0x80, v1  }
0x45: {  	v24 =	vor.u32 $0x100, v1  }
0x46: {  	v25 =	vor.u32 $0x180, v1  }
0x47: {  	v26 =	vor.u32 $0x200, v1  }
0x48: {  	v27 =	vor.u32 $0x280, v1;
	[tilespmem:v1+s14+$0x0] =	vst.idx.msk vm10, v0  }
0x49: {  	v28 =	vor.u32 $0x300, v1;
	[tilespmem:v2+s14+$0x0] =	vst.idx.msk vm10, v0  }
0x4a: {  	v1 =	vor.u32 $0x380, v1;
	[tilespmem:v24+s14+$0x0] =	vst.idx.msk vm10, v0  }
0x4b: {  	[tilespmem:v25+s14+$0x0] =	vst.idx.msk vm10, v0  }
0x4c: {  	[tilespmem:v26+s14+$0x0] =	vst.idx.msk vm10, v0  }
0x4d: {  	[tilespmem:v27+s14+$0x0] =	vst.idx.msk vm10, v0  }
0x4e: {  	[tilespmem:v28+s14+$0x0] =	vst.idx.msk vm10, v0  }
0x4f: {  	[tilespmem:v1+s14+$0x0] =	vst.idx.msk vm10, v0  }
0x50: {  	v1 =	vld [tilespmem:$0x30]  }
0x51: {  	v2 =	vld [tilespmem:$0x3B0];
	_ =	sdelay $0x3  }
0x52: {  	v29 =	vshll.u32 v1, $0x3  }
0x53: {  	vm11 =	vne.s32 v2, $0x0;
	v1 =	vand.u32 $0x7F, v1;
	v30 =	vand.u32 $0xFFFFFC00, v29  }
0x54: {  	v1 =	vor.u32 v1, v30  }
0x55: {  	v2 =	vor.u32 $0x80, v1  }
0x56: {  	v31 =	vor.u32 $0x100, v1  }
0x57: {  	v32 =	vor.u32 $0x180, v1  }
0x58: {  	v33 =	vor.u32 $0x200, v1  }
0x59: {  	v34 =	vor.u32 $0x280, v1;
	[tilespmem:v1+s14+$0x0] =	vst.idx.msk vm11, v0  }
0x5a: {  	v35 =	vor.u32 $0x300, v1;
	[tilespmem:v2+s14+$0x0] =	vst.idx.msk vm11, v0  }
0x5b: {  	v1 =	vor.u32 $0x380, v1;
	[tilespmem:v31+s14+$0x0] =	vst.idx.msk vm11, v0  }
0x5c: {  	[tilespmem:v32+s14+$0x0] =	vst.idx.msk vm11, v0  }
0x5d: {  	[tilespmem:v33+s14+$0x0] =	vst.idx.msk vm11, v0  }
0x5e: {  	[tilespmem:v34+s14+$0x0] =	vst.idx.msk vm11, v0  }
0x5f: {  	[tilespmem:v35+s14+$0x0] =	vst.idx.msk vm11, v0  }
0x60: {  	[tilespmem:v1+s14+$0x0] =	vst.idx.msk vm11, v0  }
0x61: {  	v1 =	vld [tilespmem:$0x40]  }
0x62: {  	v2 =	vld [tilespmem:$0x3C0];
	_ =	sdelay $0x3  }
0x63: {  	v36 =	vshll.u32 v1, $0x3  }
0x64: {  	vm12 =	vne.s32 v2, $0x0;
	v1 =	vand.u32 $0x7F, v1;
	v37 =	vand.u32 $0xFFFFFC00, v36  }
0x65: {  	v1 =	vor.u32 v1, v37  }
0x66: {  	v2 =	vor.u32 $0x80, v1  }
0x67: {  	v38 =	vor.u32 $0x100, v1  }
0x68: {  	v39 =	vor.u32 $0x180, v1  }
0x69: {  	v40 =	vor.u32 $0x200, v1  }
0x6a: {  	v41 =	vor.u32 $0x280, v1;
	[tilespmem:v1+s14+$0x0] =	vst.idx.msk vm12, v0  }
0x6b: {  	v42 =	vor.u32 $0x300, v1;
	[tilespmem:v2+s14+$0x0] =	vst.idx.msk vm12, v0  }
0x6c: {  	v1 =	vor.u32 $0x380, v1;
	[tilespmem:v38+s14+$0x0] =	vst.idx.msk vm12, v0  }
0x6d: {  	[tilespmem:v39+s14+$0x0] =	vst.idx.msk vm12, v0  }
0x6e: {  	[tilespmem:v40+s14+$0x0] =	vst.idx.msk vm12, v0  }
0x6f: {  	[tilespmem:v41+s14+$0x0] =	vst.idx.msk vm12, v0  }
0x70: {  	[tilespmem:v42+s14+$0x0] =	vst.idx.msk vm12, v0  }
0x71: {  	[tilespmem:v1+s14+$0x0] =	vst.idx.msk vm12, v0  }
0x72: {  	v1 =	vld [tilespmem:$0x50]  }
0x73: {  	v43 =	vld [tilespmem:$0x3D0];
	_ =	sdelay $0x3  }
0x74: {  	v44 =	vshll.u32 v1, $0x3  }
0x75: {  	vm13 =	vne.s32 v43, $0x0;
	v1 =	vand.u32 $0x7F, v1;
	v45 =	vand.u32 $0xFFFFFC00, v44  }
0x76: {  	v1 =	vor.u32 v1, v45  }
0x77: {  	v2 =	vor.u32 $0x80, v1  }
0x78: {  	v46 =	vor.u32 $0x100, v1  }
0x79: {  	v47 =	vor.u32 $0x180, v1  }
0x7a: {  	v48 =	vor.u32 $0x200, v1  }
0x7b: {  	v49 =	vor.u32 $0x280, v1;
	[tilespmem:v1+s14+$0x0] =	vst.idx.msk vm13, v0  }
0x7c: {  	v50 =	vor.u32 $0x300, v1;
	[tilespmem:v2+s14+$0x0] =	vst.idx.msk vm13, v0  }
0x7d: {  	v1 =	vor.u32 $0x380, v1;
	[tilespmem:v46+s14+$0x0] =	vst.idx.msk vm13, v0  }
0x7e: {  	[tilespmem:v47+s14+$0x0] =	vst.idx.msk vm13, v0  }
0x7f: {  	[tilespmem:v48+s14+$0x0] =	vst.idx.msk vm13, v0  }
0x80: {  	[tilespmem:v49+s14+$0x0] =	vst.idx.msk vm13, v0  }
0x81: {  	[tilespmem:v50+s14+$0x0] =	vst.idx.msk vm13, v0  }
0x82: {  	[tilespmem:v1+s14+$0x0] =	vst.idx.msk vm13, v0  }
0x83: {  	v1 =	vld [tilespmem:$0x60]  }
0x84: {  	v2 =	vld [tilespmem:$0x3E0];
	_ =	sdelay $0x3  }
0x85: {  	v51 =	vshll.u32 v1, $0x3  }
0x86: {  	vm14 =	vne.s32 v2, $0x0;
	v1 =	vand.u32 $0x7F, v1;
	v52 =	vand.u32 $0xFFFFFC00, v51  }
0x87: {  	v1 =	vor.u32 v1, v52  }
0x88: {  	v2 =	vor.u32 $0x80, v1  }
0x89: {  	v53 =	vor.u32 $0x100, v1  }
0x8a: {  	v54 =	vor.u32 $0x180, v1  }
0x8b: {  	v55 =	vor.u32 $0x200, v1  }
0x8c: {  	v56 =	vor.u32 $0x280, v1;
	[tilespmem:v1+s14+$0x0] =	vst.idx.msk vm14, v0  }
0x8d: {  	v57 =	vor.u32 $0x300, v1;
	[tilespmem:v2+s14+$0x0] =	vst.idx.msk vm14, v0  }
0x8e: {  	v1 =	vor.u32 $0x380, v1;
	[tilespmem:v53+s14+$0x0] =	vst.idx.msk vm14, v0  }
0x8f: {  	[tilespmem:v54+s14+$0x0] =	vst.idx.msk vm14, v0  }
0x90: {  	[tilespmem:v55+s14+$0x0] =	vst.idx.msk vm14, v0  }
0x91: {  	[tilespmem:v56+s14+$0x0] =	vst.idx.msk vm14, v0  }
0x92: {  	[tilespmem:v57+s14+$0x0] =	vst.idx.msk vm14, v0  }
0x93: {  	[tilespmem:v1+s14+$0x0] =	vst.idx.msk vm14, v0  }
0x94: {  	v1 =	vld [tilespmem:$0x70]  }
0x95: {  	v2 =	vld [tilespmem:$0x3F0];
	_ =	sdelay $0x3  }
0x96: {  	v58 =	vshll.u32 v1, $0x3  }
0x97: {  	vm15 =	vne.s32 v2, $0x0;
	v1 =	vand.u32 $0x7F, v1;
	v59 =	vand.u32 $0xFFFFFC00, v58  }
0x98: {  	v1 =	vor.u32 v1, v59  }
0x99: {  	v2 =	vor.u32 $0x80, v1  }
0x9a: {  	v60 =	vor.u32 $0x100, v1  }
0x9b: {  	v61 =	vor.u32 $0x180, v1  }
0x9c: {  	v62 =	vor.u32 $0x200, v1  }
0x9d: {  	v63 =	vor.u32 $0x280, v1;
	[tilespmem:v1+s14+$0x0] =	vst.idx.msk vm15, v0  }
0x9e: {  	v8 =	vor.u32 $0x300, v1;
	[tilespmem:v2+s14+$0x0] =	vst.idx.msk vm15, v0  }
0x9f: {  	v1 =	vor.u32 $0x380, v1;
	[tilespmem:v60+s14+$0x0] =	vst.idx.msk vm15, v0  }
0xa0: {  	[tilespmem:v61+s14+$0x0] =	vst.idx.msk vm15, v0  }
0xa1: {  	[tilespmem:v62+s14+$0x0] =	vst.idx.msk vm15, v0  }
0xa2: {  	[tilespmem:v63+s14+$0x0] =	vst.idx.msk vm15, v0  }
0xa3: {  	[tilespmem:v8+s14+$0x0] =	vst.idx.msk vm15, v0  }
0xa4: {  	[tilespmem:v1+s14+$0x0] =	vst.idx.msk vm15, v0  }
0xa5: {  	v1 =	vld [tilespmem:$0x80]  }
0xa6: {  	v2 =	vld [tilespmem:$0x400];
	_ =	sdelay $0x3  }
0xa7: {  	v9 =	vshll.u32 v1, $0x3  }
0xa8: {  	vm4 =	vne.s32 v2, $0x0;
	v1 =	vand.u32 $0x7F, v1;
	v10 =	vand.u32 $0xFFFFFC00, v9  }
0xa9: {  	v1 =	vor.u32 v1, v10  }
0xaa: {  	v2 =	vor.u32 $0x80, v1  }
0xab: {  	v11 =	vor.u32 $0x100, v1  }
0xac: {  	v12 =	vor.u32 $0x180, v1  }
0xad: {  	v13 =	vor.u32 $0x200, v1  }
0xae: {  	v14 =	vor.u32 $0x280, v1;
	[tilespmem:v1+s14+$0x0] =	vst.idx.msk vm4, v0  }
0xaf: {  	v15 =	vor.u32 $0x300, v1;
	[tilespmem:v2+s14+$0x0] =	vst.idx.msk vm4, v0  }
0xb0: {  	v1 =	vor.u32 $0x380, v1;
	[tilespmem:v11+s14+$0x0] =	vst.idx.msk vm4, v0  }
0xb1: {  	[tilespmem:v12+s14+$0x0] =	vst.idx.msk vm4, v0  }
0xb2: {  	[tilespmem:v13+s14+$0x0] =	vst.idx.msk vm4, v0  }
0xb3: {  	[tilespmem:v14+s14+$0x0] =	vst.idx.msk vm4, v0  }
0xb4: {  	[tilespmem:v15+s14+$0x0] =	vst.idx.msk vm4, v0  }
0xb5: {  	[tilespmem:v1+s14+$0x0] =	vst.idx.msk vm4, v0  }
0xb6: {  	v1 =	vld [tilespmem:$0x90]  }
0xb7: {  	v2 =	vld [tilespmem:$0x410];
	_ =	sdelay $0x3  }
0xb8: {  	v16 =	vshll.u32 v1, $0x3  }
0xb9: {  	vm5 =	vne.s32 v2, $0x0;
	v1 =	vand.u32 $0x7F, v1;
	v17 =	vand.u32 $0xFFFFFC00, v16  }
0xba: {  	v1 =	vor.u32 v1, v17  }
0xbb: {  	v2 =	vor.u32 $0x80, v1  }
0xbc: {  	v18 =	vor.u32 $0x100, v1  }
0xbd: {  	v19 =	vor.u32 $0x180, v1  }
0xbe: {  	v20 =	vor.u32 $0x200, v1  }
0xbf: {  	v21 =	vor.u32 $0x280, v1;
	[tilespmem:v1+s14+$0x0] =	vst.idx.msk vm5, v0  }
0xc0: {  	v22 =	vor.u32 $0x300, v1;
	[tilespmem:v2+s14+$0x0] =	vst.idx.msk vm5, v0  }
0xc1: {  	v1 =	vor.u32 $0x380, v1;
	[tilespmem:v18+s14+$0x0] =	vst.idx.msk vm5, v0  }
0xc2: {  	[tilespmem:v19+s14+$0x0] =	vst.idx.msk vm5, v0  }
0xc3: {  	[tilespmem:v20+s14+$0x0] =	vst.idx.msk vm5, v0  }
0xc4: {  	[tilespmem:v21+s14+$0x0] =	vst.idx.msk vm5, v0  }
0xc5: {  	[tilespmem:v22+s14+$0x0] =	vst.idx.msk vm5, v0  }
0xc6: {  	[tilespmem:v1+s14+$0x0] =	vst.idx.msk vm5, v0  }
0xc7: {  	v1 =	vld [tilespmem:$0xA0]  }
0xc8: {  	v2 =	vld [tilespmem:$0x420];
	_ =	sdelay $0x3  }
0xc9: {  	v23 =	vshll.u32 v1, $0x3  }
0xca: {  	vm6 =	vne.s32 v2, $0x0;
	v1 =	vand.u32 $0x7F, v1;
	v24 =	vand.u32 $0xFFFFFC00, v23  }
0xcb: {  	v1 =	vor.u32 v1, v24  }
0xcc: {  	v2 =	vor.u32 $0x80, v1  }
0xcd: {  	v25 =	vor.u32 $0x100, v1  }
0xce: {  	v26 =	vor.u32 $0x180, v1  }
0xcf: {  	v27 =	vor.u32 $0x200, v1  }
0xd0: {  	v28 =	vor.u32 $0x280, v1;
	[tilespmem:v1+s14+$0x0] =	vst.idx.msk vm6, v0  }
0xd1: {  	v29 =	vor.u32 $0x300, v1;
	[tilespmem:v2+s14+$0x0] =	vst.idx.msk vm6, v0  }
0xd2: {  	v1 =	vor.u32 $0x380, v1;
	[tilespmem:v25+s14+$0x0] =	vst.idx.msk vm6, v0  }
0xd3: {  	[tilespmem:v26+s14+$0x0] =	vst.idx.msk vm6, v0  }
0xd4: {  	[tilespmem:v27+s14+$0x0] =	vst.idx.msk vm6, v0  }
0xd5: {  	[tilespmem:v28+s14+$0x0] =	vst.idx.msk vm6, v0  }
0xd6: {  	[tilespmem:v29+s14+$0x0] =	vst.idx.msk vm6, v0  }
0xd7: {  	[tilespmem:v1+s14+$0x0] =	vst.idx.msk vm6, v0  }
0xd8: {  	v1 =	vld [tilespmem:$0xB0]  }
0xd9: {  	v2 =	vld [tilespmem:$0x430];
	_ =	sdelay $0x3  }
0xda: {  	v30 =	vshll.u32 v1, $0x3  }
0xdb: {  	vm7 =	vne.s32 v2, $0x0;
	v1 =	vand.u32 $0x7F, v1;
	v31 =	vand.u32 $0xFFFFFC00, v30  }
0xdc: {  	v1 =	vor.u32 v1, v31  }
0xdd: {  	v2 =	vor.u32 $0x80, v1  }
0xde: {  	v32 =	vor.u32 $0x100, v1  }
0xdf: {  	v33 =	vor.u32 $0x180, v1  }
0xe0: {  	v34 =	vor.u32 $0x200, v1  }
0xe1: {  	v35 =	vor.u32 $0x280, v1;
	[tilespmem:v1+s14+$0x0] =	vst.idx.msk vm7, v0  }
0xe2: {  	v36 =	vor.u32 $0x300, v1;
	[tilespmem:v2+s14+$0x0] =	vst.idx.msk vm7, v0  }
0xe3: {  	v1 =	vor.u32 $0x380, v1;
	[tilespmem:v32+s14+$0x0] =	vst.idx.msk vm7, v0  }
0xe4: {  	[tilespmem:v33+s14+$0x0] =	vst.idx.msk vm7, v0  }
0xe5: {  	[tilespmem:v34+s14+$0x0] =	vst.idx.msk vm7, v0  }
0xe6: {  	[tilespmem:v35+s14+$0x0] =	vst.idx.msk vm7, v0  }
0xe7: {  	[tilespmem:v36+s14+$0x0] =	vst.idx.msk vm7, v0  }
0xe8: {  	[tilespmem:v1+s14+$0x0] =	vst.idx.msk vm7, v0  }
0xe9: {  	v1 =	vld [tilespmem:$0xC0]  }
0xea: {  	v2 =	vld [tilespmem:$0x440];
	_ =	sdelay $0x3  }
0xeb: {  	v37 =	vshll.u32 v1, $0x3  }
0xec: {  	vm8 =	vne.s32 v2, $0x0;
	v1 =	vand.u32 $0x7F, v1;
	v38 =	vand.u32 $0xFFFFFC00, v37  }
0xed: {  	v1 =	vor.u32 v1, v38  }
0xee: {  	v2 =	vor.u32 $0x80, v1  }
0xef: {  	v39 =	vor.u32 $0x100, v1  }
0xf0: {  	v40 =	vor.u32 $0x180, v1  }
0xf1: {  	v41 =	vor.u32 $0x200, v1  }
0xf2: {  	v42 =	vor.u32 $0x280, v1;
	[tilespmem:v1+s14+$0x0] =	vst.idx.msk vm8, v0  }
0xf3: {  	v43 =	vor.u32 $0x300, v1;
	[tilespmem:v2+s14+$0x0] =	vst.idx.msk vm8, v0  }
0xf4: {  	v1 =	vor.u32 $0x380, v1;
	[tilespmem:v39+s14+$0x0] =	vst.idx.msk vm8, v0  }
0xf5: {  	[tilespmem:v40+s14+$0x0] =	vst.idx.msk vm8, v0  }
0xf6: {  	[tilespmem:v41+s14+$0x0] =	vst.idx.msk vm8, v0  }
0xf7: {  	[tilespmem:v42+s14+$0x0] =	vst.idx.msk vm8, v0  }
0xf8: {  	[tilespmem:v43+s14+$0x0] =	vst.idx.msk vm8, v0  }
0xf9: {  	[tilespmem:v1+s14+$0x0] =	vst.idx.msk vm8, v0  }
0xfa: {  	v1 =	vld [tilespmem:$0xD0]  }
0xfb: {  	v2 =	vld [tilespmem:$0x450];
	_ =	sdelay $0x3  }
0xfc: {  	v44 =	vshll.u32 v1, $0x3  }
0xfd: {  	vm9 =	vne.s32 v2, $0x0;
	v1 =	vand.u32 $0x7F, v1;
	v45 =	vand.u32 $0xFFFFFC00, v44  }
0xfe: {  	v1 =	vor.u32 v1, v45  }
0xff: {  	v2 =	vor.u32 $0x80, v1  }
0x100: {  	v46 =	vor.u32 $0x100, v1  }
0x101: {  	v47 =	vor.u32 $0x180, v1  }
0x102: {  	v48 =	vor.u32 $0x200, v1  }
0x103: {  	v49 =	vor.u32 $0x280, v1;
	[tilespmem:v1+s14+$0x0] =	vst.idx.msk vm9, v0  }
0x104: {  	v50 =	vor.u32 $0x300, v1;
	[tilespmem:v2+s14+$0x0] =	vst.idx.msk vm9, v0  }
0x105: {  	v1 =	vor.u32 $0x380, v1;
	[tilespmem:v46+s14+$0x0] =	vst.idx.msk vm9, v0  }
0x106: {  	[tilespmem:v47+s14+$0x0] =	vst.idx.msk vm9, v0  }
0x107: {  	[tilespmem:v48+s14+$0x0] =	vst.idx.msk vm9, v0  }
0x108: {  	[tilespmem:v49+s14+$0x0] =	vst.idx.msk vm9, v0  }
0x109: {  	[tilespmem:v50+s14+$0x0] =	vst.idx.msk vm9, v0  }
0x10a: {  	[tilespmem:v1+s14+$0x0] =	vst.idx.msk vm9, v0  }
0x10b: {  	v1 =	vld [tilespmem:$0xE0]  }
0x10c: {  	v2 =	vld [tilespmem:$0x460];
	_ =	sdelay $0x3  }
0x10d: {  	v51 =	vshll.u32 v1, $0x3  }
0x10e: {  	vm10 =	vne.s32 v2, $0x0;
	v1 =	vand.u32 $0x7F, v1;
	v52 =	vand.u32 $0xFFFFFC00, v51  }
0x10f: {  	v1 =	vor.u32 v1, v52  }
0x110: {  	v2 =	vor.u32 $0x80, v1  }
0x111: {  	v53 =	vor.u32 $0x100, v1  }
0x112: {  	v54 =	vor.u32 $0x180, v1  }
0x113: {  	v55 =	vor.u32 $0x200, v1  }
0x114: {  	v56 =	vor.u32 $0x280, v1;
	[tilespmem:v1+s14+$0x0] =	vst.idx.msk vm10, v0  }
0x115: {  	v57 =	vor.u32 $0x300, v1;
	[tilespmem:v2+s14+$0x0] =	vst.idx.msk vm10, v0  }
0x116: {  	v1 =	vor.u32 $0x380, v1;
	[tilespmem:v53+s14+$0x0] =	vst.idx.msk vm10, v0  }
0x117: {  	[tilespmem:v54+s14+$0x0] =	vst.idx.msk vm10, v0  }
0x118: {  	[tilespmem:v55+s14+$0x0] =	vst.idx.msk vm10, v0  }
0x119: {  	[tilespmem:v56+s14+$0x0] =	vst.idx.msk vm10, v0  }
0x11a: {  	[tilespmem:v57+s14+$0x0] =	vst.idx.msk vm10, v0  }
0x11b: {  	[tilespmem:v1+s14+$0x0] =	vst.idx.msk vm10, v0  }
0x11c: {  	v1 =	vld [tilespmem:$0xF0]  }
0x11d: {  	v2 =	vld [tilespmem:$0x470];
	_ =	sdelay $0x3  }
0x11e: {  	v58 =	vshll.u32 v1, $0x3  }
0x11f: {  	vm11 =	vne.s32 v2, $0x0;
	v1 =	vand.u32 $0x7F, v1;
	v59 =	vand.u32 $0xFFFFFC00, v58  }
0x120: {  	v1 =	vor.u32 v1, v59  }
0x121: {  	v2 =	vor.u32 $0x80, v1  }
0x122: {  	v60 =	vor.u32 $0x100, v1  }
0x123: {  	v61 =	vor.u32 $0x180, v1  }
0x124: {  	v62 =	vor.u32 $0x200, v1  }
0x125: {  	v63 =	vor.u32 $0x280, v1;
	[tilespmem:v1+s14+$0x0] =	vst.idx.msk vm11, v0  }
0x126: {  	v8 =	vor.u32 $0x300, v1;
	[tilespmem:v2+s14+$0x0] =	vst.idx.msk vm11, v0  }
0x127: {  	v1 =	vor.u32 $0x380, v1;
	[tilespmem:v60+s14+$0x0] =	vst.idx.msk vm11, v0  }
0x128: {  	[tilespmem:v61+s14+$0x0] =	vst.idx.msk vm11, v0  }
0x129: {  	[tilespmem:v62+s14+$0x0] =	vst.idx.msk vm11, v0  }
0x12a: {  	[tilespmem:v63+s14+$0x0] =	vst.idx.msk vm11, v0  }
0x12b: {  	[tilespmem:v8+s14+$0x0] =	vst.idx.msk vm11, v0  }
0x12c: {  	[tilespmem:v1+s14+$0x0] =	vst.idx.msk vm11, v0  }
0x12d: {  	v1 =	vld [tilespmem:$0x100]  }
0x12e: {  	v2 =	vld [tilespmem:$0x480];
	_ =	sdelay $0x3  }
0x12f: {  	v9 =	vshll.u32 v1, $0x3  }
0x130: {  	vm12 =	vne.s32 v2, $0x0;
	v1 =	vand.u32 $0x7F, v1;
	v10 =	vand.u32 $0xFFFFFC00, v9  }
0x131: {  	v1 =	vor.u32 v1, v10  }
0x132: {  	v2 =	vor.u32 $0x80, v1  }
0x133: {  	v11 =	vor.u32 $0x100, v1  }
0x134: {  	v12 =	vor.u32 $0x180, v1  }
0x135: {  	v13 =	vor.u32 $0x200, v1  }
0x136: {  	v14 =	vor.u32 $0x280, v1;
	[tilespmem:v1+s14+$0x0] =	vst.idx.msk vm12, v0  }
0x137: {  	v15 =	vor.u32 $0x300, v1;
	[tilespmem:v2+s14+$0x0] =	vst.idx.msk vm12, v0  }
0x138: {  	v1 =	vor.u32 $0x380, v1;
	[tilespmem:v11+s14+$0x0] =	vst.idx.msk vm12, v0  }
0x139: {  	[tilespmem:v12+s14+$0x0] =	vst.idx.msk vm12, v0  }
0x13a: {  	[tilespmem:v13+s14+$0x0] =	vst.idx.msk vm12, v0  }
0x13b: {  	[tilespmem:v14+s14+$0x0] =	vst.idx.msk vm12, v0  }
0x13c: {  	[tilespmem:v15+s14+$0x0] =	vst.idx.msk vm12, v0  }
0x13d: {  	[tilespmem:v1+s14+$0x0] =	vst.idx.msk vm12, v0  }
0x13e: {  	v1 =	vld [tilespmem:$0x110]  }
0x13f: {  	v2 =	vld [tilespmem:$0x490];
	_ =	sdelay $0x3  }
0x140: {  	v16 =	vshll.u32 v1, $0x3  }
0x141: {  	vm13 =	vne.s32 v2, $0x0;
	v1 =	vand.u32 $0x7F, v1;
	v17 =	vand.u32 $0xFFFFFC00, v16  }
0x142: {  	v1 =	vor.u32 v1, v17  }
0x143: {  	v2 =	vor.u32 $0x80, v1  }
0x144: {  	v18 =	vor.u32 $0x100, v1  }
0x145: {  	v19 =	vor.u32 $0x180, v1  }
0x146: {  	v20 =	vor.u32 $0x200, v1  }
0x147: {  	v21 =	vor.u32 $0x280, v1;
	[tilespmem:v1+s14+$0x0] =	vst.idx.msk vm13, v0  }
0x148: {  	v22 =	vor.u32 $0x300, v1;
	[tilespmem:v2+s14+$0x0] =	vst.idx.msk vm13, v0  }
0x149: {  	v1 =	vor.u32 $0x380, v1;
	[tilespmem:v18+s14+$0x0] =	vst.idx.msk vm13, v0  }
0x14a: {  	[tilespmem:v19+s14+$0x0] =	vst.idx.msk vm13, v0  }
0x14b: {  	[tilespmem:v20+s14+$0x0] =	vst.idx.msk vm13, v0  }
0x14c: {  	[tilespmem:v21+s14+$0x0] =	vst.idx.msk vm13, v0  }
0x14d: {  	[tilespmem:v22+s14+$0x0] =	vst.idx.msk vm13, v0  }
0x14e: {  	[tilespmem:v1+s14+$0x0] =	vst.idx.msk vm13, v0  }
0x14f: {  	v1 =	vld [tilespmem:$0x120]  }
0x150: {  	v2 =	vld [tilespmem:$0x4A0];
	_ =	sdelay $0x3  }
0x151: {  	v23 =	vshll.u32 v1, $0x3  }
0x152: {  	vm14 =	vne.s32 v2, $0x0;
	v1 =	vand.u32 $0x7F, v1;
	v24 =	vand.u32 $0xFFFFFC00, v23  }
0x153: {  	v1 =	vor.u32 v1, v24  }
0x154: {  	v2 =	vor.u32 $0x80, v1  }
0x155: {  	v25 =	vor.u32 $0x100, v1  }
0x156: {  	v26 =	vor.u32 $0x180, v1  }
0x157: {  	v27 =	vor.u32 $0x200, v1  }
0x158: {  	v28 =	vor.u32 $0x280, v1;
	[tilespmem:v1+s14+$0x0] =	vst.idx.msk vm14, v0  }
0x159: {  	v29 =	vor.u32 $0x300, v1;
	[tilespmem:v2+s14+$0x0] =	vst.idx.msk vm14, v0  }
0x15a: {  	v1 =	vor.u32 $0x380, v1;
	[tilespmem:v25+s14+$0x0] =	vst.idx.msk vm14, v0  }
0x15b: {  	[tilespmem:v26+s14+$0x0] =	vst.idx.msk vm14, v0  }
0x15c: {  	[tilespmem:v27+s14+$0x0] =	vst.idx.msk vm14, v0  }
0x15d: {  	[tilespmem:v28+s14+$0x0] =	vst.idx.msk vm14, v0  }
0x15e: {  	[tilespmem:v29+s14+$0x0] =	vst.idx.msk vm14, v0  }
0x15f: {  	[tilespmem:v1+s14+$0x0] =	vst.idx.msk vm14, v0  }
0x160: {  	v1 =	vld [tilespmem:$0x130]  }
0x161: {  	v2 =	vld [tilespmem:$0x4B0];
	_ =	sdelay $0x3  }
0x162: {  	v30 =	vshll.u32 v1, $0x3  }
0x163: {  	vm15 =	vne.s32 v2, $0x0;
	v1 =	vand.u32 $0x7F, v1;
	v31 =	vand.u32 $0xFFFFFC00, v30  }
0x164: {  	v1 =	vor.u32 v1, v31  }
0x165: {  	v2 =	vor.u32 $0x80, v1  }
0x166: {  	v32 =	vor.u32 $0x100, v1  }
0x167: {  	v33 =	vor.u32 $0x180, v1  }
0x168: {  	v34 =	vor.u32 $0x200, v1  }
0x169: {  	v35 =	vor.u32 $0x280, v1;
	[tilespmem:v1+s14+$0x0] =	vst.idx.msk vm15, v0  }
0x16a: {  	v36 =	vor.u32 $0x300, v1;
	[tilespmem:v2+s14+$0x0] =	vst.idx.msk vm15, v0  }
0x16b: {  	v1 =	vor.u32 $0x380, v1;
	[tilespmem:v32+s14+$0x0] =	vst.idx.msk vm15, v0  }
0x16c: {  	[tilespmem:v33+s14+$0x0] =	vst.idx.msk vm15, v0  }
0x16d: {  	[tilespmem:v34+s14+$0x0] =	vst.idx.msk vm15, v0  }
0x16e: {  	[tilespmem:v35+s14+$0x0] =	vst.idx.msk vm15, v0  }
0x16f: {  	[tilespmem:v36+s14+$0x0] =	vst.idx.msk vm15, v0  }
0x170: {  	[tilespmem:v1+s14+$0x0] =	vst.idx.msk vm15, v0  }
0x171: {  	v1 =	vld [tilespmem:$0x140]  }
0x172: {  	v2 =	vld [tilespmem:$0x4C0];
	_ =	sdelay $0x3  }
0x173: {  	v37 =	vshll.u32 v1, $0x3  }
0x174: {  	vm4 =	vne.s32 v2, $0x0;
	v1 =	vand.u32 $0x7F, v1;
	v38 =	vand.u32 $0xFFFFFC00, v37  }
0x175: {  	v1 =	vor.u32 v1, v38  }
0x176: {  	v2 =	vor.u32 $0x80, v1  }
0x177: {  	v39 =	vor.u32 $0x100, v1  }
0x178: {  	v40 =	vor.u32 $0x180, v1  }
0x179: {  	v41 =	vor.u32 $0x200, v1  }
0x17a: {  	v42 =	vor.u32 $0x280, v1;
	[tilespmem:v1+s14+$0x0] =	vst.idx.msk vm4, v0  }
0x17b: {  	v43 =	vor.u32 $0x300, v1;
	[tilespmem:v2+s14+$0x0] =	vst.idx.msk vm4, v0  }
0x17c: {  	v1 =	vor.u32 $0x380, v1;
	[tilespmem:v39+s14+$0x0] =	vst.idx.msk vm4, v0  }
0x17d: {  	[tilespmem:v40+s14+$0x0] =	vst.idx.msk vm4, v0  }
0x17e: {  	[tilespmem:v41+s14+$0x0] =	vst.idx.msk vm4, v0  }
0x17f: {  	[tilespmem:v42+s14+$0x0] =	vst.idx.msk vm4, v0  }
0x180: {  	[tilespmem:v43+s14+$0x0] =	vst.idx.msk vm4, v0  }
0x181: {  	[tilespmem:v1+s14+$0x0] =	vst.idx.msk vm4, v0  }
0x182: {  	v1 =	vld [tilespmem:$0x150]  }
0x183: {  	v2 =	vld [tilespmem:$0x4D0];
	_ =	sdelay $0x3  }
0x184: {  	v44 =	vshll.u32 v1, $0x3  }
0x185: {  	vm5 =	vne.s32 v2, $0x0;
	v1 =	vand.u32 $0x7F, v1;
	v45 =	vand.u32 $0xFFFFFC00, v44  }
0x186: {  	v1 =	vor.u32 v1, v45  }
0x187: {  	v2 =	vor.u32 $0x80, v1  }
0x188: {  	v46 =	vor.u32 $0x100, v1  }
0x189: {  	v47 =	vor.u32 $0x180, v1  }
0x18a: {  	v48 =	vor.u32 $0x200, v1  }
0x18b: {  	v49 =	vor.u32 $0x280, v1;
	[tilespmem:v1+s14+$0x0] =	vst.idx.msk vm5, v0  }
0x18c: {  	v50 =	vor.u32 $0x300, v1;
	[tilespmem:v2+s14+$0x0] =	vst.idx.msk vm5, v0  }
0x18d: {  	v1 =	vor.u32 $0x380, v1;
	[tilespmem:v46+s14+$0x0] =	vst.idx.msk vm5, v0  }
0x18e: {  	[tilespmem:v47+s14+$0x0] =	vst.idx.msk vm5, v0  }
0x18f: {  	[tilespmem:v48+s14+$0x0] =	vst.idx.msk vm5, v0  }
0x190: {  	[tilespmem:v49+s14+$0x0] =	vst.idx.msk vm5, v0  }
0x191: {  	[tilespmem:v50+s14+$0x0] =	vst.idx.msk vm5, v0  }
0x192: {  	[tilespmem:v1+s14+$0x0] =	vst.idx.msk vm5, v0  }
0x193: {  	v1 =	vld [tilespmem:$0x160]  }
0x194: {  	v2 =	vld [tilespmem:$0x4E0];
	_ =	sdelay $0x3  }
0x195: {  	v51 =	vshll.u32 v1, $0x3  }
0x196: {  	vm6 =	vne.s32 v2, $0x0;
	v1 =	vand.u32 $0x7F, v1;
	v52 =	vand.u32 $0xFFFFFC00, v51  }
0x197: {  	v1 =	vor.u32 v1, v52  }
0x198: {  	v2 =	vor.u32 $0x80, v1  }
0x199: {  	v53 =	vor.u32 $0x100, v1  }
0x19a: {  	v54 =	vor.u32 $0x180, v1  }
0x19b: {  	v55 =	vor.u32 $0x200, v1  }
0x19c: {  	v56 =	vor.u32 $0x280, v1;
	[tilespmem:v1+s14+$0x0] =	vst.idx.msk vm6, v0  }
0x19d: {  	v57 =	vor.u32 $0x300, v1;
	[tilespmem:v2+s14+$0x0] =	vst.idx.msk vm6, v0  }
0x19e: {  	v1 =	vor.u32 $0x380, v1;
	[tilespmem:v53+s14+$0x0] =	vst.idx.msk vm6, v0  }
0x19f: {  	[tilespmem:v54+s14+$0x0] =	vst.idx.msk vm6, v0  }
0x1a0: {  	[tilespmem:v55+s14+$0x0] =	vst.idx.msk vm6, v0  }
0x1a1: {  	[tilespmem:v56+s14+$0x0] =	vst.idx.msk vm6, v0  }
0x1a2: {  	[tilespmem:v57+s14+$0x0] =	vst.idx.msk vm6, v0  }
0x1a3: {  	[tilespmem:v1+s14+$0x0] =	vst.idx.msk vm6, v0  }
0x1a4: {  	v1 =	vld [tilespmem:$0x170]  }
0x1a5: {  	v2 =	vld [tilespmem:$0x4F0];
	_ =	sdelay $0x3  }
0x1a6: {  	v58 =	vshll.u32 v1, $0x3  }
0x1a7: {  	vm7 =	vne.s32 v2, $0x0;
	v1 =	vand.u32 $0x7F, v1;
	v59 =	vand.u32 $0xFFFFFC00, v58  }
0x1a8: {  	v1 =	vor.u32 v1, v59  }
0x1a9: {  	v2 =	vor.u32 $0x80, v1  }
0x1aa: {  	v60 =	vor.u32 $0x100, v1  }
0x1ab: {  	v61 =	vor.u32 $0x180, v1  }
0x1ac: {  	v62 =	vor.u32 $0x200, v1  }
0x1ad: {  	v63 =	vor.u32 $0x280, v1;
	[tilespmem:v1+s14+$0x0] =	vst.idx.msk vm7, v0  }
0x1ae: {  	v8 =	vor.u32 $0x300, v1;
	[tilespmem:v2+s14+$0x0] =	vst.idx.msk vm7, v0  }
0x1af: {  	v1 =	vor.u32 $0x380, v1;
	[tilespmem:v60+s14+$0x0] =	vst.idx.msk vm7, v0  }
0x1b0: {  	[tilespmem:v61+s14+$0x0] =	vst.idx.msk vm7, v0  }
0x1b1: {  	[tilespmem:v62+s14+$0x0] =	vst.idx.msk vm7, v0  }
0x1b2: {  	[tilespmem:v63+s14+$0x0] =	vst.idx.msk vm7, v0  }
0x1b3: {  	[tilespmem:v8+s14+$0x0] =	vst.idx.msk vm7, v0  }
0x1b4: {  	[tilespmem:v1+s14+$0x0] =	vst.idx.msk vm7, v0  }
0x1b5: {  	v1 =	vld [tilespmem:$0x180]  }
0x1b6: {  	v2 =	vld [tilespmem:$0x500];
	_ =	sdelay $0x3  }
0x1b7: {  	v9 =	vshll.u32 v1, $0x3  }
0x1b8: {  	vm8 =	vne.s32 v2, $0x0;
	v1 =	vand.u32 $0x7F, v1;
	v10 =	vand.u32 $0xFFFFFC00, v9  }
0x1b9: {  	v1 =	vor.u32 v1, v10  }
0x1ba: {  	v2 =	vor.u32 $0x80, v1  }
0x1bb: {  	v11 =	vor.u32 $0x100, v1  }
0x1bc: {  	v12 =	vor.u32 $0x180, v1  }
0x1bd: {  	v13 =	vor.u32 $0x200, v1  }
0x1be: {  	v14 =	vor.u32 $0x280, v1;
	[tilespmem:v1+s14+$0x0] =	vst.idx.msk vm8, v0  }
0x1bf: {  	v15 =	vor.u32 $0x300, v1;
	[tilespmem:v2+s14+$0x0] =	vst.idx.msk vm8, v0  }
0x1c0: {  	v1 =	vor.u32 $0x380, v1;
	[tilespmem:v11+s14+$0x0] =	vst.idx.msk vm8, v0  }
0x1c1: {  	[tilespmem:v12+s14+$0x0] =	vst.idx.msk vm8, v0  }
0x1c2: {  	[tilespmem:v13+s14+$0x0] =	vst.idx.msk vm8, v0  }
0x1c3: {  	[tilespmem:v14+s14+$0x0] =	vst.idx.msk vm8, v0  }
0x1c4: {  	[tilespmem:v15+s14+$0x0] =	vst.idx.msk vm8, v0  }
0x1c5: {  	[tilespmem:v1+s14+$0x0] =	vst.idx.msk vm8, v0  }
0x1c6: {  	v1 =	vld [tilespmem:$0x190]  }
0x1c7: {  	v2 =	vld [tilespmem:$0x510];
	_ =	sdelay $0x3  }
0x1c8: {  	v16 =	vshll.u32 v1, $0x3  }
0x1c9: {  	vm9 =	vne.s32 v2, $0x0;
	v1 =	vand.u32 $0x7F, v1;
	v17 =	vand.u32 $0xFFFFFC00, v16  }
0x1ca: {  	v1 =	vor.u32 v1, v17  }
0x1cb: {  	v2 =	vor.u32 $0x80, v1  }
0x1cc: {  	v18 =	vor.u32 $0x100, v1  }
0x1cd: {  	v19 =	vor.u32 $0x180, v1  }
0x1ce: {  	v20 =	vor.u32 $0x200, v1  }
0x1cf: {  	v21 =	vor.u32 $0x280, v1;
	[tilespmem:v1+s14+$0x0] =	vst.idx.msk vm9, v0  }
0x1d0: {  	v22 =	vor.u32 $0x300, v1;
	[tilespmem:v2+s14+$0x0] =	vst.idx.msk vm9, v0  }
0x1d1: {  	v1 =	vor.u32 $0x380, v1;
	[tilespmem:v18+s14+$0x0] =	vst.idx.msk vm9, v0  }
0x1d2: {  	[tilespmem:v19+s14+$0x0] =	vst.idx.msk vm9, v0  }
0x1d3: {  	[tilespmem:v20+s14+$0x0] =	vst.idx.msk vm9, v0  }
0x1d4: {  	[tilespmem:v21+s14+$0x0] =	vst.idx.msk vm9, v0  }
0x1d5: {  	[tilespmem:v22+s14+$0x0] =	vst.idx.msk vm9, v0  }
0x1d6: {  	[tilespmem:v1+s14+$0x0] =	vst.idx.msk vm9, v0  }
0x1d7: {  	v1 =	vld [tilespmem:$0x1A0]  }
0x1d8: {  	v2 =	vld [tilespmem:$0x520];
	_ =	sdelay $0x3  }
0x1d9: {  	v23 =	vshll.u32 v1, $0x3  }
0x1da: {  	vm10 =	vne.s32 v2, $0x0;
	v1 =	vand.u32 $0x7F, v1;
	v24 =	vand.u32 $0xFFFFFC00, v23  }
0x1db: {  	v1 =	vor.u32 v1, v24  }
0x1dc: {  	v2 =	vor.u32 $0x80, v1  }
0x1dd: {  	v25 =	vor.u32 $0x100, v1  }
0x1de: {  	v26 =	vor.u32 $0x180, v1  }
0x1df: {  	v27 =	vor.u32 $0x200, v1  }
0x1e0: {  	v28 =	vor.u32 $0x280, v1;
	[tilespmem:v1+s14+$0x0] =	vst.idx.msk vm10, v0  }
0x1e1: {  	v29 =	vor.u32 $0x300, v1;
	[tilespmem:v2+s14+$0x0] =	vst.idx.msk vm10, v0  }
0x1e2: {  	v1 =	vor.u32 $0x380, v1;
	[tilespmem:v25+s14+$0x0] =	vst.idx.msk vm10, v0  }
0x1e3: {  	[tilespmem:v26+s14+$0x0] =	vst.idx.msk vm10, v0  }
0x1e4: {  	[tilespmem:v27+s14+$0x0] =	vst.idx.msk vm10, v0  }
0x1e5: {  	[tilespmem:v28+s14+$0x0] =	vst.idx.msk vm10, v0  }
0x1e6: {  	[tilespmem:v29+s14+$0x0] =	vst.idx.msk vm10, v0  }
0x1e7: {  	[tilespmem:v1+s14+$0x0] =	vst.idx.msk vm10, v0  }
0x1e8: {  	v1 =	vld [tilespmem:$0x1B0]  }
0x1e9: {  	v2 =	vld [tilespmem:$0x530];
	_ =	sdelay $0x3  }
0x1ea: {  	v30 =	vshll.u32 v1, $0x3  }
0x1eb: {  	vm11 =	vne.s32 v2, $0x0;
	v1 =	vand.u32 $0x7F, v1;
	v31 =	vand.u32 $0xFFFFFC00, v30  }
0x1ec: {  	v1 =	vor.u32 v1, v31  }
0x1ed: {  	v2 =	vor.u32 $0x80, v1  }
0x1ee: {  	v32 =	vor.u32 $0x100, v1  }
0x1ef: {  	v33 =	vor.u32 $0x180, v1  }
0x1f0: {  	v34 =	vor.u32 $0x200, v1  }
0x1f1: {  	v35 =	vor.u32 $0x280, v1;
	[tilespmem:v1+s14+$0x0] =	vst.idx.msk vm11, v0  }
0x1f2: {  	v36 =	vor.u32 $0x300, v1;
	[tilespmem:v2+s14+$0x0] =	vst.idx.msk vm11, v0  }
0x1f3: {  	v1 =	vor.u32 $0x380, v1;
	[tilespmem:v32+s14+$0x0] =	vst.idx.msk vm11, v0  }
0x1f4: {  	[tilespmem:v33+s14+$0x0] =	vst.idx.msk vm11, v0  }
0x1f5: {  	[tilespmem:v34+s14+$0x0] =	vst.idx.msk vm11, v0  }
0x1f6: {  	[tilespmem:v35+s14+$0x0] =	vst.idx.msk vm11, v0  }
0x1f7: {  	[tilespmem:v36+s14+$0x0] =	vst.idx.msk vm11, v0  }
0x1f8: {  	[tilespmem:v1+s14+$0x0] =	vst.idx.msk vm11, v0  }
0x1f9: {  	v1 =	vld [tilespmem:$0x1C0]  }
0x1fa: {  	v2 =	vld [tilespmem:$0x540];
	_ =	sdelay $0x3  }
0x1fb: {  	v37 =	vshll.u32 v1, $0x3  }
0x1fc: {  	vm12 =	vne.s32 v2, $0x0;
	v1 =	vand.u32 $0x7F, v1;
	v38 =	vand.u32 $0xFFFFFC00, v37  }
0x1fd: {  	v1 =	vor.u32 v1, v38  }
0x1fe: {  	v2 =	vor.u32 $0x80, v1  }
0x1ff: {  	v39 =	vor.u32 $0x100, v1  }
0x200: {  	v40 =	vor.u32 $0x180, v1  }
0x201: {  	v41 =	vor.u32 $0x200, v1  }
0x202: {  	v42 =	vor.u32 $0x280, v1;
	[tilespmem:v1+s14+$0x0] =	vst.idx.msk vm12, v0  }
0x203: {  	v43 =	vor.u32 $0x300, v1;
	[tilespmem:v2+s14+$0x0] =	vst.idx.msk vm12, v0  }
0x204: {  	v1 =	vor.u32 $0x380, v1;
	[tilespmem:v39+s14+$0x0] =	vst.idx.msk vm12, v0  }
0x205: {  	[tilespmem:v40+s14+$0x0] =	vst.idx.msk vm12, v0  }
0x206: {  	[tilespmem:v41+s14+$0x0] =	vst.idx.msk vm12, v0  }
0x207: {  	[tilespmem:v42+s14+$0x0] =	vst.idx.msk vm12, v0  }
0x208: {  	[tilespmem:v43+s14+$0x0] =	vst.idx.msk vm12, v0  }
0x209: {  	[tilespmem:v1+s14+$0x0] =	vst.idx.msk vm12, v0  }
0x20a: {  	v1 =	vld [tilespmem:$0x1D0]  }
0x20b: {  	v2 =	vld [tilespmem:$0x550];
	_ =	sdelay $0x3  }
0x20c: {  	v44 =	vshll.u32 v1, $0x3  }
0x20d: {  	vm13 =	vne.s32 v2, $0x0;
	v1 =	vand.u32 $0x7F, v1;
	v45 =	vand.u32 $0xFFFFFC00, v44  }
0x20e: {  	v1 =	vor.u32 v1, v45  }
0x20f: {  	v2 =	vor.u32 $0x80, v1  }
0x210: {  	v46 =	vor.u32 $0x100, v1  }
0x211: {  	v47 =	vor.u32 $0x180, v1  }
0x212: {  	v48 =	vor.u32 $0x200, v1  }
0x213: {  	v49 =	vor.u32 $0x280, v1;
	[tilespmem:v1+s14+$0x0] =	vst.idx.msk vm13, v0  }
0x214: {  	v50 =	vor.u32 $0x300, v1;
	[tilespmem:v2+s14+$0x0] =	vst.idx.msk vm13, v0  }
0x215: {  	v1 =	vor.u32 $0x380, v1;
	[tilespmem:v46+s14+$0x0] =	vst.idx.msk vm13, v0  }
0x216: {  	[tilespmem:v47+s14+$0x0] =	vst.idx.msk vm13, v0  }
0x217: {  	[tilespmem:v48+s14+$0x0] =	vst.idx.msk vm13, v0  }
0x218: {  	[tilespmem:v49+s14+$0x0] =	vst.idx.msk vm13, v0  }
0x219: {  	[tilespmem:v50+s14+$0x0] =	vst.idx.msk vm13, v0  }
0x21a: {  	[tilespmem:v1+s14+$0x0] =	vst.idx.msk vm13, v0  }
0x21b: {  	v1 =	vld [tilespmem:$0x1E0]  }
0x21c: {  	v2 =	vld [tilespmem:$0x560];
	_ =	sdelay $0x3  }
0x21d: {  	v51 =	vshll.u32 v1, $0x3  }
0x21e: {  	vm14 =	vne.s32 v2, $0x0;
	v1 =	vand.u32 $0x7F, v1;
	v52 =	vand.u32 $0xFFFFFC00, v51  }
0x21f: {  	v1 =	vor.u32 v1, v52  }
0x220: {  	v2 =	vor.u32 $0x80, v1  }
0x221: {  	v53 =	vor.u32 $0x100, v1  }
0x222: {  	v54 =	vor.u32 $0x180, v1  }
0x223: {  	v55 =	vor.u32 $0x200, v1  }
0x224: {  	v56 =	vor.u32 $0x280, v1;
	[tilespmem:v1+s14+$0x0] =	vst.idx.msk vm14, v0  }
0x225: {  	v57 =	vor.u32 $0x300, v1;
	[tilespmem:v2+s14+$0x0] =	vst.idx.msk vm14, v0  }
0x226: {  	v1 =	vor.u32 $0x380, v1;
	[tilespmem:v53+s14+$0x0] =	vst.idx.msk vm14, v0  }
0x227: {  	[tilespmem:v54+s14+$0x0] =	vst.idx.msk vm14, v0  }
0x228: {  	[tilespmem:v55+s14+$0x0] =	vst.idx.msk vm14, v0  }
0x229: {  	[tilespmem:v56+s14+$0x0] =	vst.idx.msk vm14, v0  }
0x22a: {  	[tilespmem:v57+s14+$0x0] =	vst.idx.msk vm14, v0  }
0x22b: {  	[tilespmem:v1+s14+$0x0] =	vst.idx.msk vm14, v0  }
0x22c: {  	v1 =	vld [tilespmem:$0x1F0]  }
0x22d: {  	v2 =	vld [tilespmem:$0x570];
	_ =	sdelay $0x3  }
0x22e: {  	v58 =	vshll.u32 v1, $0x3  }
0x22f: {  	vm15 =	vne.s32 v2, $0x0;
	v1 =	vand.u32 $0x7F, v1;
	v59 =	vand.u32 $0xFFFFFC00, v58  }
0x230: {  	v1 =	vor.u32 v1, v59  }
0x231: {  	v2 =	vor.u32 $0x80, v1  }
0x232: {  	v60 =	vor.u32 $0x100, v1  }
0x233: {  	v61 =	vor.u32 $0x180, v1  }
0x234: {  	v62 =	vor.u32 $0x200, v1  }
0x235: {  	v63 =	vor.u32 $0x280, v1;
	[tilespmem:v1+s14+$0x0] =	vst.idx.msk vm15, v0  }
0x236: {  	v8 =	vor.u32 $0x300, v1;
	[tilespmem:v2+s14+$0x0] =	vst.idx.msk vm15, v0  }
0x237: {  	v1 =	vor.u32 $0x380, v1;
	[tilespmem:v60+s14+$0x0] =	vst.idx.msk vm15, v0  }
0x238: {  	[tilespmem:v61+s14+$0x0] =	vst.idx.msk vm15, v0  }
0x239: {  	[tilespmem:v62+s14+$0x0] =	vst.idx.msk vm15, v0  }
0x23a: {  	[tilespmem:v63+s14+$0x0] =	vst.idx.msk vm15, v0  }
0x23b: {  	[tilespmem:v8+s14+$0x0] =	vst.idx.msk vm15, v0  }
0x23c: {  	[tilespmem:v1+s14+$0x0] =	vst.idx.msk vm15, v0  }
0x23d: {  	v1 =	vld [tilespmem:$0x200]  }
0x23e: {  	v2 =	vld [tilespmem:$0x580];
	_ =	sdelay $0x3  }
0x23f: {  	v9 =	vshll.u32 v1, $0x3  }
0x240: {  	vm4 =	vne.s32 v2, $0x0;
	v1 =	vand.u32 $0x7F, v1;
	v10 =	vand.u32 $0xFFFFFC00, v9  }
0x241: {  	v1 =	vor.u32 v1, v10  }
0x242: {  	v2 =	vor.u32 $0x80, v1  }
0x243: {  	v11 =	vor.u32 $0x100, v1  }
0x244: {  	v12 =	vor.u32 $0x180, v1  }
0x245: {  	v13 =	vor.u32 $0x200, v1  }
0x246: {  	v14 =	vor.u32 $0x280, v1;
	[tilespmem:v1+s14+$0x0] =	vst.idx.msk vm4, v0  }
0x247: {  	v15 =	vor.u32 $0x300, v1;
	[tilespmem:v2+s14+$0x0] =	vst.idx.msk vm4, v0  }
0x248: {  	v1 =	vor.u32 $0x380, v1;
	[tilespmem:v11+s14+$0x0] =	vst.idx.msk vm4, v0  }
0x249: {  	[tilespmem:v12+s14+$0x0] =	vst.idx.msk vm4, v0  }
0x24a: {  	[tilespmem:v13+s14+$0x0] =	vst.idx.msk vm4, v0  }
0x24b: {  	[tilespmem:v14+s14+$0x0] =	vst.idx.msk vm4, v0  }
0x24c: {  	[tilespmem:v15+s14+$0x0] =	vst.idx.msk vm4, v0  }
0x24d: {  	[tilespmem:v1+s14+$0x0] =	vst.idx.msk vm4, v0  }
0x24e: {  	v1 =	vld [tilespmem:$0x210]  }
0x24f: {  	v2 =	vld [tilespmem:$0x590];
	_ =	sdelay $0x3  }
0x250: {  	v16 =	vshll.u32 v1, $0x3  }
0x251: {  	vm5 =	vne.s32 v2, $0x0;
	v1 =	vand.u32 $0x7F, v1;
	v17 =	vand.u32 $0xFFFFFC00, v16  }
0x252: {  	v1 =	vor.u32 v1, v17  }
0x253: {  	v2 =	vor.u32 $0x80, v1  }
0x254: {  	v18 =	vor.u32 $0x100, v1  }
0x255: {  	v19 =	vor.u32 $0x180, v1  }
0x256: {  	v20 =	vor.u32 $0x200, v1  }
0x257: {  	v21 =	vor.u32 $0x280, v1;
	[tilespmem:v1+s14+$0x0] =	vst.idx.msk vm5, v0  }
0x258: {  	v22 =	vor.u32 $0x300, v1;
	[tilespmem:v2+s14+$0x0] =	vst.idx.msk vm5, v0  }
0x259: {  	v1 =	vor.u32 $0x380, v1;
	[tilespmem:v18+s14+$0x0] =	vst.idx.msk vm5, v0  }
0x25a: {  	[tilespmem:v19+s14+$0x0] =	vst.idx.msk vm5, v0  }
0x25b: {  	[tilespmem:v20+s14+$0x0] =	vst.idx.msk vm5, v0  }
0x25c: {  	[tilespmem:v21+s14+$0x0] =	vst.idx.msk vm5, v0  }
0x25d: {  	[tilespmem:v22+s14+$0x0] =	vst.idx.msk vm5, v0  }
0x25e: {  	[tilespmem:v1+s14+$0x0] =	vst.idx.msk vm5, v0  }
0x25f: {  	v1 =	vld [tilespmem:$0x220]  }
0x260: {  	v2 =	vld [tilespmem:$0x5A0];
	_ =	sdelay $0x3  }
0x261: {  	v23 =	vshll.u32 v1, $0x3  }
0x262: {  	vm6 =	vne.s32 v2, $0x0;
	v1 =	vand.u32 $0x7F, v1;
	v24 =	vand.u32 $0xFFFFFC00, v23  }
0x263: {  	v1 =	vor.u32 v1, v24  }
0x264: {  	v2 =	vor.u32 $0x80, v1  }
0x265: {  	v25 =	vor.u32 $0x100, v1  }
0x266: {  	v26 =	vor.u32 $0x180, v1  }
0x267: {  	v27 =	vor.u32 $0x200, v1  }
0x268: {  	v28 =	vor.u32 $0x280, v1;
	[tilespmem:v1+s14+$0x0] =	vst.idx.msk vm6, v0  }
0x269: {  	v29 =	vor.u32 $0x300, v1;
	[tilespmem:v2+s14+$0x0] =	vst.idx.msk vm6, v0  }
0x26a: {  	v1 =	vor.u32 $0x380, v1;
	[tilespmem:v25+s14+$0x0] =	vst.idx.msk vm6, v0  }
0x26b: {  	[tilespmem:v26+s14+$0x0] =	vst.idx.msk vm6, v0  }
0x26c: {  	[tilespmem:v27+s14+$0x0] =	vst.idx.msk vm6, v0  }
0x26d: {  	[tilespmem:v28+s14+$0x0] =	vst.idx.msk vm6, v0  }
0x26e: {  	[tilespmem:v29+s14+$0x0] =	vst.idx.msk vm6, v0  }
0x26f: {  	[tilespmem:v1+s14+$0x0] =	vst.idx.msk vm6, v0  }
0x270: {  	v1 =	vld [tilespmem:$0x230]  }
0x271: {  	v2 =	vld [tilespmem:$0x5B0];
	_ =	sdelay $0x3  }
0x272: {  	v30 =	vshll.u32 v1, $0x3  }
0x273: {  	vm7 =	vne.s32 v2, $0x0;
	v1 =	vand.u32 $0x7F, v1;
	v31 =	vand.u32 $0xFFFFFC00, v30  }
0x274: {  	v1 =	vor.u32 v1, v31  }
0x275: {  	v2 =	vor.u32 $0x80, v1  }
0x276: {  	v32 =	vor.u32 $0x100, v1  }
0x277: {  	v33 =	vor.u32 $0x180, v1  }
0x278: {  	v34 =	vor.u32 $0x200, v1  }
0x279: {  	v35 =	vor.u32 $0x280, v1;
	[tilespmem:v1+s14+$0x0] =	vst.idx.msk vm7, v0  }
0x27a: {  	v36 =	vor.u32 $0x300, v1;
	[tilespmem:v2+s14+$0x0] =	vst.idx.msk vm7, v0  }
0x27b: {  	v1 =	vor.u32 $0x380, v1;
	[tilespmem:v32+s14+$0x0] =	vst.idx.msk vm7, v0  }
0x27c: {  	[tilespmem:v33+s14+$0x0] =	vst.idx.msk vm7, v0  }
0x27d: {  	[tilespmem:v34+s14+$0x0] =	vst.idx.msk vm7, v0  }
0x27e: {  	[tilespmem:v35+s14+$0x0] =	vst.idx.msk vm7, v0  }
0x27f: {  	[tilespmem:v36+s14+$0x0] =	vst.idx.msk vm7, v0  }
0x280: {  	[tilespmem:v1+s14+$0x0] =	vst.idx.msk vm7, v0  }
0x281: {  	v1 =	vld [tilespmem:$0x240]  }
0x282: {  	v2 =	vld [tilespmem:$0x5C0];
	_ =	sdelay $0x3  }
0x283: {  	v37 =	vshll.u32 v1, $0x3  }
0x284: {  	vm8 =	vne.s32 v2, $0x0;
	v1 =	vand.u32 $0x7F, v1;
	v38 =	vand.u32 $0xFFFFFC00, v37  }
0x285: {  	v1 =	vor.u32 v1, v38  }
0x286: {  	v2 =	vor.u32 $0x80, v1  }
0x287: {  	v39 =	vor.u32 $0x100, v1  }
0x288: {  	v40 =	vor.u32 $0x180, v1  }
0x289: {  	v41 =	vor.u32 $0x200, v1  }
0x28a: {  	v42 =	vor.u32 $0x280, v1;
	[tilespmem:v1+s14+$0x0] =	vst.idx.msk vm8, v0  }
0x28b: {  	v43 =	vor.u32 $0x300, v1;
	[tilespmem:v2+s14+$0x0] =	vst.idx.msk vm8, v0  }
0x28c: {  	v1 =	vor.u32 $0x380, v1;
	[tilespmem:v39+s14+$0x0] =	vst.idx.msk vm8, v0  }
0x28d: {  	[tilespmem:v40+s14+$0x0] =	vst.idx.msk vm8, v0  }
0x28e: {  	[tilespmem:v41+s14+$0x0] =	vst.idx.msk vm8, v0  }
0x28f: {  	[tilespmem:v42+s14+$0x0] =	vst.idx.msk vm8, v0  }
0x290: {  	[tilespmem:v43+s14+$0x0] =	vst.idx.msk vm8, v0  }
0x291: {  	[tilespmem:v1+s14+$0x0] =	vst.idx.msk vm8, v0  }
0x292: {  	v1 =	vld [tilespmem:$0x250]  }
0x293: {  	v2 =	vld [tilespmem:$0x5D0];
	_ =	sdelay $0x3  }
0x294: {  	v44 =	vshll.u32 v1, $0x3  }
0x295: {  	vm9 =	vne.s32 v2, $0x0;
	v1 =	vand.u32 $0x7F, v1;
	v45 =	vand.u32 $0xFFFFFC00, v44  }
0x296: {  	v1 =	vor.u32 v1, v45  }
0x297: {  	v2 =	vor.u32 $0x80, v1  }
0x298: {  	v46 =	vor.u32 $0x100, v1  }
0x299: {  	v47 =	vor.u32 $0x180, v1  }
0x29a: {  	v48 =	vor.u32 $0x200, v1  }
0x29b: {  	v49 =	vor.u32 $0x280, v1;
	[tilespmem:v1+s14+$0x0] =	vst.idx.msk vm9, v0  }
0x29c: {  	v50 =	vor.u32 $0x300, v1;
	[tilespmem:v2+s14+$0x0] =	vst.idx.msk vm9, v0  }
0x29d: {  	v1 =	vor.u32 $0x380, v1;
	[tilespmem:v46+s14+$0x0] =	vst.idx.msk vm9, v0  }
0x29e: {  	[tilespmem:v47+s14+$0x0] =	vst.idx.msk vm9, v0  }
0x29f: {  	[tilespmem:v48+s14+$0x0] =	vst.idx.msk vm9, v0  }
0x2a0: {  	[tilespmem:v49+s14+$0x0] =	vst.idx.msk vm9, v0  }
0x2a1: {  	[tilespmem:v50+s14+$0x0] =	vst.idx.msk vm9, v0  }
0x2a2: {  	[tilespmem:v1+s14+$0x0] =	vst.idx.msk vm9, v0  }
0x2a3: {  	v1 =	vld [tilespmem:$0x260]  }
0x2a4: {  	v2 =	vld [tilespmem:$0x5E0];
	_ =	sdelay $0x3  }
0x2a5: {  	v51 =	vshll.u32 v1, $0x3  }
0x2a6: {  	vm10 =	vne.s32 v2, $0x0;
	v1 =	vand.u32 $0x7F, v1;
	v52 =	vand.u32 $0xFFFFFC00, v51  }
0x2a7: {  	v1 =	vor.u32 v1, v52  }
0x2a8: {  	v2 =	vor.u32 $0x80, v1  }
0x2a9: {  	v53 =	vor.u32 $0x100, v1  }
0x2aa: {  	v54 =	vor.u32 $0x180, v1  }
0x2ab: {  	v55 =	vor.u32 $0x200, v1  }
0x2ac: {  	v56 =	vor.u32 $0x280, v1;
	[tilespmem:v1+s14+$0x0] =	vst.idx.msk vm10, v0  }
0x2ad: {  	v57 =	vor.u32 $0x300, v1;
	[tilespmem:v2+s14+$0x0] =	vst.idx.msk vm10, v0  }
0x2ae: {  	v1 =	vor.u32 $0x380, v1;
	[tilespmem:v53+s14+$0x0] =	vst.idx.msk vm10, v0  }
0x2af: {  	[tilespmem:v54+s14+$0x0] =	vst.idx.msk vm10, v0  }
0x2b0: {  	[tilespmem:v55+s14+$0x0] =	vst.idx.msk vm10, v0  }
0x2b1: {  	[tilespmem:v56+s14+$0x0] =	vst.idx.msk vm10, v0  }
0x2b2: {  	[tilespmem:v57+s14+$0x0] =	vst.idx.msk vm10, v0  }
0x2b3: {  	[tilespmem:v1+s14+$0x0] =	vst.idx.msk vm10, v0  }
0x2b4: {  	v1 =	vld [tilespmem:$0x270]  }
0x2b5: {  	v2 =	vld [tilespmem:$0x5F0];
	_ =	sdelay $0x3  }
0x2b6: {  	v58 =	vshll.u32 v1, $0x3  }
0x2b7: {  	vm11 =	vne.s32 v2, $0x0;
	v1 =	vand.u32 $0x7F, v1;
	v59 =	vand.u32 $0xFFFFFC00, v58  }
0x2b8: {  	v1 =	vor.u32 v1, v59  }
0x2b9: {  	v2 =	vor.u32 $0x80, v1  }
0x2ba: {  	v60 =	vor.u32 $0x100, v1  }
0x2bb: {  	v61 =	vor.u32 $0x180, v1  }
0x2bc: {  	v62 =	vor.u32 $0x200, v1  }
0x2bd: {  	v63 =	vor.u32 $0x280, v1;
	[tilespmem:v1+s14+$0x0] =	vst.idx.msk vm11, v0  }
0x2be: {  	v7 =	vor.u32 $0x300, v1;
	[tilespmem:v2+s14+$0x0] =	vst.idx.msk vm11, v0  }
0x2bf: {  	v1 =	vor.u32 $0x380, v1;
	[tilespmem:v60+s14+$0x0] =	vst.idx.msk vm11, v0  }
0x2c0: {  	[tilespmem:v61+s14+$0x0] =	vst.idx.msk vm11, v0  }
0x2c1: {  	[tilespmem:v62+s14+$0x0] =	vst.idx.msk vm11, v0  }
0x2c2: {  	[tilespmem:v63+s14+$0x0] =	vst.idx.msk vm11, v0  }
0x2c3: {  	[tilespmem:v7+s14+$0x0] =	vst.idx.msk vm11, v0  }
0x2c4: {  	[tilespmem:v1+s14+$0x0] =	vst.idx.msk vm11, v0  }
0x2c5: {  	v1 =	vld [tilespmem:$0x280]  }
0x2c6: {  	v2 =	vld [tilespmem:$0x600];
	_ =	sdelay $0x3  }
0x2c7: {  	v8 =	vshll.u32 v1, $0x3  }
0x2c8: {  	vm12 =	vne.s32 v2, $0x0;
	v1 =	vand.u32 $0x7F, v1;
	v9 =	vand.u32 $0xFFFFFC00, v8  }
0x2c9: {  	v1 =	vor.u32 v1, v9  }
0x2ca: {  	v2 =	vor.u32 $0x80, v1  }
0x2cb: {  	v10 =	vor.u32 $0x100, v1  }
0x2cc: {  	v11 =	vor.u32 $0x180, v1  }
0x2cd: {  	v12 =	vor.u32 $0x200, v1  }
0x2ce: {  	v13 =	vor.u32 $0x280, v1;
	[tilespmem:v1+s14+$0x0] =	vst.idx.msk vm12, v0  }
0x2cf: {  	v14 =	vor.u32 $0x300, v1;
	[tilespmem:v2+s14+$0x0] =	vst.idx.msk vm12, v0  }
0x2d0: {  	v1 =	vor.u32 $0x380, v1;
	[tilespmem:v10+s14+$0x0] =	vst.idx.msk vm12, v0  }
0x2d1: {  	[tilespmem:v11+s14+$0x0] =	vst.idx.msk vm12, v0  }
0x2d2: {  	[tilespmem:v12+s14+$0x0] =	vst.idx.msk vm12, v0  }
0x2d3: {  	[tilespmem:v13+s14+$0x0] =	vst.idx.msk vm12, v0  }
0x2d4: {  	[tilespmem:v14+s14+$0x0] =	vst.idx.msk vm12, v0  }
0x2d5: {  	[tilespmem:v1+s14+$0x0] =	vst.idx.msk vm12, v0  }
0x2d6: {  	v1 =	vld [tilespmem:$0x290]  }
0x2d7: {  	v2 =	vld [tilespmem:$0x610];
	_ =	sdelay $0x3  }
0x2d8: {  	v15 =	vshll.u32 v1, $0x3  }
0x2d9: {  	vm13 =	vne.s32 v2, $0x0;
	v1 =	vand.u32 $0x7F, v1;
	v16 =	vand.u32 $0xFFFFFC00, v15  }
0x2da: {  	v1 =	vor.u32 v1, v16  }
0x2db: {  	v2 =	vor.u32 $0x80, v1  }
0x2dc: {  	v17 =	vor.u32 $0x100, v1  }
0x2dd: {  	v18 =	vor.u32 $0x180, v1  }
0x2de: {  	v19 =	vor.u32 $0x200, v1  }
0x2df: {  	v20 =	vor.u32 $0x280, v1;
	[tilespmem:v1+s14+$0x0] =	vst.idx.msk vm13, v0  }
0x2e0: {  	v21 =	vor.u32 $0x300, v1;
	[tilespmem:v2+s14+$0x0] =	vst.idx.msk vm13, v0  }
0x2e1: {  	v1 =	vor.u32 $0x380, v1;
	[tilespmem:v17+s14+$0x0] =	vst.idx.msk vm13, v0  }
0x2e2: {  	[tilespmem:v18+s14+$0x0] =	vst.idx.msk vm13, v0  }
0x2e3: {  	[tilespmem:v19+s14+$0x0] =	vst.idx.msk vm13, v0  }
0x2e4: {  	[tilespmem:v20+s14+$0x0] =	vst.idx.msk vm13, v0  }
0x2e5: {  	[tilespmem:v21+s14+$0x0] =	vst.idx.msk vm13, v0  }
0x2e6: {  	[tilespmem:v1+s14+$0x0] =	vst.idx.msk vm13, v0  }
0x2e7: {  	v1 =	vld [tilespmem:$0x2A0]  }
0x2e8: {  	v2 =	vld [tilespmem:$0x620];
	_ =	sdelay $0x3  }
0x2e9: {  	v22 =	vshll.u32 v1, $0x3  }
0x2ea: {  	vm14 =	vne.s32 v2, $0x0;
	v1 =	vand.u32 $0x7F, v1;
	v23 =	vand.u32 $0xFFFFFC00, v22  }
0x2eb: {  	v1 =	vor.u32 v1, v23  }
0x2ec: {  	v2 =	vor.u32 $0x80, v1  }
0x2ed: {  	v24 =	vor.u32 $0x100, v1  }
0x2ee: {  	v25 =	vor.u32 $0x180, v1  }
0x2ef: {  	v26 =	vor.u32 $0x200, v1  }
0x2f0: {  	v27 =	vor.u32 $0x280, v1;
	[tilespmem:v1+s14+$0x0] =	vst.idx.msk vm14, v0  }
0x2f1: {  	v28 =	vor.u32 $0x300, v1;
	[tilespmem:v2+s14+$0x0] =	vst.idx.msk vm14, v0  }
0x2f2: {  	v1 =	vor.u32 $0x380, v1;
	[tilespmem:v24+s14+$0x0] =	vst.idx.msk vm14, v0  }
0x2f3: {  	[tilespmem:v25+s14+$0x0] =	vst.idx.msk vm14, v0  }
0x2f4: {  	[tilespmem:v26+s14+$0x0] =	vst.idx.msk vm14, v0  }
0x2f5: {  	[tilespmem:v27+s14+$0x0] =	vst.idx.msk vm14, v0  }
0x2f6: {  	[tilespmem:v28+s14+$0x0] =	vst.idx.msk vm14, v0  }
0x2f7: {  	[tilespmem:v1+s14+$0x0] =	vst.idx.msk vm14, v0  }
0x2f8: {  	v1 =	vld [tilespmem:$0x2B0]  }
0x2f9: {  	v2 =	vld [tilespmem:$0x630];
	_ =	sdelay $0x3  }
0x2fa: {  	v29 =	vshll.u32 v1, $0x3  }
0x2fb: {  	vm15 =	vne.s32 v2, $0x0;
	v1 =	vand.u32 $0x7F, v1;
	v30 =	vand.u32 $0xFFFFFC00, v29  }
0x2fc: {  	v1 =	vor.u32 v1, v30  }
0x2fd: {  	v2 =	vor.u32 $0x80, v1  }
0x2fe: {  	v31 =	vor.u32 $0x100, v1  }
0x2ff: {  	v32 =	vor.u32 $0x180, v1  }
0x300: {  	v33 =	vor.u32 $0x200, v1  }
0x301: {  	v34 =	vor.u32 $0x280, v1;
	[tilespmem:v1+s14+$0x0] =	vst.idx.msk vm15, v0  }
0x302: {  	v35 =	vor.u32 $0x300, v1;
	[tilespmem:v2+s14+$0x0] =	vst.idx.msk vm15, v0  }
0x303: {  	v1 =	vor.u32 $0x380, v1;
	[tilespmem:v31+s14+$0x0] =	vst.idx.msk vm15, v0  }
0x304: {  	[tilespmem:v32+s14+$0x0] =	vst.idx.msk vm15, v0  }
0x305: {  	[tilespmem:v33+s14+$0x0] =	vst.idx.msk vm15, v0  }
0x306: {  	[tilespmem:v34+s14+$0x0] =	vst.idx.msk vm15, v0  }
0x307: {  	[tilespmem:v35+s14+$0x0] =	vst.idx.msk vm15, v0  }
0x308: {  	[tilespmem:v1+s14+$0x0] =	vst.idx.msk vm15, v0  }
0x309: {  	v1 =	vld [tilespmem:$0x2C0]  }
0x30a: {  	v2 =	vld [tilespmem:$0x640];
	_ =	sdelay $0x3  }
0x30b: {  	v36 =	vshll.u32 v1, $0x3  }
0x30c: {  	vm4 =	vne.s32 v2, $0x0;
	v1 =	vand.u32 $0x7F, v1;
	v37 =	vand.u32 $0xFFFFFC00, v36  }
0x30d: {  	v1 =	vor.u32 v1, v37  }
0x30e: {  	v2 =	vor.u32 $0x80, v1  }
0x30f: {  	v38 =	vor.u32 $0x100, v1  }
0x310: {  	v39 =	vor.u32 $0x180, v1  }
0x311: {  	v40 =	vor.u32 $0x200, v1  }
0x312: {  	v41 =	vor.u32 $0x280, v1;
	[tilespmem:v1+s14+$0x0] =	vst.idx.msk vm4, v0  }
0x313: {  	v42 =	vor.u32 $0x300, v1;
	[tilespmem:v2+s14+$0x0] =	vst.idx.msk vm4, v0  }
0x314: {  	v1 =	vor.u32 $0x380, v1;
	[tilespmem:v38+s14+$0x0] =	vst.idx.msk vm4, v0  }
0x315: {  	[tilespmem:v39+s14+$0x0] =	vst.idx.msk vm4, v0  }
0x316: {  	[tilespmem:v40+s14+$0x0] =	vst.idx.msk vm4, v0  }
0x317: {  	[tilespmem:v41+s14+$0x0] =	vst.idx.msk vm4, v0  }
0x318: {  	[tilespmem:v42+s14+$0x0] =	vst.idx.msk vm4, v0  }
0x319: {  	[tilespmem:v1+s14+$0x0] =	vst.idx.msk vm4, v0  }
0x31a: {  	v1 =	vld [tilespmem:$0x2D0]  }
0x31b: {  	v2 =	vld [tilespmem:$0x650];
	_ =	sdelay $0x3  }
0x31c: {  	v43 =	vshll.u32 v1, $0x3  }
0x31d: {  	vm5 =	vne.s32 v2, $0x0;
	v1 =	vand.u32 $0x7F, v1;
	v44 =	vand.u32 $0xFFFFFC00, v43  }
0x31e: {  	v1 =	vor.u32 v1, v44  }
0x31f: {  	v2 =	vor.u32 $0x80, v1  }
0x320: {  	v45 =	vor.u32 $0x100, v1  }
0x321: {  	v46 =	vor.u32 $0x180, v1  }
0x322: {  	v47 =	vor.u32 $0x200, v1  }
0x323: {  	v48 =	vor.u32 $0x280, v1;
	[tilespmem:v1+s14+$0x0] =	vst.idx.msk vm5, v0  }
0x324: {  	v49 =	vor.u32 $0x300, v1;
	[tilespmem:v2+s14+$0x0] =	vst.idx.msk vm5, v0  }
0x325: {  	v1 =	vor.u32 $0x380, v1;
	[tilespmem:v45+s14+$0x0] =	vst.idx.msk vm5, v0  }
0x326: {  	[tilespmem:v46+s14+$0x0] =	vst.idx.msk vm5, v0  }
0x327: {  	[tilespmem:v47+s14+$0x0] =	vst.idx.msk vm5, v0  }
0x328: {  	[tilespmem:v48+s14+$0x0] =	vst.idx.msk vm5, v0  }
0x329: {  	[tilespmem:v49+s14+$0x0] =	vst.idx.msk vm5, v0  }
0x32a: {  	[tilespmem:v1+s14+$0x0] =	vst.idx.msk vm5, v0  }
0x32b: {  	v1 =	vld [tilespmem:$0x2E0]  }
0x32c: {  	v2 =	vld [tilespmem:$0x660];
	_ =	sdelay $0x3  }
0x32d: {  	v50 =	vshll.u32 v1, $0x3  }
0x32e: {  	vm6 =	vne.s32 v2, $0x0;
	v1 =	vand.u32 $0x7F, v1;
	v51 =	vand.u32 $0xFFFFFC00, v50  }
0x32f: {  	v1 =	vor.u32 v1, v51  }
0x330: {  	v2 =	vor.u32 $0x80, v1  }
0x331: {  	v52 =	vor.u32 $0x100, v1  }
0x332: {  	v53 =	vor.u32 $0x180, v1  }
0x333: {  	v54 =	vor.u32 $0x200, v1  }
0x334: {  	v55 =	vor.u32 $0x280, v1;
	[tilespmem:v1+s14+$0x0] =	vst.idx.msk vm6, v0  }
0x335: {  	v56 =	vor.u32 $0x300, v1;
	[tilespmem:v2+s14+$0x0] =	vst.idx.msk vm6, v0  }
0x336: {  	v1 =	vor.u32 $0x380, v1;
	[tilespmem:v52+s14+$0x0] =	vst.idx.msk vm6, v0  }
0x337: {  	[tilespmem:v53+s14+$0x0] =	vst.idx.msk vm6, v0  }
0x338: {  	[tilespmem:v54+s14+$0x0] =	vst.idx.msk vm6, v0  }
0x339: {  	[tilespmem:v55+s14+$0x0] =	vst.idx.msk vm6, v0  }
0x33a: {  	[tilespmem:v56+s14+$0x0] =	vst.idx.msk vm6, v0  }
0x33b: {  	[tilespmem:v1+s14+$0x0] =	vst.idx.msk vm6, v0  }
0x33c: {  	v1 =	vld [tilespmem:$0x2F0]  }
0x33d: {  	v2 =	vld [tilespmem:$0x670];
	_ =	sdelay $0x3  }
0x33e: {  	v57 =	vshll.u32 v1, $0x3  }
0x33f: {  	vm7 =	vne.s32 v2, $0x0;
	v1 =	vand.u32 $0x7F, v1;
	v58 =	vand.u32 $0xFFFFFC00, v57  }
0x340: {  	v1 =	vor.u32 v1, v58  }
0x341: {  	v2 =	vor.u32 $0x80, v1  }
0x342: {  	v59 =	vor.u32 $0x100, v1  }
0x343: {  	v60 =	vor.u32 $0x180, v1  }
0x344: {  	v61 =	vor.u32 $0x200, v1  }
0x345: {  	v62 =	vor.u32 $0x280, v1;
	[tilespmem:v1+s14+$0x0] =	vst.idx.msk vm7, v0  }
0x346: {  	v63 =	vor.u32 $0x300, v1;
	[tilespmem:v2+s14+$0x0] =	vst.idx.msk vm7, v0  }
0x347: {  	v1 =	vor.u32 $0x380, v1;
	[tilespmem:v59+s14+$0x0] =	vst.idx.msk vm7, v0  }
0x348: {  	[tilespmem:v60+s14+$0x0] =	vst.idx.msk vm7, v0  }
0x349: {  	[tilespmem:v61+s14+$0x0] =	vst.idx.msk vm7, v0  }
0x34a: {  	[tilespmem:v62+s14+$0x0] =	vst.idx.msk vm7, v0  }
0x34b: {  	[tilespmem:v63+s14+$0x0] =	vst.idx.msk vm7, v0  }
0x34c: {  	[tilespmem:v1+s14+$0x0] =	vst.idx.msk vm7, v0  }
0x34d: {  	v1 =	vld [tilespmem:$0x300]  }
0x34e: {  	v2 =	vld [tilespmem:$0x680];
	_ =	sdelay $0x3  }
0x34f: {  	v7 =	vshll.u32 v1, $0x3  }
0x350: {  	vm8 =	vne.s32 v2, $0x0;
	v1 =	vand.u32 $0x7F, v1;
	v8 =	vand.u32 $0xFFFFFC00, v7  }
0x351: {  	v1 =	vor.u32 v1, v8  }
0x352: {  	v2 =	vor.u32 $0x80, v1  }
0x353: {  	v9 =	vor.u32 $0x100, v1  }
0x354: {  	v10 =	vor.u32 $0x180, v1  }
0x355: {  	v11 =	vor.u32 $0x200, v1  }
0x356: {  	v12 =	vor.u32 $0x280, v1;
	[tilespmem:v1+s14+$0x0] =	vst.idx.msk vm8, v0  }
0x357: {  	v13 =	vor.u32 $0x300, v1;
	[tilespmem:v2+s14+$0x0] =	vst.idx.msk vm8, v0  }
0x358: {  	v1 =	vor.u32 $0x380, v1;
	[tilespmem:v9+s14+$0x0] =	vst.idx.msk vm8, v0  }
0x359: {  	[tilespmem:v10+s14+$0x0] =	vst.idx.msk vm8, v0  }
0x35a: {  	[tilespmem:v11+s14+$0x0] =	vst.idx.msk vm8, v0  }
0x35b: {  	[tilespmem:v12+s14+$0x0] =	vst.idx.msk vm8, v0  }
0x35c: {  	[tilespmem:v13+s14+$0x0] =	vst.idx.msk vm8, v0  }
0x35d: {  	[tilespmem:v1+s14+$0x0] =	vst.idx.msk vm8, v0  }
0x35e: {  	v1 =	vld [tilespmem:$0x310]  }
0x35f: {  	v2 =	vld [tilespmem:$0x690];
	_ =	sdelay $0x3  }
0x360: {  	v14 =	vshll.u32 v1, $0x3  }
0x361: {  	vm9 =	vne.s32 v2, $0x0;
	v1 =	vand.u32 $0x7F, v1;
	v15 =	vand.u32 $0xFFFFFC00, v14  }
0x362: {  	v1 =	vor.u32 v1, v15  }
0x363: {  	v2 =	vor.u32 $0x80, v1  }
0x364: {  	v16 =	vor.u32 $0x100, v1  }
0x365: {  	v17 =	vor.u32 $0x180, v1  }
0x366: {  	v18 =	vor.u32 $0x200, v1  }
0x367: {  	v19 =	vor.u32 $0x280, v1;
	[tilespmem:v1+s14+$0x0] =	vst.idx.msk vm9, v0  }
0x368: {  	v20 =	vor.u32 $0x300, v1;
	[tilespmem:v2+s14+$0x0] =	vst.idx.msk vm9, v0  }
0x369: {  	v1 =	vor.u32 $0x380, v1;
	[tilespmem:v16+s14+$0x0] =	vst.idx.msk vm9, v0  }
0x36a: {  	[tilespmem:v17+s14+$0x0] =	vst.idx.msk vm9, v0  }
0x36b: {  	[tilespmem:v18+s14+$0x0] =	vst.idx.msk vm9, v0  }
0x36c: {  	[tilespmem:v19+s14+$0x0] =	vst.idx.msk vm9, v0  }
0x36d: {  	[tilespmem:v20+s14+$0x0] =	vst.idx.msk vm9, v0  }
0x36e: {  	[tilespmem:v1+s14+$0x0] =	vst.idx.msk vm9, v0  }
0x36f: {  	v1 =	vld [tilespmem:$0x320]  }
0x370: {  	v2 =	vld [tilespmem:$0x6A0];
	_ =	sdelay $0x3  }
0x371: {  	v21 =	vshll.u32 v1, $0x3  }
0x372: {  	vm10 =	vne.s32 v2, $0x0;
	v1 =	vand.u32 $0x7F, v1;
	v22 =	vand.u32 $0xFFFFFC00, v21  }
0x373: {  	v1 =	vor.u32 v1, v22  }
0x374: {  	v2 =	vor.u32 $0x80, v1  }
0x375: {  	v23 =	vor.u32 $0x100, v1  }
0x376: {  	v24 =	vor.u32 $0x180, v1  }
0x377: {  	v25 =	vor.u32 $0x200, v1  }
0x378: {  	v26 =	vor.u32 $0x280, v1;
	[tilespmem:v1+s14+$0x0] =	vst.idx.msk vm10, v0  }
0x379: {  	v27 =	vor.u32 $0x300, v1;
	[tilespmem:v2+s14+$0x0] =	vst.idx.msk vm10, v0  }
0x37a: {  	v1 =	vor.u32 $0x380, v1;
	[tilespmem:v23+s14+$0x0] =	vst.idx.msk vm10, v0  }
0x37b: {  	[tilespmem:v24+s14+$0x0] =	vst.idx.msk vm10, v0  }
0x37c: {  	[tilespmem:v25+s14+$0x0] =	vst.idx.msk vm10, v0  }
0x37d: {  	[tilespmem:v26+s14+$0x0] =	vst.idx.msk vm10, v0  }
0x37e: {  	[tilespmem:v27+s14+$0x0] =	vst.idx.msk vm10, v0  }
0x37f: {  	[tilespmem:v1+s14+$0x0] =	vst.idx.msk vm10, v0  }
0x380: {  	v1 =	vld [tilespmem:$0x330]  }
0x381: {  	v2 =	vld [tilespmem:$0x6B0];
	_ =	sdelay $0x3  }
0x382: {  	v28 =	vshll.u32 v1, $0x3  }
0x383: {  	vm11 =	vne.s32 v2, $0x0;
	v1 =	vand.u32 $0x7F, v1;
	v29 =	vand.u32 $0xFFFFFC00, v28  }
0x384: {  	v1 =	vor.u32 v1, v29  }
0x385: {  	v2 =	vor.u32 $0x80, v1  }
0x386: {  	v30 =	vor.u32 $0x100, v1  }
0x387: {  	v31 =	vor.u32 $0x180, v1  }
0x388: {  	v32 =	vor.u32 $0x200, v1  }
0x389: {  	v33 =	vor.u32 $0x280, v1;
	[tilespmem:v1+s14+$0x0] =	vst.idx.msk vm11, v0  }
0x38a: {  	v34 =	vor.u32 $0x300, v1;
	[tilespmem:v2+s14+$0x0] =	vst.idx.msk vm11, v0  }
0x38b: {  	v1 =	vor.u32 $0x380, v1;
	[tilespmem:v30+s14+$0x0] =	vst.idx.msk vm11, v0  }
0x38c: {  	[tilespmem:v31+s14+$0x0] =	vst.idx.msk vm11, v0  }
0x38d: {  	[tilespmem:v32+s14+$0x0] =	vst.idx.msk vm11, v0  }
0x38e: {  	[tilespmem:v33+s14+$0x0] =	vst.idx.msk vm11, v0  }
0x38f: {  	[tilespmem:v34+s14+$0x0] =	vst.idx.msk vm11, v0  }
0x390: {  	[tilespmem:v1+s14+$0x0] =	vst.idx.msk vm11, v0  }
0x391: {  	[hbm4b:s7+s2] =	stream.linear.scatter [tilespmem:s14], [sflag:$0x1], $0x8000, $0x38;
	[tilespmem:$0x10780] =	vst v63  }
0x392: {  	_ =	swait.ge [sflag:s11], $0x8000  }
0x393: {  	[sflag:s11] =	ssyncset.done $0x0  }
0x394: {  	[sflag:s11] =	ssyncadd.s32 $0xFFFF8000  }
0x395: {  	[tilespmem:s15], [sflag:$0x1] =	stream.linear.gather [hbm4b:s8+s2], $0x8000, $0x38;
	[tilespmem:$0x10780] =	vst v63  }
0x396: {  	_ =	swait.ge [sflag:s11], $0x8000  }
0x397: {  	[sflag:s11] =	ssyncset.done $0x0  }
0x398: {  	[sflag:s11] =	ssyncadd.s32 $0xFFFF8000  }
0x399: {  	v35 =	vld [tilespmem:$0x0]  }
0x39a: {  	v36 =	vld [tilespmem:$0x380];
	_ =	sdelay $0x3  }
0x39b: {  	v37 =	vshll.u32 v35, $0x3  }
0x39c: {  	vm12 =	vne.s32 v36, $0x0;
	v1 =	vand.u32 $0x7F, v35;
	v38 =	vand.u32 $0xFFFFFC00, v37  }
0x39d: {  	v1 =	vor.u32 v1, v38  }
0x39e: {  	v2 =	vor.u32 $0x80, v1  }
0x39f: {  	v39 =	vor.u32 $0x100, v1  }
0x3a0: {  	v40 =	vor.u32 $0x180, v1  }
0x3a1: {  	v41 =	vor.u32 $0x200, v1  }
0x3a2: {  	v42 =	vor.u32 $0x280, v1;
	[tilespmem:v1+s15+$0x0] =	vst.idx.msk vm12, v0  }
0x3a3: {  	v43 =	vor.u32 $0x300, v1;
	[tilespmem:v2+s15+$0x0] =	vst.idx.msk vm12, v0  }
0x3a4: {  	v1 =	vor.u32 $0x380, v1;
	[tilespmem:v39+s15+$0x0] =	vst.idx.msk vm12, v0  }
0x3a5: {  	[tilespmem:v40+s15+$0x0] =	vst.idx.msk vm12, v0  }
0x3a6: {  	[tilespmem:v41+s15+$0x0] =	vst.idx.msk vm12, v0  }
0x3a7: {  	[tilespmem:v42+s15+$0x0] =	vst.idx.msk vm12, v0  }
0x3a8: {  	[tilespmem:v43+s15+$0x0] =	vst.idx.msk vm12, v0  }
0x3a9: {  	[tilespmem:v1+s15+$0x0] =	vst.idx.msk vm12, v0  }
0x3aa: {  	v1 =	vld [tilespmem:$0x10]  }
0x3ab: {  	v2 =	vld [tilespmem:$0x390];
	_ =	sdelay $0x3  }
0x3ac: {  	v44 =	vshll.u32 v1, $0x3  }
0x3ad: {  	vm13 =	vne.s32 v2, $0x0;
	v1 =	vand.u32 $0x7F, v1;
	v45 =	vand.u32 $0xFFFFFC00, v44  }
0x3ae: {  	v1 =	vor.u32 v1, v45  }
0x3af: {  	v2 =	vor.u32 $0x80, v1  }
0x3b0: {  	v46 =	vor.u32 $0x100, v1  }
0x3b1: {  	v47 =	vor.u32 $0x180, v1  }
0x3b2: {  	v48 =	vor.u32 $0x200, v1  }
0x3b3: {  	v49 =	vor.u32 $0x280, v1;
	[tilespmem:v1+s15+$0x0] =	vst.idx.msk vm13, v0  }
0x3b4: {  	v50 =	vor.u32 $0x300, v1;
	[tilespmem:v2+s15+$0x0] =	vst.idx.msk vm13, v0  }
0x3b5: {  	v1 =	vor.u32 $0x380, v1;
	[tilespmem:v46+s15+$0x0] =	vst.idx.msk vm13, v0  }
0x3b6: {  	[tilespmem:v47+s15+$0x0] =	vst.idx.msk vm13, v0  }
0x3b7: {  	[tilespmem:v48+s15+$0x0] =	vst.idx.msk vm13, v0  }
0x3b8: {  	[tilespmem:v49+s15+$0x0] =	vst.idx.msk vm13, v0  }
0x3b9: {  	[tilespmem:v50+s15+$0x0] =	vst.idx.msk vm13, v0  }
0x3ba: {  	[tilespmem:v1+s15+$0x0] =	vst.idx.msk vm13, v0  }
0x3bb: {  	v1 =	vld [tilespmem:$0x20]  }
0x3bc: {  	v2 =	vld [tilespmem:$0x3A0];
	_ =	sdelay $0x3  }
0x3bd: {  	v51 =	vshll.u32 v1, $0x3  }
0x3be: {  	vm14 =	vne.s32 v2, $0x0;
	v1 =	vand.u32 $0x7F, v1;
	v52 =	vand.u32 $0xFFFFFC00, v51  }
0x3bf: {  	v1 =	vor.u32 v1, v52  }
0x3c0: {  	v2 =	vor.u32 $0x80, v1  }
0x3c1: {  	v53 =	vor.u32 $0x100, v1  }
0x3c2: {  	v54 =	vor.u32 $0x180, v1  }
0x3c3: {  	v55 =	vor.u32 $0x200, v1  }
0x3c4: {  	v56 =	vor.u32 $0x280, v1;
	[tilespmem:v1+s15+$0x0] =	vst.idx.msk vm14, v0  }
0x3c5: {  	v57 =	vor.u32 $0x300, v1;
	[tilespmem:v2+s15+$0x0] =	vst.idx.msk vm14, v0  }
0x3c6: {  	v1 =	vor.u32 $0x380, v1;
	[tilespmem:v53+s15+$0x0] =	vst.idx.msk vm14, v0  }
0x3c7: {  	[tilespmem:v54+s15+$0x0] =	vst.idx.msk vm14, v0  }
0x3c8: {  	[tilespmem:v55+s15+$0x0] =	vst.idx.msk vm14, v0  }
0x3c9: {  	[tilespmem:v56+s15+$0x0] =	vst.idx.msk vm14, v0  }
0x3ca: {  	[tilespmem:v57+s15+$0x0] =	vst.idx.msk vm14, v0  }
0x3cb: {  	[tilespmem:v1+s15+$0x0] =	vst.idx.msk vm14, v0  }
0x3cc: {  	v1 =	vld [tilespmem:$0x30]  }
0x3cd: {  	v2 =	vld [tilespmem:$0x3B0];
	_ =	sdelay $0x3  }
0x3ce: {  	v58 =	vshll.u32 v1, $0x3  }
0x3cf: {  	vm15 =	vne.s32 v2, $0x0;
	v1 =	vand.u32 $0x7F, v1;
	v59 =	vand.u32 $0xFFFFFC00, v58  }
0x3d0: {  	v1 =	vor.u32 v1, v59  }
0x3d1: {  	v2 =	vor.u32 $0x80, v1  }
0x3d2: {  	v60 =	vor.u32 $0x100, v1  }
0x3d3: {  	v61 =	vor.u32 $0x180, v1  }
0x3d4: {  	v62 =	vor.u32 $0x200, v1  }
0x3d5: {  	v63 =	vor.u32 $0x280, v1;
	[tilespmem:v1+s15+$0x0] =	vst.idx.msk vm15, v0  }
0x3d6: {  	v8 =	vor.u32 $0x300, v1;
	[tilespmem:v2+s15+$0x0] =	vst.idx.msk vm15, v0  }
0x3d7: {  	v1 =	vor.u32 $0x380, v1;
	[tilespmem:v60+s15+$0x0] =	vst.idx.msk vm15, v0  }
0x3d8: {  	[tilespmem:v61+s15+$0x0] =	vst.idx.msk vm15, v0  }
0x3d9: {  	[tilespmem:v62+s15+$0x0] =	vst.idx.msk vm15, v0  }
0x3da: {  	[tilespmem:v63+s15+$0x0] =	vst.idx.msk vm15, v0  }
0x3db: {  	[tilespmem:v8+s15+$0x0] =	vst.idx.msk vm15, v0  }
0x3dc: {  	[tilespmem:v1+s15+$0x0] =	vst.idx.msk vm15, v0  }
0x3dd: {  	v1 =	vld [tilespmem:$0x40]  }
0x3de: {  	v2 =	vld [tilespmem:$0x3C0];
	_ =	sdelay $0x3  }
0x3df: {  	v9 =	vshll.u32 v1, $0x3  }
0x3e0: {  	vm4 =	vne.s32 v2, $0x0;
	v1 =	vand.u32 $0x7F, v1;
	v10 =	vand.u32 $0xFFFFFC00, v9  }
0x3e1: {  	v1 =	vor.u32 v1, v10  }
0x3e2: {  	v2 =	vor.u32 $0x80, v1  }
0x3e3: {  	v11 =	vor.u32 $0x100, v1  }
0x3e4: {  	v12 =	vor.u32 $0x180, v1  }
0x3e5: {  	v13 =	vor.u32 $0x200, v1  }
0x3e6: {  	v14 =	vor.u32 $0x280, v1;
	[tilespmem:v1+s15+$0x0] =	vst.idx.msk vm4, v0  }
0x3e7: {  	v15 =	vor.u32 $0x300, v1;
	[tilespmem:v2+s15+$0x0] =	vst.idx.msk vm4, v0  }
0x3e8: {  	v1 =	vor.u32 $0x380, v1;
	[tilespmem:v11+s15+$0x0] =	vst.idx.msk vm4, v0  }
0x3e9: {  	[tilespmem:v12+s15+$0x0] =	vst.idx.msk vm4, v0  }
0x3ea: {  	[tilespmem:v13+s15+$0x0] =	vst.idx.msk vm4, v0  }
0x3eb: {  	[tilespmem:v14+s15+$0x0] =	vst.idx.msk vm4, v0  }
0x3ec: {  	[tilespmem:v15+s15+$0x0] =	vst.idx.msk vm4, v0  }
0x3ed: {  	[tilespmem:v1+s15+$0x0] =	vst.idx.msk vm4, v0  }
0x3ee: {  	v1 =	vld [tilespmem:$0x50]  }
0x3ef: {  	v2 =	vld [tilespmem:$0x3D0];
	_ =	sdelay $0x3  }
0x3f0: {  	v16 =	vshll.u32 v1, $0x3  }
0x3f1: {  	vm5 =	vne.s32 v2, $0x0;
	v1 =	vand.u32 $0x7F, v1;
	v17 =	vand.u32 $0xFFFFFC00, v16  }
0x3f2: {  	v1 =	vor.u32 v1, v17  }
0x3f3: {  	v2 =	vor.u32 $0x80, v1  }
0x3f4: {  	v18 =	vor.u32 $0x100, v1  }
0x3f5: {  	v19 =	vor.u32 $0x180, v1  }
0x3f6: {  	v20 =	vor.u32 $0x200, v1  }
0x3f7: {  	v21 =	vor.u32 $0x280, v1;
	[tilespmem:v1+s15+$0x0] =	vst.idx.msk vm5, v0  }
0x3f8: {  	v22 =	vor.u32 $0x300, v1;
	[tilespmem:v2+s15+$0x0] =	vst.idx.msk vm5, v0  }
0x3f9: {  	v1 =	vor.u32 $0x380, v1;
	[tilespmem:v18+s15+$0x0] =	vst.idx.msk vm5, v0  }
0x3fa: {  	[tilespmem:v19+s15+$0x0] =	vst.idx.msk vm5, v0  }
0x3fb: {  	[tilespmem:v20+s15+$0x0] =	vst.idx.msk vm5, v0  }
0x3fc: {  	[tilespmem:v21+s15+$0x0] =	vst.idx.msk vm5, v0  }
0x3fd: {  	[tilespmem:v22+s15+$0x0] =	vst.idx.msk vm5, v0  }
0x3fe: {  	[tilespmem:v1+s15+$0x0] =	vst.idx.msk vm5, v0  }
0x3ff: {  	v1 =	vld [tilespmem:$0x60]  }
0x400: {  	v2 =	vld [tilespmem:$0x3E0];
	_ =	sdelay $0x3  }
0x401: {  	v23 =	vshll.u32 v1, $0x3  }
0x402: {  	vm6 =	vne.s32 v2, $0x0;
	v1 =	vand.u32 $0x7F, v1;
	v24 =	vand.u32 $0xFFFFFC00, v23  }
0x403: {  	v1 =	vor.u32 v1, v24  }
0x404: {  	v2 =	vor.u32 $0x80, v1  }
0x405: {  	v25 =	vor.u32 $0x100, v1  }
0x406: {  	v26 =	vor.u32 $0x180, v1  }
0x407: {  	v27 =	vor.u32 $0x200, v1  }
0x408: {  	v28 =	vor.u32 $0x280, v1;
	[tilespmem:v1+s15+$0x0] =	vst.idx.msk vm6, v0  }
0x409: {  	v29 =	vor.u32 $0x300, v1;
	[tilespmem:v2+s15+$0x0] =	vst.idx.msk vm6, v0  }
0x40a: {  	v1 =	vor.u32 $0x380, v1;
	[tilespmem:v25+s15+$0x0] =	vst.idx.msk vm6, v0  }
0x40b: {  	[tilespmem:v26+s15+$0x0] =	vst.idx.msk vm6, v0  }
0x40c: {  	[tilespmem:v27+s15+$0x0] =	vst.idx.msk vm6, v0  }
0x40d: {  	[tilespmem:v28+s15+$0x0] =	vst.idx.msk vm6, v0  }
0x40e: {  	[tilespmem:v29+s15+$0x0] =	vst.idx.msk vm6, v0  }
0x40f: {  	[tilespmem:v1+s15+$0x0] =	vst.idx.msk vm6, v0  }
0x410: {  	v1 =	vld [tilespmem:$0x70]  }
0x411: {  	v2 =	vld [tilespmem:$0x3F0];
	_ =	sdelay $0x3  }
0x412: {  	v30 =	vshll.u32 v1, $0x3  }
0x413: {  	vm7 =	vne.s32 v2, $0x0;
	v1 =	vand.u32 $0x7F, v1;
	v31 =	vand.u32 $0xFFFFFC00, v30  }
0x414: {  	v1 =	vor.u32 v1, v31  }
0x415: {  	v2 =	vor.u32 $0x80, v1  }
0x416: {  	v32 =	vor.u32 $0x100, v1  }
0x417: {  	v33 =	vor.u32 $0x180, v1  }
0x418: {  	v34 =	vor.u32 $0x200, v1  }
0x419: {  	v35 =	vor.u32 $0x280, v1;
	[tilespmem:v1+s15+$0x0] =	vst.idx.msk vm7, v0  }
0x41a: {  	v36 =	vor.u32 $0x300, v1;
	[tilespmem:v2+s15+$0x0] =	vst.idx.msk vm7, v0  }
0x41b: {  	v1 =	vor.u32 $0x380, v1;
	[tilespmem:v32+s15+$0x0] =	vst.idx.msk vm7, v0  }
0x41c: {  	[tilespmem:v33+s15+$0x0] =	vst.idx.msk vm7, v0  }
0x41d: {  	[tilespmem:v34+s15+$0x0] =	vst.idx.msk vm7, v0  }
0x41e: {  	[tilespmem:v35+s15+$0x0] =	vst.idx.msk vm7, v0  }
0x41f: {  	[tilespmem:v36+s15+$0x0] =	vst.idx.msk vm7, v0  }
0x420: {  	[tilespmem:v1+s15+$0x0] =	vst.idx.msk vm7, v0  }
0x421: {  	v1 =	vld [tilespmem:$0x80]  }
0x422: {  	v2 =	vld [tilespmem:$0x400];
	_ =	sdelay $0x3  }
0x423: {  	v37 =	vshll.u32 v1, $0x3  }
0x424: {  	vm8 =	vne.s32 v2, $0x0;
	v1 =	vand.u32 $0x7F, v1;
	v38 =	vand.u32 $0xFFFFFC00, v37  }
0x425: {  	v1 =	vor.u32 v1, v38  }
0x426: {  	v2 =	vor.u32 $0x80, v1  }
0x427: {  	v39 =	vor.u32 $0x100, v1  }
0x428: {  	v40 =	vor.u32 $0x180, v1  }
0x429: {  	v41 =	vor.u32 $0x200, v1  }
0x42a: {  	v42 =	vor.u32 $0x280, v1;
	[tilespmem:v1+s15+$0x0] =	vst.idx.msk vm8, v0  }
0x42b: {  	v43 =	vor.u32 $0x300, v1;
	[tilespmem:v2+s15+$0x0] =	vst.idx.msk vm8, v0  }
0x42c: {  	v1 =	vor.u32 $0x380, v1;
	[tilespmem:v39+s15+$0x0] =	vst.idx.msk vm8, v0  }
0x42d: {  	[tilespmem:v40+s15+$0x0] =	vst.idx.msk vm8, v0  }
0x42e: {  	[tilespmem:v41+s15+$0x0] =	vst.idx.msk vm8, v0  }
0x42f: {  	[tilespmem:v42+s15+$0x0] =	vst.idx.msk vm8, v0  }
0x430: {  	[tilespmem:v43+s15+$0x0] =	vst.idx.msk vm8, v0  }
0x431: {  	[tilespmem:v1+s15+$0x0] =	vst.idx.msk vm8, v0  }
0x432: {  	v1 =	vld [tilespmem:$0x90]  }
0x433: {  	v2 =	vld [tilespmem:$0x410];
	_ =	sdelay $0x3  }
0x434: {  	v44 =	vshll.u32 v1, $0x3  }
0x435: {  	vm9 =	vne.s32 v2, $0x0;
	v1 =	vand.u32 $0x7F, v1;
	v45 =	vand.u32 $0xFFFFFC00, v44  }
0x436: {  	v1 =	vor.u32 v1, v45  }
0x437: {  	v2 =	vor.u32 $0x80, v1  }
0x438: {  	v46 =	vor.u32 $0x100, v1  }
0x439: {  	v47 =	vor.u32 $0x180, v1  }
0x43a: {  	v48 =	vor.u32 $0x200, v1  }
0x43b: {  	v49 =	vor.u32 $0x280, v1;
	[tilespmem:v1+s15+$0x0] =	vst.idx.msk vm9, v0  }
0x43c: {  	v50 =	vor.u32 $0x300, v1;
	[tilespmem:v2+s15+$0x0] =	vst.idx.msk vm9, v0  }
0x43d: {  	v1 =	vor.u32 $0x380, v1;
	[tilespmem:v46+s15+$0x0] =	vst.idx.msk vm9, v0  }
0x43e: {  	[tilespmem:v47+s15+$0x0] =	vst.idx.msk vm9, v0  }
0x43f: {  	[tilespmem:v48+s15+$0x0] =	vst.idx.msk vm9, v0  }
0x440: {  	[tilespmem:v49+s15+$0x0] =	vst.idx.msk vm9, v0  }
0x441: {  	[tilespmem:v50+s15+$0x0] =	vst.idx.msk vm9, v0  }
0x442: {  	[tilespmem:v1+s15+$0x0] =	vst.idx.msk vm9, v0  }
0x443: {  	v1 =	vld [tilespmem:$0xA0]  }
0x444: {  	v2 =	vld [tilespmem:$0x420];
	_ =	sdelay $0x3  }
0x445: {  	v51 =	vshll.u32 v1, $0x3  }
0x446: {  	vm10 =	vne.s32 v2, $0x0;
	v1 =	vand.u32 $0x7F, v1;
	v52 =	vand.u32 $0xFFFFFC00, v51  }
0x447: {  	v1 =	vor.u32 v1, v52  }
0x448: {  	v2 =	vor.u32 $0x80, v1  }
0x449: {  	v53 =	vor.u32 $0x100, v1  }
0x44a: {  	v54 =	vor.u32 $0x180, v1  }
0x44b: {  	v55 =	vor.u32 $0x200, v1  }
0x44c: {  	v56 =	vor.u32 $0x280, v1;
	[tilespmem:v1+s15+$0x0] =	vst.idx.msk vm10, v0  }
0x44d: {  	v57 =	vor.u32 $0x300, v1;
	[tilespmem:v2+s15+$0x0] =	vst.idx.msk vm10, v0  }
0x44e: {  	v1 =	vor.u32 $0x380, v1;
	[tilespmem:v53+s15+$0x0] =	vst.idx.msk vm10, v0  }
0x44f: {  	[tilespmem:v54+s15+$0x0] =	vst.idx.msk vm10, v0  }
0x450: {  	[tilespmem:v55+s15+$0x0] =	vst.idx.msk vm10, v0  }
0x451: {  	[tilespmem:v56+s15+$0x0] =	vst.idx.msk vm10, v0  }
0x452: {  	[tilespmem:v57+s15+$0x0] =	vst.idx.msk vm10, v0  }
0x453: {  	[tilespmem:v1+s15+$0x0] =	vst.idx.msk vm10, v0  }
0x454: {  	v1 =	vld [tilespmem:$0xB0]  }
0x455: {  	v2 =	vld [tilespmem:$0x430];
	_ =	sdelay $0x3  }
0x456: {  	v58 =	vshll.u32 v1, $0x3  }
0x457: {  	vm11 =	vne.s32 v2, $0x0;
	v1 =	vand.u32 $0x7F, v1;
	v59 =	vand.u32 $0xFFFFFC00, v58  }
0x458: {  	v1 =	vor.u32 v1, v59  }
0x459: {  	v2 =	vor.u32 $0x80, v1  }
0x45a: {  	v60 =	vor.u32 $0x100, v1  }
0x45b: {  	v61 =	vor.u32 $0x180, v1  }
0x45c: {  	v62 =	vor.u32 $0x200, v1  }
0x45d: {  	v63 =	vor.u32 $0x280, v1;
	[tilespmem:v1+s15+$0x0] =	vst.idx.msk vm11, v0  }
0x45e: {  	v8 =	vor.u32 $0x300, v1;
	[tilespmem:v2+s15+$0x0] =	vst.idx.msk vm11, v0  }
0x45f: {  	v1 =	vor.u32 $0x380, v1;
	[tilespmem:v60+s15+$0x0] =	vst.idx.msk vm11, v0  }
0x460: {  	[tilespmem:v61+s15+$0x0] =	vst.idx.msk vm11, v0  }
0x461: {  	[tilespmem:v62+s15+$0x0] =	vst.idx.msk vm11, v0  }
0x462: {  	[tilespmem:v63+s15+$0x0] =	vst.idx.msk vm11, v0  }
0x463: {  	[tilespmem:v8+s15+$0x0] =	vst.idx.msk vm11, v0  }
0x464: {  	[tilespmem:v1+s15+$0x0] =	vst.idx.msk vm11, v0  }
0x465: {  	v1 =	vld [tilespmem:$0xC0]  }
0x466: {  	v2 =	vld [tilespmem:$0x440];
	_ =	sdelay $0x3  }
0x467: {  	v9 =	vshll.u32 v1, $0x3  }
0x468: {  	vm12 =	vne.s32 v2, $0x0;
	v1 =	vand.u32 $0x7F, v1;
	v10 =	vand.u32 $0xFFFFFC00, v9  }
0x469: {  	v1 =	vor.u32 v1, v10  }
0x46a: {  	v2 =	vor.u32 $0x80, v1  }
0x46b: {  	v11 =	vor.u32 $0x100, v1  }
0x46c: {  	v12 =	vor.u32 $0x180, v1  }
0x46d: {  	v13 =	vor.u32 $0x200, v1  }
0x46e: {  	v14 =	vor.u32 $0x280, v1;
	[tilespmem:v1+s15+$0x0] =	vst.idx.msk vm12, v0  }
0x46f: {  	v15 =	vor.u32 $0x300, v1;
	[tilespmem:v2+s15+$0x0] =	vst.idx.msk vm12, v0  }
0x470: {  	v1 =	vor.u32 $0x380, v1;
	[tilespmem:v11+s15+$0x0] =	vst.idx.msk vm12, v0  }
0x471: {  	[tilespmem:v12+s15+$0x0] =	vst.idx.msk vm12, v0  }
0x472: {  	[tilespmem:v13+s15+$0x0] =	vst.idx.msk vm12, v0  }
0x473: {  	[tilespmem:v14+s15+$0x0] =	vst.idx.msk vm12, v0  }
0x474: {  	[tilespmem:v15+s15+$0x0] =	vst.idx.msk vm12, v0  }
0x475: {  	[tilespmem:v1+s15+$0x0] =	vst.idx.msk vm12, v0  }
0x476: {  	v1 =	vld [tilespmem:$0xD0]  }
0x477: {  	v2 =	vld [tilespmem:$0x450];
	_ =	sdelay $0x3  }
0x478: {  	v16 =	vshll.u32 v1, $0x3  }
0x479: {  	vm13 =	vne.s32 v2, $0x0;
	v1 =	vand.u32 $0x7F, v1;
	v17 =	vand.u32 $0xFFFFFC00, v16  }
0x47a: {  	v1 =	vor.u32 v1, v17  }
0x47b: {  	v2 =	vor.u32 $0x80, v1  }
0x47c: {  	v18 =	vor.u32 $0x100, v1  }
0x47d: {  	v19 =	vor.u32 $0x180, v1  }
0x47e: {  	v20 =	vor.u32 $0x200, v1  }
0x47f: {  	v21 =	vor.u32 $0x280, v1;
	[tilespmem:v1+s15+$0x0] =	vst.idx.msk vm13, v0  }
0x480: {  	v22 =	vor.u32 $0x300, v1;
	[tilespmem:v2+s15+$0x0] =	vst.idx.msk vm13, v0  }
0x481: {  	v1 =	vor.u32 $0x380, v1;
	[tilespmem:v18+s15+$0x0] =	vst.idx.msk vm13, v0  }
0x482: {  	[tilespmem:v19+s15+$0x0] =	vst.idx.msk vm13, v0  }
0x483: {  	[tilespmem:v20+s15+$0x0] =	vst.idx.msk vm13, v0  }
0x484: {  	[tilespmem:v21+s15+$0x0] =	vst.idx.msk vm13, v0  }
0x485: {  	[tilespmem:v22+s15+$0x0] =	vst.idx.msk vm13, v0  }
0x486: {  	[tilespmem:v1+s15+$0x0] =	vst.idx.msk vm13, v0  }
0x487: {  	v1 =	vld [tilespmem:$0xE0]  }
0x488: {  	v2 =	vld [tilespmem:$0x460];
	_ =	sdelay $0x3  }
0x489: {  	v23 =	vshll.u32 v1, $0x3  }
0x48a: {  	vm14 =	vne.s32 v2, $0x0;
	v1 =	vand.u32 $0x7F, v1;
	v24 =	vand.u32 $0xFFFFFC00, v23  }
0x48b: {  	v1 =	vor.u32 v1, v24  }
0x48c: {  	v2 =	vor.u32 $0x80, v1  }
0x48d: {  	v25 =	vor.u32 $0x100, v1  }
0x48e: {  	v26 =	vor.u32 $0x180, v1  }
0x48f: {  	v27 =	vor.u32 $0x200, v1  }
0x490: {  	v28 =	vor.u32 $0x280, v1;
	[tilespmem:v1+s15+$0x0] =	vst.idx.msk vm14, v0  }
0x491: {  	v29 =	vor.u32 $0x300, v1;
	[tilespmem:v2+s15+$0x0] =	vst.idx.msk vm14, v0  }
0x492: {  	v1 =	vor.u32 $0x380, v1;
	[tilespmem:v25+s15+$0x0] =	vst.idx.msk vm14, v0  }
0x493: {  	[tilespmem:v26+s15+$0x0] =	vst.idx.msk vm14, v0  }
0x494: {  	[tilespmem:v27+s15+$0x0] =	vst.idx.msk vm14, v0  }
0x495: {  	[tilespmem:v28+s15+$0x0] =	vst.idx.msk vm14, v0  }
0x496: {  	[tilespmem:v29+s15+$0x0] =	vst.idx.msk vm14, v0  }
0x497: {  	[tilespmem:v1+s15+$0x0] =	vst.idx.msk vm14, v0  }
0x498: {  	v1 =	vld [tilespmem:$0xF0]  }
0x499: {  	v2 =	vld [tilespmem:$0x470];
	_ =	sdelay $0x3  }
0x49a: {  	v30 =	vshll.u32 v1, $0x3  }
0x49b: {  	vm15 =	vne.s32 v2, $0x0;
	v1 =	vand.u32 $0x7F, v1;
	v31 =	vand.u32 $0xFFFFFC00, v30  }
0x49c: {  	v1 =	vor.u32 v1, v31  }
0x49d: {  	v2 =	vor.u32 $0x80, v1  }
0x49e: {  	v32 =	vor.u32 $0x100, v1  }
0x49f: {  	v33 =	vor.u32 $0x180, v1  }
0x4a0: {  	v34 =	vor.u32 $0x200, v1  }
0x4a1: {  	v35 =	vor.u32 $0x280, v1;
	[tilespmem:v1+s15+$0x0] =	vst.idx.msk vm15, v0  }
0x4a2: {  	v36 =	vor.u32 $0x300, v1;
	[tilespmem:v2+s15+$0x0] =	vst.idx.msk vm15, v0  }
0x4a3: {  	v1 =	vor.u32 $0x380, v1;
	[tilespmem:v32+s15+$0x0] =	vst.idx.msk vm15, v0  }
0x4a4: {  	[tilespmem:v33+s15+$0x0] =	vst.idx.msk vm15, v0  }
0x4a5: {  	[tilespmem:v34+s15+$0x0] =	vst.idx.msk vm15, v0  }
0x4a6: {  	[tilespmem:v35+s15+$0x0] =	vst.idx.msk vm15, v0  }
0x4a7: {  	[tilespmem:v36+s15+$0x0] =	vst.idx.msk vm15, v0  }
0x4a8: {  	[tilespmem:v1+s15+$0x0] =	vst.idx.msk vm15, v0  }
0x4a9: {  	v1 =	vld [tilespmem:$0x100]  }
0x4aa: {  	v2 =	vld [tilespmem:$0x480];
	_ =	sdelay $0x3  }
0x4ab: {  	v37 =	vshll.u32 v1, $0x3  }
0x4ac: {  	vm4 =	vne.s32 v2, $0x0;
	v1 =	vand.u32 $0x7F, v1;
	v38 =	vand.u32 $0xFFFFFC00, v37  }
0x4ad: {  	v1 =	vor.u32 v1, v38  }
0x4ae: {  	v2 =	vor.u32 $0x80, v1  }
0x4af: {  	v39 =	vor.u32 $0x100, v1  }
0x4b0: {  	v40 =	vor.u32 $0x180, v1  }
0x4b1: {  	v41 =	vor.u32 $0x200, v1  }
0x4b2: {  	v42 =	vor.u32 $0x280, v1;
	[tilespmem:v1+s15+$0x0] =	vst.idx.msk vm4, v0  }
0x4b3: {  	v43 =	vor.u32 $0x300, v1;
	[tilespmem:v2+s15+$0x0] =	vst.idx.msk vm4, v0  }
0x4b4: {  	v1 =	vor.u32 $0x380, v1;
	[tilespmem:v39+s15+$0x0] =	vst.idx.msk vm4, v0  }
0x4b5: {  	[tilespmem:v40+s15+$0x0] =	vst.idx.msk vm4, v0  }
0x4b6: {  	[tilespmem:v41+s15+$0x0] =	vst.idx.msk vm4, v0  }
0x4b7: {  	[tilespmem:v42+s15+$0x0] =	vst.idx.msk vm4, v0  }
0x4b8: {  	[tilespmem:v43+s15+$0x0] =	vst.idx.msk vm4, v0  }
0x4b9: {  	[tilespmem:v1+s15+$0x0] =	vst.idx.msk vm4, v0  }
0x4ba: {  	v1 =	vld [tilespmem:$0x110]  }
0x4bb: {  	v2 =	vld [tilespmem:$0x490];
	_ =	sdelay $0x3  }
0x4bc: {  	v44 =	vshll.u32 v1, $0x3  }
0x4bd: {  	vm5 =	vne.s32 v2, $0x0;
	v1 =	vand.u32 $0x7F, v1;
	v45 =	vand.u32 $0xFFFFFC00, v44  }
0x4be: {  	v1 =	vor.u32 v1, v45  }
0x4bf: {  	v2 =	vor.u32 $0x80, v1  }
0x4c0: {  	v46 =	vor.u32 $0x100, v1  }
0x4c1: {  	v47 =	vor.u32 $0x180, v1  }
0x4c2: {  	v48 =	vor.u32 $0x200, v1  }
0x4c3: {  	v49 =	vor.u32 $0x280, v1;
	[tilespmem:v1+s15+$0x0] =	vst.idx.msk vm5, v0  }
0x4c4: {  	v50 =	vor.u32 $0x300, v1;
	[tilespmem:v2+s15+$0x0] =	vst.idx.msk vm5, v0  }
0x4c5: {  	v1 =	vor.u32 $0x380, v1;
	[tilespmem:v46+s15+$0x0] =	vst.idx.msk vm5, v0  }
0x4c6: {  	[tilespmem:v47+s15+$0x0] =	vst.idx.msk vm5, v0  }
0x4c7: {  	[tilespmem:v48+s15+$0x0] =	vst.idx.msk vm5, v0  }
0x4c8: {  	[tilespmem:v49+s15+$0x0] =	vst.idx.msk vm5, v0  }
0x4c9: {  	[tilespmem:v50+s15+$0x0] =	vst.idx.msk vm5, v0  }
0x4ca: {  	[tilespmem:v1+s15+$0x0] =	vst.idx.msk vm5, v0  }
0x4cb: {  	v1 =	vld [tilespmem:$0x120]  }
0x4cc: {  	v2 =	vld [tilespmem:$0x4A0];
	_ =	sdelay $0x3  }
0x4cd: {  	v51 =	vshll.u32 v1, $0x3  }
0x4ce: {  	vm6 =	vne.s32 v2, $0x0;
	v1 =	vand.u32 $0x7F, v1;
	v52 =	vand.u32 $0xFFFFFC00, v51  }
0x4cf: {  	v1 =	vor.u32 v1, v52  }
0x4d0: {  	v2 =	vor.u32 $0x80, v1  }
0x4d1: {  	v53 =	vor.u32 $0x100, v1  }
0x4d2: {  	v54 =	vor.u32 $0x180, v1  }
0x4d3: {  	v55 =	vor.u32 $0x200, v1  }
0x4d4: {  	v56 =	vor.u32 $0x280, v1;
	[tilespmem:v1+s15+$0x0] =	vst.idx.msk vm6, v0  }
0x4d5: {  	v57 =	vor.u32 $0x300, v1;
	[tilespmem:v2+s15+$0x0] =	vst.idx.msk vm6, v0  }
0x4d6: {  	v1 =	vor.u32 $0x380, v1;
	[tilespmem:v53+s15+$0x0] =	vst.idx.msk vm6, v0  }
0x4d7: {  	[tilespmem:v54+s15+$0x0] =	vst.idx.msk vm6, v0  }
0x4d8: {  	[tilespmem:v55+s15+$0x0] =	vst.idx.msk vm6, v0  }
0x4d9: {  	[tilespmem:v56+s15+$0x0] =	vst.idx.msk vm6, v0  }
0x4da: {  	[tilespmem:v57+s15+$0x0] =	vst.idx.msk vm6, v0  }
0x4db: {  	[tilespmem:v1+s15+$0x0] =	vst.idx.msk vm6, v0  }
0x4dc: {  	v1 =	vld [tilespmem:$0x130]  }
0x4dd: {  	v2 =	vld [tilespmem:$0x4B0];
	_ =	sdelay $0x3  }
0x4de: {  	v58 =	vshll.u32 v1, $0x3  }
0x4df: {  	vm7 =	vne.s32 v2, $0x0;
	v1 =	vand.u32 $0x7F, v1;
	v59 =	vand.u32 $0xFFFFFC00, v58  }
0x4e0: {  	v1 =	vor.u32 v1, v59  }
0x4e1: {  	v2 =	vor.u32 $0x80, v1  }
0x4e2: {  	v60 =	vor.u32 $0x100, v1  }
0x4e3: {  	v61 =	vor.u32 $0x180, v1  }
0x4e4: {  	v62 =	vor.u32 $0x200, v1  }
0x4e5: {  	v63 =	vor.u32 $0x280, v1;
	[tilespmem:v1+s15+$0x0] =	vst.idx.msk vm7, v0  }
0x4e6: {  	v8 =	vor.u32 $0x300, v1;
	[tilespmem:v2+s15+$0x0] =	vst.idx.msk vm7, v0  }
0x4e7: {  	v1 =	vor.u32 $0x380, v1;
	[tilespmem:v60+s15+$0x0] =	vst.idx.msk vm7, v0  }
0x4e8: {  	[tilespmem:v61+s15+$0x0] =	vst.idx.msk vm7, v0  }
0x4e9: {  	[tilespmem:v62+s15+$0x0] =	vst.idx.msk vm7, v0  }
0x4ea: {  	[tilespmem:v63+s15+$0x0] =	vst.idx.msk vm7, v0  }
0x4eb: {  	[tilespmem:v8+s15+$0x0] =	vst.idx.msk vm7, v0  }
0x4ec: {  	[tilespmem:v1+s15+$0x0] =	vst.idx.msk vm7, v0  }
0x4ed: {  	v1 =	vld [tilespmem:$0x140]  }
0x4ee: {  	v2 =	vld [tilespmem:$0x4C0];
	_ =	sdelay $0x3  }
0x4ef: {  	v9 =	vshll.u32 v1, $0x3  }
0x4f0: {  	vm8 =	vne.s32 v2, $0x0;
	v1 =	vand.u32 $0x7F, v1;
	v10 =	vand.u32 $0xFFFFFC00, v9  }
0x4f1: {  	v1 =	vor.u32 v1, v10  }
0x4f2: {  	v2 =	vor.u32 $0x80, v1  }
0x4f3: {  	v11 =	vor.u32 $0x100, v1  }
0x4f4: {  	v12 =	vor.u32 $0x180, v1  }
0x4f5: {  	v13 =	vor.u32 $0x200, v1  }
0x4f6: {  	v14 =	vor.u32 $0x280, v1;
	[tilespmem:v1+s15+$0x0] =	vst.idx.msk vm8, v0  }
0x4f7: {  	v15 =	vor.u32 $0x300, v1;
	[tilespmem:v2+s15+$0x0] =	vst.idx.msk vm8, v0  }
0x4f8: {  	v1 =	vor.u32 $0x380, v1;
	[tilespmem:v11+s15+$0x0] =	vst.idx.msk vm8, v0  }
0x4f9: {  	[tilespmem:v12+s15+$0x0] =	vst.idx.msk vm8, v0  }
0x4fa: {  	[tilespmem:v13+s15+$0x0] =	vst.idx.msk vm8, v0  }
0x4fb: {  	[tilespmem:v14+s15+$0x0] =	vst.idx.msk vm8, v0  }
0x4fc: {  	[tilespmem:v15+s15+$0x0] =	vst.idx.msk vm8, v0  }
0x4fd: {  	[tilespmem:v1+s15+$0x0] =	vst.idx.msk vm8, v0  }
0x4fe: {  	v1 =	vld [tilespmem:$0x150]  }
0x4ff: {  	v2 =	vld [tilespmem:$0x4D0];
	_ =	sdelay $0x3  }
0x500: {  	v16 =	vshll.u32 v1, $0x3  }
0x501: {  	vm9 =	vne.s32 v2, $0x0;
	v1 =	vand.u32 $0x7F, v1;
	v17 =	vand.u32 $0xFFFFFC00, v16  }
0x502: {  	v1 =	vor.u32 v1, v17  }
0x503: {  	v2 =	vor.u32 $0x80, v1  }
0x504: {  	v18 =	vor.u32 $0x100, v1  }
0x505: {  	v19 =	vor.u32 $0x180, v1  }
0x506: {  	v20 =	vor.u32 $0x200, v1  }
0x507: {  	v21 =	vor.u32 $0x280, v1;
	[tilespmem:v1+s15+$0x0] =	vst.idx.msk vm9, v0  }
0x508: {  	v22 =	vor.u32 $0x300, v1;
	[tilespmem:v2+s15+$0x0] =	vst.idx.msk vm9, v0  }
0x509: {  	v1 =	vor.u32 $0x380, v1;
	[tilespmem:v18+s15+$0x0] =	vst.idx.msk vm9, v0  }
0x50a: {  	[tilespmem:v19+s15+$0x0] =	vst.idx.msk vm9, v0  }
0x50b: {  	[tilespmem:v20+s15+$0x0] =	vst.idx.msk vm9, v0  }
0x50c: {  	[tilespmem:v21+s15+$0x0] =	vst.idx.msk vm9, v0  }
0x50d: {  	[tilespmem:v22+s15+$0x0] =	vst.idx.msk vm9, v0  }
0x50e: {  	[tilespmem:v1+s15+$0x0] =	vst.idx.msk vm9, v0  }
0x50f: {  	v1 =	vld [tilespmem:$0x160]  }
0x510: {  	v2 =	vld [tilespmem:$0x4E0];
	_ =	sdelay $0x3  }
0x511: {  	v23 =	vshll.u32 v1, $0x3  }
0x512: {  	vm10 =	vne.s32 v2, $0x0;
	v1 =	vand.u32 $0x7F, v1;
	v24 =	vand.u32 $0xFFFFFC00, v23  }
0x513: {  	v1 =	vor.u32 v1, v24  }
0x514: {  	v2 =	vor.u32 $0x80, v1  }
0x515: {  	v25 =	vor.u32 $0x100, v1  }
0x516: {  	v26 =	vor.u32 $0x180, v1  }
0x517: {  	v27 =	vor.u32 $0x200, v1  }
0x518: {  	v28 =	vor.u32 $0x280, v1;
	[tilespmem:v1+s15+$0x0] =	vst.idx.msk vm10, v0  }
0x519: {  	v29 =	vor.u32 $0x300, v1;
	[tilespmem:v2+s15+$0x0] =	vst.idx.msk vm10, v0  }
0x51a: {  	v1 =	vor.u32 $0x380, v1;
	[tilespmem:v25+s15+$0x0] =	vst.idx.msk vm10, v0  }
0x51b: {  	[tilespmem:v26+s15+$0x0] =	vst.idx.msk vm10, v0  }
0x51c: {  	[tilespmem:v27+s15+$0x0] =	vst.idx.msk vm10, v0  }
0x51d: {  	[tilespmem:v28+s15+$0x0] =	vst.idx.msk vm10, v0  }
0x51e: {  	[tilespmem:v29+s15+$0x0] =	vst.idx.msk vm10, v0  }
0x51f: {  	[tilespmem:v1+s15+$0x0] =	vst.idx.msk vm10, v0  }
0x520: {  	v1 =	vld [tilespmem:$0x170]  }
0x521: {  	v2 =	vld [tilespmem:$0x4F0];
	_ =	sdelay $0x3  }
0x522: {  	v30 =	vshll.u32 v1, $0x3  }
0x523: {  	vm11 =	vne.s32 v2, $0x0;
	v1 =	vand.u32 $0x7F, v1;
	v31 =	vand.u32 $0xFFFFFC00, v30  }
0x524: {  	v1 =	vor.u32 v1, v31  }
0x525: {  	v2 =	vor.u32 $0x80, v1  }
0x526: {  	v32 =	vor.u32 $0x100, v1  }
0x527: {  	v33 =	vor.u32 $0x180, v1  }
0x528: {  	v34 =	vor.u32 $0x200, v1  }
0x529: {  	v35 =	vor.u32 $0x280, v1;
	[tilespmem:v1+s15+$0x0] =	vst.idx.msk vm11, v0  }
0x52a: {  	v36 =	vor.u32 $0x300, v1;
	[tilespmem:v2+s15+$0x0] =	vst.idx.msk vm11, v0  }
0x52b: {  	v1 =	vor.u32 $0x380, v1;
	[tilespmem:v32+s15+$0x0] =	vst.idx.msk vm11, v0  }
0x52c: {  	[tilespmem:v33+s15+$0x0] =	vst.idx.msk vm11, v0  }
0x52d: {  	[tilespmem:v34+s15+$0x0] =	vst.idx.msk vm11, v0  }
0x52e: {  	[tilespmem:v35+s15+$0x0] =	vst.idx.msk vm11, v0  }
0x52f: {  	[tilespmem:v36+s15+$0x0] =	vst.idx.msk vm11, v0  }
0x530: {  	[tilespmem:v1+s15+$0x0] =	vst.idx.msk vm11, v0  }
0x531: {  	v1 =	vld [tilespmem:$0x180]  }
0x532: {  	v2 =	vld [tilespmem:$0x500];
	_ =	sdelay $0x3  }
0x533: {  	v37 =	vshll.u32 v1, $0x3  }
0x534: {  	vm12 =	vne.s32 v2, $0x0;
	v1 =	vand.u32 $0x7F, v1;
	v38 =	vand.u32 $0xFFFFFC00, v37  }
0x535: {  	v1 =	vor.u32 v1, v38  }
0x536: {  	v2 =	vor.u32 $0x80, v1  }
0x537: {  	v39 =	vor.u32 $0x100, v1  }
0x538: {  	v40 =	vor.u32 $0x180, v1  }
0x539: {  	v41 =	vor.u32 $0x200, v1  }
0x53a: {  	v42 =	vor.u32 $0x280, v1;
	[tilespmem:v1+s15+$0x0] =	vst.idx.msk vm12, v0  }
0x53b: {  	v43 =	vor.u32 $0x300, v1;
	[tilespmem:v2+s15+$0x0] =	vst.idx.msk vm12, v0  }
0x53c: {  	v1 =	vor.u32 $0x380, v1;
	[tilespmem:v39+s15+$0x0] =	vst.idx.msk vm12, v0  }
0x53d: {  	[tilespmem:v40+s15+$0x0] =	vst.idx.msk vm12, v0  }
0x53e: {  	[tilespmem:v41+s15+$0x0] =	vst.idx.msk vm12, v0  }
0x53f: {  	[tilespmem:v42+s15+$0x0] =	vst.idx.msk vm12, v0  }
0x540: {  	[tilespmem:v43+s15+$0x0] =	vst.idx.msk vm12, v0  }
0x541: {  	[tilespmem:v1+s15+$0x0] =	vst.idx.msk vm12, v0  }
0x542: {  	v1 =	vld [tilespmem:$0x190]  }
0x543: {  	v2 =	vld [tilespmem:$0x510];
	_ =	sdelay $0x3  }
0x544: {  	v44 =	vshll.u32 v1, $0x3  }
0x545: {  	vm13 =	vne.s32 v2, $0x0;
	v1 =	vand.u32 $0x7F, v1;
	v45 =	vand.u32 $0xFFFFFC00, v44  }
0x546: {  	v1 =	vor.u32 v1, v45  }
0x547: {  	v2 =	vor.u32 $0x80, v1  }
0x548: {  	v46 =	vor.u32 $0x100, v1  }
0x549: {  	v47 =	vor.u32 $0x180, v1  }
0x54a: {  	v48 =	vor.u32 $0x200, v1  }
0x54b: {  	v49 =	vor.u32 $0x280, v1;
	[tilespmem:v1+s15+$0x0] =	vst.idx.msk vm13, v0  }
0x54c: {  	v50 =	vor.u32 $0x300, v1;
	[tilespmem:v2+s15+$0x0] =	vst.idx.msk vm13, v0  }
0x54d: {  	v1 =	vor.u32 $0x380, v1;
	[tilespmem:v46+s15+$0x0] =	vst.idx.msk vm13, v0  }
0x54e: {  	[tilespmem:v47+s15+$0x0] =	vst.idx.msk vm13, v0  }
0x54f: {  	[tilespmem:v48+s15+$0x0] =	vst.idx.msk vm13, v0  }
0x550: {  	[tilespmem:v49+s15+$0x0] =	vst.idx.msk vm13, v0  }
0x551: {  	[tilespmem:v50+s15+$0x0] =	vst.idx.msk vm13, v0  }
0x552: {  	[tilespmem:v1+s15+$0x0] =	vst.idx.msk vm13, v0  }
0x553: {  	v1 =	vld [tilespmem:$0x1A0]  }
0x554: {  	v2 =	vld [tilespmem:$0x520];
	_ =	sdelay $0x3  }
0x555: {  	v51 =	vshll.u32 v1, $0x3  }
0x556: {  	vm14 =	vne.s32 v2, $0x0;
	v1 =	vand.u32 $0x7F, v1;
	v52 =	vand.u32 $0xFFFFFC00, v51  }
0x557: {  	v1 =	vor.u32 v1, v52  }
0x558: {  	v2 =	vor.u32 $0x80, v1  }
0x559: {  	v53 =	vor.u32 $0x100, v1  }
0x55a: {  	v54 =	vor.u32 $0x180, v1  }
0x55b: {  	v55 =	vor.u32 $0x200, v1  }
0x55c: {  	v56 =	vor.u32 $0x280, v1;
	[tilespmem:v1+s15+$0x0] =	vst.idx.msk vm14, v0  }
0x55d: {  	v57 =	vor.u32 $0x300, v1;
	[tilespmem:v2+s15+$0x0] =	vst.idx.msk vm14, v0  }
0x55e: {  	v1 =	vor.u32 $0x380, v1;
	[tilespmem:v53+s15+$0x0] =	vst.idx.msk vm14, v0  }
0x55f: {  	[tilespmem:v54+s15+$0x0] =	vst.idx.msk vm14, v0  }
0x560: {  	[tilespmem:v55+s15+$0x0] =	vst.idx.msk vm14, v0  }
0x561: {  	[tilespmem:v56+s15+$0x0] =	vst.idx.msk vm14, v0  }
0x562: {  	[tilespmem:v57+s15+$0x0] =	vst.idx.msk vm14, v0  }
0x563: {  	[tilespmem:v1+s15+$0x0] =	vst.idx.msk vm14, v0  }
0x564: {  	v1 =	vld [tilespmem:$0x1B0]  }
0x565: {  	v2 =	vld [tilespmem:$0x530];
	_ =	sdelay $0x3  }
0x566: {  	v58 =	vshll.u32 v1, $0x3  }
0x567: {  	vm15 =	vne.s32 v2, $0x0;
	v1 =	vand.u32 $0x7F, v1;
	v59 =	vand.u32 $0xFFFFFC00, v58  }
0x568: {  	v1 =	vor.u32 v1, v59  }
0x569: {  	v2 =	vor.u32 $0x80, v1  }
0x56a: {  	v60 =	vor.u32 $0x100, v1  }
0x56b: {  	v61 =	vor.u32 $0x180, v1  }
0x56c: {  	v62 =	vor.u32 $0x200, v1  }
0x56d: {  	v63 =	vor.u32 $0x280, v1;
	[tilespmem:v1+s15+$0x0] =	vst.idx.msk vm15, v0  }
0x56e: {  	v8 =	vor.u32 $0x300, v1;
	[tilespmem:v2+s15+$0x0] =	vst.idx.msk vm15, v0  }
0x56f: {  	v1 =	vor.u32 $0x380, v1;
	[tilespmem:v60+s15+$0x0] =	vst.idx.msk vm15, v0  }
0x570: {  	[tilespmem:v61+s15+$0x0] =	vst.idx.msk vm15, v0  }
0x571: {  	[tilespmem:v62+s15+$0x0] =	vst.idx.msk vm15, v0  }
0x572: {  	[tilespmem:v63+s15+$0x0] =	vst.idx.msk vm15, v0  }
0x573: {  	[tilespmem:v8+s15+$0x0] =	vst.idx.msk vm15, v0  }
0x574: {  	[tilespmem:v1+s15+$0x0] =	vst.idx.msk vm15, v0  }
0x575: {  	v1 =	vld [tilespmem:$0x1C0]  }
0x576: {  	v2 =	vld [tilespmem:$0x540];
	_ =	sdelay $0x3  }
0x577: {  	v9 =	vshll.u32 v1, $0x3  }
0x578: {  	vm4 =	vne.s32 v2, $0x0;
	v1 =	vand.u32 $0x7F, v1;
	v10 =	vand.u32 $0xFFFFFC00, v9  }
0x579: {  	v1 =	vor.u32 v1, v10  }
0x57a: {  	v2 =	vor.u32 $0x80, v1  }
0x57b: {  	v11 =	vor.u32 $0x100, v1  }
0x57c: {  	v12 =	vor.u32 $0x180, v1  }
0x57d: {  	v13 =	vor.u32 $0x200, v1  }
0x57e: {  	v14 =	vor.u32 $0x280, v1;
	[tilespmem:v1+s15+$0x0] =	vst.idx.msk vm4, v0  }
0x57f: {  	v15 =	vor.u32 $0x300, v1;
	[tilespmem:v2+s15+$0x0] =	vst.idx.msk vm4, v0  }
0x580: {  	v1 =	vor.u32 $0x380, v1;
	[tilespmem:v11+s15+$0x0] =	vst.idx.msk vm4, v0  }
0x581: {  	[tilespmem:v12+s15+$0x0] =	vst.idx.msk vm4, v0  }
0x582: {  	[tilespmem:v13+s15+$0x0] =	vst.idx.msk vm4, v0  }
0x583: {  	[tilespmem:v14+s15+$0x0] =	vst.idx.msk vm4, v0  }
0x584: {  	[tilespmem:v15+s15+$0x0] =	vst.idx.msk vm4, v0  }
0x585: {  	[tilespmem:v1+s15+$0x0] =	vst.idx.msk vm4, v0  }
0x586: {  	v1 =	vld [tilespmem:$0x1D0]  }
0x587: {  	v2 =	vld [tilespmem:$0x550];
	_ =	sdelay $0x3  }
0x588: {  	v16 =	vshll.u32 v1, $0x3  }
0x589: {  	vm5 =	vne.s32 v2, $0x0;
	v1 =	vand.u32 $0x7F, v1;
	v17 =	vand.u32 $0xFFFFFC00, v16  }
0x58a: {  	v1 =	vor.u32 v1, v17  }
0x58b: {  	v2 =	vor.u32 $0x80, v1  }
0x58c: {  	v18 =	vor.u32 $0x100, v1  }
0x58d: {  	v19 =	vor.u32 $0x180, v1  }
0x58e: {  	v20 =	vor.u32 $0x200, v1  }
0x58f: {  	v21 =	vor.u32 $0x280, v1;
	[tilespmem:v1+s15+$0x0] =	vst.idx.msk vm5, v0  }
0x590: {  	v22 =	vor.u32 $0x300, v1;
	[tilespmem:v2+s15+$0x0] =	vst.idx.msk vm5, v0  }
0x591: {  	v1 =	vor.u32 $0x380, v1;
	[tilespmem:v18+s15+$0x0] =	vst.idx.msk vm5, v0  }
0x592: {  	[tilespmem:v19+s15+$0x0] =	vst.idx.msk vm5, v0  }
0x593: {  	[tilespmem:v20+s15+$0x0] =	vst.idx.msk vm5, v0  }
0x594: {  	[tilespmem:v21+s15+$0x0] =	vst.idx.msk vm5, v0  }
0x595: {  	[tilespmem:v22+s15+$0x0] =	vst.idx.msk vm5, v0  }
0x596: {  	[tilespmem:v1+s15+$0x0] =	vst.idx.msk vm5, v0  }
0x597: {  	v1 =	vld [tilespmem:$0x1E0]  }
0x598: {  	v2 =	vld [tilespmem:$0x560];
	_ =	sdelay $0x3  }
0x599: {  	v23 =	vshll.u32 v1, $0x3  }
0x59a: {  	vm6 =	vne.s32 v2, $0x0;
	v1 =	vand.u32 $0x7F, v1;
	v24 =	vand.u32 $0xFFFFFC00, v23  }
0x59b: {  	v1 =	vor.u32 v1, v24  }
0x59c: {  	v2 =	vor.u32 $0x80, v1  }
0x59d: {  	v25 =	vor.u32 $0x100, v1  }
0x59e: {  	v26 =	vor.u32 $0x180, v1  }
0x59f: {  	v27 =	vor.u32 $0x200, v1  }
0x5a0: {  	v28 =	vor.u32 $0x280, v1;
	[tilespmem:v1+s15+$0x0] =	vst.idx.msk vm6, v0  }
0x5a1: {  	v29 =	vor.u32 $0x300, v1;
	[tilespmem:v2+s15+$0x0] =	vst.idx.msk vm6, v0  }
0x5a2: {  	v1 =	vor.u32 $0x380, v1;
	[tilespmem:v25+s15+$0x0] =	vst.idx.msk vm6, v0  }
0x5a3: {  	[tilespmem:v26+s15+$0x0] =	vst.idx.msk vm6, v0  }
0x5a4: {  	[tilespmem:v27+s15+$0x0] =	vst.idx.msk vm6, v0  }
0x5a5: {  	[tilespmem:v28+s15+$0x0] =	vst.idx.msk vm6, v0  }
0x5a6: {  	[tilespmem:v29+s15+$0x0] =	vst.idx.msk vm6, v0  }
0x5a7: {  	[tilespmem:v1+s15+$0x0] =	vst.idx.msk vm6, v0  }
0x5a8: {  	v1 =	vld [tilespmem:$0x1F0]  }
0x5a9: {  	v2 =	vld [tilespmem:$0x570];
	_ =	sdelay $0x3  }
0x5aa: {  	v30 =	vshll.u32 v1, $0x3  }
0x5ab: {  	vm7 =	vne.s32 v2, $0x0;
	v1 =	vand.u32 $0x7F, v1;
	v31 =	vand.u32 $0xFFFFFC00, v30  }
0x5ac: {  	v1 =	vor.u32 v1, v31  }
0x5ad: {  	v2 =	vor.u32 $0x80, v1  }
0x5ae: {  	v32 =	vor.u32 $0x100, v1  }
0x5af: {  	v33 =	vor.u32 $0x180, v1  }
0x5b0: {  	v34 =	vor.u32 $0x200, v1  }
0x5b1: {  	v35 =	vor.u32 $0x280, v1;
	[tilespmem:v1+s15+$0x0] =	vst.idx.msk vm7, v0  }
0x5b2: {  	v36 =	vor.u32 $0x300, v1;
	[tilespmem:v2+s15+$0x0] =	vst.idx.msk vm7, v0  }
0x5b3: {  	v1 =	vor.u32 $0x380, v1;
	[tilespmem:v32+s15+$0x0] =	vst.idx.msk vm7, v0  }
0x5b4: {  	[tilespmem:v33+s15+$0x0] =	vst.idx.msk vm7, v0  }
0x5b5: {  	[tilespmem:v34+s15+$0x0] =	vst.idx.msk vm7, v0  }
0x5b6: {  	[tilespmem:v35+s15+$0x0] =	vst.idx.msk vm7, v0  }
0x5b7: {  	[tilespmem:v36+s15+$0x0] =	vst.idx.msk vm7, v0  }
0x5b8: {  	[tilespmem:v1+s15+$0x0] =	vst.idx.msk vm7, v0  }
0x5b9: {  	v1 =	vld [tilespmem:$0x200]  }
0x5ba: {  	v2 =	vld [tilespmem:$0x580];
	_ =	sdelay $0x3  }
0x5bb: {  	v37 =	vshll.u32 v1, $0x3  }
0x5bc: {  	vm8 =	vne.s32 v2, $0x0;
	v1 =	vand.u32 $0x7F, v1;
	v38 =	vand.u32 $0xFFFFFC00, v37  }
0x5bd: {  	v1 =	vor.u32 v1, v38  }
0x5be: {  	v2 =	vor.u32 $0x80, v1  }
0x5bf: {  	v39 =	vor.u32 $0x100, v1  }
0x5c0: {  	v40 =	vor.u32 $0x180, v1  }
0x5c1: {  	v41 =	vor.u32 $0x200, v1  }
0x5c2: {  	v42 =	vor.u32 $0x280, v1;
	[tilespmem:v1+s15+$0x0] =	vst.idx.msk vm8, v0  }
0x5c3: {  	v43 =	vor.u32 $0x300, v1;
	[tilespmem:v2+s15+$0x0] =	vst.idx.msk vm8, v0  }
0x5c4: {  	v1 =	vor.u32 $0x380, v1;
	[tilespmem:v39+s15+$0x0] =	vst.idx.msk vm8, v0  }
0x5c5: {  	[tilespmem:v40+s15+$0x0] =	vst.idx.msk vm8, v0  }
0x5c6: {  	[tilespmem:v41+s15+$0x0] =	vst.idx.msk vm8, v0  }
0x5c7: {  	[tilespmem:v42+s15+$0x0] =	vst.idx.msk vm8, v0  }
0x5c8: {  	[tilespmem:v43+s15+$0x0] =	vst.idx.msk vm8, v0  }
0x5c9: {  	[tilespmem:v1+s15+$0x0] =	vst.idx.msk vm8, v0  }
0x5ca: {  	v1 =	vld [tilespmem:$0x210]  }
0x5cb: {  	v2 =	vld [tilespmem:$0x590];
	_ =	sdelay $0x3  }
0x5cc: {  	v44 =	vshll.u32 v1, $0x3  }
0x5cd: {  	vm9 =	vne.s32 v2, $0x0;
	v1 =	vand.u32 $0x7F, v1;
	v45 =	vand.u32 $0xFFFFFC00, v44  }
0x5ce: {  	v1 =	vor.u32 v1, v45  }
0x5cf: {  	v2 =	vor.u32 $0x80, v1  }
0x5d0: {  	v46 =	vor.u32 $0x100, v1  }
0x5d1: {  	v47 =	vor.u32 $0x180, v1  }
0x5d2: {  	v48 =	vor.u32 $0x200, v1  }
0x5d3: {  	v49 =	vor.u32 $0x280, v1;
	[tilespmem:v1+s15+$0x0] =	vst.idx.msk vm9, v0  }
0x5d4: {  	v50 =	vor.u32 $0x300, v1;
	[tilespmem:v2+s15+$0x0] =	vst.idx.msk vm9, v0  }
0x5d5: {  	v1 =	vor.u32 $0x380, v1;
	[tilespmem:v46+s15+$0x0] =	vst.idx.msk vm9, v0  }
0x5d6: {  	[tilespmem:v47+s15+$0x0] =	vst.idx.msk vm9, v0  }
0x5d7: {  	[tilespmem:v48+s15+$0x0] =	vst.idx.msk vm9, v0  }
0x5d8: {  	[tilespmem:v49+s15+$0x0] =	vst.idx.msk vm9, v0  }
0x5d9: {  	[tilespmem:v50+s15+$0x0] =	vst.idx.msk vm9, v0  }
0x5da: {  	[tilespmem:v1+s15+$0x0] =	vst.idx.msk vm9, v0  }
0x5db: {  	v1 =	vld [tilespmem:$0x220]  }
0x5dc: {  	v2 =	vld [tilespmem:$0x5A0];
	_ =	sdelay $0x3  }
0x5dd: {  	v51 =	vshll.u32 v1, $0x3  }
0x5de: {  	vm10 =	vne.s32 v2, $0x0;
	v1 =	vand.u32 $0x7F, v1;
	v52 =	vand.u32 $0xFFFFFC00, v51  }
0x5df: {  	v1 =	vor.u32 v1, v52  }
0x5e0: {  	v2 =	vor.u32 $0x80, v1  }
0x5e1: {  	v53 =	vor.u32 $0x100, v1  }
0x5e2: {  	v54 =	vor.u32 $0x180, v1  }
0x5e3: {  	v55 =	vor.u32 $0x200, v1  }
0x5e4: {  	v56 =	vor.u32 $0x280, v1;
	[tilespmem:v1+s15+$0x0] =	vst.idx.msk vm10, v0  }
0x5e5: {  	v57 =	vor.u32 $0x300, v1;
	[tilespmem:v2+s15+$0x0] =	vst.idx.msk vm10, v0  }
0x5e6: {  	v1 =	vor.u32 $0x380, v1;
	[tilespmem:v53+s15+$0x0] =	vst.idx.msk vm10, v0  }
0x5e7: {  	[tilespmem:v54+s15+$0x0] =	vst.idx.msk vm10, v0  }
0x5e8: {  	[tilespmem:v55+s15+$0x0] =	vst.idx.msk vm10, v0  }
0x5e9: {  	[tilespmem:v56+s15+$0x0] =	vst.idx.msk vm10, v0  }
0x5ea: {  	[tilespmem:v57+s15+$0x0] =	vst.idx.msk vm10, v0  }
0x5eb: {  	[tilespmem:v1+s15+$0x0] =	vst.idx.msk vm10, v0  }
0x5ec: {  	v1 =	vld [tilespmem:$0x230]  }
0x5ed: {  	v2 =	vld [tilespmem:$0x5B0];
	_ =	sdelay $0x3  }
0x5ee: {  	v58 =	vshll.u32 v1, $0x3  }
0x5ef: {  	vm11 =	vne.s32 v2, $0x0;
	v1 =	vand.u32 $0x7F, v1;
	v59 =	vand.u32 $0xFFFFFC00, v58  }
0x5f0: {  	v1 =	vor.u32 v1, v59  }
0x5f1: {  	v2 =	vor.u32 $0x80, v1  }
0x5f2: {  	v60 =	vor.u32 $0x100, v1  }
0x5f3: {  	v61 =	vor.u32 $0x180, v1  }
0x5f4: {  	v62 =	vor.u32 $0x200, v1  }
0x5f5: {  	v63 =	vor.u32 $0x280, v1;
	[tilespmem:v1+s15+$0x0] =	vst.idx.msk vm11, v0  }
0x5f6: {  	v8 =	vor.u32 $0x300, v1;
	[tilespmem:v2+s15+$0x0] =	vst.idx.msk vm11, v0  }
0x5f7: {  	v1 =	vor.u32 $0x380, v1;
	[tilespmem:v60+s15+$0x0] =	vst.idx.msk vm11, v0  }
0x5f8: {  	[tilespmem:v61+s15+$0x0] =	vst.idx.msk vm11, v0  }
0x5f9: {  	[tilespmem:v62+s15+$0x0] =	vst.idx.msk vm11, v0  }
0x5fa: {  	[tilespmem:v63+s15+$0x0] =	vst.idx.msk vm11, v0  }
0x5fb: {  	[tilespmem:v8+s15+$0x0] =	vst.idx.msk vm11, v0  }
0x5fc: {  	[tilespmem:v1+s15+$0x0] =	vst.idx.msk vm11, v0  }
0x5fd: {  	v1 =	vld [tilespmem:$0x240]  }
0x5fe: {  	v2 =	vld [tilespmem:$0x5C0];
	_ =	sdelay $0x3  }
0x5ff: {  	v9 =	vshll.u32 v1, $0x3  }
0x600: {  	vm12 =	vne.s32 v2, $0x0;
	v1 =	vand.u32 $0x7F, v1;
	v10 =	vand.u32 $0xFFFFFC00, v9  }
0x601: {  	v1 =	vor.u32 v1, v10  }
0x602: {  	v2 =	vor.u32 $0x80, v1  }
0x603: {  	v11 =	vor.u32 $0x100, v1  }
0x604: {  	v12 =	vor.u32 $0x180, v1  }
0x605: {  	v13 =	vor.u32 $0x200, v1  }
0x606: {  	v14 =	vor.u32 $0x280, v1;
	[tilespmem:v1+s15+$0x0] =	vst.idx.msk vm12, v0  }
0x607: {  	v15 =	vor.u32 $0x300, v1;
	[tilespmem:v2+s15+$0x0] =	vst.idx.msk vm12, v0  }
0x608: {  	v1 =	vor.u32 $0x380, v1;
	[tilespmem:v11+s15+$0x0] =	vst.idx.msk vm12, v0  }
0x609: {  	[tilespmem:v12+s15+$0x0] =	vst.idx.msk vm12, v0  }
0x60a: {  	[tilespmem:v13+s15+$0x0] =	vst.idx.msk vm12, v0  }
0x60b: {  	[tilespmem:v14+s15+$0x0] =	vst.idx.msk vm12, v0  }
0x60c: {  	[tilespmem:v15+s15+$0x0] =	vst.idx.msk vm12, v0  }
0x60d: {  	[tilespmem:v1+s15+$0x0] =	vst.idx.msk vm12, v0  }
0x60e: {  	v1 =	vld [tilespmem:$0x250]  }
0x60f: {  	v2 =	vld [tilespmem:$0x5D0];
	_ =	sdelay $0x3  }
0x610: {  	v16 =	vshll.u32 v1, $0x3  }
0x611: {  	vm13 =	vne.s32 v2, $0x0;
	v1 =	vand.u32 $0x7F, v1;
	v17 =	vand.u32 $0xFFFFFC00, v16  }
0x612: {  	v1 =	vor.u32 v1, v17  }
0x613: {  	v2 =	vor.u32 $0x80, v1  }
0x614: {  	v18 =	vor.u32 $0x100, v1  }
0x615: {  	v19 =	vor.u32 $0x180, v1  }
0x616: {  	v20 =	vor.u32 $0x200, v1  }
0x617: {  	v21 =	vor.u32 $0x280, v1;
	[tilespmem:v1+s15+$0x0] =	vst.idx.msk vm13, v0  }
0x618: {  	v22 =	vor.u32 $0x300, v1;
	[tilespmem:v2+s15+$0x0] =	vst.idx.msk vm13, v0  }
0x619: {  	v1 =	vor.u32 $0x380, v1;
	[tilespmem:v18+s15+$0x0] =	vst.idx.msk vm13, v0  }
0x61a: {  	[tilespmem:v19+s15+$0x0] =	vst.idx.msk vm13, v0  }
0x61b: {  	[tilespmem:v20+s15+$0x0] =	vst.idx.msk vm13, v0  }
0x61c: {  	[tilespmem:v21+s15+$0x0] =	vst.idx.msk vm13, v0  }
0x61d: {  	[tilespmem:v22+s15+$0x0] =	vst.idx.msk vm13, v0  }
0x61e: {  	[tilespmem:v1+s15+$0x0] =	vst.idx.msk vm13, v0  }
0x61f: {  	v1 =	vld [tilespmem:$0x260]  }
0x620: {  	v2 =	vld [tilespmem:$0x5E0];
	_ =	sdelay $0x3  }
0x621: {  	v23 =	vshll.u32 v1, $0x3  }
0x622: {  	vm14 =	vne.s32 v2, $0x0;
	v1 =	vand.u32 $0x7F, v1;
	v24 =	vand.u32 $0xFFFFFC00, v23  }
0x623: {  	v1 =	vor.u32 v1, v24  }
0x624: {  	v2 =	vor.u32 $0x80, v1  }
0x625: {  	v25 =	vor.u32 $0x100, v1  }
0x626: {  	v26 =	vor.u32 $0x180, v1  }
0x627: {  	v27 =	vor.u32 $0x200, v1  }
0x628: {  	v28 =	vor.u32 $0x280, v1;
	[tilespmem:v1+s15+$0x0] =	vst.idx.msk vm14, v0  }
0x629: {  	v29 =	vor.u32 $0x300, v1;
	[tilespmem:v2+s15+$0x0] =	vst.idx.msk vm14, v0  }
0x62a: {  	v1 =	vor.u32 $0x380, v1;
	[tilespmem:v25+s15+$0x0] =	vst.idx.msk vm14, v0  }
0x62b: {  	[tilespmem:v26+s15+$0x0] =	vst.idx.msk vm14, v0  }
0x62c: {  	[tilespmem:v27+s15+$0x0] =	vst.idx.msk vm14, v0  }
0x62d: {  	[tilespmem:v28+s15+$0x0] =	vst.idx.msk vm14, v0  }
0x62e: {  	[tilespmem:v29+s15+$0x0] =	vst.idx.msk vm14, v0  }
0x62f: {  	[tilespmem:v1+s15+$0x0] =	vst.idx.msk vm14, v0  }
0x630: {  	v1 =	vld [tilespmem:$0x270]  }
0x631: {  	v2 =	vld [tilespmem:$0x5F0];
	_ =	sdelay $0x3  }
0x632: {  	v30 =	vshll.u32 v1, $0x3  }
0x633: {  	vm15 =	vne.s32 v2, $0x0;
	v1 =	vand.u32 $0x7F, v1;
	v31 =	vand.u32 $0xFFFFFC00, v30  }
0x634: {  	v1 =	vor.u32 v1, v31  }
0x635: {  	v2 =	vor.u32 $0x80, v1  }
0x636: {  	v32 =	vor.u32 $0x100, v1  }
0x637: {  	v33 =	vor.u32 $0x180, v1  }
0x638: {  	v34 =	vor.u32 $0x200, v1  }
0x639: {  	v35 =	vor.u32 $0x280, v1;
	[tilespmem:v1+s15+$0x0] =	vst.idx.msk vm15, v0  }
0x63a: {  	v36 =	vor.u32 $0x300, v1;
	[tilespmem:v2+s15+$0x0] =	vst.idx.msk vm15, v0  }
0x63b: {  	v1 =	vor.u32 $0x380, v1;
	[tilespmem:v32+s15+$0x0] =	vst.idx.msk vm15, v0  }
0x63c: {  	[tilespmem:v33+s15+$0x0] =	vst.idx.msk vm15, v0  }
0x63d: {  	[tilespmem:v34+s15+$0x0] =	vst.idx.msk vm15, v0  }
0x63e: {  	[tilespmem:v35+s15+$0x0] =	vst.idx.msk vm15, v0  }
0x63f: {  	[tilespmem:v36+s15+$0x0] =	vst.idx.msk vm15, v0  }
0x640: {  	[tilespmem:v1+s15+$0x0] =	vst.idx.msk vm15, v0  }
0x641: {  	v1 =	vld [tilespmem:$0x280]  }
0x642: {  	v2 =	vld [tilespmem:$0x600];
	_ =	sdelay $0x3  }
0x643: {  	v37 =	vshll.u32 v1, $0x3  }
0x644: {  	vm4 =	vne.s32 v2, $0x0;
	v1 =	vand.u32 $0x7F, v1;
	v38 =	vand.u32 $0xFFFFFC00, v37  }
0x645: {  	v1 =	vor.u32 v1, v38  }
0x646: {  	v2 =	vor.u32 $0x80, v1  }
0x647: {  	v39 =	vor.u32 $0x100, v1  }
0x648: {  	v40 =	vor.u32 $0x180, v1  }
0x649: {  	v41 =	vor.u32 $0x200, v1  }
0x64a: {  	v42 =	vor.u32 $0x280, v1;
	[tilespmem:v1+s15+$0x0] =	vst.idx.msk vm4, v0  }
0x64b: {  	v43 =	vor.u32 $0x300, v1;
	[tilespmem:v2+s15+$0x0] =	vst.idx.msk vm4, v0  }
0x64c: {  	v1 =	vor.u32 $0x380, v1;
	[tilespmem:v39+s15+$0x0] =	vst.idx.msk vm4, v0  }
0x64d: {  	[tilespmem:v40+s15+$0x0] =	vst.idx.msk vm4, v0  }
0x64e: {  	[tilespmem:v41+s15+$0x0] =	vst.idx.msk vm4, v0  }
0x64f: {  	[tilespmem:v42+s15+$0x0] =	vst.idx.msk vm4, v0  }
0x650: {  	[tilespmem:v43+s15+$0x0] =	vst.idx.msk vm4, v0  }
0x651: {  	[tilespmem:v1+s15+$0x0] =	vst.idx.msk vm4, v0  }
0x652: {  	v1 =	vld [tilespmem:$0x290]  }
0x653: {  	v2 =	vld [tilespmem:$0x610];
	_ =	sdelay $0x3  }
0x654: {  	v44 =	vshll.u32 v1, $0x3  }
0x655: {  	vm5 =	vne.s32 v2, $0x0;
	v1 =	vand.u32 $0x7F, v1;
	v45 =	vand.u32 $0xFFFFFC00, v44  }
0x656: {  	v1 =	vor.u32 v1, v45  }
0x657: {  	v2 =	vor.u32 $0x80, v1  }
0x658: {  	v46 =	vor.u32 $0x100, v1  }
0x659: {  	v47 =	vor.u32 $0x180, v1  }
0x65a: {  	v48 =	vor.u32 $0x200, v1  }
0x65b: {  	v49 =	vor.u32 $0x280, v1;
	[tilespmem:v1+s15+$0x0] =	vst.idx.msk vm5, v0  }
0x65c: {  	v50 =	vor.u32 $0x300, v1;
	[tilespmem:v2+s15+$0x0] =	vst.idx.msk vm5, v0  }
0x65d: {  	v1 =	vor.u32 $0x380, v1;
	[tilespmem:v46+s15+$0x0] =	vst.idx.msk vm5, v0  }
0x65e: {  	[tilespmem:v47+s15+$0x0] =	vst.idx.msk vm5, v0  }
0x65f: {  	[tilespmem:v48+s15+$0x0] =	vst.idx.msk vm5, v0  }
0x660: {  	[tilespmem:v49+s15+$0x0] =	vst.idx.msk vm5, v0  }
0x661: {  	[tilespmem:v50+s15+$0x0] =	vst.idx.msk vm5, v0  }
0x662: {  	[tilespmem:v1+s15+$0x0] =	vst.idx.msk vm5, v0  }
0x663: {  	v1 =	vld [tilespmem:$0x2A0]  }
0x664: {  	v2 =	vld [tilespmem:$0x620];
	_ =	sdelay $0x3  }
0x665: {  	v51 =	vshll.u32 v1, $0x3  }
0x666: {  	vm6 =	vne.s32 v2, $0x0;
	v1 =	vand.u32 $0x7F, v1;
	v52 =	vand.u32 $0xFFFFFC00, v51  }
0x667: {  	v1 =	vor.u32 v1, v52  }
0x668: {  	v2 =	vor.u32 $0x80, v1  }
0x669: {  	v53 =	vor.u32 $0x100, v1  }
0x66a: {  	v54 =	vor.u32 $0x180, v1  }
0x66b: {  	v55 =	vor.u32 $0x200, v1  }
0x66c: {  	v56 =	vor.u32 $0x280, v1;
	[tilespmem:v1+s15+$0x0] =	vst.idx.msk vm6, v0  }
0x66d: {  	v57 =	vor.u32 $0x300, v1;
	[tilespmem:v2+s15+$0x0] =	vst.idx.msk vm6, v0  }
0x66e: {  	v1 =	vor.u32 $0x380, v1;
	[tilespmem:v53+s15+$0x0] =	vst.idx.msk vm6, v0  }
0x66f: {  	[tilespmem:v54+s15+$0x0] =	vst.idx.msk vm6, v0  }
0x670: {  	[tilespmem:v55+s15+$0x0] =	vst.idx.msk vm6, v0  }
0x671: {  	[tilespmem:v56+s15+$0x0] =	vst.idx.msk vm6, v0  }
0x672: {  	[tilespmem:v57+s15+$0x0] =	vst.idx.msk vm6, v0  }
0x673: {  	[tilespmem:v1+s15+$0x0] =	vst.idx.msk vm6, v0  }
0x674: {  	v1 =	vld [tilespmem:$0x2B0]  }
0x675: {  	v2 =	vld [tilespmem:$0x630];
	_ =	sdelay $0x3  }
0x676: {  	v58 =	vshll.u32 v1, $0x3  }
0x677: {  	vm7 =	vne.s32 v2, $0x0;
	v1 =	vand.u32 $0x7F, v1;
	v59 =	vand.u32 $0xFFFFFC00, v58  }
0x678: {  	v1 =	vor.u32 v1, v59  }
0x679: {  	v2 =	vor.u32 $0x80, v1  }
0x67a: {  	v60 =	vor.u32 $0x100, v1  }
0x67b: {  	v61 =	vor.u32 $0x180, v1  }
0x67c: {  	v62 =	vor.u32 $0x200, v1  }
0x67d: {  	v63 =	vor.u32 $0x280, v1;
	[tilespmem:v1+s15+$0x0] =	vst.idx.msk vm7, v0  }
0x67e: {  	v7 =	vor.u32 $0x300, v1;
	[tilespmem:v2+s15+$0x0] =	vst.idx.msk vm7, v0  }
0x67f: {  	v1 =	vor.u32 $0x380, v1;
	[tilespmem:v60+s15+$0x0] =	vst.idx.msk vm7, v0  }
0x680: {  	[tilespmem:v61+s15+$0x0] =	vst.idx.msk vm7, v0  }
0x681: {  	[tilespmem:v62+s15+$0x0] =	vst.idx.msk vm7, v0  }
0x682: {  	[tilespmem:v63+s15+$0x0] =	vst.idx.msk vm7, v0  }
0x683: {  	[tilespmem:v7+s15+$0x0] =	vst.idx.msk vm7, v0  }
0x684: {  	[tilespmem:v1+s15+$0x0] =	vst.idx.msk vm7, v0  }
0x685: {  	v1 =	vld [tilespmem:$0x2C0]  }
0x686: {  	v2 =	vld [tilespmem:$0x640];
	_ =	sdelay $0x3  }
0x687: {  	v8 =	vshll.u32 v1, $0x3  }
0x688: {  	vm8 =	vne.s32 v2, $0x0;
	v1 =	vand.u32 $0x7F, v1;
	v9 =	vand.u32 $0xFFFFFC00, v8  }
0x689: {  	v1 =	vor.u32 v1, v9  }
0x68a: {  	v2 =	vor.u32 $0x80, v1  }
0x68b: {  	v10 =	vor.u32 $0x100, v1  }
0x68c: {  	v11 =	vor.u32 $0x180, v1  }
0x68d: {  	v12 =	vor.u32 $0x200, v1  }
0x68e: {  	v13 =	vor.u32 $0x280, v1;
	[tilespmem:v1+s15+$0x0] =	vst.idx.msk vm8, v0  }
0x68f: {  	v14 =	vor.u32 $0x300, v1;
	[tilespmem:v2+s15+$0x0] =	vst.idx.msk vm8, v0  }
0x690: {  	v1 =	vor.u32 $0x380, v1;
	[tilespmem:v10+s15+$0x0] =	vst.idx.msk vm8, v0  }
0x691: {  	[tilespmem:v11+s15+$0x0] =	vst.idx.msk vm8, v0  }
0x692: {  	[tilespmem:v12+s15+$0x0] =	vst.idx.msk vm8, v0  }
0x693: {  	[tilespmem:v13+s15+$0x0] =	vst.idx.msk vm8, v0  }
0x694: {  	[tilespmem:v14+s15+$0x0] =	vst.idx.msk vm8, v0  }
0x695: {  	[tilespmem:v1+s15+$0x0] =	vst.idx.msk vm8, v0  }
0x696: {  	v1 =	vld [tilespmem:$0x2D0]  }
0x697: {  	v2 =	vld [tilespmem:$0x650];
	_ =	sdelay $0x3  }
0x698: {  	v15 =	vshll.u32 v1, $0x3  }
0x699: {  	vm9 =	vne.s32 v2, $0x0;
	v1 =	vand.u32 $0x7F, v1;
	v16 =	vand.u32 $0xFFFFFC00, v15  }
0x69a: {  	v1 =	vor.u32 v1, v16  }
0x69b: {  	v2 =	vor.u32 $0x80, v1  }
0x69c: {  	v17 =	vor.u32 $0x100, v1  }
0x69d: {  	v18 =	vor.u32 $0x180, v1  }
0x69e: {  	v19 =	vor.u32 $0x200, v1  }
0x69f: {  	v20 =	vor.u32 $0x280, v1;
	[tilespmem:v1+s15+$0x0] =	vst.idx.msk vm9, v0  }
0x6a0: {  	v21 =	vor.u32 $0x300, v1;
	[tilespmem:v2+s15+$0x0] =	vst.idx.msk vm9, v0  }
0x6a1: {  	v1 =	vor.u32 $0x380, v1;
	[tilespmem:v17+s15+$0x0] =	vst.idx.msk vm9, v0  }
0x6a2: {  	[tilespmem:v18+s15+$0x0] =	vst.idx.msk vm9, v0  }
0x6a3: {  	[tilespmem:v19+s15+$0x0] =	vst.idx.msk vm9, v0  }
0x6a4: {  	[tilespmem:v20+s15+$0x0] =	vst.idx.msk vm9, v0  }
0x6a5: {  	[tilespmem:v21+s15+$0x0] =	vst.idx.msk vm9, v0  }
0x6a6: {  	[tilespmem:v1+s15+$0x0] =	vst.idx.msk vm9, v0  }
0x6a7: {  	v1 =	vld [tilespmem:$0x2E0]  }
0x6a8: {  	v2 =	vld [tilespmem:$0x660];
	_ =	sdelay $0x3  }
0x6a9: {  	v22 =	vshll.u32 v1, $0x3  }
0x6aa: {  	vm10 =	vne.s32 v2, $0x0;
	v1 =	vand.u32 $0x7F, v1;
	v23 =	vand.u32 $0xFFFFFC00, v22  }
0x6ab: {  	v1 =	vor.u32 v1, v23  }
0x6ac: {  	v2 =	vor.u32 $0x80, v1  }
0x6ad: {  	v24 =	vor.u32 $0x100, v1  }
0x6ae: {  	v25 =	vor.u32 $0x180, v1  }
0x6af: {  	v26 =	vor.u32 $0x200, v1  }
0x6b0: {  	v27 =	vor.u32 $0x280, v1;
	[tilespmem:v1+s15+$0x0] =	vst.idx.msk vm10, v0  }
0x6b1: {  	v28 =	vor.u32 $0x300, v1;
	[tilespmem:v2+s15+$0x0] =	vst.idx.msk vm10, v0  }
0x6b2: {  	v1 =	vor.u32 $0x380, v1;
	[tilespmem:v24+s15+$0x0] =	vst.idx.msk vm10, v0  }
0x6b3: {  	[tilespmem:v25+s15+$0x0] =	vst.idx.msk vm10, v0  }
0x6b4: {  	[tilespmem:v26+s15+$0x0] =	vst.idx.msk vm10, v0  }
0x6b5: {  	[tilespmem:v27+s15+$0x0] =	vst.idx.msk vm10, v0  }
0x6b6: {  	[tilespmem:v28+s15+$0x0] =	vst.idx.msk vm10, v0  }
0x6b7: {  	[tilespmem:v1+s15+$0x0] =	vst.idx.msk vm10, v0  }
0x6b8: {  	v1 =	vld [tilespmem:$0x2F0]  }
0x6b9: {  	v2 =	vld [tilespmem:$0x670];
	_ =	sdelay $0x3  }
0x6ba: {  	v29 =	vshll.u32 v1, $0x3  }
0x6bb: {  	vm11 =	vne.s32 v2, $0x0;
	v1 =	vand.u32 $0x7F, v1;
	v30 =	vand.u32 $0xFFFFFC00, v29  }
0x6bc: {  	v1 =	vor.u32 v1, v30  }
0x6bd: {  	v2 =	vor.u32 $0x80, v1  }
0x6be: {  	v31 =	vor.u32 $0x100, v1  }
0x6bf: {  	v32 =	vor.u32 $0x180, v1  }
0x6c0: {  	v33 =	vor.u32 $0x200, v1  }
0x6c1: {  	v34 =	vor.u32 $0x280, v1;
	[tilespmem:v1+s15+$0x0] =	vst.idx.msk vm11, v0  }
0x6c2: {  	v35 =	vor.u32 $0x300, v1;
	[tilespmem:v2+s15+$0x0] =	vst.idx.msk vm11, v0  }
0x6c3: {  	v1 =	vor.u32 $0x380, v1;
	[tilespmem:v31+s15+$0x0] =	vst.idx.msk vm11, v0  }
0x6c4: {  	[tilespmem:v32+s15+$0x0] =	vst.idx.msk vm11, v0  }
0x6c5: {  	[tilespmem:v33+s15+$0x0] =	vst.idx.msk vm11, v0  }
0x6c6: {  	[tilespmem:v34+s15+$0x0] =	vst.idx.msk vm11, v0  }
0x6c7: {  	[tilespmem:v35+s15+$0x0] =	vst.idx.msk vm11, v0  }
0x6c8: {  	[tilespmem:v1+s15+$0x0] =	vst.idx.msk vm11, v0  }
0x6c9: {  	v1 =	vld [tilespmem:$0x300]  }
0x6ca: {  	v2 =	vld [tilespmem:$0x680];
	_ =	sdelay $0x3  }
0x6cb: {  	v36 =	vshll.u32 v1, $0x3  }
0x6cc: {  	vm12 =	vne.s32 v2, $0x0;
	v1 =	vand.u32 $0x7F, v1;
	v37 =	vand.u32 $0xFFFFFC00, v36  }
0x6cd: {  	v1 =	vor.u32 v1, v37  }
0x6ce: {  	v2 =	vor.u32 $0x80, v1  }
0x6cf: {  	v38 =	vor.u32 $0x100, v1  }
0x6d0: {  	v39 =	vor.u32 $0x180, v1  }
0x6d1: {  	v40 =	vor.u32 $0x200, v1  }
0x6d2: {  	v41 =	vor.u32 $0x280, v1;
	[tilespmem:v1+s15+$0x0] =	vst.idx.msk vm12, v0  }
0x6d3: {  	v42 =	vor.u32 $0x300, v1;
	[tilespmem:v2+s15+$0x0] =	vst.idx.msk vm12, v0  }
0x6d4: {  	v1 =	vor.u32 $0x380, v1;
	[tilespmem:v38+s15+$0x0] =	vst.idx.msk vm12, v0  }
0x6d5: {  	[tilespmem:v39+s15+$0x0] =	vst.idx.msk vm12, v0  }
0x6d6: {  	[tilespmem:v40+s15+$0x0] =	vst.idx.msk vm12, v0  }
0x6d7: {  	[tilespmem:v41+s15+$0x0] =	vst.idx.msk vm12, v0  }
0x6d8: {  	[tilespmem:v42+s15+$0x0] =	vst.idx.msk vm12, v0  }
0x6d9: {  	[tilespmem:v1+s15+$0x0] =	vst.idx.msk vm12, v0  }
0x6da: {  	v1 =	vld [tilespmem:$0x310]  }
0x6db: {  	v2 =	vld [tilespmem:$0x690];
	_ =	sdelay $0x3  }
0x6dc: {  	v43 =	vshll.u32 v1, $0x3  }
0x6dd: {  	vm13 =	vne.s32 v2, $0x0;
	v1 =	vand.u32 $0x7F, v1;
	v44 =	vand.u32 $0xFFFFFC00, v43  }
0x6de: {  	v1 =	vor.u32 v1, v44  }
0x6df: {  	v2 =	vor.u32 $0x80, v1  }
0x6e0: {  	v45 =	vor.u32 $0x100, v1  }
0x6e1: {  	v46 =	vor.u32 $0x180, v1  }
0x6e2: {  	v47 =	vor.u32 $0x200, v1  }
0x6e3: {  	v48 =	vor.u32 $0x280, v1;
	[tilespmem:v1+s15+$0x0] =	vst.idx.msk vm13, v0  }
0x6e4: {  	v49 =	vor.u32 $0x300, v1;
	[tilespmem:v2+s15+$0x0] =	vst.idx.msk vm13, v0  }
0x6e5: {  	v1 =	vor.u32 $0x380, v1;
	[tilespmem:v45+s15+$0x0] =	vst.idx.msk vm13, v0  }
0x6e6: {  	[tilespmem:v46+s15+$0x0] =	vst.idx.msk vm13, v0  }
0x6e7: {  	[tilespmem:v47+s15+$0x0] =	vst.idx.msk vm13, v0  }
0x6e8: {  	[tilespmem:v48+s15+$0x0] =	vst.idx.msk vm13, v0  }
0x6e9: {  	[tilespmem:v49+s15+$0x0] =	vst.idx.msk vm13, v0  }
0x6ea: {  	[tilespmem:v1+s15+$0x0] =	vst.idx.msk vm13, v0  }
0x6eb: {  	v1 =	vld [tilespmem:$0x320]  }
0x6ec: {  	v2 =	vld [tilespmem:$0x6A0];
	_ =	sdelay $0x3  }
0x6ed: {  	v50 =	vshll.u32 v1, $0x3  }
0x6ee: {  	vm14 =	vne.s32 v2, $0x0;
	v1 =	vand.u32 $0x7F, v1;
	v51 =	vand.u32 $0xFFFFFC00, v50  }
0x6ef: {  	v1 =	vor.u32 v1, v51  }
0x6f0: {  	v2 =	vor.u32 $0x80, v1  }
0x6f1: {  	v52 =	vor.u32 $0x100, v1  }
0x6f2: {  	v53 =	vor.u32 $0x180, v1  }
0x6f3: {  	v54 =	vor.u32 $0x200, v1  }
0x6f4: {  	v55 =	vor.u32 $0x280, v1;
	[tilespmem:v1+s15+$0x0] =	vst.idx.msk vm14, v0  }
0x6f5: {  	v56 =	vor.u32 $0x300, v1;
	[tilespmem:v2+s15+$0x0] =	vst.idx.msk vm14, v0  }
0x6f6: {  	v1 =	vor.u32 $0x380, v1;
	[tilespmem:v52+s15+$0x0] =	vst.idx.msk vm14, v0  }
0x6f7: {  	[tilespmem:v53+s15+$0x0] =	vst.idx.msk vm14, v0  }
0x6f8: {  	[tilespmem:v54+s15+$0x0] =	vst.idx.msk vm14, v0  }
0x6f9: {  	[tilespmem:v55+s15+$0x0] =	vst.idx.msk vm14, v0  }
0x6fa: {  	[tilespmem:v56+s15+$0x0] =	vst.idx.msk vm14, v0  }
0x6fb: {  	[tilespmem:v1+s15+$0x0] =	vst.idx.msk vm14, v0  }
0x6fc: {  	v1 =	vld [tilespmem:$0x330]  }
0x6fd: {  	v2 =	vld [tilespmem:$0x6B0];
	_ =	sdelay $0x3  }
0x6fe: {  	v57 =	vshll.u32 v1, $0x3  }
0x6ff: {  	vm15 =	vne.s32 v2, $0x0;
	v1 =	vand.u32 $0x7F, v1;
	v58 =	vand.u32 $0xFFFFFC00, v57  }
0x700: {  	v1 =	vor.u32 v1, v58  }
0x701: {  	v2 =	vor.u32 $0x80, v1  }
0x702: {  	v59 =	vor.u32 $0x100, v1  }
0x703: {  	v60 =	vor.u32 $0x180, v1  }
0x704: {  	v61 =	vor.u32 $0x200, v1  }
0x705: {  	v62 =	vor.u32 $0x280, v1;
	[tilespmem:v1+s15+$0x0] =	vst.idx.msk vm15, v0  }
0x706: {  	v63 =	vor.u32 $0x300, v1;
	[tilespmem:v2+s15+$0x0] =	vst.idx.msk vm15, v0  }
0x707: {  	v1 =	vor.u32 $0x380, v1;
	[tilespmem:v59+s15+$0x0] =	vst.idx.msk vm15, v0  }
0x708: {  	[tilespmem:v60+s15+$0x0] =	vst.idx.msk vm15, v0  }
0x709: {  	[tilespmem:v61+s15+$0x0] =	vst.idx.msk vm15, v0  }
0x70a: {  	[tilespmem:v62+s15+$0x0] =	vst.idx.msk vm15, v0  }
0x70b: {  	p0 =	sne.s32 s10, $0x1;
	[tilespmem:v63+s15+$0x0] =	vst.idx.msk vm15, v0  }
.Ltmp0:
0x70c: {  	[tilespmem:v1+s15+$0x0] =	vst.idx.msk vm15, v0;
	(pc) =	sbr.rel @p0 .LBB2_1-.Ltmp0, $4  }
0x70d: {  	[hbm4b:s9+s2] =	stream.linear.scatter [tilespmem:s15], [sflag:$0x1], $0x8000, $0x38;
	[tilespmem:$0x10780] =	vst v63  }
0x70e: {  	_ =	swait.ge [sflag:s11], $0x8000  }
0x70f: {  	[sflag:s11] =	ssyncset.done $0x0  }
0x710: {  	s10 =	sadd.s32 $0xFFFFFFFF, s10;
	[sflag:s11] =	ssyncadd.s32 $0xFFFF8000  }
0x711: {  	_ =	sfence.sel $0x180000  }
0x712: {  	[bflag:$0x0] =	sbarrier.arrive $0xFFFF  }
0x713: {  	p0 =	sne.s32 s1, $0x0;
	_ =	strace $0x90000047  }
0x714: {  	s0 =	sadd.s32 @!p0 $0x100000, s0;
	[bflag:$0x2] =	sbarrier.arrive $0xFFFF  }
0x715: {  	[sflag:s0] =	ssyncadd.tile.s32 @!p0 $0x1;
	_ =	shalt  }
.Lfunc_end2:
_tile_overlayer_lowered:
.L_overlay_start_2:
0x716: {  	(tag) =	ssettag $0x2  }
0x717: {  	s0 =	rddreg [dreg:$0x0];
	s2 =	stileid.u32  }
0x718: {  	s1 =	rddreg [dreg:$0x1];
	p0 =	sne.s32 s2, $0x0  }
0x719: {  	s3 =	rddreg [dreg:$0x2];
	[bflag:$0x3] =	sbarrier.arrive $0xFFFF;
	s2 =	simm.s32 @!p0 $0x1C01  }
0x71a: {  	[timem:s3], [sflag:s2] =	dma.local @!p0 [hbm:s0], s1  }
0x71b: {  	s0 =	simm.s32 @!p0 $0x1  }
0x71c: {  	_ =	swait.ge @!p0 [sflag:s0], s1  }
0x71d: {  	s1 =	ssub.s32 @!p0 $0x0, s1;
	[sflag:s0] =	ssyncset.done @!p0 $0x0  }
0x71e: {  	[sflag:s0] =	ssyncadd.s32 @!p0 s1  }
0x71f: {  	[bflag:$0x3] =	sbarrier.arrive $0xFFFF  }
0x720: {  	_ =	shalt  }

</sc_bundles>
